<compile_context>
chip_gen: v7x
topology: tpu7x:2x2x1
jax: 0.10.2.dev20260603
libtpu: 0.0.44.dev20260713+nightly
codegen_flags: <defaults>
</compile_context>

<pallas_src>
import jax
import jax.numpy as jnp
from jax import lax
from jax.experimental import pallas as pl
from jax.experimental.pallas import tpu as pltpu
from jax.experimental.pallas import tpu_sc as plsc

N = 50000
E = 800000
D = 64
H = 32
FEAT = 128
NUM_LAYERS = 3

NT = 16
NP = 50176
STRIPE = NP // NT
CR = 64
NCR = STRIPE // CR
ET = E // NT
SB = 112
NB = 5
CHG = SB * NB
NCHG = ET // CHG
TAIL = ET - NCHG * CHG
T2 = TAIL - SB


def _rsqrt_newton(x):
    i = lax.bitcast_convert_type(x, jnp.int32)
    i = jnp.int32(0x5F3759DF) - lax.shift_right_arithmetic(i, 1)
    y = lax.bitcast_convert_type(i, jnp.float32)
    for _ in range(3):
        y = y * (1.5 - 0.5 * x * y * y)
    return y


def _sc_body(edge_hbm, emb0_hbm,
             sum_hbm, xp_hbm,
             srci, dsti, rows_v, ones_v, a_v, s_v, d_v, zbuf,
             tsrc, tdst, trows,
             acc_sh, deg_sh, sem_si, sem_di, sem_g, sem_sc):
    c = lax.axis_index("c")
    s = lax.axis_index("s")
    ebase = s * ET
    tbase = ebase + NCHG * CHG
    r0 = s * STRIPE
    emb0_c = emb0_hbm.at[c]
    sum_c = sum_hbm.at[c]
    xp_c = xp_hbm.at[c]

    z16 = jnp.zeros((16,), jnp.float32)
    ones16 = jnp.full((16,), 1.0, jnp.float32)

    def expand_mul(buf):
        def row(r, _):
            ids = jnp.full((16,), r, jnp.int32)
            dval = plsc.load_gather(d_v, [ids])
            buf[r, pl.ds(0, 16)] = buf[r, pl.ds(0, 16)] * dval
            buf[r, pl.ds(16, 16)] = buf[r, pl.ds(16, 16)] * dval
            return _
        lax.fori_loop(0, CR, row, 0)

    def zrow(r, _):
        zbuf[r, pl.ds(0, 16)] = z16
        zbuf[r, pl.ds(16, 16)] = z16
        return _
    lax.fori_loop(0, CR, zrow, 0)
    for g in range(CR // 16):
        d_v[pl.ds(16 * g, 16)] = z16
    for g in range(SB // 16):
        ones_v[pl.ds(16 * g, 16)] = ones16
    if SB % 16:
        ones_v[pl.ds(SB - 16, 16)] = ones16
    def zchunk(j, _):
        rr = r0 + j * CR
        pltpu.sync_copy(zbuf, acc_sh.at[pl.ds(rr, CR)])
        pltpu.sync_copy(d_v, deg_sh.at[pl.ds(rr, CR)])
        return _
    lax.fori_loop(0, NCR, zchunk, 0)
    plsc.subcore_barrier()


    def deg_group(g, _):
        base = ebase + g * CHG
        hd = [pltpu.async_copy(edge_hbm.at[1, pl.ds(base + SB * b, SB)],
                               dsti.at[b], sem_di) for b in range(NB)]
        hc = []
        for b in range(NB):
            hd[b].wait()
            hc.append(pltpu.async_copy(ones_v, deg_sh.at[dsti.at[b]],
                                       sem_sc, add=True))
        for h in hc:
            h.wait()
        return _
    lax.fori_loop(0, NCHG, deg_group, 0)
    h1 = pltpu.async_copy(edge_hbm.at[1, pl.ds(tbase, SB)], dsti.at[0],
                          sem_di)
    h2 = pltpu.async_copy(edge_hbm.at[1, pl.ds(tbase + SB, T2)], tdst,
                          sem_di)
    h1.wait()
    c1 = pltpu.async_copy(ones_v, deg_sh.at[dsti.at[0]], sem_sc, add=True)
    h2.wait()
    c2 = pltpu.async_copy(ones_v.at[pl.ds(0, T2)], deg_sh.at[tdst],
                          sem_sc, add=True)
    c1.wait()
    c2.wait()
    plsc.subcore_barrier()


    def dinv_chunk(j, _):
        rr = r0 + j * CR
        pltpu.sync_copy(deg_sh.at[pl.ds(rr, CR)], d_v)
        def grp(g, _):
            x = d_v[pl.ds(16 * g, 16)]
            m = x > 0.5
            y = _rsqrt_newton(jnp.where(m, x, 1.0))
            d_v[pl.ds(16 * g, 16)] = jnp.where(m, y, 0.0)
            return _
        lax.fori_loop(0, CR // 16, grp, 0)
        pltpu.sync_copy(d_v, deg_sh.at[pl.ds(rr, CR)])
        return _
    lax.fori_loop(0, NCR, dinv_chunk, 0)
    plsc.subcore_barrier()


    def xp0_chunk(j, _):
        rr = r0 + j * CR
        pltpu.sync_copy(emb0_c.at[pl.ds(rr, CR)], a_v)
        pltpu.sync_copy(deg_sh.at[pl.ds(rr, CR)], d_v)
        expand_mul(a_v)
        pltpu.sync_copy(a_v, xp_c.at[pl.ds(rr, CR)])
        return _
    lax.fori_loop(0, NCR, xp0_chunk, 0)
    plsc.subcore_barrier()


    for layer in range(1, NUM_LAYERS + 1):
        def edge_group(g, _):
            base = ebase + g * CHG
            hs = [pltpu.async_copy(edge_hbm.at[0, pl.ds(base + SB * b, SB)],
                                   srci.at[b], sem_si) for b in range(NB)]
            hd = [pltpu.async_copy(edge_hbm.at[1, pl.ds(base + SB * b, SB)],
                                   dsti.at[b], sem_di) for b in range(NB)]
            hg = []
            for b in range(NB):
                hs[b].wait()
                hg.append(pltpu.async_copy(xp_c.at[srci.at[b]],
                                           rows_v.at[b], sem_g))
            hc = []
            for b in range(NB):
                hg[b].wait()
                hd[b].wait()
                hc.append(pltpu.async_copy(rows_v.at[b],
                                           acc_sh.at[dsti.at[b]],
                                           sem_sc, add=True))
            for h in hc:
                h.wait()
            return _
        lax.fori_loop(0, NCHG, edge_group, 0)
        hs1 = pltpu.async_copy(edge_hbm.at[0, pl.ds(tbase, SB)],
                               srci.at[0], sem_si)
        hs2 = pltpu.async_copy(edge_hbm.at[0, pl.ds(tbase + SB, T2)],
                               tsrc, sem_si)
        hd1 = pltpu.async_copy(edge_hbm.at[1, pl.ds(tbase, SB)],
                               dsti.at[0], sem_di)
        hd2 = pltpu.async_copy(edge_hbm.at[1, pl.ds(tbase + SB, T2)],
                               tdst, sem_di)
        hs1.wait()
        g1 = pltpu.async_copy(xp_c.at[srci.at[0]], rows_v.at[0], sem_g)
        hs2.wait()
        g2 = pltpu.async_copy(xp_c.at[tsrc], trows, sem_g)
        g1.wait()
        hd1.wait()
        c1 = pltpu.async_copy(rows_v.at[0], acc_sh.at[dsti.at[0]],
                              sem_sc, add=True)
        g2.wait()
        hd2.wait()
        c2 = pltpu.async_copy(trows, acc_sh.at[tdst], sem_sc, add=True)
        c1.wait()
        c2.wait()
        plsc.subcore_barrier()


        def post_chunk(j, _):
            rr = r0 + j * CR
            pltpu.sync_copy(acc_sh.at[pl.ds(rr, CR)], a_v)
            if layer < NUM_LAYERS:
                pltpu.sync_copy(zbuf, acc_sh.at[pl.ds(rr, CR)])
            if layer == 1:
                pltpu.sync_copy(a_v, sum_c.at[pl.ds(rr, CR)])
            else:
                pltpu.sync_copy(sum_c.at[pl.ds(rr, CR)], s_v)
                def addrow(r, _):
                    s_v[r, pl.ds(0, 16)] = (s_v[r, pl.ds(0, 16)]
                                            + a_v[r, pl.ds(0, 16)])
                    s_v[r, pl.ds(16, 16)] = (s_v[r, pl.ds(16, 16)]
                                             + a_v[r, pl.ds(16, 16)])
                    return _
                lax.fori_loop(0, CR, addrow, 0)
                if layer < NUM_LAYERS:
                    pltpu.sync_copy(s_v, sum_c.at[pl.ds(rr, CR)])
            if layer < NUM_LAYERS:
                pltpu.sync_copy(deg_sh.at[pl.ds(rr, CR)], d_v)
                def sq(g, _):
                    x = d_v[pl.ds(16 * g, 16)]
                    d_v[pl.ds(16 * g, 16)] = x * x
                    return _
                lax.fori_loop(0, CR // 16, sq, 0)
                expand_mul(a_v)
                pltpu.sync_copy(a_v, xp_c.at[pl.ds(rr, CR)])
            else:
                pltpu.sync_copy(deg_sh.at[pl.ds(rr, CR)], d_v)
                expand_mul(s_v)
                pltpu.sync_copy(emb0_c.at[pl.ds(rr, CR)], a_v)
                def finrow(r, _):
                    s_v[r, pl.ds(0, 16)] = 0.25 * (s_v[r, pl.ds(0, 16)]
                                                   + a_v[r, pl.ds(0, 16)])
                    s_v[r, pl.ds(16, 16)] = 0.25 * (s_v[r, pl.ds(16, 16)]
                                                    + a_v[r, pl.ds(16, 16)])
                    return _
                lax.fori_loop(0, CR, finrow, 0)
                pltpu.sync_copy(s_v, sum_c.at[pl.ds(rr, CR)])
            return _
        lax.fori_loop(0, NCR, post_chunk, 0)
        plsc.subcore_barrier()



def _sc_pass(edge_index, emb0_halves):
    mesh = plsc.VectorSubcoreMesh(core_axis_name="c", subcore_axis_name="s",
                                  num_cores=2, num_subcores=NT)
    f = pl.kernel(
        _sc_body,
        mesh=mesh,
        compiler_params=pltpu.CompilerParams(needs_layout_passes=False,
                                             use_tc_tiling_on_sc=False),
        out_type=[
            jax.ShapeDtypeStruct((2, NP, H), jnp.float32),
            jax.ShapeDtypeStruct((2, NP, H), jnp.float32),
        ],
        scratch_types=[
            pltpu.VMEM((NB, SB), jnp.int32),
            pltpu.VMEM((NB, SB), jnp.int32),
            pltpu.VMEM((NB, SB, H), jnp.float32),
            pltpu.VMEM((SB,), jnp.float32),
            pltpu.VMEM((CR, H), jnp.float32),
            pltpu.VMEM((CR, H), jnp.float32),
            pltpu.VMEM((CR,), jnp.float32),
            pltpu.VMEM((CR, H), jnp.float32),
            pltpu.VMEM((T2,), jnp.int32),
            pltpu.VMEM((T2,), jnp.int32),
            pltpu.VMEM((T2, H), jnp.float32),
            pltpu.VMEM_SHARED((NP, H), jnp.float32),
            pltpu.VMEM_SHARED((NP,), jnp.float32),
            pltpu.SemaphoreType.DMA,
            pltpu.SemaphoreType.DMA,
            pltpu.SemaphoreType.DMA,
            pltpu.SemaphoreType.DMA,
        ],
    )
    return f(edge_index, emb0_halves)


def _prologue_body(f_ref, w_ref, b_ref, e_ref, o_ref):
    res = (lax.dot_general(f_ref[...], w_ref[...],
                           (((1,), (1,)), ((), ())),
                           preferred_element_type=jnp.float32)
           + b_ref[...] + e_ref[...])
    o_ref[0] = res[:, :H]
    o_ref[1] = res[:, H:]


def _prologue(feats_p, W, b2, emb_p):
    nblk = NP // STRIPE
    return pl.pallas_call(
        _prologue_body,
        grid=(nblk,),
        in_specs=[
            pl.BlockSpec((STRIPE, FEAT), lambda i: (i, 0)),
            pl.BlockSpec((D, FEAT), lambda i: (0, 0)),
            pl.BlockSpec((1, D), lambda i: (0, 0)),
            pl.BlockSpec((STRIPE, D), lambda i: (i, 0)),
        ],
        out_specs=pl.BlockSpec((2, STRIPE, H), lambda i: (0, i, 0)),
        out_shape=jax.ShapeDtypeStruct((2, NP, H), jnp.float32),
    )(feats_p, W, b2, emb_p)


def kernel(edge_index, feats_tensor, emb_table, W, b):
    feats_p = jnp.pad(feats_tensor, ((0, NP - N), (0, 0)))
    emb_p = jnp.pad(emb_table, ((0, NP - N), (0, 0)))
    b2 = b.reshape(1, D)

    emb0_halves = _prologue(feats_p, W, b2, emb_p)
    final_halves, _ = _sc_pass(edge_index, emb0_halves)
    return jnp.concatenate([final_halves[0, :N, :],
                            final_halves[1, :N, :]], axis=1)

# --- scband reference (transcript-rebuilt; emitter-appended) ---
"""Pipeline reference for scband-rec-sys-gnn-87196426043824 (READ-ONLY COPY).

The authoritative reference and input builder live on the scoring server;
editing this copy changes nothing except your own understanding.
"""

import jax, jax.numpy as jnp
import numpy as np

N_NODES = 50000
N_EDGES = 800000
LATENT = 64
FEAT = 128
NUM_LAYERS = 3


def setup_inputs(seed: int = 0) -> dict:
    key = jax.random.key(seed)
    k1, k2, k3, k4, k5 = jax.random.split(key, 5)
    edge_index = jax.random.randint(k1, (2, N_EDGES), 0, N_NODES, dtype=jnp.int32)
    feats_tensor = jax.random.normal(k2, (N_NODES, FEAT), dtype=jnp.float32)
    # learned params: nn.Embedding(num_users+num_items, latent_dim) init std=0.1;
    # nn.Linear(feat_dim, latent_dim) weight [latent, feat] + bias [latent]
    emb_table = 0.1 * jax.random.normal(k3, (N_NODES, LATENT), dtype=jnp.float32)
    lim = 1.0 / np.sqrt(FEAT)
    W = jax.random.uniform(k4, (LATENT, FEAT), minval=-lim, maxval=lim, dtype=jnp.float32)
    b = jax.random.uniform(k5, (LATENT,), minval=-lim, maxval=lim, dtype=jnp.float32)
    return {"edge_index": edge_index, "feats_tensor": feats_tensor,
            "emb_table": emb_table, "W": W, "b": b}


def _lgconv(x, src, dst):
    # PyG LGConv: gcn_norm without self loops
    n = x.shape[0]
    deg = jnp.zeros((n,), dtype=x.dtype).at[dst].add(1.0)
    dinv = jnp.where(deg > 0, 1.0 / jnp.sqrt(jnp.where(deg > 0, deg, 1.0)), 0.0)
    norm = dinv[src] * dinv[dst]
    msg = norm[:, None] * jnp.take(x, src, axis=0)
    return jnp.zeros_like(x).at[dst].add(msg)


def reference(edge_index, feats_tensor, emb_table, W, b):
    src = edge_index[0]
    dst = edge_index[1]
    feats = feats_tensor @ W.T + b
    emb = emb_table + feats
    embs = [emb]
    for _ in range(NUM_LAYERS):
        emb = _lgconv(emb, src, dst)
        embs.append(emb)
    out = jnp.mean(jnp.stack(embs, axis=0), axis=0)
    return out

if __name__ == "__main__":
    import jax
    _d = setup_inputs()
    print(jax.jit(kernel)(*tuple(_d.values())))

</pallas_src>

<mosaic_0001>
#map = affine_map<(d0, d1) -> (0, 0)>
#map1 = affine_map<(d0, d1) -> (0, 0, 0)>
module attributes {stable_mosaic.version = 14 : i64} {
  func.func @_sc_body(%arg0: i32, %arg1: i32, %arg2: memref<2x800000xi32, #tpu.memory_space<hbm>>, %arg3: memref<2x50176x32xf32, #tpu.memory_space<hbm>>, %arg4: memref<2x50176x32xf32, #tpu.memory_space<hbm>>, %arg5: memref<2x50176x32xf32, #tpu.memory_space<hbm>>, %arg6: memref<5x112xi32, #tpu.memory_space<vmem>>, %arg7: memref<5x112xi32, #tpu.memory_space<vmem>>, %arg8: memref<5x112x32xf32, #tpu.memory_space<vmem>>, %arg9: memref<112xf32, #tpu.memory_space<vmem>>, %arg10: memref<64x32xf32, #tpu.memory_space<vmem>>, %arg11: memref<64x32xf32, #tpu.memory_space<vmem>>, %arg12: memref<64xf32, #tpu.memory_space<vmem>>, %arg13: memref<64x32xf32, #tpu.memory_space<vmem>>, %arg14: memref<48xi32, #tpu.memory_space<vmem>>, %arg15: memref<48xi32, #tpu.memory_space<vmem>>, %arg16: memref<48x32xf32, #tpu.memory_space<vmem>>, %arg17: memref<50176x32xf32, #tpu.memory_space<vmem_shared>>, %arg18: memref<50176xf32, #tpu.memory_space<vmem_shared>>, %arg19: memref<!tpu.dma_semaphore, #tpu.memory_space<semaphore_mem>>, %arg20: memref<!tpu.dma_semaphore, #tpu.memory_space<semaphore_mem>>, %arg21: memref<!tpu.dma_semaphore, #tpu.memory_space<semaphore_mem>>, %arg22: memref<!tpu.dma_semaphore, #tpu.memory_space<semaphore_mem>>) attributes {dimension_semantics = [#tpu.dimension_semantics<core_parallel>, #tpu.dimension_semantics<subcore_parallel>], iteration_bounds = array<i64: 2, 16>, scalar_prefetch = 0 : i64, scratch_operands = 17 : i64, tpu.core_type = #tpu.core_type<sc_vector_subcore>, window_params = [{transform_indices = #map}, {transform_indices = #map1}, {transform_indices = #map1}, {transform_indices = #map1}]} {
    %mul3A = arith.constant 50000 : i32
    %mul3A_0 = arith.muli %arg1, %mul3A : i32
    %add3A = arith.constant 49840 : i32
    %add3A_1 = arith.addi %mul3A_0, %add3A : i32
    %mul3A_2 = arith.constant 3136 : i32
    %mul3A_3 = arith.muli %arg1, %mul3A_2 : i32
    %broadcast_in_dim3A = arith.constant 0.000000e+00 : f32
    %broadcast_in_dim3A_4 = vector.broadcast %broadcast_in_dim3A : f32 to vector<16xf32>
    %broadcast_in_dim3A_5 = arith.constant 1.000000e+00 : f32
    %broadcast_in_dim3A_6 = vector.broadcast %broadcast_in_dim3A_5 : f32 to vector<16xf32>
    %scan3A = arith.constant 0 : i32
    %scan3A_7 = arith.constant 0 : i32
    %scan3A_8 = arith.constant 64 : i32
    %scan3A_9 = arith.addi %scan3A_7, %scan3A_8 : i32
    %scan3A_10 = arith.constant 1 : i32
    scf.for %scan3A_600 = %scan3A_7 to %scan3A_9 step %scan3A_10  : i32 {
      %swap3A_601 = arith.index_cast %scan3A_600 : i32 to index
      %swap3A_602 = arith.constant 0 : index
      %swap3A_603 = tpu.vector_load %arg13[%swap3A_601, %swap3A_602] {strides = array<i32>} : memref<64x32xf32, #tpu.memory_space<vmem>>, vector<16xf32>,
      tpu.vector_store %arg13[%swap3A_601, %swap3A_602], %broadcast_in_dim3A_4 {strides = array<i32>} : memref<64x32xf32, #tpu.memory_space<vmem>>, vector<16xf32>,
      %swap3A_604 = arith.index_cast %scan3A_600 : i32 to index
      %swap3A_605 = arith.constant 16 : index
      %swap3A_606 = tpu.vector_load %arg13[%swap3A_604, %swap3A_605] {strides = array<i32>} : memref<64x32xf32, #tpu.memory_space<vmem>>, vector<16xf32>,
      tpu.vector_store %arg13[%swap3A_604, %swap3A_605], %broadcast_in_dim3A_4 {strides = array<i32>} : memref<64x32xf32, #tpu.memory_space<vmem>>, vector<16xf32>,
    }
    %scan3A_11 = arith.constant 64 : i32
    %swap3A = arith.constant 0 : index
    %swap3A_12 = tpu.vector_load %arg12[%swap3A] {strides = array<i32>} : memref<64xf32, #tpu.memory_space<vmem>>, vector<16xf32>,
    tpu.vector_store %arg12[%swap3A], %broadcast_in_dim3A_4 {strides = array<i32>} : memref<64xf32, #tpu.memory_space<vmem>>, vector<16xf32>,
    %swap3A_13 = arith.constant 16 : index
    %swap3A_14 = tpu.vector_load %arg12[%swap3A_13] {strides = array<i32>} : memref<64xf32, #tpu.memory_space<vmem>>, vector<16xf32>,
    tpu.vector_store %arg12[%swap3A_13], %broadcast_in_dim3A_4 {strides = array<i32>} : memref<64xf32, #tpu.memory_space<vmem>>, vector<16xf32>,
    %swap3A_15 = arith.constant 32 : index
    %swap3A_16 = tpu.vector_load %arg12[%swap3A_15] {strides = array<i32>} : memref<64xf32, #tpu.memory_space<vmem>>, vector<16xf32>,
    tpu.vector_store %arg12[%swap3A_15], %broadcast_in_dim3A_4 {strides = array<i32>} : memref<64xf32, #tpu.memory_space<vmem>>, vector<16xf32>,
    %swap3A_17 = arith.constant 48 : index
    %swap3A_18 = tpu.vector_load %arg12[%swap3A_17] {strides = array<i32>} : memref<64xf32, #tpu.memory_space<vmem>>, vector<16xf32>,
    tpu.vector_store %arg12[%swap3A_17], %broadcast_in_dim3A_4 {strides = array<i32>} : memref<64xf32, #tpu.memory_space<vmem>>, vector<16xf32>,
    %swap3A_19 = arith.constant 0 : index
    %swap3A_20 = tpu.vector_load %arg9[%swap3A_19] {strides = array<i32>} : memref<112xf32, #tpu.memory_space<vmem>>, vector<16xf32>,
    tpu.vector_store %arg9[%swap3A_19], %broadcast_in_dim3A_6 {strides = array<i32>} : memref<112xf32, #tpu.memory_space<vmem>>, vector<16xf32>,
    %swap3A_21 = arith.constant 16 : index
    %swap3A_22 = tpu.vector_load %arg9[%swap3A_21] {strides = array<i32>} : memref<112xf32, #tpu.memory_space<vmem>>, vector<16xf32>,
    tpu.vector_store %arg9[%swap3A_21], %broadcast_in_dim3A_6 {strides = array<i32>} : memref<112xf32, #tpu.memory_space<vmem>>, vector<16xf32>,
    %swap3A_23 = arith.constant 32 : index
    %swap3A_24 = tpu.vector_load %arg9[%swap3A_23] {strides = array<i32>} : memref<112xf32, #tpu.memory_space<vmem>>, vector<16xf32>,
    tpu.vector_store %arg9[%swap3A_23], %broadcast_in_dim3A_6 {strides = array<i32>} : memref<112xf32, #tpu.memory_space<vmem>>, vector<16xf32>,
    %swap3A_25 = arith.constant 48 : index
    %swap3A_26 = tpu.vector_load %arg9[%swap3A_25] {strides = array<i32>} : memref<112xf32, #tpu.memory_space<vmem>>, vector<16xf32>,
    tpu.vector_store %arg9[%swap3A_25], %broadcast_in_dim3A_6 {strides = array<i32>} : memref<112xf32, #tpu.memory_space<vmem>>, vector<16xf32>,
    %swap3A_27 = arith.constant 64 : index
    %swap3A_28 = tpu.vector_load %arg9[%swap3A_27] {strides = array<i32>} : memref<112xf32, #tpu.memory_space<vmem>>, vector<16xf32>,
    tpu.vector_store %arg9[%swap3A_27], %broadcast_in_dim3A_6 {strides = array<i32>} : memref<112xf32, #tpu.memory_space<vmem>>, vector<16xf32>,
    %swap3A_29 = arith.constant 80 : index
    %swap3A_30 = tpu.vector_load %arg9[%swap3A_29] {strides = array<i32>} : memref<112xf32, #tpu.memory_space<vmem>>, vector<16xf32>,
    tpu.vector_store %arg9[%swap3A_29], %broadcast_in_dim3A_6 {strides = array<i32>} : memref<112xf32, #tpu.memory_space<vmem>>, vector<16xf32>,
    %swap3A_31 = arith.constant 96 : index
    %swap3A_32 = tpu.vector_load %arg9[%swap3A_31] {strides = array<i32>} : memref<112xf32, #tpu.memory_space<vmem>>, vector<16xf32>,
    tpu.vector_store %arg9[%swap3A_31], %broadcast_in_dim3A_6 {strides = array<i32>} : memref<112xf32, #tpu.memory_space<vmem>>, vector<16xf32>,
    %scan3A_33 = arith.constant 0 : i32
    %scan3A_34 = arith.constant 0 : i32
    %scan3A_35 = arith.constant 49 : i32
    %scan3A_36 = arith.addi %scan3A_34, %scan3A_35 : i32
    %scan3A_37 = arith.constant 1 : i32
    scf.for %scan3A_600 = %scan3A_34 to %scan3A_36 step %scan3A_37  : i32 {
      %mul3A_601 = arith.constant 64 : i32
      %mul3A_602 = arith.muli %scan3A_600, %mul3A_601 : i32
      %add3A_603 = arith.addi %mul3A_3, %mul3A_602 : i32
      "tpu.region"() ({
        %run_scoped3A = tpu.sem_alloc : memref<!tpu.dma_semaphore, #tpu.memory_space<semaphore_mem>>
        %dma_start3A_604 = arith.constant 0 : i32
        %dma_start3A_605 = tpu.memref_slice %arg17[%add3A_603, %dma_start3A_604] : memref<50176x32xf32, #tpu.memory_space<vmem_shared>> -> memref<64x32xf32, #tpu.memory_space<vmem_shared>>
        %dma_start3A_606 = arith.constant 0 : i32
        %dma_start3A_607 = tpu.memref_slice %arg17[%add3A_603, %dma_start3A_606] : memref<50176x32xf32, #tpu.memory_space<vmem_shared>> -> memref<64x32xf32, #tpu.memory_space<vmem_shared>>
        tpu.enqueue_dma source(%arg13 : memref<64x32xf32, #tpu.memory_space<vmem>>) target(%dma_start3A_607 : memref<64x32xf32, #tpu.memory_space<vmem_shared>>) target_semaphore(%run_scoped3A : memref<!tpu.dma_semaphore, #tpu.memory_space<semaphore_mem>>)
        %dma_wait3A_608 = arith.constant 0 : i32
        %dma_wait3A_609 = tpu.memref_slice %arg17[%add3A_603, %dma_wait3A_608] : memref<50176x32xf32, #tpu.memory_space<vmem_shared>> -> memref<64x32xf32, #tpu.memory_space<vmem_shared>>
        %dma_wait3A_610 = arith.constant 0 : i32
        %dma_wait3A_611 = tpu.memref_slice %arg17[%add3A_603, %dma_wait3A_610] : memref<50176x32xf32, #tpu.memory_space<vmem_shared>> -> memref<64x32xf32, #tpu.memory_space<vmem_shared>>
        tpu.wait_dma2 semaphore(%run_scoped3A : memref<!tpu.dma_semaphore, #tpu.memory_space<semaphore_mem>>) src(%arg13 : memref<64x32xf32, #tpu.memory_space<vmem>>) dst(%dma_wait3A_611 : memref<64x32xf32, #tpu.memory_space<vmem_shared>>)
        tpu.yield
      }) : () -> ()
      "tpu.region"() ({
        %run_scoped3A = tpu.sem_alloc : memref<!tpu.dma_semaphore, #tpu.memory_space<semaphore_mem>>
        %dma_start3A_604 = tpu.memref_slice %arg18[%add3A_603] : memref<50176xf32, #tpu.memory_space<vmem_shared>> -> memref<64xf32, #tpu.memory_space<vmem_shared>>
        %dma_start3A_605 = tpu.memref_slice %arg18[%add3A_603] : memref<50176xf32, #tpu.memory_space<vmem_shared>> -> memref<64xf32, #tpu.memory_space<vmem_shared>>
        tpu.enqueue_dma source(%arg12 : memref<64xf32, #tpu.memory_space<vmem>>) target(%dma_start3A_605 : memref<64xf32, #tpu.memory_space<vmem_shared>>) target_semaphore(%run_scoped3A : memref<!tpu.dma_semaphore, #tpu.memory_space<semaphore_mem>>)
        %dma_wait3A_606 = tpu.memref_slice %arg18[%add3A_603] : memref<50176xf32, #tpu.memory_space<vmem_shared>> -> memref<64xf32, #tpu.memory_space<vmem_shared>>
        %dma_wait3A_607 = tpu.memref_slice %arg18[%add3A_603] : memref<50176xf32, #tpu.memory_space<vmem_shared>> -> memref<64xf32, #tpu.memory_space<vmem_shared>>
        tpu.wait_dma2 semaphore(%run_scoped3A : memref<!tpu.dma_semaphore, #tpu.memory_space<semaphore_mem>>) src(%arg12 : memref<64xf32, #tpu.memory_space<vmem>>) dst(%dma_wait3A_607 : memref<64xf32, #tpu.memory_space<vmem_shared>>)
        tpu.yield
      }) : () -> ()
    }
    %scan3A_38 = arith.constant 49 : i32
    %barrier3A = arith.constant 0 : index
    tpu.barrier barrier_id(%barrier3A)
    %scan3A_39 = arith.constant 0 : i32
    %scan3A_40 = arith.constant 0 : i32
    %scan3A_41 = arith.constant 89 : i32
    %scan3A_42 = arith.addi %scan3A_40, %scan3A_41 : i32
    %scan3A_43 = arith.constant 1 : i32
    scf.for %scan3A_600 = %scan3A_40 to %scan3A_42 step %scan3A_43  : i32 {
      %mul3A_601 = arith.constant 560 : i32
      %mul3A_602 = arith.muli %scan3A_600, %mul3A_601 : i32
      %add3A_603 = arith.addi %mul3A_0, %mul3A_602 : i32
      %add3A_604 = arith.constant 0 : i32
      %add3A_605 = arith.addi %add3A_603, %add3A_604 : i32
      %dma_start3A_606 = arith.constant 1 : i32
      %dma_start3A_607 = arith.constant 0 : i32
      %dma_start3A_608 = arith.constant 0 : i32
      %dma_start3A_609 = tpu.memref_slice %arg7[%dma_start3A_607, %dma_start3A_608] : memref<5x112xi32, #tpu.memory_space<vmem>> -> memref<1x112xi32, #tpu.memory_space<vmem>>
      %dma_start3A_610 = tpu.memref_squeeze %dma_start3A_609 : memref<1x112xi32, #tpu.memory_space<vmem>> -> memref<112xi32, #tpu.memory_space<vmem>>
      %dma_start3A_611 = tpu.memref_slice %arg2[%dma_start3A_606, %add3A_605] : memref<2x800000xi32, #tpu.memory_space<hbm>> -> memref<1x112xi32, #tpu.memory_space<hbm>>
      %dma_start3A_612 = tpu.memref_squeeze %dma_start3A_611 : memref<1x112xi32, #tpu.memory_space<hbm>> -> memref<112xi32, #tpu.memory_space<hbm>>
      %dma_start3A_613 = arith.constant 0 : i32
      %dma_start3A_614 = tpu.memref_slice %arg7[%dma_start3A_607, %dma_start3A_613] : memref<5x112xi32, #tpu.memory_space<vmem>> -> memref<1x112xi32, #tpu.memory_space<vmem>>
      %dma_start3A_615 = tpu.memref_squeeze %dma_start3A_614 : memref<1x112xi32, #tpu.memory_space<vmem>> -> memref<112xi32, #tpu.memory_space<vmem>>
      %dma_start3A_616 = tpu.memref_slice %arg2[%dma_start3A_606, %add3A_605] : memref<2x800000xi32, #tpu.memory_space<hbm>> -> memref<1x112xi32, #tpu.memory_space<hbm>>
      %dma_start3A_617 = tpu.memref_squeeze %dma_start3A_616 : memref<1x112xi32, #tpu.memory_space<hbm>> -> memref<112xi32, #tpu.memory_space<hbm>>
      tpu.enqueue_dma source(%dma_start3A_617 : memref<112xi32, #tpu.memory_space<hbm>>) target(%dma_start3A_615 : memref<112xi32, #tpu.memory_space<vmem>>) target_semaphore(%arg20 : memref<!tpu.dma_semaphore, #tpu.memory_space<semaphore_mem>>)
      %add3A_618 = arith.constant 112 : i32
      %add3A_619 = arith.addi %add3A_603, %add3A_618 : i32
      %dma_start3A_620 = arith.constant 1 : i32
      %dma_start3A_621 = arith.constant 1 : i32
      %dma_start3A_622 = arith.constant 0 : i32
      %dma_start3A_623 = tpu.memref_slice %arg7[%dma_start3A_621, %dma_start3A_622] : memref<5x112xi32, #tpu.memory_space<vmem>> -> memref<1x112xi32, #tpu.memory_space<vmem>>
      %dma_start3A_624 = tpu.memref_squeeze %dma_start3A_623 : memref<1x112xi32, #tpu.memory_space<vmem>> -> memref<112xi32, #tpu.memory_space<vmem>>
      %dma_start3A_625 = tpu.memref_slice %arg2[%dma_start3A_620, %add3A_619] : memref<2x800000xi32, #tpu.memory_space<hbm>> -> memref<1x112xi32, #tpu.memory_space<hbm>>
      %dma_start3A_626 = tpu.memref_squeeze %dma_start3A_625 : memref<1x112xi32, #tpu.memory_space<hbm>> -> memref<112xi32, #tpu.memory_space<hbm>>
      %dma_start3A_627 = arith.constant 0 : i32
      %dma_start3A_628 = tpu.memref_slice %arg7[%dma_start3A_621, %dma_start3A_627] : memref<5x112xi32, #tpu.memory_space<vmem>> -> memref<1x112xi32, #tpu.memory_space<vmem>>
      %dma_start3A_629 = tpu.memref_squeeze %dma_start3A_628 : memref<1x112xi32, #tpu.memory_space<vmem>> -> memref<112xi32, #tpu.memory_space<vmem>>
      %dma_start3A_630 = tpu.memref_slice %arg2[%dma_start3A_620, %add3A_619] : memref<2x800000xi32, #tpu.memory_space<hbm>> -> memref<1x112xi32, #tpu.memory_space<hbm>>
      %dma_start3A_631 = tpu.memref_squeeze %dma_start3A_630 : memref<1x112xi32, #tpu.memory_space<hbm>> -> memref<112xi32, #tpu.memory_space<hbm>>
      tpu.enqueue_dma source(%dma_start3A_631 : memref<112xi32, #tpu.memory_space<hbm>>) target(%dma_start3A_629 : memref<112xi32, #tpu.memory_space<vmem>>) target_semaphore(%arg20 : memref<!tpu.dma_semaphore, #tpu.memory_space<semaphore_mem>>)
      %add3A_632 = arith.constant 224 : i32
      %add3A_633 = arith.addi %add3A_603, %add3A_632 : i32
      %dma_start3A_634 = arith.constant 1 : i32
      %dma_start3A_635 = arith.constant 2 : i32
      %dma_start3A_636 = arith.constant 0 : i32
      %dma_start3A_637 = tpu.memref_slice %arg7[%dma_start3A_635, %dma_start3A_636] : memref<5x112xi32, #tpu.memory_space<vmem>> -> memref<1x112xi32, #tpu.memory_space<vmem>>
      %dma_start3A_638 = tpu.memref_squeeze %dma_start3A_637 : memref<1x112xi32, #tpu.memory_space<vmem>> -> memref<112xi32, #tpu.memory_space<vmem>>
      %dma_start3A_639 = tpu.memref_slice %arg2[%dma_start3A_634, %add3A_633] : memref<2x800000xi32, #tpu.memory_space<hbm>> -> memref<1x112xi32, #tpu.memory_space<hbm>>
      %dma_start3A_640 = tpu.memref_squeeze %dma_start3A_639 : memref<1x112xi32, #tpu.memory_space<hbm>> -> memref<112xi32, #tpu.memory_space<hbm>>
      %dma_start3A_641 = arith.constant 0 : i32
      %dma_start3A_642 = tpu.memref_slice %arg7[%dma_start3A_635, %dma_start3A_641] : memref<5x112xi32, #tpu.memory_space<vmem>> -> memref<1x112xi32, #tpu.memory_space<vmem>>
      %dma_start3A_643 = tpu.memref_squeeze %dma_start3A_642 : memref<1x112xi32, #tpu.memory_space<vmem>> -> memref<112xi32, #tpu.memory_space<vmem>>
      %dma_start3A_644 = tpu.memref_slice %arg2[%dma_start3A_634, %add3A_633] : memref<2x800000xi32, #tpu.memory_space<hbm>> -> memref<1x112xi32, #tpu.memory_space<hbm>>
      %dma_start3A_645 = tpu.memref_squeeze %dma_start3A_644 : memref<1x112xi32, #tpu.memory_space<hbm>> -> memref<112xi32, #tpu.memory_space<hbm>>
      tpu.enqueue_dma source(%dma_start3A_645 : memref<112xi32, #tpu.memory_space<hbm>>) target(%dma_start3A_643 : memref<112xi32, #tpu.memory_space<vmem>>) target_semaphore(%arg20 : memref<!tpu.dma_semaphore, #tpu.memory_space<semaphore_mem>>)
      %add3A_646 = arith.constant 336 : i32
      %add3A_647 = arith.addi %add3A_603, %add3A_646 : i32
      %dma_start3A_648 = arith.constant 1 : i32
      %dma_start3A_649 = arith.constant 3 : i32
      %dma_start3A_650 = arith.constant 0 : i32
      %dma_start3A_651 = tpu.memref_slice %arg7[%dma_start3A_649, %dma_start3A_650] : memref<5x112xi32, #tpu.memory_space<vmem>> -> memref<1x112xi32, #tpu.memory_space<vmem>>
      %dma_start3A_652 = tpu.memref_squeeze %dma_start3A_651 : memref<1x112xi32, #tpu.memory_space<vmem>> -> memref<112xi32, #tpu.memory_space<vmem>>
      %dma_start3A_653 = tpu.memref_slice %arg2[%dma_start3A_648, %add3A_647] : memref<2x800000xi32, #tpu.memory_space<hbm>> -> memref<1x112xi32, #tpu.memory_space<hbm>>
      %dma_start3A_654 = tpu.memref_squeeze %dma_start3A_653 : memref<1x112xi32, #tpu.memory_space<hbm>> -> memref<112xi32, #tpu.memory_space<hbm>>
      %dma_start3A_655 = arith.constant 0 : i32
      %dma_start3A_656 = tpu.memref_slice %arg7[%dma_start3A_649, %dma_start3A_655] : memref<5x112xi32, #tpu.memory_space<vmem>> -> memref<1x112xi32, #tpu.memory_space<vmem>>
      %dma_start3A_657 = tpu.memref_squeeze %dma_start3A_656 : memref<1x112xi32, #tpu.memory_space<vmem>> -> memref<112xi32, #tpu.memory_space<vmem>>
      %dma_start3A_658 = tpu.memref_slice %arg2[%dma_start3A_648, %add3A_647] : memref<2x800000xi32, #tpu.memory_space<hbm>> -> memref<1x112xi32, #tpu.memory_space<hbm>>
      %dma_start3A_659 = tpu.memref_squeeze %dma_start3A_658 : memref<1x112xi32, #tpu.memory_space<hbm>> -> memref<112xi32, #tpu.memory_space<hbm>>
      tpu.enqueue_dma source(%dma_start3A_659 : memref<112xi32, #tpu.memory_space<hbm>>) target(%dma_start3A_657 : memref<112xi32, #tpu.memory_space<vmem>>) target_semaphore(%arg20 : memref<!tpu.dma_semaphore, #tpu.memory_space<semaphore_mem>>)
      %add3A_660 = arith.constant 448 : i32
      %add3A_661 = arith.addi %add3A_603, %add3A_660 : i32
      %dma_start3A_662 = arith.constant 1 : i32
      %dma_start3A_663 = arith.constant 4 : i32
      %dma_start3A_664 = arith.constant 0 : i32
      %dma_start3A_665 = tpu.memref_slice %arg7[%dma_start3A_663, %dma_start3A_664] : memref<5x112xi32, #tpu.memory_space<vmem>> -> memref<1x112xi32, #tpu.memory_space<vmem>>
      %dma_start3A_666 = tpu.memref_squeeze %dma_start3A_665 : memref<1x112xi32, #tpu.memory_space<vmem>> -> memref<112xi32, #tpu.memory_space<vmem>>
      %dma_start3A_667 = tpu.memref_slice %arg2[%dma_start3A_662, %add3A_661] : memref<2x800000xi32, #tpu.memory_space<hbm>> -> memref<1x112xi32, #tpu.memory_space<hbm>>
      %dma_start3A_668 = tpu.memref_squeeze %dma_start3A_667 : memref<1x112xi32, #tpu.memory_space<hbm>> -> memref<112xi32, #tpu.memory_space<hbm>>
      %dma_start3A_669 = arith.constant 0 : i32
      %dma_start3A_670 = tpu.memref_slice %arg7[%dma_start3A_663, %dma_start3A_669] : memref<5x112xi32, #tpu.memory_space<vmem>> -> memref<1x112xi32, #tpu.memory_space<vmem>>
      %dma_start3A_671 = tpu.memref_squeeze %dma_start3A_670 : memref<1x112xi32, #tpu.memory_space<vmem>> -> memref<112xi32, #tpu.memory_space<vmem>>
      %dma_start3A_672 = tpu.memref_slice %arg2[%dma_start3A_662, %add3A_661] : memref<2x800000xi32, #tpu.memory_space<hbm>> -> memref<1x112xi32, #tpu.memory_space<hbm>>
      %dma_start3A_673 = tpu.memref_squeeze %dma_start3A_672 : memref<1x112xi32, #tpu.memory_space<hbm>> -> memref<112xi32, #tpu.memory_space<hbm>>
      tpu.enqueue_dma source(%dma_start3A_673 : memref<112xi32, #tpu.memory_space<hbm>>) target(%dma_start3A_671 : memref<112xi32, #tpu.memory_space<vmem>>) target_semaphore(%arg20 : memref<!tpu.dma_semaphore, #tpu.memory_space<semaphore_mem>>)
      %dma_wait3A_674 = arith.constant 1 : i32
      %dma_wait3A_675 = arith.constant 0 : i32
      %dma_wait3A_676 = arith.constant 0 : i32
      %dma_wait3A_677 = tpu.memref_slice %arg7[%dma_wait3A_675, %dma_wait3A_676] : memref<5x112xi32, #tpu.memory_space<vmem>> -> memref<1x112xi32, #tpu.memory_space<vmem>>
      %dma_wait3A_678 = tpu.memref_squeeze %dma_wait3A_677 : memref<1x112xi32, #tpu.memory_space<vmem>> -> memref<112xi32, #tpu.memory_space<vmem>>
      %dma_wait3A_679 = tpu.memref_slice %arg2[%dma_wait3A_674, %add3A_605] : memref<2x800000xi32, #tpu.memory_space<hbm>> -> memref<1x112xi32, #tpu.memory_space<hbm>>
      %dma_wait3A_680 = tpu.memref_squeeze %dma_wait3A_679 : memref<1x112xi32, #tpu.memory_space<hbm>> -> memref<112xi32, #tpu.memory_space<hbm>>
      %dma_wait3A_681 = arith.constant 0 : i32
      %dma_wait3A_682 = tpu.memref_slice %arg7[%dma_wait3A_675, %dma_wait3A_681] : memref<5x112xi32, #tpu.memory_space<vmem>> -> memref<1x112xi32, #tpu.memory_space<vmem>>
      %dma_wait3A_683 = tpu.memref_squeeze %dma_wait3A_682 : memref<1x112xi32, #tpu.memory_space<vmem>> -> memref<112xi32, #tpu.memory_space<vmem>>
      %dma_wait3A_684 = tpu.memref_slice %arg2[%dma_wait3A_674, %add3A_605] : memref<2x800000xi32, #tpu.memory_space<hbm>> -> memref<1x112xi32, #tpu.memory_space<hbm>>
      %dma_wait3A_685 = tpu.memref_squeeze %dma_wait3A_684 : memref<1x112xi32, #tpu.memory_space<hbm>> -> memref<112xi32, #tpu.memory_space<hbm>>
      tpu.wait_dma2 semaphore(%arg20 : memref<!tpu.dma_semaphore, #tpu.memory_space<semaphore_mem>>) src(%dma_wait3A_685 : memref<112xi32, #tpu.memory_space<hbm>>) dst(%dma_wait3A_683 : memref<112xi32, #tpu.memory_space<vmem>>)
      %dma_start3A_686 = arith.constant 0 : i32
      %dma_start3A_687 = arith.constant 0 : i32
      %dma_start3A_688 = tpu.memref_slice %arg7[%dma_start3A_686, %dma_start3A_687] : memref<5x112xi32, #tpu.memory_space<vmem>> -> memref<1x112xi32, #tpu.memory_space<vmem>>
      %dma_start3A_689 = tpu.memref_squeeze %dma_start3A_688 : memref<1x112xi32, #tpu.memory_space<vmem>> -> memref<112xi32, #tpu.memory_space<vmem>>
      %dma_start3A_690 = arith.constant 0 : i32
      %dma_start3A_691 = tpu.memref_slice %arg18[%dma_start3A_690] : memref<50176xf32, #tpu.memory_space<vmem_shared>> -> memref<50176xf32, #tpu.memory_space<vmem_shared>>
      tpu.enqueue_indirect_dma source(%arg9 : memref<112xf32, #tpu.memory_space<vmem>>) target(%dma_start3A_691 : memref<50176xf32, #tpu.memory_space<vmem_shared>>) offsets(%dma_start3A_689 : memref<112xi32, #tpu.memory_space<vmem>>) semaphore(%arg22 : memref<!tpu.dma_semaphore, #tpu.memory_space<semaphore_mem>>) {add = true}
      %dma_wait3A_692 = arith.constant 1 : i32
      %dma_wait3A_693 = arith.constant 1 : i32
      %dma_wait3A_694 = arith.constant 0 : i32
      %dma_wait3A_695 = tpu.memref_slice %arg7[%dma_wait3A_693, %dma_wait3A_694] : memref<5x112xi32, #tpu.memory_space<vmem>> -> memref<1x112xi32, #tpu.memory_space<vmem>>
      %dma_wait3A_696 = tpu.memref_squeeze %dma_wait3A_695 : memref<1x112xi32, #tpu.memory_space<vmem>> -> memref<112xi32, #tpu.memory_space<vmem>>
      %dma_wait3A_697 = tpu.memref_slice %arg2[%dma_wait3A_692, %add3A_619] : memref<2x800000xi32, #tpu.memory_space<hbm>> -> memref<1x112xi32, #tpu.memory_space<hbm>>
      %dma_wait3A_698 = tpu.memref_squeeze %dma_wait3A_697 : memref<1x112xi32, #tpu.memory_space<hbm>> -> memref<112xi32, #tpu.memory_space<hbm>>
      %dma_wait3A_699 = arith.constant 0 : i32
      %dma_wait3A_700 = tpu.memref_slice %arg7[%dma_wait3A_693, %dma_wait3A_699] : memref<5x112xi32, #tpu.memory_space<vmem>> -> memref<1x112xi32, #tpu.memory_space<vmem>>
      %dma_wait3A_701 = tpu.memref_squeeze %dma_wait3A_700 : memref<1x112xi32, #tpu.memory_space<vmem>> -> memref<112xi32, #tpu.memory_space<vmem>>
      %dma_wait3A_702 = tpu.memref_slice %arg2[%dma_wait3A_692, %add3A_619] : memref<2x800000xi32, #tpu.memory_space<hbm>> -> memref<1x112xi32, #tpu.memory_space<hbm>>
      %dma_wait3A_703 = tpu.memref_squeeze %dma_wait3A_702 : memref<1x112xi32, #tpu.memory_space<hbm>> -> memref<112xi32, #tpu.memory_space<hbm>>
      tpu.wait_dma2 semaphore(%arg20 : memref<!tpu.dma_semaphore, #tpu.memory_space<semaphore_mem>>) src(%dma_wait3A_703 : memref<112xi32, #tpu.memory_space<hbm>>) dst(%dma_wait3A_701 : memref<112xi32, #tpu.memory_space<vmem>>)
      %dma_start3A_704 = arith.constant 1 : i32
      %dma_start3A_705 = arith.constant 0 : i32
      %dma_start3A_706 = tpu.memref_slice %arg7[%dma_start3A_704, %dma_start3A_705] : memref<5x112xi32, #tpu.memory_space<vmem>> -> memref<1x112xi32, #tpu.memory_space<vmem>>
      %dma_start3A_707 = tpu.memref_squeeze %dma_start3A_706 : memref<1x112xi32, #tpu.memory_space<vmem>> -> memref<112xi32, #tpu.memory_space<vmem>>
      %dma_start3A_708 = arith.constant 0 : i32
      %dma_start3A_709 = tpu.memref_slice %arg18[%dma_start3A_708] : memref<50176xf32, #tpu.memory_space<vmem_shared>> -> memref<50176xf32, #tpu.memory_space<vmem_shared>>
      tpu.enqueue_indirect_dma source(%arg9 : memref<112xf32, #tpu.memory_space<vmem>>) target(%dma_start3A_709 : memref<50176xf32, #tpu.memory_space<vmem_shared>>) offsets(%dma_start3A_707 : memref<112xi32, #tpu.memory_space<vmem>>) semaphore(%arg22 : memref<!tpu.dma_semaphore, #tpu.memory_space<semaphore_mem>>) {add = true}
      %dma_wait3A_710 = arith.constant 1 : i32
      %dma_wait3A_711 = arith.constant 2 : i32
      %dma_wait3A_712 = arith.constant 0 : i32
      %dma_wait3A_713 = tpu.memref_slice %arg7[%dma_wait3A_711, %dma_wait3A_712] : memref<5x112xi32, #tpu.memory_space<vmem>> -> memref<1x112xi32, #tpu.memory_space<vmem>>
      %dma_wait3A_714 = tpu.memref_squeeze %dma_wait3A_713 : memref<1x112xi32, #tpu.memory_space<vmem>> -> memref<112xi32, #tpu.memory_space<vmem>>
      %dma_wait3A_715 = tpu.memref_slice %arg2[%dma_wait3A_710, %add3A_633] : memref<2x800000xi32, #tpu.memory_space<hbm>> -> memref<1x112xi32, #tpu.memory_space<hbm>>
      %dma_wait3A_716 = tpu.memref_squeeze %dma_wait3A_715 : memref<1x112xi32, #tpu.memory_space<hbm>> -> memref<112xi32, #tpu.memory_space<hbm>>
      %dma_wait3A_717 = arith.constant 0 : i32
      %dma_wait3A_718 = tpu.memref_slice %arg7[%dma_wait3A_711, %dma_wait3A_717] : memref<5x112xi32, #tpu.memory_space<vmem>> -> memref<1x112xi32, #tpu.memory_space<vmem>>
      %dma_wait3A_719 = tpu.memref_squeeze %dma_wait3A_718 : memref<1x112xi32, #tpu.memory_space<vmem>> -> memref<112xi32, #tpu.memory_space<vmem>>
      %dma_wait3A_720 = tpu.memref_slice %arg2[%dma_wait3A_710, %add3A_633] : memref<2x800000xi32, #tpu.memory_space<hbm>> -> memref<1x112xi32, #tpu.memory_space<hbm>>
      %dma_wait3A_721 = tpu.memref_squeeze %dma_wait3A_720 : memref<1x112xi32, #tpu.memory_space<hbm>> -> memref<112xi32, #tpu.memory_space<hbm>>
      tpu.wait_dma2 semaphore(%arg20 : memref<!tpu.dma_semaphore, #tpu.memory_space<semaphore_mem>>) src(%dma_wait3A_721 : memref<112xi32, #tpu.memory_space<hbm>>) dst(%dma_wait3A_719 : memref<112xi32, #tpu.memory_space<vmem>>)
      %dma_start3A_722 = arith.constant 2 : i32
      %dma_start3A_723 = arith.constant 0 : i32
      %dma_start3A_724 = tpu.memref_slice %arg7[%dma_start3A_722, %dma_start3A_723] : memref<5x112xi32, #tpu.memory_space<vmem>> -> memref<1x112xi32, #tpu.memory_space<vmem>>
      %dma_start3A_725 = tpu.memref_squeeze %dma_start3A_724 : memref<1x112xi32, #tpu.memory_space<vmem>> -> memref<112xi32, #tpu.memory_space<vmem>>
      %dma_start3A_726 = arith.constant 0 : i32
      %dma_start3A_727 = tpu.memref_slice %arg18[%dma_start3A_726] : memref<50176xf32, #tpu.memory_space<vmem_shared>> -> memref<50176xf32, #tpu.memory_space<vmem_shared>>
      tpu.enqueue_indirect_dma source(%arg9 : memref<112xf32, #tpu.memory_space<vmem>>) target(%dma_start3A_727 : memref<50176xf32, #tpu.memory_space<vmem_shared>>) offsets(%dma_start3A_725 : memref<112xi32, #tpu.memory_space<vmem>>) semaphore(%arg22 : memref<!tpu.dma_semaphore, #tpu.memory_space<semaphore_mem>>) {add = true}
      %dma_wait3A_728 = arith.constant 1 : i32
      %dma_wait3A_729 = arith.constant 3 : i32
      %dma_wait3A_730 = arith.constant 0 : i32
      %dma_wait3A_731 = tpu.memref_slice %arg7[%dma_wait3A_729, %dma_wait3A_730] : memref<5x112xi32, #tpu.memory_space<vmem>> -> memref<1x112xi32, #tpu.memory_space<vmem>>
      %dma_wait3A_732 = tpu.memref_squeeze %dma_wait3A_731 : memref<1x112xi32, #tpu.memory_space<vmem>> -> memref<112xi32, #tpu.memory_space<vmem>>
      %dma_wait3A_733 = tpu.memref_slice %arg2[%dma_wait3A_728, %add3A_647] : memref<2x800000xi32, #tpu.memory_space<hbm>> -> memref<1x112xi32, #tpu.memory_space<hbm>>
      %dma_wait3A_734 = tpu.memref_squeeze %dma_wait3A_733 : memref<1x112xi32, #tpu.memory_space<hbm>> -> memref<112xi32, #tpu.memory_space<hbm>>
      %dma_wait3A_735 = arith.constant 0 : i32
      %dma_wait3A_736 = tpu.memref_slice %arg7[%dma_wait3A_729, %dma_wait3A_735] : memref<5x112xi32, #tpu.memory_space<vmem>> -> memref<1x112xi32, #tpu.memory_space<vmem>>
      %dma_wait3A_737 = tpu.memref_squeeze %dma_wait3A_736 : memref<1x112xi32, #tpu.memory_space<vmem>> -> memref<112xi32, #tpu.memory_space<vmem>>
      %dma_wait3A_738 = tpu.memref_slice %arg2[%dma_wait3A_728, %add3A_647] : memref<2x800000xi32, #tpu.memory_space<hbm>> -> memref<1x112xi32, #tpu.memory_space<hbm>>
      %dma_wait3A_739 = tpu.memref_squeeze %dma_wait3A_738 : memref<1x112xi32, #tpu.memory_space<hbm>> -> memref<112xi32, #tpu.memory_space<hbm>>
      tpu.wait_dma2 semaphore(%arg20 : memref<!tpu.dma_semaphore, #tpu.memory_space<semaphore_mem>>) src(%dma_wait3A_739 : memref<112xi32, #tpu.memory_space<hbm>>) dst(%dma_wait3A_737 : memref<112xi32, #tpu.memory_space<vmem>>)
      %dma_start3A_740 = arith.constant 3 : i32
      %dma_start3A_741 = arith.constant 0 : i32
      %dma_start3A_742 = tpu.memref_slice %arg7[%dma_start3A_740, %dma_start3A_741] : memref<5x112xi32, #tpu.memory_space<vmem>> -> memref<1x112xi32, #tpu.memory_space<vmem>>
      %dma_start3A_743 = tpu.memref_squeeze %dma_start3A_742 : memref<1x112xi32, #tpu.memory_space<vmem>> -> memref<112xi32, #tpu.memory_space<vmem>>
      %dma_start3A_744 = arith.constant 0 : i32
      %dma_start3A_745 = tpu.memref_slice %arg18[%dma_start3A_744] : memref<50176xf32, #tpu.memory_space<vmem_shared>> -> memref<50176xf32, #tpu.memory_space<vmem_shared>>
      tpu.enqueue_indirect_dma source(%arg9 : memref<112xf32, #tpu.memory_space<vmem>>) target(%dma_start3A_745 : memref<50176xf32, #tpu.memory_space<vmem_shared>>) offsets(%dma_start3A_743 : memref<112xi32, #tpu.memory_space<vmem>>) semaphore(%arg22 : memref<!tpu.dma_semaphore, #tpu.memory_space<semaphore_mem>>) {add = true}
      %dma_wait3A_746 = arith.constant 1 : i32
      %dma_wait3A_747 = arith.constant 4 : i32
      %dma_wait3A_748 = arith.constant 0 : i32
      %dma_wait3A_749 = tpu.memref_slice %arg7[%dma_wait3A_747, %dma_wait3A_748] : memref<5x112xi32, #tpu.memory_space<vmem>> -> memref<1x112xi32, #tpu.memory_space<vmem>>
      %dma_wait3A_750 = tpu.memref_squeeze %dma_wait3A_749 : memref<1x112xi32, #tpu.memory_space<vmem>> -> memref<112xi32, #tpu.memory_space<vmem>>
      %dma_wait3A_751 = tpu.memref_slice %arg2[%dma_wait3A_746, %add3A_661] : memref<2x800000xi32, #tpu.memory_space<hbm>> -> memref<1x112xi32, #tpu.memory_space<hbm>>
      %dma_wait3A_752 = tpu.memref_squeeze %dma_wait3A_751 : memref<1x112xi32, #tpu.memory_space<hbm>> -> memref<112xi32, #tpu.memory_space<hbm>>
      %dma_wait3A_753 = arith.constant 0 : i32
      %dma_wait3A_754 = tpu.memref_slice %arg7[%dma_wait3A_747, %dma_wait3A_753] : memref<5x112xi32, #tpu.memory_space<vmem>> -> memref<1x112xi32, #tpu.memory_space<vmem>>
      %dma_wait3A_755 = tpu.memref_squeeze %dma_wait3A_754 : memref<1x112xi32, #tpu.memory_space<vmem>> -> memref<112xi32, #tpu.memory_space<vmem>>
      %dma_wait3A_756 = tpu.memref_slice %arg2[%dma_wait3A_746, %add3A_661] : memref<2x800000xi32, #tpu.memory_space<hbm>> -> memref<1x112xi32, #tpu.memory_space<hbm>>
      %dma_wait3A_757 = tpu.memref_squeeze %dma_wait3A_756 : memref<1x112xi32, #tpu.memory_space<hbm>> -> memref<112xi32, #tpu.memory_space<hbm>>
      tpu.wait_dma2 semaphore(%arg20 : memref<!tpu.dma_semaphore, #tpu.memory_space<semaphore_mem>>) src(%dma_wait3A_757 : memref<112xi32, #tpu.memory_space<hbm>>) dst(%dma_wait3A_755 : memref<112xi32, #tpu.memory_space<vmem>>)
      %dma_start3A_758 = arith.constant 4 : i32
      %dma_start3A_759 = arith.constant 0 : i32
      %dma_start3A_760 = tpu.memref_slice %arg7[%dma_start3A_758, %dma_start3A_759] : memref<5x112xi32, #tpu.memory_space<vmem>> -> memref<1x112xi32, #tpu.memory_space<vmem>>
      %dma_start3A_761 = tpu.memref_squeeze %dma_start3A_760 : memref<1x112xi32, #tpu.memory_space<vmem>> -> memref<112xi32, #tpu.memory_space<vmem>>
      %dma_start3A_762 = arith.constant 0 : i32
      %dma_start3A_763 = tpu.memref_slice %arg18[%dma_start3A_762] : memref<50176xf32, #tpu.memory_space<vmem_shared>> -> memref<50176xf32, #tpu.memory_space<vmem_shared>>
      tpu.enqueue_indirect_dma source(%arg9 : memref<112xf32, #tpu.memory_space<vmem>>) target(%dma_start3A_763 : memref<50176xf32, #tpu.memory_space<vmem_shared>>) offsets(%dma_start3A_761 : memref<112xi32, #tpu.memory_space<vmem>>) semaphore(%arg22 : memref<!tpu.dma_semaphore, #tpu.memory_space<semaphore_mem>>) {add = true}
      %dma_wait3A_764 = arith.constant 0 : i32
      %dma_wait3A_765 = arith.constant 0 : i32
      %dma_wait3A_766 = tpu.memref_slice %arg7[%dma_wait3A_764, %dma_wait3A_765] : memref<5x112xi32, #tpu.memory_space<vmem>> -> memref<1x112xi32, #tpu.memory_space<vmem>>
      %dma_wait3A_767 = tpu.memref_squeeze %dma_wait3A_766 : memref<1x112xi32, #tpu.memory_space<vmem>> -> memref<112xi32, #tpu.memory_space<vmem>>
      %dma_wait3A_768 = arith.constant 0 : i32
      %dma_wait3A_769 = tpu.memref_slice %arg18[%dma_wait3A_768] : memref<50176xf32, #tpu.memory_space<vmem_shared>> -> memref<50176xf32, #tpu.memory_space<vmem_shared>>
      tpu.wait_indirect_dma semaphore(%arg22 : memref<!tpu.dma_semaphore, #tpu.memory_space<semaphore_mem>>) src(%arg9 : memref<112xf32, #tpu.memory_space<vmem>>) dst(%dma_wait3A_769 : memref<50176xf32, #tpu.memory_space<vmem_shared>>)
      %dma_wait3A_770 = arith.constant 1 : i32
      %dma_wait3A_771 = arith.constant 0 : i32
      %dma_wait3A_772 = tpu.memref_slice %arg7[%dma_wait3A_770, %dma_wait3A_771] : memref<5x112xi32, #tpu.memory_space<vmem>> -> memref<1x112xi32, #tpu.memory_space<vmem>>
      %dma_wait3A_773 = tpu.memref_squeeze %dma_wait3A_772 : memref<1x112xi32, #tpu.memory_space<vmem>> -> memref<112xi32, #tpu.memory_space<vmem>>
      %dma_wait3A_774 = arith.constant 0 : i32
      %dma_wait3A_775 = tpu.memref_slice %arg18[%dma_wait3A_774] : memref<50176xf32, #tpu.memory_space<vmem_shared>> -> memref<50176xf32, #tpu.memory_space<vmem_shared>>
      tpu.wait_indirect_dma semaphore(%arg22 : memref<!tpu.dma_semaphore, #tpu.memory_space<semaphore_mem>>) src(%arg9 : memref<112xf32, #tpu.memory_space<vmem>>) dst(%dma_wait3A_775 : memref<50176xf32, #tpu.memory_space<vmem_shared>>)
      %dma_wait3A_776 = arith.constant 2 : i32
      %dma_wait3A_777 = arith.constant 0 : i32
      %dma_wait3A_778 = tpu.memref_slice %arg7[%dma_wait3A_776, %dma_wait3A_777] : memref<5x112xi32, #tpu.memory_space<vmem>> -> memref<1x112xi32, #tpu.memory_space<vmem>>
      %dma_wait3A_779 = tpu.memref_squeeze %dma_wait3A_778 : memref<1x112xi32, #tpu.memory_space<vmem>> -> memref<112xi32, #tpu.memory_space<vmem>>
      %dma_wait3A_780 = arith.constant 0 : i32
      %dma_wait3A_781 = tpu.memref_slice %arg18[%dma_wait3A_780] : memref<50176xf32, #tpu.memory_space<vmem_shared>> -> memref<50176xf32, #tpu.memory_space<vmem_shared>>
      tpu.wait_indirect_dma semaphore(%arg22 : memref<!tpu.dma_semaphore, #tpu.memory_space<semaphore_mem>>) src(%arg9 : memref<112xf32, #tpu.memory_space<vmem>>) dst(%dma_wait3A_781 : memref<50176xf32, #tpu.memory_space<vmem_shared>>)
      %dma_wait3A_782 = arith.constant 3 : i32
      %dma_wait3A_783 = arith.constant 0 : i32
      %dma_wait3A_784 = tpu.memref_slice %arg7[%dma_wait3A_782, %dma_wait3A_783] : memref<5x112xi32, #tpu.memory_space<vmem>> -> memref<1x112xi32, #tpu.memory_space<vmem>>
      %dma_wait3A_785 = tpu.memref_squeeze %dma_wait3A_784 : memref<1x112xi32, #tpu.memory_space<vmem>> -> memref<112xi32, #tpu.memory_space<vmem>>
      %dma_wait3A_786 = arith.constant 0 : i32
      %dma_wait3A_787 = tpu.memref_slice %arg18[%dma_wait3A_786] : memref<50176xf32, #tpu.memory_space<vmem_shared>> -> memref<50176xf32, #tpu.memory_space<vmem_shared>>
      tpu.wait_indirect_dma semaphore(%arg22 : memref<!tpu.dma_semaphore, #tpu.memory_space<semaphore_mem>>) src(%arg9 : memref<112xf32, #tpu.memory_space<vmem>>) dst(%dma_wait3A_787 : memref<50176xf32, #tpu.memory_space<vmem_shared>>)
      %dma_wait3A_788 = arith.constant 4 : i32
      %dma_wait3A_789 = arith.constant 0 : i32
      %dma_wait3A_790 = tpu.memref_slice %arg7[%dma_wait3A_788, %dma_wait3A_789] : memref<5x112xi32, #tpu.memory_space<vmem>> -> memref<1x112xi32, #tpu.memory_space<vmem>>
      %dma_wait3A_791 = tpu.memref_squeeze %dma_wait3A_790 : memref<1x112xi32, #tpu.memory_space<vmem>> -> memref<112xi32, #tpu.memory_space<vmem>>
      %dma_wait3A_792 = arith.constant 0 : i32
      %dma_wait3A_793 = tpu.memref_slice %arg18[%dma_wait3A_792] : memref<50176xf32, #tpu.memory_space<vmem_shared>> -> memref<50176xf32, #tpu.memory_space<vmem_shared>>
      tpu.wait_indirect_dma semaphore(%arg22 : memref<!tpu.dma_semaphore, #tpu.memory_space<semaphore_mem>>) src(%arg9 : memref<112xf32, #tpu.memory_space<vmem>>) dst(%dma_wait3A_793 : memref<50176xf32, #tpu.memory_space<vmem_shared>>)
    }
    %scan3A_44 = arith.constant 89 : i32
    %dma_start3A = arith.constant 1 : i32
    %dma_start3A_45 = arith.constant 0 : i32
    %dma_start3A_46 = arith.constant 0 : i32
    %dma_start3A_47 = tpu.memref_slice %arg7[%dma_start3A_45, %dma_start3A_46] : memref<5x112xi32, #tpu.memory_space<vmem>> -> memref<1x112xi32, #tpu.memory_space<vmem>>
    %dma_start3A_48 = tpu.memref_squeeze %dma_start3A_47 : memref<1x112xi32, #tpu.memory_space<vmem>> -> memref<112xi32, #tpu.memory_space<vmem>>
    %dma_start3A_49 = tpu.memref_slice %arg2[%dma_start3A, %add3A_1] : memref<2x800000xi32, #tpu.memory_space<hbm>> -> memref<1x112xi32, #tpu.memory_space<hbm>>
    %dma_start3A_50 = tpu.memref_squeeze %dma_start3A_49 : memref<1x112xi32, #tpu.memory_space<hbm>> -> memref<112xi32, #tpu.memory_space<hbm>>
    %dma_start3A_51 = arith.constant 0 : i32
    %dma_start3A_52 = tpu.memref_slice %arg7[%dma_start3A_45, %dma_start3A_51] : memref<5x112xi32, #tpu.memory_space<vmem>> -> memref<1x112xi32, #tpu.memory_space<vmem>>
    %dma_start3A_53 = tpu.memref_squeeze %dma_start3A_52 : memref<1x112xi32, #tpu.memory_space<vmem>> -> memref<112xi32, #tpu.memory_space<vmem>>
    %dma_start3A_54 = tpu.memref_slice %arg2[%dma_start3A, %add3A_1] : memref<2x800000xi32, #tpu.memory_space<hbm>> -> memref<1x112xi32, #tpu.memory_space<hbm>>
    %dma_start3A_55 = tpu.memref_squeeze %dma_start3A_54 : memref<1x112xi32, #tpu.memory_space<hbm>> -> memref<112xi32, #tpu.memory_space<hbm>>
    tpu.enqueue_dma source(%dma_start3A_55 : memref<112xi32, #tpu.memory_space<hbm>>) target(%dma_start3A_53 : memref<112xi32, #tpu.memory_space<vmem>>) target_semaphore(%arg20 : memref<!tpu.dma_semaphore, #tpu.memory_space<semaphore_mem>>)
    %add3A_56 = arith.constant 112 : i32
    %add3A_57 = arith.addi %add3A_1, %add3A_56 : i32
    %dma_start3A_58 = arith.constant 1 : i32
    %dma_start3A_59 = tpu.memref_slice %arg2[%dma_start3A_58, %add3A_57] : memref<2x800000xi32, #tpu.memory_space<hbm>> -> memref<1x48xi32, #tpu.memory_space<hbm>>
    %dma_start3A_60 = tpu.memref_squeeze %dma_start3A_59 : memref<1x48xi32, #tpu.memory_space<hbm>> -> memref<48xi32, #tpu.memory_space<hbm>>
    %dma_start3A_61 = tpu.memref_slice %arg2[%dma_start3A_58, %add3A_57] : memref<2x800000xi32, #tpu.memory_space<hbm>> -> memref<1x48xi32, #tpu.memory_space<hbm>>
    %dma_start3A_62 = tpu.memref_squeeze %dma_start3A_61 : memref<1x48xi32, #tpu.memory_space<hbm>> -> memref<48xi32, #tpu.memory_space<hbm>>
    tpu.enqueue_dma source(%dma_start3A_62 : memref<48xi32, #tpu.memory_space<hbm>>) target(%arg15 : memref<48xi32, #tpu.memory_space<vmem>>) target_semaphore(%arg20 : memref<!tpu.dma_semaphore, #tpu.memory_space<semaphore_mem>>)
    %dma_wait3A = arith.constant 1 : i32
    %dma_wait3A_63 = arith.constant 0 : i32
    %dma_wait3A_64 = arith.constant 0 : i32
    %dma_wait3A_65 = tpu.memref_slice %arg7[%dma_wait3A_63, %dma_wait3A_64] : memref<5x112xi32, #tpu.memory_space<vmem>> -> memref<1x112xi32, #tpu.memory_space<vmem>>
    %dma_wait3A_66 = tpu.memref_squeeze %dma_wait3A_65 : memref<1x112xi32, #tpu.memory_space<vmem>> -> memref<112xi32, #tpu.memory_space<vmem>>
    %dma_wait3A_67 = tpu.memref_slice %arg2[%dma_wait3A, %add3A_1] : memref<2x800000xi32, #tpu.memory_space<hbm>> -> memref<1x112xi32, #tpu.memory_space<hbm>>
    %dma_wait3A_68 = tpu.memref_squeeze %dma_wait3A_67 : memref<1x112xi32, #tpu.memory_space<hbm>> -> memref<112xi32, #tpu.memory_space<hbm>>
    %dma_wait3A_69 = arith.constant 0 : i32
    %dma_wait3A_70 = tpu.memref_slice %arg7[%dma_wait3A_63, %dma_wait3A_69] : memref<5x112xi32, #tpu.memory_space<vmem>> -> memref<1x112xi32, #tpu.memory_space<vmem>>
    %dma_wait3A_71 = tpu.memref_squeeze %dma_wait3A_70 : memref<1x112xi32, #tpu.memory_space<vmem>> -> memref<112xi32, #tpu.memory_space<vmem>>
    %dma_wait3A_72 = tpu.memref_slice %arg2[%dma_wait3A, %add3A_1] : memref<2x800000xi32, #tpu.memory_space<hbm>> -> memref<1x112xi32, #tpu.memory_space<hbm>>
    %dma_wait3A_73 = tpu.memref_squeeze %dma_wait3A_72 : memref<1x112xi32, #tpu.memory_space<hbm>> -> memref<112xi32, #tpu.memory_space<hbm>>
    tpu.wait_dma2 semaphore(%arg20 : memref<!tpu.dma_semaphore, #tpu.memory_space<semaphore_mem>>) src(%dma_wait3A_73 : memref<112xi32, #tpu.memory_space<hbm>>) dst(%dma_wait3A_71 : memref<112xi32, #tpu.memory_space<vmem>>)
    %dma_start3A_74 = arith.constant 0 : i32
    %dma_start3A_75 = arith.constant 0 : i32
    %dma_start3A_76 = tpu.memref_slice %arg7[%dma_start3A_74, %dma_start3A_75] : memref<5x112xi32, #tpu.memory_space<vmem>> -> memref<1x112xi32, #tpu.memory_space<vmem>>
    %dma_start3A_77 = tpu.memref_squeeze %dma_start3A_76 : memref<1x112xi32, #tpu.memory_space<vmem>> -> memref<112xi32, #tpu.memory_space<vmem>>
    %dma_start3A_78 = arith.constant 0 : i32
    %dma_start3A_79 = tpu.memref_slice %arg18[%dma_start3A_78] : memref<50176xf32, #tpu.memory_space<vmem_shared>> -> memref<50176xf32, #tpu.memory_space<vmem_shared>>
    tpu.enqueue_indirect_dma source(%arg9 : memref<112xf32, #tpu.memory_space<vmem>>) target(%dma_start3A_79 : memref<50176xf32, #tpu.memory_space<vmem_shared>>) offsets(%dma_start3A_77 : memref<112xi32, #tpu.memory_space<vmem>>) semaphore(%arg22 : memref<!tpu.dma_semaphore, #tpu.memory_space<semaphore_mem>>) {add = true}
    %dma_wait3A_80 = arith.constant 1 : i32
    %dma_wait3A_81 = tpu.memref_slice %arg2[%dma_wait3A_80, %add3A_57] : memref<2x800000xi32, #tpu.memory_space<hbm>> -> memref<1x48xi32, #tpu.memory_space<hbm>>
    %dma_wait3A_82 = tpu.memref_squeeze %dma_wait3A_81 : memref<1x48xi32, #tpu.memory_space<hbm>> -> memref<48xi32, #tpu.memory_space<hbm>>
    %dma_wait3A_83 = tpu.memref_slice %arg2[%dma_wait3A_80, %add3A_57] : memref<2x800000xi32, #tpu.memory_space<hbm>> -> memref<1x48xi32, #tpu.memory_space<hbm>>
    %dma_wait3A_84 = tpu.memref_squeeze %dma_wait3A_83 : memref<1x48xi32, #tpu.memory_space<hbm>> -> memref<48xi32, #tpu.memory_space<hbm>>
    tpu.wait_dma2 semaphore(%arg20 : memref<!tpu.dma_semaphore, #tpu.memory_space<semaphore_mem>>) src(%dma_wait3A_84 : memref<48xi32, #tpu.memory_space<hbm>>) dst(%arg15 : memref<48xi32, #tpu.memory_space<vmem>>)
    %dma_start3A_85 = arith.constant 0 : i32
    %dma_start3A_86 = tpu.memref_slice %arg9[%dma_start3A_85] : memref<112xf32, #tpu.memory_space<vmem>> -> memref<48xf32, #tpu.memory_space<vmem>>
    %dma_start3A_87 = arith.constant 0 : i32
    %dma_start3A_88 = tpu.memref_slice %arg18[%dma_start3A_87] : memref<50176xf32, #tpu.memory_space<vmem_shared>> -> memref<50176xf32, #tpu.memory_space<vmem_shared>>
    tpu.enqueue_indirect_dma source(%dma_start3A_86 : memref<48xf32, #tpu.memory_space<vmem>>) target(%dma_start3A_88 : memref<50176xf32, #tpu.memory_space<vmem_shared>>) offsets(%arg15 : memref<48xi32, #tpu.memory_space<vmem>>) semaphore(%arg22 : memref<!tpu.dma_semaphore, #tpu.memory_space<semaphore_mem>>) {add = true}
    %dma_wait3A_89 = arith.constant 0 : i32
    %dma_wait3A_90 = arith.constant 0 : i32
    %dma_wait3A_91 = tpu.memref_slice %arg7[%dma_wait3A_89, %dma_wait3A_90] : memref<5x112xi32, #tpu.memory_space<vmem>> -> memref<1x112xi32, #tpu.memory_space<vmem>>
    %dma_wait3A_92 = tpu.memref_squeeze %dma_wait3A_91 : memref<1x112xi32, #tpu.memory_space<vmem>> -> memref<112xi32, #tpu.memory_space<vmem>>
    %dma_wait3A_93 = arith.constant 0 : i32
    %dma_wait3A_94 = tpu.memref_slice %arg18[%dma_wait3A_93] : memref<50176xf32, #tpu.memory_space<vmem_shared>> -> memref<50176xf32, #tpu.memory_space<vmem_shared>>
    tpu.wait_indirect_dma semaphore(%arg22 : memref<!tpu.dma_semaphore, #tpu.memory_space<semaphore_mem>>) src(%arg9 : memref<112xf32, #tpu.memory_space<vmem>>) dst(%dma_wait3A_94 : memref<50176xf32, #tpu.memory_space<vmem_shared>>)
    %dma_wait3A_95 = arith.constant 0 : i32
    %dma_wait3A_96 = tpu.memref_slice %arg9[%dma_wait3A_95] : memref<112xf32, #tpu.memory_space<vmem>> -> memref<48xf32, #tpu.memory_space<vmem>>
    %dma_wait3A_97 = arith.constant 0 : i32
    %dma_wait3A_98 = tpu.memref_slice %arg18[%dma_wait3A_97] : memref<50176xf32, #tpu.memory_space<vmem_shared>> -> memref<50176xf32, #tpu.memory_space<vmem_shared>>
    tpu.wait_indirect_dma semaphore(%arg22 : memref<!tpu.dma_semaphore, #tpu.memory_space<semaphore_mem>>) src(%dma_wait3A_96 : memref<48xf32, #tpu.memory_space<vmem>>) dst(%dma_wait3A_98 : memref<50176xf32, #tpu.memory_space<vmem_shared>>)
    %barrier3A_99 = arith.constant 0 : index
    tpu.barrier barrier_id(%barrier3A_99)
    %scan3A_100 = arith.constant 0 : i32
    %scan3A_101 = arith.constant 0 : i32
    %scan3A_102 = arith.constant 49 : i32
    %scan3A_103 = arith.addi %scan3A_101, %scan3A_102 : i32
    %scan3A_104 = arith.constant 1 : i32
    scf.for %scan3A_600 = %scan3A_101 to %scan3A_103 step %scan3A_104  : i32 {
      %mul3A_601 = arith.constant 64 : i32
      %mul3A_602 = arith.muli %scan3A_600, %mul3A_601 : i32
      %add3A_603 = arith.addi %mul3A_3, %mul3A_602 : i32
      "tpu.region"() ({
        %run_scoped3A = tpu.sem_alloc : memref<!tpu.dma_semaphore, #tpu.memory_space<semaphore_mem>>
        %dma_start3A_610 = tpu.memref_slice %arg18[%add3A_603] : memref<50176xf32, #tpu.memory_space<vmem_shared>> -> memref<64xf32, #tpu.memory_space<vmem_shared>>
        %dma_start3A_611 = tpu.memref_slice %arg18[%add3A_603] : memref<50176xf32, #tpu.memory_space<vmem_shared>> -> memref<64xf32, #tpu.memory_space<vmem_shared>>
        tpu.enqueue_dma source(%dma_start3A_611 : memref<64xf32, #tpu.memory_space<vmem_shared>>) target(%arg12 : memref<64xf32, #tpu.memory_space<vmem>>) target_semaphore(%run_scoped3A : memref<!tpu.dma_semaphore, #tpu.memory_space<semaphore_mem>>)
        %dma_wait3A_612 = tpu.memref_slice %arg18[%add3A_603] : memref<50176xf32, #tpu.memory_space<vmem_shared>> -> memref<64xf32, #tpu.memory_space<vmem_shared>>
        %dma_wait3A_613 = tpu.memref_slice %arg18[%add3A_603] : memref<50176xf32, #tpu.memory_space<vmem_shared>> -> memref<64xf32, #tpu.memory_space<vmem_shared>>
        tpu.wait_dma2 semaphore(%run_scoped3A : memref<!tpu.dma_semaphore, #tpu.memory_space<semaphore_mem>>) src(%dma_wait3A_613 : memref<64xf32, #tpu.memory_space<vmem_shared>>) dst(%arg12 : memref<64xf32, #tpu.memory_space<vmem>>)
        tpu.yield
      }) : () -> ()
      %scan3A_604 = arith.constant 0 : i32
      %scan3A_605 = arith.constant 0 : i32
      %scan3A_606 = arith.constant 4 : i32
      %scan3A_607 = arith.addi %scan3A_605, %scan3A_606 : i32
      %scan3A_608 = arith.constant 1 : i32
      scf.for %scan3A_610 = %scan3A_605 to %scan3A_607 step %scan3A_608  : i32 {
        %mul3A_611 = arith.constant 16 : i32
        %mul3A_612 = arith.muli %mul3A_611, %scan3A_610 : i32
        %get3A = arith.index_cast %mul3A_612 : i32 to index
        %get3A_613 = tpu.vector_load %arg12[%get3A] {strides = array<i32>} : memref<64xf32, #tpu.memory_space<vmem>>, vector<16xf32>,
        %gt3A = arith.constant 5.000000e-01 : f32
        %gt3A_614 = vector.broadcast %gt3A : f32 to vector<16xf32>
        %gt3A_615 = arith.cmpf ogt, %get3A_613, %gt3A_614 : vector<16xf32>
        %jit3A = arith.constant 1.000000e+00 : f32
        %broadcast_in_dim3A_616 = vector.broadcast %jit3A : f32 to vector<16xf32>
        %select_n3A = arith.select %gt3A_615, %get3A_613, %broadcast_in_dim3A_616 : vector<16xi1>, vector<16xf32>
        %bitcast_convert_type3A = tpu.bitcast %select_n3A : vector<16xf32> -> vector<16xi32>
        %shift_right_arithmetic3A = arith.constant 1 : i32
        %shift_right_arithmetic3A_617 = vector.broadcast %shift_right_arithmetic3A : i32 to vector<16xi32>
        %shift_right_arithmetic3A_618 = arith.shrsi %bitcast_convert_type3A, %shift_right_arithmetic3A_617 : vector<16xi32>
        %sub3A = arith.constant 1597463007 : i32
        %sub3A_619 = vector.broadcast %sub3A : i32 to vector<16xi32>
        %sub3A_620 = arith.subi %sub3A_619, %shift_right_arithmetic3A_618 : vector<16xi32>
        %bitcast_convert_type3A_621 = tpu.bitcast %sub3A_620 : vector<16xi32> -> vector<16xf32>
        %mul3A_622 = arith.constant 5.000000e-01 : f32
        %mul3A_623 = vector.broadcast %mul3A_622 : f32 to vector<16xf32>
        %mul3A_624 = arith.mulf %mul3A_623, %select_n3A : vector<16xf32>
        %mul3A_625 = arith.mulf %mul3A_624, %bitcast_convert_type3A_621 : vector<16xf32>
        %mul3A_626 = arith.mulf %mul3A_625, %bitcast_convert_type3A_621 : vector<16xf32>
        %sub3A_627 = arith.constant 1.500000e+00 : f32
        %sub3A_628 = vector.broadcast %sub3A_627 : f32 to vector<16xf32>
        %sub3A_629 = arith.subf %sub3A_628, %mul3A_626 : vector<16xf32>
        %mul3A_630 = arith.mulf %bitcast_convert_type3A_621, %sub3A_629 : vector<16xf32>
        %mul3A_631 = arith.constant 5.000000e-01 : f32
        %mul3A_632 = vector.broadcast %mul3A_631 : f32 to vector<16xf32>
        %mul3A_633 = arith.mulf %mul3A_632, %select_n3A : vector<16xf32>
        %mul3A_634 = arith.mulf %mul3A_633, %mul3A_630 : vector<16xf32>
        %mul3A_635 = arith.mulf %mul3A_634, %mul3A_630 : vector<16xf32>
        %sub3A_636 = arith.constant 1.500000e+00 : f32
        %sub3A_637 = vector.broadcast %sub3A_636 : f32 to vector<16xf32>
        %sub3A_638 = arith.subf %sub3A_637, %mul3A_635 : vector<16xf32>
        %mul3A_639 = arith.mulf %mul3A_630, %sub3A_638 : vector<16xf32>
        %mul3A_640 = arith.constant 5.000000e-01 : f32
        %mul3A_641 = vector.broadcast %mul3A_640 : f32 to vector<16xf32>
        %mul3A_642 = arith.mulf %mul3A_641, %select_n3A : vector<16xf32>
        %mul3A_643 = arith.mulf %mul3A_642, %mul3A_639 : vector<16xf32>
        %mul3A_644 = arith.mulf %mul3A_643, %mul3A_639 : vector<16xf32>
        %sub3A_645 = arith.constant 1.500000e+00 : f32
        %sub3A_646 = vector.broadcast %sub3A_645 : f32 to vector<16xf32>
        %sub3A_647 = arith.subf %sub3A_646, %mul3A_644 : vector<16xf32>
        %mul3A_648 = arith.mulf %mul3A_639, %sub3A_647 : vector<16xf32>
        %jit3A_649 = arith.constant 0.000000e+00 : f32
        %broadcast_in_dim3A_650 = vector.broadcast %jit3A_649 : f32 to vector<16xf32>
        %select_n3A_651 = arith.select %gt3A_615, %mul3A_648, %broadcast_in_dim3A_650 : vector<16xi1>, vector<16xf32>
        %mul3A_652 = arith.constant 16 : i32
        %mul3A_653 = arith.muli %mul3A_652, %scan3A_610 : i32
        %swap3A_654 = arith.index_cast %mul3A_653 : i32 to index
        %swap3A_655 = tpu.vector_load %arg12[%swap3A_654] {strides = array<i32>} : memref<64xf32, #tpu.memory_space<vmem>>, vector<16xf32>,
        tpu.vector_store %arg12[%swap3A_654], %select_n3A_651 {strides = array<i32>} : memref<64xf32, #tpu.memory_space<vmem>>, vector<16xf32>,
      }
      %scan3A_609 = arith.constant 4 : i32
      "tpu.region"() ({
        %run_scoped3A = tpu.sem_alloc : memref<!tpu.dma_semaphore, #tpu.memory_space<semaphore_mem>>
        %dma_start3A_610 = tpu.memref_slice %arg18[%add3A_603] : memref<50176xf32, #tpu.memory_space<vmem_shared>> -> memref<64xf32, #tpu.memory_space<vmem_shared>>
        %dma_start3A_611 = tpu.memref_slice %arg18[%add3A_603] : memref<50176xf32, #tpu.memory_space<vmem_shared>> -> memref<64xf32, #tpu.memory_space<vmem_shared>>
        tpu.enqueue_dma source(%arg12 : memref<64xf32, #tpu.memory_space<vmem>>) target(%dma_start3A_611 : memref<64xf32, #tpu.memory_space<vmem_shared>>) target_semaphore(%run_scoped3A : memref<!tpu.dma_semaphore, #tpu.memory_space<semaphore_mem>>)
        %dma_wait3A_612 = tpu.memref_slice %arg18[%add3A_603] : memref<50176xf32, #tpu.memory_space<vmem_shared>> -> memref<64xf32, #tpu.memory_space<vmem_shared>>
        %dma_wait3A_613 = tpu.memref_slice %arg18[%add3A_603] : memref<50176xf32, #tpu.memory_space<vmem_shared>> -> memref<64xf32, #tpu.memory_space<vmem_shared>>
        tpu.wait_dma2 semaphore(%run_scoped3A : memref<!tpu.dma_semaphore, #tpu.memory_space<semaphore_mem>>) src(%arg12 : memref<64xf32, #tpu.memory_space<vmem>>) dst(%dma_wait3A_613 : memref<64xf32, #tpu.memory_space<vmem_shared>>)
        tpu.yield
      }) : () -> ()
    }
    %scan3A_105 = arith.constant 49 : i32
    %barrier3A_106 = arith.constant 0 : index
    tpu.barrier barrier_id(%barrier3A_106)
    %scan3A_107 = arith.constant 0 : i32
    %scan3A_108 = arith.constant 0 : i32
    %scan3A_109 = arith.constant 49 : i32
    %scan3A_110 = arith.addi %scan3A_108, %scan3A_109 : i32
    %scan3A_111 = arith.constant 1 : i32
    scf.for %scan3A_600 = %scan3A_108 to %scan3A_110 step %scan3A_111  : i32 {
      %mul3A_601 = arith.constant 64 : i32
      %mul3A_602 = arith.muli %scan3A_600, %mul3A_601 : i32
      %add3A_603 = arith.addi %mul3A_3, %mul3A_602 : i32
      "tpu.region"() ({
        %run_scoped3A = tpu.sem_alloc : memref<!tpu.dma_semaphore, #tpu.memory_space<semaphore_mem>>
        %dma_start3A_610 = arith.constant 0 : i32
        %dma_start3A_611 = arith.constant 0 : i32
        %dma_start3A_612 = tpu.memref_slice %arg3[%arg0, %dma_start3A_610, %dma_start3A_611] : memref<2x50176x32xf32, #tpu.memory_space<hbm>> -> memref<1x50176x32xf32, #tpu.memory_space<hbm>>
        %dma_start3A_613 = tpu.memref_squeeze %dma_start3A_612 : memref<1x50176x32xf32, #tpu.memory_space<hbm>> -> memref<50176x32xf32, #tpu.memory_space<hbm>>
        %dma_start3A_614 = arith.constant 0 : i32
        %dma_start3A_615 = tpu.memref_slice %dma_start3A_613[%add3A_603, %dma_start3A_614] : memref<50176x32xf32, #tpu.memory_space<hbm>> -> memref<64x32xf32, #tpu.memory_space<hbm>>
        %dma_start3A_616 = arith.constant 0 : i32
        %dma_start3A_617 = arith.constant 0 : i32
        %dma_start3A_618 = tpu.memref_slice %arg3[%arg0, %dma_start3A_616, %dma_start3A_617] : memref<2x50176x32xf32, #tpu.memory_space<hbm>> -> memref<1x50176x32xf32, #tpu.memory_space<hbm>>
        %dma_start3A_619 = tpu.memref_squeeze %dma_start3A_618 : memref<1x50176x32xf32, #tpu.memory_space<hbm>> -> memref<50176x32xf32, #tpu.memory_space<hbm>>
        %dma_start3A_620 = arith.constant 0 : i32
        %dma_start3A_621 = tpu.memref_slice %dma_start3A_619[%add3A_603, %dma_start3A_620] : memref<50176x32xf32, #tpu.memory_space<hbm>> -> memref<64x32xf32, #tpu.memory_space<hbm>>
        tpu.enqueue_dma source(%dma_start3A_621 : memref<64x32xf32, #tpu.memory_space<hbm>>) target(%arg10 : memref<64x32xf32, #tpu.memory_space<vmem>>) target_semaphore(%run_scoped3A : memref<!tpu.dma_semaphore, #tpu.memory_space<semaphore_mem>>)
        %dma_wait3A_622 = arith.constant 0 : i32
        %dma_wait3A_623 = arith.constant 0 : i32
        %dma_wait3A_624 = tpu.memref_slice %arg3[%arg0, %dma_wait3A_622, %dma_wait3A_623] : memref<2x50176x32xf32, #tpu.memory_space<hbm>> -> memref<1x50176x32xf32, #tpu.memory_space<hbm>>
        %dma_wait3A_625 = tpu.memref_squeeze %dma_wait3A_624 : memref<1x50176x32xf32, #tpu.memory_space<hbm>> -> memref<50176x32xf32, #tpu.memory_space<hbm>>
        %dma_wait3A_626 = arith.constant 0 : i32
        %dma_wait3A_627 = tpu.memref_slice %dma_wait3A_625[%add3A_603, %dma_wait3A_626] : memref<50176x32xf32, #tpu.memory_space<hbm>> -> memref<64x32xf32, #tpu.memory_space<hbm>>
        %dma_wait3A_628 = arith.constant 0 : i32
        %dma_wait3A_629 = arith.constant 0 : i32
        %dma_wait3A_630 = tpu.memref_slice %arg3[%arg0, %dma_wait3A_628, %dma_wait3A_629] : memref<2x50176x32xf32, #tpu.memory_space<hbm>> -> memref<1x50176x32xf32, #tpu.memory_space<hbm>>
        %dma_wait3A_631 = tpu.memref_squeeze %dma_wait3A_630 : memref<1x50176x32xf32, #tpu.memory_space<hbm>> -> memref<50176x32xf32, #tpu.memory_space<hbm>>
        %dma_wait3A_632 = arith.constant 0 : i32
        %dma_wait3A_633 = tpu.memref_slice %dma_wait3A_631[%add3A_603, %dma_wait3A_632] : memref<50176x32xf32, #tpu.memory_space<hbm>> -> memref<64x32xf32, #tpu.memory_space<hbm>>
        tpu.wait_dma2 semaphore(%run_scoped3A : memref<!tpu.dma_semaphore, #tpu.memory_space<semaphore_mem>>) src(%dma_wait3A_633 : memref<64x32xf32, #tpu.memory_space<hbm>>) dst(%arg10 : memref<64x32xf32, #tpu.memory_space<vmem>>)
        tpu.yield
      }) : () -> ()
      "tpu.region"() ({
        %run_scoped3A = tpu.sem_alloc : memref<!tpu.dma_semaphore, #tpu.memory_space<semaphore_mem>>
        %dma_start3A_610 = tpu.memref_slice %arg18[%add3A_603] : memref<50176xf32, #tpu.memory_space<vmem_shared>> -> memref<64xf32, #tpu.memory_space<vmem_shared>>
        %dma_start3A_611 = tpu.memref_slice %arg18[%add3A_603] : memref<50176xf32, #tpu.memory_space<vmem_shared>> -> memref<64xf32, #tpu.memory_space<vmem_shared>>
        tpu.enqueue_dma source(%dma_start3A_611 : memref<64xf32, #tpu.memory_space<vmem_shared>>) target(%arg12 : memref<64xf32, #tpu.memory_space<vmem>>) target_semaphore(%run_scoped3A : memref<!tpu.dma_semaphore, #tpu.memory_space<semaphore_mem>>)
        %dma_wait3A_612 = tpu.memref_slice %arg18[%add3A_603] : memref<50176xf32, #tpu.memory_space<vmem_shared>> -> memref<64xf32, #tpu.memory_space<vmem_shared>>
        %dma_wait3A_613 = tpu.memref_slice %arg18[%add3A_603] : memref<50176xf32, #tpu.memory_space<vmem_shared>> -> memref<64xf32, #tpu.memory_space<vmem_shared>>
        tpu.wait_dma2 semaphore(%run_scoped3A : memref<!tpu.dma_semaphore, #tpu.memory_space<semaphore_mem>>) src(%dma_wait3A_613 : memref<64xf32, #tpu.memory_space<vmem_shared>>) dst(%arg12 : memref<64xf32, #tpu.memory_space<vmem>>)
        tpu.yield
      }) : () -> ()
      %scan3A_604 = arith.constant 0 : i32
      %scan3A_605 = arith.constant 0 : i32
      %scan3A_606 = arith.constant 64 : i32
      %scan3A_607 = arith.addi %scan3A_605, %scan3A_606 : i32
      %scan3A_608 = arith.constant 1 : i32
      scf.for %scan3A_610 = %scan3A_605 to %scan3A_607 step %scan3A_608  : i32 {
        %broadcast_in_dim3A_611 = vector.broadcast %scan3A_610 : i32 to vector<16xi32>
        %gather3A = tpu.vector_load_idx %arg12[%broadcast_in_dim3A_611] : memref<64xf32, #tpu.memory_space<vmem>>[vector<16xi32>], vector<16xf32>,
        %get3A = arith.index_cast %scan3A_610 : i32 to index
        %get3A_612 = arith.constant 0 : index
        %get3A_613 = tpu.vector_load %arg10[%get3A, %get3A_612] {strides = array<i32>} : memref<64x32xf32, #tpu.memory_space<vmem>>, vector<16xf32>,
        %mul3A_614 = arith.mulf %get3A_613, %gather3A : vector<16xf32>
        %swap3A_615 = arith.index_cast %scan3A_610 : i32 to index
        %swap3A_616 = arith.constant 0 : index
        %swap3A_617 = tpu.vector_load %arg10[%swap3A_615, %swap3A_616] {strides = array<i32>} : memref<64x32xf32, #tpu.memory_space<vmem>>, vector<16xf32>,
        tpu.vector_store %arg10[%swap3A_615, %swap3A_616], %mul3A_614 {strides = array<i32>} : memref<64x32xf32, #tpu.memory_space<vmem>>, vector<16xf32>,
        %get3A_618 = arith.index_cast %scan3A_610 : i32 to index
        %get3A_619 = arith.constant 16 : index
        %get3A_620 = tpu.vector_load %arg10[%get3A_618, %get3A_619] {strides = array<i32>} : memref<64x32xf32, #tpu.memory_space<vmem>>, vector<16xf32>,
        %mul3A_621 = arith.mulf %get3A_620, %gather3A : vector<16xf32>
        %swap3A_622 = arith.index_cast %scan3A_610 : i32 to index
        %swap3A_623 = arith.constant 16 : index
        %swap3A_624 = tpu.vector_load %arg10[%swap3A_622, %swap3A_623] {strides = array<i32>} : memref<64x32xf32, #tpu.memory_space<vmem>>, vector<16xf32>,
        tpu.vector_store %arg10[%swap3A_622, %swap3A_623], %mul3A_621 {strides = array<i32>} : memref<64x32xf32, #tpu.memory_space<vmem>>, vector<16xf32>,
      }
      %scan3A_609 = arith.constant 64 : i32
      "tpu.region"() ({
        %run_scoped3A = tpu.sem_alloc : memref<!tpu.dma_semaphore, #tpu.memory_space<semaphore_mem>>
        %dma_start3A_610 = arith.constant 0 : i32
        %dma_start3A_611 = arith.constant 0 : i32
        %dma_start3A_612 = tpu.memref_slice %arg5[%arg0, %dma_start3A_610, %dma_start3A_611] : memref<2x50176x32xf32, #tpu.memory_space<hbm>> -> memref<1x50176x32xf32, #tpu.memory_space<hbm>>
        %dma_start3A_613 = tpu.memref_squeeze %dma_start3A_612 : memref<1x50176x32xf32, #tpu.memory_space<hbm>> -> memref<50176x32xf32, #tpu.memory_space<hbm>>
        %dma_start3A_614 = arith.constant 0 : i32
        %dma_start3A_615 = tpu.memref_slice %dma_start3A_613[%add3A_603, %dma_start3A_614] : memref<50176x32xf32, #tpu.memory_space<hbm>> -> memref<64x32xf32, #tpu.memory_space<hbm>>
        %dma_start3A_616 = arith.constant 0 : i32
        %dma_start3A_617 = arith.constant 0 : i32
        %dma_start3A_618 = tpu.memref_slice %arg5[%arg0, %dma_start3A_616, %dma_start3A_617] : memref<2x50176x32xf32, #tpu.memory_space<hbm>> -> memref<1x50176x32xf32, #tpu.memory_space<hbm>>
        %dma_start3A_619 = tpu.memref_squeeze %dma_start3A_618 : memref<1x50176x32xf32, #tpu.memory_space<hbm>> -> memref<50176x32xf32, #tpu.memory_space<hbm>>
        %dma_start3A_620 = arith.constant 0 : i32
        %dma_start3A_621 = tpu.memref_slice %dma_start3A_619[%add3A_603, %dma_start3A_620] : memref<50176x32xf32, #tpu.memory_space<hbm>> -> memref<64x32xf32, #tpu.memory_space<hbm>>
        tpu.enqueue_dma source(%arg10 : memref<64x32xf32, #tpu.memory_space<vmem>>) target(%dma_start3A_621 : memref<64x32xf32, #tpu.memory_space<hbm>>) target_semaphore(%run_scoped3A : memref<!tpu.dma_semaphore, #tpu.memory_space<semaphore_mem>>)
        %dma_wait3A_622 = arith.constant 0 : i32
        %dma_wait3A_623 = arith.constant 0 : i32
        %dma_wait3A_624 = tpu.memref_slice %arg5[%arg0, %dma_wait3A_622, %dma_wait3A_623] : memref<2x50176x32xf32, #tpu.memory_space<hbm>> -> memref<1x50176x32xf32, #tpu.memory_space<hbm>>
        %dma_wait3A_625 = tpu.memref_squeeze %dma_wait3A_624 : memref<1x50176x32xf32, #tpu.memory_space<hbm>> -> memref<50176x32xf32, #tpu.memory_space<hbm>>
        %dma_wait3A_626 = arith.constant 0 : i32
        %dma_wait3A_627 = tpu.memref_slice %dma_wait3A_625[%add3A_603, %dma_wait3A_626] : memref<50176x32xf32, #tpu.memory_space<hbm>> -> memref<64x32xf32, #tpu.memory_space<hbm>>
        %dma_wait3A_628 = arith.constant 0 : i32
        %dma_wait3A_629 = arith.constant 0 : i32
        %dma_wait3A_630 = tpu.memref_slice %arg5[%arg0, %dma_wait3A_628, %dma_wait3A_629] : memref<2x50176x32xf32, #tpu.memory_space<hbm>> -> memref<1x50176x32xf32, #tpu.memory_space<hbm>>
        %dma_wait3A_631 = tpu.memref_squeeze %dma_wait3A_630 : memref<1x50176x32xf32, #tpu.memory_space<hbm>> -> memref<50176x32xf32, #tpu.memory_space<hbm>>
        %dma_wait3A_632 = arith.constant 0 : i32
        %dma_wait3A_633 = tpu.memref_slice %dma_wait3A_631[%add3A_603, %dma_wait3A_632] : memref<50176x32xf32, #tpu.memory_space<hbm>> -> memref<64x32xf32, #tpu.memory_space<hbm>>
        tpu.wait_dma2 semaphore(%run_scoped3A : memref<!tpu.dma_semaphore, #tpu.memory_space<semaphore_mem>>) src(%arg10 : memref<64x32xf32, #tpu.memory_space<vmem>>) dst(%dma_wait3A_633 : memref<64x32xf32, #tpu.memory_space<hbm>>)
        tpu.yield
      }) : () -> ()
    }
    %scan3A_112 = arith.constant 49 : i32
    %barrier3A_113 = arith.constant 0 : index
    tpu.barrier barrier_id(%barrier3A_113)
    %scan3A_114 = arith.constant 0 : i32
    %scan3A_115 = arith.constant 0 : i32
    %scan3A_116 = arith.constant 89 : i32
    %scan3A_117 = arith.addi %scan3A_115, %scan3A_116 : i32
    %scan3A_118 = arith.constant 1 : i32
    scf.for %scan3A_600 = %scan3A_115 to %scan3A_117 step %scan3A_118  : i32 {
      %mul3A_601 = arith.constant 560 : i32
      %mul3A_602 = arith.muli %scan3A_600, %mul3A_601 : i32
      %add3A_603 = arith.addi %mul3A_0, %mul3A_602 : i32
      %add3A_604 = arith.constant 0 : i32
      %add3A_605 = arith.addi %add3A_603, %add3A_604 : i32
      %dma_start3A_606 = arith.constant 0 : i32
      %dma_start3A_607 = arith.constant 0 : i32
      %dma_start3A_608 = arith.constant 0 : i32
      %dma_start3A_609 = tpu.memref_slice %arg6[%dma_start3A_607, %dma_start3A_608] : memref<5x112xi32, #tpu.memory_space<vmem>> -> memref<1x112xi32, #tpu.memory_space<vmem>>
      %dma_start3A_610 = tpu.memref_squeeze %dma_start3A_609 : memref<1x112xi32, #tpu.memory_space<vmem>> -> memref<112xi32, #tpu.memory_space<vmem>>
      %dma_start3A_611 = tpu.memref_slice %arg2[%dma_start3A_606, %add3A_605] : memref<2x800000xi32, #tpu.memory_space<hbm>> -> memref<1x112xi32, #tpu.memory_space<hbm>>
      %dma_start3A_612 = tpu.memref_squeeze %dma_start3A_611 : memref<1x112xi32, #tpu.memory_space<hbm>> -> memref<112xi32, #tpu.memory_space<hbm>>
      %dma_start3A_613 = arith.constant 0 : i32
      %dma_start3A_614 = tpu.memref_slice %arg6[%dma_start3A_607, %dma_start3A_613] : memref<5x112xi32, #tpu.memory_space<vmem>> -> memref<1x112xi32, #tpu.memory_space<vmem>>
      %dma_start3A_615 = tpu.memref_squeeze %dma_start3A_614 : memref<1x112xi32, #tpu.memory_space<vmem>> -> memref<112xi32, #tpu.memory_space<vmem>>
      %dma_start3A_616 = tpu.memref_slice %arg2[%dma_start3A_606, %add3A_605] : memref<2x800000xi32, #tpu.memory_space<hbm>> -> memref<1x112xi32, #tpu.memory_space<hbm>>
      %dma_start3A_617 = tpu.memref_squeeze %dma_start3A_616 : memref<1x112xi32, #tpu.memory_space<hbm>> -> memref<112xi32, #tpu.memory_space<hbm>>
      tpu.enqueue_dma source(%dma_start3A_617 : memref<112xi32, #tpu.memory_space<hbm>>) target(%dma_start3A_615 : memref<112xi32, #tpu.memory_space<vmem>>) target_semaphore(%arg19 : memref<!tpu.dma_semaphore, #tpu.memory_space<semaphore_mem>>)
      %add3A_618 = arith.constant 112 : i32
      %add3A_619 = arith.addi %add3A_603, %add3A_618 : i32
      %dma_start3A_620 = arith.constant 0 : i32
      %dma_start3A_621 = arith.constant 1 : i32
      %dma_start3A_622 = arith.constant 0 : i32
      %dma_start3A_623 = tpu.memref_slice %arg6[%dma_start3A_621, %dma_start3A_622] : memref<5x112xi32, #tpu.memory_space<vmem>> -> memref<1x112xi32, #tpu.memory_space<vmem>>
      %dma_start3A_624 = tpu.memref_squeeze %dma_start3A_623 : memref<1x112xi32, #tpu.memory_space<vmem>> -> memref<112xi32, #tpu.memory_space<vmem>>
      %dma_start3A_625 = tpu.memref_slice %arg2[%dma_start3A_620, %add3A_619] : memref<2x800000xi32, #tpu.memory_space<hbm>> -> memref<1x112xi32, #tpu.memory_space<hbm>>
      %dma_start3A_626 = tpu.memref_squeeze %dma_start3A_625 : memref<1x112xi32, #tpu.memory_space<hbm>> -> memref<112xi32, #tpu.memory_space<hbm>>
      %dma_start3A_627 = arith.constant 0 : i32
      %dma_start3A_628 = tpu.memref_slice %arg6[%dma_start3A_621, %dma_start3A_627] : memref<5x112xi32, #tpu.memory_space<vmem>> -> memref<1x112xi32, #tpu.memory_space<vmem>>
      %dma_start3A_629 = tpu.memref_squeeze %dma_start3A_628 : memref<1x112xi32, #tpu.memory_space<vmem>> -> memref<112xi32, #tpu.memory_space<vmem>>
      %dma_start3A_630 = tpu.memref_slice %arg2[%dma_start3A_620, %add3A_619] : memref<2x800000xi32, #tpu.memory_space<hbm>> -> memref<1x112xi32, #tpu.memory_space<hbm>>
      %dma_start3A_631 = tpu.memref_squeeze %dma_start3A_630 : memref<1x112xi32, #tpu.memory_space<hbm>> -> memref<112xi32, #tpu.memory_space<hbm>>
      tpu.enqueue_dma source(%dma_start3A_631 : memref<112xi32, #tpu.memory_space<hbm>>) target(%dma_start3A_629 : memref<112xi32, #tpu.memory_space<vmem>>) target_semaphore(%arg19 : memref<!tpu.dma_semaphore, #tpu.memory_space<semaphore_mem>>)
      %add3A_632 = arith.constant 224 : i32
      %add3A_633 = arith.addi %add3A_603, %add3A_632 : i32
      %dma_start3A_634 = arith.constant 0 : i32
      %dma_start3A_635 = arith.constant 2 : i32
      %dma_start3A_636 = arith.constant 0 : i32
      %dma_start3A_637 = tpu.memref_slice %arg6[%dma_start3A_635, %dma_start3A_636] : memref<5x112xi32, #tpu.memory_space<vmem>> -> memref<1x112xi32, #tpu.memory_space<vmem>>
      %dma_start3A_638 = tpu.memref_squeeze %dma_start3A_637 : memref<1x112xi32, #tpu.memory_space<vmem>> -> memref<112xi32, #tpu.memory_space<vmem>>
      %dma_start3A_639 = tpu.memref_slice %arg2[%dma_start3A_634, %add3A_633] : memref<2x800000xi32, #tpu.memory_space<hbm>> -> memref<1x112xi32, #tpu.memory_space<hbm>>
      %dma_start3A_640 = tpu.memref_squeeze %dma_start3A_639 : memref<1x112xi32, #tpu.memory_space<hbm>> -> memref<112xi32, #tpu.memory_space<hbm>>
      %dma_start3A_641 = arith.constant 0 : i32
      %dma_start3A_642 = tpu.memref_slice %arg6[%dma_start3A_635, %dma_start3A_641] : memref<5x112xi32, #tpu.memory_space<vmem>> -> memref<1x112xi32, #tpu.memory_space<vmem>>
      %dma_start3A_643 = tpu.memref_squeeze %dma_start3A_642 : memref<1x112xi32, #tpu.memory_space<vmem>> -> memref<112xi32, #tpu.memory_space<vmem>>
      %dma_start3A_644 = tpu.memref_slice %arg2[%dma_start3A_634, %add3A_633] : memref<2x800000xi32, #tpu.memory_space<hbm>> -> memref<1x112xi32, #tpu.memory_space<hbm>>
      %dma_start3A_645 = tpu.memref_squeeze %dma_start3A_644 : memref<1x112xi32, #tpu.memory_space<hbm>> -> memref<112xi32, #tpu.memory_space<hbm>>
      tpu.enqueue_dma source(%dma_start3A_645 : memref<112xi32, #tpu.memory_space<hbm>>) target(%dma_start3A_643 : memref<112xi32, #tpu.memory_space<vmem>>) target_semaphore(%arg19 : memref<!tpu.dma_semaphore, #tpu.memory_space<semaphore_mem>>)
      %add3A_646 = arith.constant 336 : i32
      %add3A_647 = arith.addi %add3A_603, %add3A_646 : i32
      %dma_start3A_648 = arith.constant 0 : i32
      %dma_start3A_649 = arith.constant 3 : i32
      %dma_start3A_650 = arith.constant 0 : i32
      %dma_start3A_651 = tpu.memref_slice %arg6[%dma_start3A_649, %dma_start3A_650] : memref<5x112xi32, #tpu.memory_space<vmem>> -> memref<1x112xi32, #tpu.memory_space<vmem>>
      %dma_start3A_652 = tpu.memref_squeeze %dma_start3A_651 : memref<1x112xi32, #tpu.memory_space<vmem>> -> memref<112xi32, #tpu.memory_space<vmem>>
      %dma_start3A_653 = tpu.memref_slice %arg2[%dma_start3A_648, %add3A_647] : memref<2x800000xi32, #tpu.memory_space<hbm>> -> memref<1x112xi32, #tpu.memory_space<hbm>>
      %dma_start3A_654 = tpu.memref_squeeze %dma_start3A_653 : memref<1x112xi32, #tpu.memory_space<hbm>> -> memref<112xi32, #tpu.memory_space<hbm>>
      %dma_start3A_655 = arith.constant 0 : i32
      %dma_start3A_656 = tpu.memref_slice %arg6[%dma_start3A_649, %dma_start3A_655] : memref<5x112xi32, #tpu.memory_space<vmem>> -> memref<1x112xi32, #tpu.memory_space<vmem>>
      %dma_start3A_657 = tpu.memref_squeeze %dma_start3A_656 : memref<1x112xi32, #tpu.memory_space<vmem>> -> memref<112xi32, #tpu.memory_space<vmem>>
      %dma_start3A_658 = tpu.memref_slice %arg2[%dma_start3A_648, %add3A_647] : memref<2x800000xi32, #tpu.memory_space<hbm>> -> memref<1x112xi32, #tpu.memory_space<hbm>>
      %dma_start3A_659 = tpu.memref_squeeze %dma_start3A_658 : memref<1x112xi32, #tpu.memory_space<hbm>> -> memref<112xi32, #tpu.memory_space<hbm>>
      tpu.enqueue_dma source(%dma_start3A_659 : memref<112xi32, #tpu.memory_space<hbm>>) target(%dma_start3A_657 : memref<112xi32, #tpu.memory_space<vmem>>) target_semaphore(%arg19 : memref<!tpu.dma_semaphore, #tpu.memory_space<semaphore_mem>>)
      %add3A_660 = arith.constant 448 : i32
      %add3A_661 = arith.addi %add3A_603, %add3A_660 : i32
      %dma_start3A_662 = arith.constant 0 : i32
      %dma_start3A_663 = arith.constant 4 : i32
      %dma_start3A_664 = arith.constant 0 : i32
      %dma_start3A_665 = tpu.memref_slice %arg6[%dma_start3A_663, %dma_start3A_664] : memref<5x112xi32, #tpu.memory_space<vmem>> -> memref<1x112xi32, #tpu.memory_space<vmem>>
      %dma_start3A_666 = tpu.memref_squeeze %dma_start3A_665 : memref<1x112xi32, #tpu.memory_space<vmem>> -> memref<112xi32, #tpu.memory_space<vmem>>
      %dma_start3A_667 = tpu.memref_slice %arg2[%dma_start3A_662, %add3A_661] : memref<2x800000xi32, #tpu.memory_space<hbm>> -> memref<1x112xi32, #tpu.memory_space<hbm>>
      %dma_start3A_668 = tpu.memref_squeeze %dma_start3A_667 : memref<1x112xi32, #tpu.memory_space<hbm>> -> memref<112xi32, #tpu.memory_space<hbm>>
      %dma_start3A_669 = arith.constant 0 : i32
      %dma_start3A_670 = tpu.memref_slice %arg6[%dma_start3A_663, %dma_start3A_669] : memref<5x112xi32, #tpu.memory_space<vmem>> -> memref<1x112xi32, #tpu.memory_space<vmem>>
      %dma_start3A_671 = tpu.memref_squeeze %dma_start3A_670 : memref<1x112xi32, #tpu.memory_space<vmem>> -> memref<112xi32, #tpu.memory_space<vmem>>
      %dma_start3A_672 = tpu.memref_slice %arg2[%dma_start3A_662, %add3A_661] : memref<2x800000xi32, #tpu.memory_space<hbm>> -> memref<1x112xi32, #tpu.memory_space<hbm>>
      %dma_start3A_673 = tpu.memref_squeeze %dma_start3A_672 : memref<1x112xi32, #tpu.memory_space<hbm>> -> memref<112xi32, #tpu.memory_space<hbm>>
      tpu.enqueue_dma source(%dma_start3A_673 : memref<112xi32, #tpu.memory_space<hbm>>) target(%dma_start3A_671 : memref<112xi32, #tpu.memory_space<vmem>>) target_semaphore(%arg19 : memref<!tpu.dma_semaphore, #tpu.memory_space<semaphore_mem>>)
      %add3A_674 = arith.constant 0 : i32
      %add3A_675 = arith.addi %add3A_603, %add3A_674 : i32
      %dma_start3A_676 = arith.constant 1 : i32
      %dma_start3A_677 = arith.constant 0 : i32
      %dma_start3A_678 = arith.constant 0 : i32
      %dma_start3A_679 = tpu.memref_slice %arg7[%dma_start3A_677, %dma_start3A_678] : memref<5x112xi32, #tpu.memory_space<vmem>> -> memref<1x112xi32, #tpu.memory_space<vmem>>
      %dma_start3A_680 = tpu.memref_squeeze %dma_start3A_679 : memref<1x112xi32, #tpu.memory_space<vmem>> -> memref<112xi32, #tpu.memory_space<vmem>>
      %dma_start3A_681 = tpu.memref_slice %arg2[%dma_start3A_676, %add3A_675] : memref<2x800000xi32, #tpu.memory_space<hbm>> -> memref<1x112xi32, #tpu.memory_space<hbm>>
      %dma_start3A_682 = tpu.memref_squeeze %dma_start3A_681 : memref<1x112xi32, #tpu.memory_space<hbm>> -> memref<112xi32, #tpu.memory_space<hbm>>
      %dma_start3A_683 = arith.constant 0 : i32
      %dma_start3A_684 = tpu.memref_slice %arg7[%dma_start3A_677, %dma_start3A_683] : memref<5x112xi32, #tpu.memory_space<vmem>> -> memref<1x112xi32, #tpu.memory_space<vmem>>
      %dma_start3A_685 = tpu.memref_squeeze %dma_start3A_684 : memref<1x112xi32, #tpu.memory_space<vmem>> -> memref<112xi32, #tpu.memory_space<vmem>>
      %dma_start3A_686 = tpu.memref_slice %arg2[%dma_start3A_676, %add3A_675] : memref<2x800000xi32, #tpu.memory_space<hbm>> -> memref<1x112xi32, #tpu.memory_space<hbm>>
      %dma_start3A_687 = tpu.memref_squeeze %dma_start3A_686 : memref<1x112xi32, #tpu.memory_space<hbm>> -> memref<112xi32, #tpu.memory_space<hbm>>
      tpu.enqueue_dma source(%dma_start3A_687 : memref<112xi32, #tpu.memory_space<hbm>>) target(%dma_start3A_685 : memref<112xi32, #tpu.memory_space<vmem>>) target_semaphore(%arg20 : memref<!tpu.dma_semaphore, #tpu.memory_space<semaphore_mem>>)
      %add3A_688 = arith.constant 112 : i32
      %add3A_689 = arith.addi %add3A_603, %add3A_688 : i32
      %dma_start3A_690 = arith.constant 1 : i32
      %dma_start3A_691 = arith.constant 1 : i32
      %dma_start3A_692 = arith.constant 0 : i32
      %dma_start3A_693 = tpu.memref_slice %arg7[%dma_start3A_691, %dma_start3A_692] : memref<5x112xi32, #tpu.memory_space<vmem>> -> memref<1x112xi32, #tpu.memory_space<vmem>>
      %dma_start3A_694 = tpu.memref_squeeze %dma_start3A_693 : memref<1x112xi32, #tpu.memory_space<vmem>> -> memref<112xi32, #tpu.memory_space<vmem>>
      %dma_start3A_695 = tpu.memref_slice %arg2[%dma_start3A_690, %add3A_689] : memref<2x800000xi32, #tpu.memory_space<hbm>> -> memref<1x112xi32, #tpu.memory_space<hbm>>
      %dma_start3A_696 = tpu.memref_squeeze %dma_start3A_695 : memref<1x112xi32, #tpu.memory_space<hbm>> -> memref<112xi32, #tpu.memory_space<hbm>>
      %dma_start3A_697 = arith.constant 0 : i32
      %dma_start3A_698 = tpu.memref_slice %arg7[%dma_start3A_691, %dma_start3A_697] : memref<5x112xi32, #tpu.memory_space<vmem>> -> memref<1x112xi32, #tpu.memory_space<vmem>>
      %dma_start3A_699 = tpu.memref_squeeze %dma_start3A_698 : memref<1x112xi32, #tpu.memory_space<vmem>> -> memref<112xi32, #tpu.memory_space<vmem>>
      %dma_start3A_700 = tpu.memref_slice %arg2[%dma_start3A_690, %add3A_689] : memref<2x800000xi32, #tpu.memory_space<hbm>> -> memref<1x112xi32, #tpu.memory_space<hbm>>
      %dma_start3A_701 = tpu.memref_squeeze %dma_start3A_700 : memref<1x112xi32, #tpu.memory_space<hbm>> -> memref<112xi32, #tpu.memory_space<hbm>>
      tpu.enqueue_dma source(%dma_start3A_701 : memref<112xi32, #tpu.memory_space<hbm>>) target(%dma_start3A_699 : memref<112xi32, #tpu.memory_space<vmem>>) target_semaphore(%arg20 : memref<!tpu.dma_semaphore, #tpu.memory_space<semaphore_mem>>)
      %add3A_702 = arith.constant 224 : i32
      %add3A_703 = arith.addi %add3A_603, %add3A_702 : i32
      %dma_start3A_704 = arith.constant 1 : i32
      %dma_start3A_705 = arith.constant 2 : i32
      %dma_start3A_706 = arith.constant 0 : i32
      %dma_start3A_707 = tpu.memref_slice %arg7[%dma_start3A_705, %dma_start3A_706] : memref<5x112xi32, #tpu.memory_space<vmem>> -> memref<1x112xi32, #tpu.memory_space<vmem>>
      %dma_start3A_708 = tpu.memref_squeeze %dma_start3A_707 : memref<1x112xi32, #tpu.memory_space<vmem>> -> memref<112xi32, #tpu.memory_space<vmem>>
      %dma_start3A_709 = tpu.memref_slice %arg2[%dma_start3A_704, %add3A_703] : memref<2x800000xi32, #tpu.memory_space<hbm>> -> memref<1x112xi32, #tpu.memory_space<hbm>>
      %dma_start3A_710 = tpu.memref_squeeze %dma_start3A_709 : memref<1x112xi32, #tpu.memory_space<hbm>> -> memref<112xi32, #tpu.memory_space<hbm>>
      %dma_start3A_711 = arith.constant 0 : i32
      %dma_start3A_712 = tpu.memref_slice %arg7[%dma_start3A_705, %dma_start3A_711] : memref<5x112xi32, #tpu.memory_space<vmem>> -> memref<1x112xi32, #tpu.memory_space<vmem>>
      %dma_start3A_713 = tpu.memref_squeeze %dma_start3A_712 : memref<1x112xi32, #tpu.memory_space<vmem>> -> memref<112xi32, #tpu.memory_space<vmem>>
      %dma_start3A_714 = tpu.memref_slice %arg2[%dma_start3A_704, %add3A_703] : memref<2x800000xi32, #tpu.memory_space<hbm>> -> memref<1x112xi32, #tpu.memory_space<hbm>>
      %dma_start3A_715 = tpu.memref_squeeze %dma_start3A_714 : memref<1x112xi32, #tpu.memory_space<hbm>> -> memref<112xi32, #tpu.memory_space<hbm>>
      tpu.enqueue_dma source(%dma_start3A_715 : memref<112xi32, #tpu.memory_space<hbm>>) target(%dma_start3A_713 : memref<112xi32, #tpu.memory_space<vmem>>) target_semaphore(%arg20 : memref<!tpu.dma_semaphore, #tpu.memory_space<semaphore_mem>>)
      %add3A_716 = arith.constant 336 : i32
      %add3A_717 = arith.addi %add3A_603, %add3A_716 : i32
      %dma_start3A_718 = arith.constant 1 : i32
      %dma_start3A_719 = arith.constant 3 : i32
      %dma_start3A_720 = arith.constant 0 : i32
      %dma_start3A_721 = tpu.memref_slice %arg7[%dma_start3A_719, %dma_start3A_720] : memref<5x112xi32, #tpu.memory_space<vmem>> -> memref<1x112xi32, #tpu.memory_space<vmem>>
      %dma_start3A_722 = tpu.memref_squeeze %dma_start3A_721 : memref<1x112xi32, #tpu.memory_space<vmem>> -> memref<112xi32, #tpu.memory_space<vmem>>
      %dma_start3A_723 = tpu.memref_slice %arg2[%dma_start3A_718, %add3A_717] : memref<2x800000xi32, #tpu.memory_space<hbm>> -> memref<1x112xi32, #tpu.memory_space<hbm>>
      %dma_start3A_724 = tpu.memref_squeeze %dma_start3A_723 : memref<1x112xi32, #tpu.memory_space<hbm>> -> memref<112xi32, #tpu.memory_space<hbm>>
      %dma_start3A_725 = arith.constant 0 : i32
      %dma_start3A_726 = tpu.memref_slice %arg7[%dma_start3A_719, %dma_start3A_725] : memref<5x112xi32, #tpu.memory_space<vmem>> -> memref<1x112xi32, #tpu.memory_space<vmem>>
      %dma_start3A_727 = tpu.memref_squeeze %dma_start3A_726 : memref<1x112xi32, #tpu.memory_space<vmem>> -> memref<112xi32, #tpu.memory_space<vmem>>
      %dma_start3A_728 = tpu.memref_slice %arg2[%dma_start3A_718, %add3A_717] : memref<2x800000xi32, #tpu.memory_space<hbm>> -> memref<1x112xi32, #tpu.memory_space<hbm>>
      %dma_start3A_729 = tpu.memref_squeeze %dma_start3A_728 : memref<1x112xi32, #tpu.memory_space<hbm>> -> memref<112xi32, #tpu.memory_space<hbm>>
      tpu.enqueue_dma source(%dma_start3A_729 : memref<112xi32, #tpu.memory_space<hbm>>) target(%dma_start3A_727 : memref<112xi32, #tpu.memory_space<vmem>>) target_semaphore(%arg20 : memref<!tpu.dma_semaphore, #tpu.memory_space<semaphore_mem>>)
      %add3A_730 = arith.constant 448 : i32
      %add3A_731 = arith.addi %add3A_603, %add3A_730 : i32
      %dma_start3A_732 = arith.constant 1 : i32
      %dma_start3A_733 = arith.constant 4 : i32
      %dma_start3A_734 = arith.constant 0 : i32
      %dma_start3A_735 = tpu.memref_slice %arg7[%dma_start3A_733, %dma_start3A_734] : memref<5x112xi32, #tpu.memory_space<vmem>> -> memref<1x112xi32, #tpu.memory_space<vmem>>
      %dma_start3A_736 = tpu.memref_squeeze %dma_start3A_735 : memref<1x112xi32, #tpu.memory_space<vmem>> -> memref<112xi32, #tpu.memory_space<vmem>>
      %dma_start3A_737 = tpu.memref_slice %arg2[%dma_start3A_732, %add3A_731] : memref<2x800000xi32, #tpu.memory_space<hbm>> -> memref<1x112xi32, #tpu.memory_space<hbm>>
      %dma_start3A_738 = tpu.memref_squeeze %dma_start3A_737 : memref<1x112xi32, #tpu.memory_space<hbm>> -> memref<112xi32, #tpu.memory_space<hbm>>
      %dma_start3A_739 = arith.constant 0 : i32
      %dma_start3A_740 = tpu.memref_slice %arg7[%dma_start3A_733, %dma_start3A_739] : memref<5x112xi32, #tpu.memory_space<vmem>> -> memref<1x112xi32, #tpu.memory_space<vmem>>
      %dma_start3A_741 = tpu.memref_squeeze %dma_start3A_740 : memref<1x112xi32, #tpu.memory_space<vmem>> -> memref<112xi32, #tpu.memory_space<vmem>>
      %dma_start3A_742 = tpu.memref_slice %arg2[%dma_start3A_732, %add3A_731] : memref<2x800000xi32, #tpu.memory_space<hbm>> -> memref<1x112xi32, #tpu.memory_space<hbm>>
      %dma_start3A_743 = tpu.memref_squeeze %dma_start3A_742 : memref<1x112xi32, #tpu.memory_space<hbm>> -> memref<112xi32, #tpu.memory_space<hbm>>
      tpu.enqueue_dma source(%dma_start3A_743 : memref<112xi32, #tpu.memory_space<hbm>>) target(%dma_start3A_741 : memref<112xi32, #tpu.memory_space<vmem>>) target_semaphore(%arg20 : memref<!tpu.dma_semaphore, #tpu.memory_space<semaphore_mem>>)
      %dma_wait3A_744 = arith.constant 0 : i32
      %dma_wait3A_745 = arith.constant 0 : i32
      %dma_wait3A_746 = arith.constant 0 : i32
      %dma_wait3A_747 = tpu.memref_slice %arg6[%dma_wait3A_745, %dma_wait3A_746] : memref<5x112xi32, #tpu.memory_space<vmem>> -> memref<1x112xi32, #tpu.memory_space<vmem>>
      %dma_wait3A_748 = tpu.memref_squeeze %dma_wait3A_747 : memref<1x112xi32, #tpu.memory_space<vmem>> -> memref<112xi32, #tpu.memory_space<vmem>>
      %dma_wait3A_749 = tpu.memref_slice %arg2[%dma_wait3A_744, %add3A_605] : memref<2x800000xi32, #tpu.memory_space<hbm>> -> memref<1x112xi32, #tpu.memory_space<hbm>>
      %dma_wait3A_750 = tpu.memref_squeeze %dma_wait3A_749 : memref<1x112xi32, #tpu.memory_space<hbm>> -> memref<112xi32, #tpu.memory_space<hbm>>
      %dma_wait3A_751 = arith.constant 0 : i32
      %dma_wait3A_752 = tpu.memref_slice %arg6[%dma_wait3A_745, %dma_wait3A_751] : memref<5x112xi32, #tpu.memory_space<vmem>> -> memref<1x112xi32, #tpu.memory_space<vmem>>
      %dma_wait3A_753 = tpu.memref_squeeze %dma_wait3A_752 : memref<1x112xi32, #tpu.memory_space<vmem>> -> memref<112xi32, #tpu.memory_space<vmem>>
      %dma_wait3A_754 = tpu.memref_slice %arg2[%dma_wait3A_744, %add3A_605] : memref<2x800000xi32, #tpu.memory_space<hbm>> -> memref<1x112xi32, #tpu.memory_space<hbm>>
      %dma_wait3A_755 = tpu.memref_squeeze %dma_wait3A_754 : memref<1x112xi32, #tpu.memory_space<hbm>> -> memref<112xi32, #tpu.memory_space<hbm>>
      tpu.wait_dma2 semaphore(%arg19 : memref<!tpu.dma_semaphore, #tpu.memory_space<semaphore_mem>>) src(%dma_wait3A_755 : memref<112xi32, #tpu.memory_space<hbm>>) dst(%dma_wait3A_753 : memref<112xi32, #tpu.memory_space<vmem>>)
      %dma_start3A_756 = arith.constant 0 : i32
      %dma_start3A_757 = arith.constant 0 : i32
      %dma_start3A_758 = arith.constant 0 : i32
      %dma_start3A_759 = arith.constant 0 : i32
      %dma_start3A_760 = tpu.memref_slice %arg8[%dma_start3A_757, %dma_start3A_758, %dma_start3A_759] : memref<5x112x32xf32, #tpu.memory_space<vmem>> -> memref<1x112x32xf32, #tpu.memory_space<vmem>>
      %dma_start3A_761 = tpu.memref_squeeze %dma_start3A_760 : memref<1x112x32xf32, #tpu.memory_space<vmem>> -> memref<112x32xf32, #tpu.memory_space<vmem>>
      %dma_start3A_762 = arith.constant 0 : i32
      %dma_start3A_763 = tpu.memref_slice %arg6[%dma_start3A_756, %dma_start3A_762] : memref<5x112xi32, #tpu.memory_space<vmem>> -> memref<1x112xi32, #tpu.memory_space<vmem>>
      %dma_start3A_764 = tpu.memref_squeeze %dma_start3A_763 : memref<1x112xi32, #tpu.memory_space<vmem>> -> memref<112xi32, #tpu.memory_space<vmem>>
      %dma_start3A_765 = arith.constant 0 : i32
      %dma_start3A_766 = arith.constant 0 : i32
      %dma_start3A_767 = tpu.memref_slice %arg5[%arg0, %dma_start3A_765, %dma_start3A_766] : memref<2x50176x32xf32, #tpu.memory_space<hbm>> -> memref<1x50176x32xf32, #tpu.memory_space<hbm>>
      %dma_start3A_768 = tpu.memref_squeeze %dma_start3A_767 : memref<1x50176x32xf32, #tpu.memory_space<hbm>> -> memref<50176x32xf32, #tpu.memory_space<hbm>>
      %dma_start3A_769 = arith.constant 0 : i32
      %dma_start3A_770 = arith.constant 0 : i32
      %dma_start3A_771 = tpu.memref_slice %dma_start3A_768[%dma_start3A_769, %dma_start3A_770] : memref<50176x32xf32, #tpu.memory_space<hbm>> -> memref<50176x32xf32, #tpu.memory_space<hbm>>
      tpu.enqueue_indirect_dma source(%dma_start3A_771 : memref<50176x32xf32, #tpu.memory_space<hbm>>) target(%dma_start3A_761 : memref<112x32xf32, #tpu.memory_space<vmem>>) offsets(%dma_start3A_764 : memref<112xi32, #tpu.memory_space<vmem>>) semaphore(%arg21 : memref<!tpu.dma_semaphore, #tpu.memory_space<semaphore_mem>>)
      %dma_wait3A_772 = arith.constant 0 : i32
      %dma_wait3A_773 = arith.constant 1 : i32
      %dma_wait3A_774 = arith.constant 0 : i32
      %dma_wait3A_775 = tpu.memref_slice %arg6[%dma_wait3A_773, %dma_wait3A_774] : memref<5x112xi32, #tpu.memory_space<vmem>> -> memref<1x112xi32, #tpu.memory_space<vmem>>
      %dma_wait3A_776 = tpu.memref_squeeze %dma_wait3A_775 : memref<1x112xi32, #tpu.memory_space<vmem>> -> memref<112xi32, #tpu.memory_space<vmem>>
      %dma_wait3A_777 = tpu.memref_slice %arg2[%dma_wait3A_772, %add3A_619] : memref<2x800000xi32, #tpu.memory_space<hbm>> -> memref<1x112xi32, #tpu.memory_space<hbm>>
      %dma_wait3A_778 = tpu.memref_squeeze %dma_wait3A_777 : memref<1x112xi32, #tpu.memory_space<hbm>> -> memref<112xi32, #tpu.memory_space<hbm>>
      %dma_wait3A_779 = arith.constant 0 : i32
      %dma_wait3A_780 = tpu.memref_slice %arg6[%dma_wait3A_773, %dma_wait3A_779] : memref<5x112xi32, #tpu.memory_space<vmem>> -> memref<1x112xi32, #tpu.memory_space<vmem>>
      %dma_wait3A_781 = tpu.memref_squeeze %dma_wait3A_780 : memref<1x112xi32, #tpu.memory_space<vmem>> -> memref<112xi32, #tpu.memory_space<vmem>>
      %dma_wait3A_782 = tpu.memref_slice %arg2[%dma_wait3A_772, %add3A_619] : memref<2x800000xi32, #tpu.memory_space<hbm>> -> memref<1x112xi32, #tpu.memory_space<hbm>>
      %dma_wait3A_783 = tpu.memref_squeeze %dma_wait3A_782 : memref<1x112xi32, #tpu.memory_space<hbm>> -> memref<112xi32, #tpu.memory_space<hbm>>
      tpu.wait_dma2 semaphore(%arg19 : memref<!tpu.dma_semaphore, #tpu.memory_space<semaphore_mem>>) src(%dma_wait3A_783 : memref<112xi32, #tpu.memory_space<hbm>>) dst(%dma_wait3A_781 : memref<112xi32, #tpu.memory_space<vmem>>)
      %dma_start3A_784 = arith.constant 1 : i32
      %dma_start3A_785 = arith.constant 1 : i32
      %dma_start3A_786 = arith.constant 0 : i32
      %dma_start3A_787 = arith.constant 0 : i32
      %dma_start3A_788 = tpu.memref_slice %arg8[%dma_start3A_785, %dma_start3A_786, %dma_start3A_787] : memref<5x112x32xf32, #tpu.memory_space<vmem>> -> memref<1x112x32xf32, #tpu.memory_space<vmem>>
      %dma_start3A_789 = tpu.memref_squeeze %dma_start3A_788 : memref<1x112x32xf32, #tpu.memory_space<vmem>> -> memref<112x32xf32, #tpu.memory_space<vmem>>
      %dma_start3A_790 = arith.constant 0 : i32
      %dma_start3A_791 = tpu.memref_slice %arg6[%dma_start3A_784, %dma_start3A_790] : memref<5x112xi32, #tpu.memory_space<vmem>> -> memref<1x112xi32, #tpu.memory_space<vmem>>
      %dma_start3A_792 = tpu.memref_squeeze %dma_start3A_791 : memref<1x112xi32, #tpu.memory_space<vmem>> -> memref<112xi32, #tpu.memory_space<vmem>>
      %dma_start3A_793 = arith.constant 0 : i32
      %dma_start3A_794 = arith.constant 0 : i32
      %dma_start3A_795 = tpu.memref_slice %arg5[%arg0, %dma_start3A_793, %dma_start3A_794] : memref<2x50176x32xf32, #tpu.memory_space<hbm>> -> memref<1x50176x32xf32, #tpu.memory_space<hbm>>
      %dma_start3A_796 = tpu.memref_squeeze %dma_start3A_795 : memref<1x50176x32xf32, #tpu.memory_space<hbm>> -> memref<50176x32xf32, #tpu.memory_space<hbm>>
      %dma_start3A_797 = arith.constant 0 : i32
      %dma_start3A_798 = arith.constant 0 : i32
      %dma_start3A_799 = tpu.memref_slice %dma_start3A_796[%dma_start3A_797, %dma_start3A_798] : memref<50176x32xf32, #tpu.memory_space<hbm>> -> memref<50176x32xf32, #tpu.memory_space<hbm>>
      tpu.enqueue_indirect_dma source(%dma_start3A_799 : memref<50176x32xf32, #tpu.memory_space<hbm>>) target(%dma_start3A_789 : memref<112x32xf32, #tpu.memory_space<vmem>>) offsets(%dma_start3A_792 : memref<112xi32, #tpu.memory_space<vmem>>) semaphore(%arg21 : memref<!tpu.dma_semaphore, #tpu.memory_space<semaphore_mem>>)
      %dma_wait3A_800 = arith.constant 0 : i32
      %dma_wait3A_801 = arith.constant 2 : i32
      %dma_wait3A_802 = arith.constant 0 : i32
      %dma_wait3A_803 = tpu.memref_slice %arg6[%dma_wait3A_801, %dma_wait3A_802] : memref<5x112xi32, #tpu.memory_space<vmem>> -> memref<1x112xi32, #tpu.memory_space<vmem>>
      %dma_wait3A_804 = tpu.memref_squeeze %dma_wait3A_803 : memref<1x112xi32, #tpu.memory_space<vmem>> -> memref<112xi32, #tpu.memory_space<vmem>>
      %dma_wait3A_805 = tpu.memref_slice %arg2[%dma_wait3A_800, %add3A_633] : memref<2x800000xi32, #tpu.memory_space<hbm>> -> memref<1x112xi32, #tpu.memory_space<hbm>>
      %dma_wait3A_806 = tpu.memref_squeeze %dma_wait3A_805 : memref<1x112xi32, #tpu.memory_space<hbm>> -> memref<112xi32, #tpu.memory_space<hbm>>
      %dma_wait3A_807 = arith.constant 0 : i32
      %dma_wait3A_808 = tpu.memref_slice %arg6[%dma_wait3A_801, %dma_wait3A_807] : memref<5x112xi32, #tpu.memory_space<vmem>> -> memref<1x112xi32, #tpu.memory_space<vmem>>
      %dma_wait3A_809 = tpu.memref_squeeze %dma_wait3A_808 : memref<1x112xi32, #tpu.memory_space<vmem>> -> memref<112xi32, #tpu.memory_space<vmem>>
      %dma_wait3A_810 = tpu.memref_slice %arg2[%dma_wait3A_800, %add3A_633] : memref<2x800000xi32, #tpu.memory_space<hbm>> -> memref<1x112xi32, #tpu.memory_space<hbm>>
      %dma_wait3A_811 = tpu.memref_squeeze %dma_wait3A_810 : memref<1x112xi32, #tpu.memory_space<hbm>> -> memref<112xi32, #tpu.memory_space<hbm>>
      tpu.wait_dma2 semaphore(%arg19 : memref<!tpu.dma_semaphore, #tpu.memory_space<semaphore_mem>>) src(%dma_wait3A_811 : memref<112xi32, #tpu.memory_space<hbm>>) dst(%dma_wait3A_809 : memref<112xi32, #tpu.memory_space<vmem>>)
      %dma_start3A_812 = arith.constant 2 : i32
      %dma_start3A_813 = arith.constant 2 : i32
      %dma_start3A_814 = arith.constant 0 : i32
      %dma_start3A_815 = arith.constant 0 : i32
      %dma_start3A_816 = tpu.memref_slice %arg8[%dma_start3A_813, %dma_start3A_814, %dma_start3A_815] : memref<5x112x32xf32, #tpu.memory_space<vmem>> -> memref<1x112x32xf32, #tpu.memory_space<vmem>>
      %dma_start3A_817 = tpu.memref_squeeze %dma_start3A_816 : memref<1x112x32xf32, #tpu.memory_space<vmem>> -> memref<112x32xf32, #tpu.memory_space<vmem>>
      %dma_start3A_818 = arith.constant 0 : i32
      %dma_start3A_819 = tpu.memref_slice %arg6[%dma_start3A_812, %dma_start3A_818] : memref<5x112xi32, #tpu.memory_space<vmem>> -> memref<1x112xi32, #tpu.memory_space<vmem>>
      %dma_start3A_820 = tpu.memref_squeeze %dma_start3A_819 : memref<1x112xi32, #tpu.memory_space<vmem>> -> memref<112xi32, #tpu.memory_space<vmem>>
      %dma_start3A_821 = arith.constant 0 : i32
      %dma_start3A_822 = arith.constant 0 : i32
      %dma_start3A_823 = tpu.memref_slice %arg5[%arg0, %dma_start3A_821, %dma_start3A_822] : memref<2x50176x32xf32, #tpu.memory_space<hbm>> -> memref<1x50176x32xf32, #tpu.memory_space<hbm>>
      %dma_start3A_824 = tpu.memref_squeeze %dma_start3A_823 : memref<1x50176x32xf32, #tpu.memory_space<hbm>> -> memref<50176x32xf32, #tpu.memory_space<hbm>>
      %dma_start3A_825 = arith.constant 0 : i32
      %dma_start3A_826 = arith.constant 0 : i32
      %dma_start3A_827 = tpu.memref_slice %dma_start3A_824[%dma_start3A_825, %dma_start3A_826] : memref<50176x32xf32, #tpu.memory_space<hbm>> -> memref<50176x32xf32, #tpu.memory_space<hbm>>
      tpu.enqueue_indirect_dma source(%dma_start3A_827 : memref<50176x32xf32, #tpu.memory_space<hbm>>) target(%dma_start3A_817 : memref<112x32xf32, #tpu.memory_space<vmem>>) offsets(%dma_start3A_820 : memref<112xi32, #tpu.memory_space<vmem>>) semaphore(%arg21 : memref<!tpu.dma_semaphore, #tpu.memory_space<semaphore_mem>>)
      %dma_wait3A_828 = arith.constant 0 : i32
      %dma_wait3A_829 = arith.constant 3 : i32
      %dma_wait3A_830 = arith.constant 0 : i32
      %dma_wait3A_831 = tpu.memref_slice %arg6[%dma_wait3A_829, %dma_wait3A_830] : memref<5x112xi32, #tpu.memory_space<vmem>> -> memref<1x112xi32, #tpu.memory_space<vmem>>
      %dma_wait3A_832 = tpu.memref_squeeze %dma_wait3A_831 : memref<1x112xi32, #tpu.memory_space<vmem>> -> memref<112xi32, #tpu.memory_space<vmem>>
      %dma_wait3A_833 = tpu.memref_slice %arg2[%dma_wait3A_828, %add3A_647] : memref<2x800000xi32, #tpu.memory_space<hbm>> -> memref<1x112xi32, #tpu.memory_space<hbm>>
      %dma_wait3A_834 = tpu.memref_squeeze %dma_wait3A_833 : memref<1x112xi32, #tpu.memory_space<hbm>> -> memref<112xi32, #tpu.memory_space<hbm>>
      %dma_wait3A_835 = arith.constant 0 : i32
      %dma_wait3A_836 = tpu.memref_slice %arg6[%dma_wait3A_829, %dma_wait3A_835] : memref<5x112xi32, #tpu.memory_space<vmem>> -> memref<1x112xi32, #tpu.memory_space<vmem>>
      %dma_wait3A_837 = tpu.memref_squeeze %dma_wait3A_836 : memref<1x112xi32, #tpu.memory_space<vmem>> -> memref<112xi32, #tpu.memory_space<vmem>>
      %dma_wait3A_838 = tpu.memref_slice %arg2[%dma_wait3A_828, %add3A_647] : memref<2x800000xi32, #tpu.memory_space<hbm>> -> memref<1x112xi32, #tpu.memory_space<hbm>>
      %dma_wait3A_839 = tpu.memref_squeeze %dma_wait3A_838 : memref<1x112xi32, #tpu.memory_space<hbm>> -> memref<112xi32, #tpu.memory_space<hbm>>
      tpu.wait_dma2 semaphore(%arg19 : memref<!tpu.dma_semaphore, #tpu.memory_space<semaphore_mem>>) src(%dma_wait3A_839 : memref<112xi32, #tpu.memory_space<hbm>>) dst(%dma_wait3A_837 : memref<112xi32, #tpu.memory_space<vmem>>)
      %dma_start3A_840 = arith.constant 3 : i32
      %dma_start3A_841 = arith.constant 3 : i32
      %dma_start3A_842 = arith.constant 0 : i32
      %dma_start3A_843 = arith.constant 0 : i32
      %dma_start3A_844 = tpu.memref_slice %arg8[%dma_start3A_841, %dma_start3A_842, %dma_start3A_843] : memref<5x112x32xf32, #tpu.memory_space<vmem>> -> memref<1x112x32xf32, #tpu.memory_space<vmem>>
      %dma_start3A_845 = tpu.memref_squeeze %dma_start3A_844 : memref<1x112x32xf32, #tpu.memory_space<vmem>> -> memref<112x32xf32, #tpu.memory_space<vmem>>
      %dma_start3A_846 = arith.constant 0 : i32
      %dma_start3A_847 = tpu.memref_slice %arg6[%dma_start3A_840, %dma_start3A_846] : memref<5x112xi32, #tpu.memory_space<vmem>> -> memref<1x112xi32, #tpu.memory_space<vmem>>
      %dma_start3A_848 = tpu.memref_squeeze %dma_start3A_847 : memref<1x112xi32, #tpu.memory_space<vmem>> -> memref<112xi32, #tpu.memory_space<vmem>>
      %dma_start3A_849 = arith.constant 0 : i32
      %dma_start3A_850 = arith.constant 0 : i32
      %dma_start3A_851 = tpu.memref_slice %arg5[%arg0, %dma_start3A_849, %dma_start3A_850] : memref<2x50176x32xf32, #tpu.memory_space<hbm>> -> memref<1x50176x32xf32, #tpu.memory_space<hbm>>
      %dma_start3A_852 = tpu.memref_squeeze %dma_start3A_851 : memref<1x50176x32xf32, #tpu.memory_space<hbm>> -> memref<50176x32xf32, #tpu.memory_space<hbm>>
      %dma_start3A_853 = arith.constant 0 : i32
      %dma_start3A_854 = arith.constant 0 : i32
      %dma_start3A_855 = tpu.memref_slice %dma_start3A_852[%dma_start3A_853, %dma_start3A_854] : memref<50176x32xf32, #tpu.memory_space<hbm>> -> memref<50176x32xf32, #tpu.memory_space<hbm>>
      tpu.enqueue_indirect_dma source(%dma_start3A_855 : memref<50176x32xf32, #tpu.memory_space<hbm>>) target(%dma_start3A_845 : memref<112x32xf32, #tpu.memory_space<vmem>>) offsets(%dma_start3A_848 : memref<112xi32, #tpu.memory_space<vmem>>) semaphore(%arg21 : memref<!tpu.dma_semaphore, #tpu.memory_space<semaphore_mem>>)
      %dma_wait3A_856 = arith.constant 0 : i32
      %dma_wait3A_857 = arith.constant 4 : i32
      %dma_wait3A_858 = arith.constant 0 : i32
      %dma_wait3A_859 = tpu.memref_slice %arg6[%dma_wait3A_857, %dma_wait3A_858] : memref<5x112xi32, #tpu.memory_space<vmem>> -> memref<1x112xi32, #tpu.memory_space<vmem>>
      %dma_wait3A_860 = tpu.memref_squeeze %dma_wait3A_859 : memref<1x112xi32, #tpu.memory_space<vmem>> -> memref<112xi32, #tpu.memory_space<vmem>>
      %dma_wait3A_861 = tpu.memref_slice %arg2[%dma_wait3A_856, %add3A_661] : memref<2x800000xi32, #tpu.memory_space<hbm>> -> memref<1x112xi32, #tpu.memory_space<hbm>>
      %dma_wait3A_862 = tpu.memref_squeeze %dma_wait3A_861 : memref<1x112xi32, #tpu.memory_space<hbm>> -> memref<112xi32, #tpu.memory_space<hbm>>
      %dma_wait3A_863 = arith.constant 0 : i32
      %dma_wait3A_864 = tpu.memref_slice %arg6[%dma_wait3A_857, %dma_wait3A_863] : memref<5x112xi32, #tpu.memory_space<vmem>> -> memref<1x112xi32, #tpu.memory_space<vmem>>
      %dma_wait3A_865 = tpu.memref_squeeze %dma_wait3A_864 : memref<1x112xi32, #tpu.memory_space<vmem>> -> memref<112xi32, #tpu.memory_space<vmem>>
      %dma_wait3A_866 = tpu.memref_slice %arg2[%dma_wait3A_856, %add3A_661] : memref<2x800000xi32, #tpu.memory_space<hbm>> -> memref<1x112xi32, #tpu.memory_space<hbm>>
      %dma_wait3A_867 = tpu.memref_squeeze %dma_wait3A_866 : memref<1x112xi32, #tpu.memory_space<hbm>> -> memref<112xi32, #tpu.memory_space<hbm>>
      tpu.wait_dma2 semaphore(%arg19 : memref<!tpu.dma_semaphore, #tpu.memory_space<semaphore_mem>>) src(%dma_wait3A_867 : memref<112xi32, #tpu.memory_space<hbm>>) dst(%dma_wait3A_865 : memref<112xi32, #tpu.memory_space<vmem>>)
      %dma_start3A_868 = arith.constant 4 : i32
      %dma_start3A_869 = arith.constant 4 : i32
      %dma_start3A_870 = arith.constant 0 : i32
      %dma_start3A_871 = arith.constant 0 : i32
      %dma_start3A_872 = tpu.memref_slice %arg8[%dma_start3A_869, %dma_start3A_870, %dma_start3A_871] : memref<5x112x32xf32, #tpu.memory_space<vmem>> -> memref<1x112x32xf32, #tpu.memory_space<vmem>>
      %dma_start3A_873 = tpu.memref_squeeze %dma_start3A_872 : memref<1x112x32xf32, #tpu.memory_space<vmem>> -> memref<112x32xf32, #tpu.memory_space<vmem>>
      %dma_start3A_874 = arith.constant 0 : i32
      %dma_start3A_875 = tpu.memref_slice %arg6[%dma_start3A_868, %dma_start3A_874] : memref<5x112xi32, #tpu.memory_space<vmem>> -> memref<1x112xi32, #tpu.memory_space<vmem>>
      %dma_start3A_876 = tpu.memref_squeeze %dma_start3A_875 : memref<1x112xi32, #tpu.memory_space<vmem>> -> memref<112xi32, #tpu.memory_space<vmem>>
      %dma_start3A_877 = arith.constant 0 : i32
      %dma_start3A_878 = arith.constant 0 : i32
      %dma_start3A_879 = tpu.memref_slice %arg5[%arg0, %dma_start3A_877, %dma_start3A_878] : memref<2x50176x32xf32, #tpu.memory_space<hbm>> -> memref<1x50176x32xf32, #tpu.memory_space<hbm>>
      %dma_start3A_880 = tpu.memref_squeeze %dma_start3A_879 : memref<1x50176x32xf32, #tpu.memory_space<hbm>> -> memref<50176x32xf32, #tpu.memory_space<hbm>>
      %dma_start3A_881 = arith.constant 0 : i32
      %dma_start3A_882 = arith.constant 0 : i32
      %dma_start3A_883 = tpu.memref_slice %dma_start3A_880[%dma_start3A_881, %dma_start3A_882] : memref<50176x32xf32, #tpu.memory_space<hbm>> -> memref<50176x32xf32, #tpu.memory_space<hbm>>
      tpu.enqueue_indirect_dma source(%dma_start3A_883 : memref<50176x32xf32, #tpu.memory_space<hbm>>) target(%dma_start3A_873 : memref<112x32xf32, #tpu.memory_space<vmem>>) offsets(%dma_start3A_876 : memref<112xi32, #tpu.memory_space<vmem>>) semaphore(%arg21 : memref<!tpu.dma_semaphore, #tpu.memory_space<semaphore_mem>>)
      %dma_wait3A_884 = arith.constant 0 : i32
      %dma_wait3A_885 = arith.constant 0 : i32
      %dma_wait3A_886 = arith.constant 0 : i32
      %dma_wait3A_887 = arith.constant 0 : i32
      %dma_wait3A_888 = tpu.memref_slice %arg8[%dma_wait3A_885, %dma_wait3A_886, %dma_wait3A_887] : memref<5x112x32xf32, #tpu.memory_space<vmem>> -> memref<1x112x32xf32, #tpu.memory_space<vmem>>
      %dma_wait3A_889 = tpu.memref_squeeze %dma_wait3A_888 : memref<1x112x32xf32, #tpu.memory_space<vmem>> -> memref<112x32xf32, #tpu.memory_space<vmem>>
      %dma_wait3A_890 = arith.constant 0 : i32
      %dma_wait3A_891 = tpu.memref_slice %arg6[%dma_wait3A_884, %dma_wait3A_890] : memref<5x112xi32, #tpu.memory_space<vmem>> -> memref<1x112xi32, #tpu.memory_space<vmem>>
      %dma_wait3A_892 = tpu.memref_squeeze %dma_wait3A_891 : memref<1x112xi32, #tpu.memory_space<vmem>> -> memref<112xi32, #tpu.memory_space<vmem>>
      %dma_wait3A_893 = arith.constant 0 : i32
      %dma_wait3A_894 = arith.constant 0 : i32
      %dma_wait3A_895 = tpu.memref_slice %arg5[%arg0, %dma_wait3A_893, %dma_wait3A_894] : memref<2x50176x32xf32, #tpu.memory_space<hbm>> -> memref<1x50176x32xf32, #tpu.memory_space<hbm>>
      %dma_wait3A_896 = tpu.memref_squeeze %dma_wait3A_895 : memref<1x50176x32xf32, #tpu.memory_space<hbm>> -> memref<50176x32xf32, #tpu.memory_space<hbm>>
      %dma_wait3A_897 = arith.constant 0 : i32
      %dma_wait3A_898 = arith.constant 0 : i32
      %dma_wait3A_899 = tpu.memref_slice %dma_wait3A_896[%dma_wait3A_897, %dma_wait3A_898] : memref<50176x32xf32, #tpu.memory_space<hbm>> -> memref<50176x32xf32, #tpu.memory_space<hbm>>
      tpu.wait_indirect_dma semaphore(%arg21 : memref<!tpu.dma_semaphore, #tpu.memory_space<semaphore_mem>>) src(%dma_wait3A_899 : memref<50176x32xf32, #tpu.memory_space<hbm>>) dst(%dma_wait3A_889 : memref<112x32xf32, #tpu.memory_space<vmem>>)
      %dma_wait3A_900 = arith.constant 1 : i32
      %dma_wait3A_901 = arith.constant 0 : i32
      %dma_wait3A_902 = arith.constant 0 : i32
      %dma_wait3A_903 = tpu.memref_slice %arg7[%dma_wait3A_901, %dma_wait3A_902] : memref<5x112xi32, #tpu.memory_space<vmem>> -> memref<1x112xi32, #tpu.memory_space<vmem>>
      %dma_wait3A_904 = tpu.memref_squeeze %dma_wait3A_903 : memref<1x112xi32, #tpu.memory_space<vmem>> -> memref<112xi32, #tpu.memory_space<vmem>>
      %dma_wait3A_905 = tpu.memref_slice %arg2[%dma_wait3A_900, %add3A_675] : memref<2x800000xi32, #tpu.memory_space<hbm>> -> memref<1x112xi32, #tpu.memory_space<hbm>>
      %dma_wait3A_906 = tpu.memref_squeeze %dma_wait3A_905 : memref<1x112xi32, #tpu.memory_space<hbm>> -> memref<112xi32, #tpu.memory_space<hbm>>
      %dma_wait3A_907 = arith.constant 0 : i32
      %dma_wait3A_908 = tpu.memref_slice %arg7[%dma_wait3A_901, %dma_wait3A_907] : memref<5x112xi32, #tpu.memory_space<vmem>> -> memref<1x112xi32, #tpu.memory_space<vmem>>
      %dma_wait3A_909 = tpu.memref_squeeze %dma_wait3A_908 : memref<1x112xi32, #tpu.memory_space<vmem>> -> memref<112xi32, #tpu.memory_space<vmem>>
      %dma_wait3A_910 = tpu.memref_slice %arg2[%dma_wait3A_900, %add3A_675] : memref<2x800000xi32, #tpu.memory_space<hbm>> -> memref<1x112xi32, #tpu.memory_space<hbm>>
      %dma_wait3A_911 = tpu.memref_squeeze %dma_wait3A_910 : memref<1x112xi32, #tpu.memory_space<hbm>> -> memref<112xi32, #tpu.memory_space<hbm>>
      tpu.wait_dma2 semaphore(%arg20 : memref<!tpu.dma_semaphore, #tpu.memory_space<semaphore_mem>>) src(%dma_wait3A_911 : memref<112xi32, #tpu.memory_space<hbm>>) dst(%dma_wait3A_909 : memref<112xi32, #tpu.memory_space<vmem>>)
      %dma_start3A_912 = arith.constant 0 : i32
      %dma_start3A_913 = arith.constant 0 : i32
      %dma_start3A_914 = arith.constant 0 : i32
      %dma_start3A_915 = arith.constant 0 : i32
      %dma_start3A_916 = tpu.memref_slice %arg8[%dma_start3A_912, %dma_start3A_914, %dma_start3A_915] : memref<5x112x32xf32, #tpu.memory_space<vmem>> -> memref<1x112x32xf32, #tpu.memory_space<vmem>>
      %dma_start3A_917 = tpu.memref_squeeze %dma_start3A_916 : memref<1x112x32xf32, #tpu.memory_space<vmem>> -> memref<112x32xf32, #tpu.memory_space<vmem>>
      %dma_start3A_918 = arith.constant 0 : i32
      %dma_start3A_919 = tpu.memref_slice %arg7[%dma_start3A_913, %dma_start3A_918] : memref<5x112xi32, #tpu.memory_space<vmem>> -> memref<1x112xi32, #tpu.memory_space<vmem>>
      %dma_start3A_920 = tpu.memref_squeeze %dma_start3A_919 : memref<1x112xi32, #tpu.memory_space<vmem>> -> memref<112xi32, #tpu.memory_space<vmem>>
      %dma_start3A_921 = arith.constant 0 : i32
      %dma_start3A_922 = arith.constant 0 : i32
      %dma_start3A_923 = tpu.memref_slice %arg17[%dma_start3A_921, %dma_start3A_922] : memref<50176x32xf32, #tpu.memory_space<vmem_shared>> -> memref<50176x32xf32, #tpu.memory_space<vmem_shared>>
      tpu.enqueue_indirect_dma source(%dma_start3A_917 : memref<112x32xf32, #tpu.memory_space<vmem>>) target(%dma_start3A_923 : memref<50176x32xf32, #tpu.memory_space<vmem_shared>>) offsets(%dma_start3A_920 : memref<112xi32, #tpu.memory_space<vmem>>) semaphore(%arg22 : memref<!tpu.dma_semaphore, #tpu.memory_space<semaphore_mem>>) {add = true}
      %dma_wait3A_924 = arith.constant 1 : i32
      %dma_wait3A_925 = arith.constant 1 : i32
      %dma_wait3A_926 = arith.constant 0 : i32
      %dma_wait3A_927 = arith.constant 0 : i32
      %dma_wait3A_928 = tpu.memref_slice %arg8[%dma_wait3A_925, %dma_wait3A_926, %dma_wait3A_927] : memref<5x112x32xf32, #tpu.memory_space<vmem>> -> memref<1x112x32xf32, #tpu.memory_space<vmem>>
      %dma_wait3A_929 = tpu.memref_squeeze %dma_wait3A_928 : memref<1x112x32xf32, #tpu.memory_space<vmem>> -> memref<112x32xf32, #tpu.memory_space<vmem>>
      %dma_wait3A_930 = arith.constant 0 : i32
      %dma_wait3A_931 = tpu.memref_slice %arg6[%dma_wait3A_924, %dma_wait3A_930] : memref<5x112xi32, #tpu.memory_space<vmem>> -> memref<1x112xi32, #tpu.memory_space<vmem>>
      %dma_wait3A_932 = tpu.memref_squeeze %dma_wait3A_931 : memref<1x112xi32, #tpu.memory_space<vmem>> -> memref<112xi32, #tpu.memory_space<vmem>>
      %dma_wait3A_933 = arith.constant 0 : i32
      %dma_wait3A_934 = arith.constant 0 : i32
      %dma_wait3A_935 = tpu.memref_slice %arg5[%arg0, %dma_wait3A_933, %dma_wait3A_934] : memref<2x50176x32xf32, #tpu.memory_space<hbm>> -> memref<1x50176x32xf32, #tpu.memory_space<hbm>>
      %dma_wait3A_936 = tpu.memref_squeeze %dma_wait3A_935 : memref<1x50176x32xf32, #tpu.memory_space<hbm>> -> memref<50176x32xf32, #tpu.memory_space<hbm>>
      %dma_wait3A_937 = arith.constant 0 : i32
      %dma_wait3A_938 = arith.constant 0 : i32
      %dma_wait3A_939 = tpu.memref_slice %dma_wait3A_936[%dma_wait3A_937, %dma_wait3A_938] : memref<50176x32xf32, #tpu.memory_space<hbm>> -> memref<50176x32xf32, #tpu.memory_space<hbm>>
      tpu.wait_indirect_dma semaphore(%arg21 : memref<!tpu.dma_semaphore, #tpu.memory_space<semaphore_mem>>) src(%dma_wait3A_939 : memref<50176x32xf32, #tpu.memory_space<hbm>>) dst(%dma_wait3A_929 : memref<112x32xf32, #tpu.memory_space<vmem>>)
      %dma_wait3A_940 = arith.constant 1 : i32
      %dma_wait3A_941 = arith.constant 1 : i32
      %dma_wait3A_942 = arith.constant 0 : i32
      %dma_wait3A_943 = tpu.memref_slice %arg7[%dma_wait3A_941, %dma_wait3A_942] : memref<5x112xi32, #tpu.memory_space<vmem>> -> memref<1x112xi32, #tpu.memory_space<vmem>>
      %dma_wait3A_944 = tpu.memref_squeeze %dma_wait3A_943 : memref<1x112xi32, #tpu.memory_space<vmem>> -> memref<112xi32, #tpu.memory_space<vmem>>
      %dma_wait3A_945 = tpu.memref_slice %arg2[%dma_wait3A_940, %add3A_689] : memref<2x800000xi32, #tpu.memory_space<hbm>> -> memref<1x112xi32, #tpu.memory_space<hbm>>
      %dma_wait3A_946 = tpu.memref_squeeze %dma_wait3A_945 : memref<1x112xi32, #tpu.memory_space<hbm>> -> memref<112xi32, #tpu.memory_space<hbm>>
      %dma_wait3A_947 = arith.constant 0 : i32
      %dma_wait3A_948 = tpu.memref_slice %arg7[%dma_wait3A_941, %dma_wait3A_947] : memref<5x112xi32, #tpu.memory_space<vmem>> -> memref<1x112xi32, #tpu.memory_space<vmem>>
      %dma_wait3A_949 = tpu.memref_squeeze %dma_wait3A_948 : memref<1x112xi32, #tpu.memory_space<vmem>> -> memref<112xi32, #tpu.memory_space<vmem>>
      %dma_wait3A_950 = tpu.memref_slice %arg2[%dma_wait3A_940, %add3A_689] : memref<2x800000xi32, #tpu.memory_space<hbm>> -> memref<1x112xi32, #tpu.memory_space<hbm>>
      %dma_wait3A_951 = tpu.memref_squeeze %dma_wait3A_950 : memref<1x112xi32, #tpu.memory_space<hbm>> -> memref<112xi32, #tpu.memory_space<hbm>>
      tpu.wait_dma2 semaphore(%arg20 : memref<!tpu.dma_semaphore, #tpu.memory_space<semaphore_mem>>) src(%dma_wait3A_951 : memref<112xi32, #tpu.memory_space<hbm>>) dst(%dma_wait3A_949 : memref<112xi32, #tpu.memory_space<vmem>>)
      %dma_start3A_952 = arith.constant 1 : i32
      %dma_start3A_953 = arith.constant 1 : i32
      %dma_start3A_954 = arith.constant 0 : i32
      %dma_start3A_955 = arith.constant 0 : i32
      %dma_start3A_956 = tpu.memref_slice %arg8[%dma_start3A_952, %dma_start3A_954, %dma_start3A_955] : memref<5x112x32xf32, #tpu.memory_space<vmem>> -> memref<1x112x32xf32, #tpu.memory_space<vmem>>
      %dma_start3A_957 = tpu.memref_squeeze %dma_start3A_956 : memref<1x112x32xf32, #tpu.memory_space<vmem>> -> memref<112x32xf32, #tpu.memory_space<vmem>>
      %dma_start3A_958 = arith.constant 0 : i32
      %dma_start3A_959 = tpu.memref_slice %arg7[%dma_start3A_953, %dma_start3A_958] : memref<5x112xi32, #tpu.memory_space<vmem>> -> memref<1x112xi32, #tpu.memory_space<vmem>>
      %dma_start3A_960 = tpu.memref_squeeze %dma_start3A_959 : memref<1x112xi32, #tpu.memory_space<vmem>> -> memref<112xi32, #tpu.memory_space<vmem>>
      %dma_start3A_961 = arith.constant 0 : i32
      %dma_start3A_962 = arith.constant 0 : i32
      %dma_start3A_963 = tpu.memref_slice %arg17[%dma_start3A_961, %dma_start3A_962] : memref<50176x32xf32, #tpu.memory_space<vmem_shared>> -> memref<50176x32xf32, #tpu.memory_space<vmem_shared>>
      tpu.enqueue_indirect_dma source(%dma_start3A_957 : memref<112x32xf32, #tpu.memory_space<vmem>>) target(%dma_start3A_963 : memref<50176x32xf32, #tpu.memory_space<vmem_shared>>) offsets(%dma_start3A_960 : memref<112xi32, #tpu.memory_space<vmem>>) semaphore(%arg22 : memref<!tpu.dma_semaphore, #tpu.memory_space<semaphore_mem>>) {add = true}
      %dma_wait3A_964 = arith.constant 2 : i32
      %dma_wait3A_965 = arith.constant 2 : i32
      %dma_wait3A_966 = arith.constant 0 : i32
      %dma_wait3A_967 = arith.constant 0 : i32
      %dma_wait3A_968 = tpu.memref_slice %arg8[%dma_wait3A_965, %dma_wait3A_966, %dma_wait3A_967] : memref<5x112x32xf32, #tpu.memory_space<vmem>> -> memref<1x112x32xf32, #tpu.memory_space<vmem>>
      %dma_wait3A_969 = tpu.memref_squeeze %dma_wait3A_968 : memref<1x112x32xf32, #tpu.memory_space<vmem>> -> memref<112x32xf32, #tpu.memory_space<vmem>>
      %dma_wait3A_970 = arith.constant 0 : i32
      %dma_wait3A_971 = tpu.memref_slice %arg6[%dma_wait3A_964, %dma_wait3A_970] : memref<5x112xi32, #tpu.memory_space<vmem>> -> memref<1x112xi32, #tpu.memory_space<vmem>>
      %dma_wait3A_972 = tpu.memref_squeeze %dma_wait3A_971 : memref<1x112xi32, #tpu.memory_space<vmem>> -> memref<112xi32, #tpu.memory_space<vmem>>
      %dma_wait3A_973 = arith.constant 0 : i32
      %dma_wait3A_974 = arith.constant 0 : i32
      %dma_wait3A_975 = tpu.memref_slice %arg5[%arg0, %dma_wait3A_973, %dma_wait3A_974] : memref<2x50176x32xf32, #tpu.memory_space<hbm>> -> memref<1x50176x32xf32, #tpu.memory_space<hbm>>
      %dma_wait3A_976 = tpu.memref_squeeze %dma_wait3A_975 : memref<1x50176x32xf32, #tpu.memory_space<hbm>> -> memref<50176x32xf32, #tpu.memory_space<hbm>>
      %dma_wait3A_977 = arith.constant 0 : i32
      %dma_wait3A_978 = arith.constant 0 : i32
      %dma_wait3A_979 = tpu.memref_slice %dma_wait3A_976[%dma_wait3A_977, %dma_wait3A_978] : memref<50176x32xf32, #tpu.memory_space<hbm>> -> memref<50176x32xf32, #tpu.memory_space<hbm>>
      tpu.wait_indirect_dma semaphore(%arg21 : memref<!tpu.dma_semaphore, #tpu.memory_space<semaphore_mem>>) src(%dma_wait3A_979 : memref<50176x32xf32, #tpu.memory_space<hbm>>) dst(%dma_wait3A_969 : memref<112x32xf32, #tpu.memory_space<vmem>>)
      %dma_wait3A_980 = arith.constant 1 : i32
      %dma_wait3A_981 = arith.constant 2 : i32
      %dma_wait3A_982 = arith.constant 0 : i32
      %dma_wait3A_983 = tpu.memref_slice %arg7[%dma_wait3A_981, %dma_wait3A_982] : memref<5x112xi32, #tpu.memory_space<vmem>> -> memref<1x112xi32, #tpu.memory_space<vmem>>
      %dma_wait3A_984 = tpu.memref_squeeze %dma_wait3A_983 : memref<1x112xi32, #tpu.memory_space<vmem>> -> memref<112xi32, #tpu.memory_space<vmem>>
      %dma_wait3A_985 = tpu.memref_slice %arg2[%dma_wait3A_980, %add3A_703] : memref<2x800000xi32, #tpu.memory_space<hbm>> -> memref<1x112xi32, #tpu.memory_space<hbm>>
      %dma_wait3A_986 = tpu.memref_squeeze %dma_wait3A_985 : memref<1x112xi32, #tpu.memory_space<hbm>> -> memref<112xi32, #tpu.memory_space<hbm>>
      %dma_wait3A_987 = arith.constant 0 : i32
      %dma_wait3A_988 = tpu.memref_slice %arg7[%dma_wait3A_981, %dma_wait3A_987] : memref<5x112xi32, #tpu.memory_space<vmem>> -> memref<1x112xi32, #tpu.memory_space<vmem>>
      %dma_wait3A_989 = tpu.memref_squeeze %dma_wait3A_988 : memref<1x112xi32, #tpu.memory_space<vmem>> -> memref<112xi32, #tpu.memory_space<vmem>>
      %dma_wait3A_990 = tpu.memref_slice %arg2[%dma_wait3A_980, %add3A_703] : memref<2x800000xi32, #tpu.memory_space<hbm>> -> memref<1x112xi32, #tpu.memory_space<hbm>>
      %dma_wait3A_991 = tpu.memref_squeeze %dma_wait3A_990 : memref<1x112xi32, #tpu.memory_space<hbm>> -> memref<112xi32, #tpu.memory_space<hbm>>
      tpu.wait_dma2 semaphore(%arg20 : memref<!tpu.dma_semaphore, #tpu.memory_space<semaphore_mem>>) src(%dma_wait3A_991 : memref<112xi32, #tpu.memory_space<hbm>>) dst(%dma_wait3A_989 : memref<112xi32, #tpu.memory_space<vmem>>)
      %dma_start3A_992 = arith.constant 2 : i32
      %dma_start3A_993 = arith.constant 2 : i32
      %dma_start3A_994 = arith.constant 0 : i32
      %dma_start3A_995 = arith.constant 0 : i32
      %dma_start3A_996 = tpu.memref_slice %arg8[%dma_start3A_992, %dma_start3A_994, %dma_start3A_995] : memref<5x112x32xf32, #tpu.memory_space<vmem>> -> memref<1x112x32xf32, #tpu.memory_space<vmem>>
      %dma_start3A_997 = tpu.memref_squeeze %dma_start3A_996 : memref<1x112x32xf32, #tpu.memory_space<vmem>> -> memref<112x32xf32, #tpu.memory_space<vmem>>
      %dma_start3A_998 = arith.constant 0 : i32
      %dma_start3A_999 = tpu.memref_slice %arg7[%dma_start3A_993, %dma_start3A_998] : memref<5x112xi32, #tpu.memory_space<vmem>> -> memref<1x112xi32, #tpu.memory_space<vmem>>
      %dma_start3A_1000 = tpu.memref_squeeze %dma_start3A_999 : memref<1x112xi32, #tpu.memory_space<vmem>> -> memref<112xi32, #tpu.memory_space<vmem>>
      %dma_start3A_1001 = arith.constant 0 : i32
      %dma_start3A_1002 = arith.constant 0 : i32
      %dma_start3A_1003 = tpu.memref_slice %arg17[%dma_start3A_1001, %dma_start3A_1002] : memref<50176x32xf32, #tpu.memory_space<vmem_shared>> -> memref<50176x32xf32, #tpu.memory_space<vmem_shared>>
      tpu.enqueue_indirect_dma source(%dma_start3A_997 : memref<112x32xf32, #tpu.memory_space<vmem>>) target(%dma_start3A_1003 : memref<50176x32xf32, #tpu.memory_space<vmem_shared>>) offsets(%dma_start3A_1000 : memref<112xi32, #tpu.memory_space<vmem>>) semaphore(%arg22 : memref<!tpu.dma_semaphore, #tpu.memory_space<semaphore_mem>>) {add = true}
      %dma_wait3A_1004 = arith.constant 3 : i32
      %dma_wait3A_1005 = arith.constant 3 : i32
      %dma_wait3A_1006 = arith.constant 0 : i32
      %dma_wait3A_1007 = arith.constant 0 : i32
      %dma_wait3A_1008 = tpu.memref_slice %arg8[%dma_wait3A_1005, %dma_wait3A_1006, %dma_wait3A_1007] : memref<5x112x32xf32, #tpu.memory_space<vmem>> -> memref<1x112x32xf32, #tpu.memory_space<vmem>>
      %dma_wait3A_1009 = tpu.memref_squeeze %dma_wait3A_1008 : memref<1x112x32xf32, #tpu.memory_space<vmem>> -> memref<112x32xf32, #tpu.memory_space<vmem>>
      %dma_wait3A_1010 = arith.constant 0 : i32
      %dma_wait3A_1011 = tpu.memref_slice %arg6[%dma_wait3A_1004, %dma_wait3A_1010] : memref<5x112xi32, #tpu.memory_space<vmem>> -> memref<1x112xi32, #tpu.memory_space<vmem>>
      %dma_wait3A_1012 = tpu.memref_squeeze %dma_wait3A_1011 : memref<1x112xi32, #tpu.memory_space<vmem>> -> memref<112xi32, #tpu.memory_space<vmem>>
      %dma_wait3A_1013 = arith.constant 0 : i32
      %dma_wait3A_1014 = arith.constant 0 : i32
      %dma_wait3A_1015 = tpu.memref_slice %arg5[%arg0, %dma_wait3A_1013, %dma_wait3A_1014] : memref<2x50176x32xf32, #tpu.memory_space<hbm>> -> memref<1x50176x32xf32, #tpu.memory_space<hbm>>
      %dma_wait3A_1016 = tpu.memref_squeeze %dma_wait3A_1015 : memref<1x50176x32xf32, #tpu.memory_space<hbm>> -> memref<50176x32xf32, #tpu.memory_space<hbm>>
      %dma_wait3A_1017 = arith.constant 0 : i32
      %dma_wait3A_1018 = arith.constant 0 : i32
      %dma_wait3A_1019 = tpu.memref_slice %dma_wait3A_1016[%dma_wait3A_1017, %dma_wait3A_1018] : memref<50176x32xf32, #tpu.memory_space<hbm>> -> memref<50176x32xf32, #tpu.memory_space<hbm>>
      tpu.wait_indirect_dma semaphore(%arg21 : memref<!tpu.dma_semaphore, #tpu.memory_space<semaphore_mem>>) src(%dma_wait3A_1019 : memref<50176x32xf32, #tpu.memory_space<hbm>>) dst(%dma_wait3A_1009 : memref<112x32xf32, #tpu.memory_space<vmem>>)
      %dma_wait3A_1020 = arith.constant 1 : i32
      %dma_wait3A_1021 = arith.constant 3 : i32
      %dma_wait3A_1022 = arith.constant 0 : i32
      %dma_wait3A_1023 = tpu.memref_slice %arg7[%dma_wait3A_1021, %dma_wait3A_1022] : memref<5x112xi32, #tpu.memory_space<vmem>> -> memref<1x112xi32, #tpu.memory_space<vmem>>
      %dma_wait3A_1024 = tpu.memref_squeeze %dma_wait3A_1023 : memref<1x112xi32, #tpu.memory_space<vmem>> -> memref<112xi32, #tpu.memory_space<vmem>>
      %dma_wait3A_1025 = tpu.memref_slice %arg2[%dma_wait3A_1020, %add3A_717] : memref<2x800000xi32, #tpu.memory_space<hbm>> -> memref<1x112xi32, #tpu.memory_space<hbm>>
      %dma_wait3A_1026 = tpu.memref_squeeze %dma_wait3A_1025 : memref<1x112xi32, #tpu.memory_space<hbm>> -> memref<112xi32, #tpu.memory_space<hbm>>
      %dma_wait3A_1027 = arith.constant 0 : i32
      %dma_wait3A_1028 = tpu.memref_slice %arg7[%dma_wait3A_1021, %dma_wait3A_1027] : memref<5x112xi32, #tpu.memory_space<vmem>> -> memref<1x112xi32, #tpu.memory_space<vmem>>
      %dma_wait3A_1029 = tpu.memref_squeeze %dma_wait3A_1028 : memref<1x112xi32, #tpu.memory_space<vmem>> -> memref<112xi32, #tpu.memory_space<vmem>>
      %dma_wait3A_1030 = tpu.memref_slice %arg2[%dma_wait3A_1020, %add3A_717] : memref<2x800000xi32, #tpu.memory_space<hbm>> -> memref<1x112xi32, #tpu.memory_space<hbm>>
      %dma_wait3A_1031 = tpu.memref_squeeze %dma_wait3A_1030 : memref<1x112xi32, #tpu.memory_space<hbm>> -> memref<112xi32, #tpu.memory_space<hbm>>
      tpu.wait_dma2 semaphore(%arg20 : memref<!tpu.dma_semaphore, #tpu.memory_space<semaphore_mem>>) src(%dma_wait3A_1031 : memref<112xi32, #tpu.memory_space<hbm>>) dst(%dma_wait3A_1029 : memref<112xi32, #tpu.memory_space<vmem>>)
      %dma_start3A_1032 = arith.constant 3 : i32
      %dma_start3A_1033 = arith.constant 3 : i32
      %dma_start3A_1034 = arith.constant 0 : i32
      %dma_start3A_1035 = arith.constant 0 : i32
      %dma_start3A_1036 = tpu.memref_slice %arg8[%dma_start3A_1032, %dma_start3A_1034, %dma_start3A_1035] : memref<5x112x32xf32, #tpu.memory_space<vmem>> -> memref<1x112x32xf32, #tpu.memory_space<vmem>>
      %dma_start3A_1037 = tpu.memref_squeeze %dma_start3A_1036 : memref<1x112x32xf32, #tpu.memory_space<vmem>> -> memref<112x32xf32, #tpu.memory_space<vmem>>
      %dma_start3A_1038 = arith.constant 0 : i32
      %dma_start3A_1039 = tpu.memref_slice %arg7[%dma_start3A_1033, %dma_start3A_1038] : memref<5x112xi32, #tpu.memory_space<vmem>> -> memref<1x112xi32, #tpu.memory_space<vmem>>
      %dma_start3A_1040 = tpu.memref_squeeze %dma_start3A_1039 : memref<1x112xi32, #tpu.memory_space<vmem>> -> memref<112xi32, #tpu.memory_space<vmem>>
      %dma_start3A_1041 = arith.constant 0 : i32
      %dma_start3A_1042 = arith.constant 0 : i32
      %dma_start3A_1043 = tpu.memref_slice %arg17[%dma_start3A_1041, %dma_start3A_1042] : memref<50176x32xf32, #tpu.memory_space<vmem_shared>> -> memref<50176x32xf32, #tpu.memory_space<vmem_shared>>
      tpu.enqueue_indirect_dma source(%dma_start3A_1037 : memref<112x32xf32, #tpu.memory_space<vmem>>) target(%dma_start3A_1043 : memref<50176x32xf32, #tpu.memory_space<vmem_shared>>) offsets(%dma_start3A_1040 : memref<112xi32, #tpu.memory_space<vmem>>) semaphore(%arg22 : memref<!tpu.dma_semaphore, #tpu.memory_space<semaphore_mem>>) {add = true}
      %dma_wait3A_1044 = arith.constant 4 : i32
      %dma_wait3A_1045 = arith.constant 4 : i32
      %dma_wait3A_1046 = arith.constant 0 : i32
      %dma_wait3A_1047 = arith.constant 0 : i32
      %dma_wait3A_1048 = tpu.memref_slice %arg8[%dma_wait3A_1045, %dma_wait3A_1046, %dma_wait3A_1047] : memref<5x112x32xf32, #tpu.memory_space<vmem>> -> memref<1x112x32xf32, #tpu.memory_space<vmem>>
      %dma_wait3A_1049 = tpu.memref_squeeze %dma_wait3A_1048 : memref<1x112x32xf32, #tpu.memory_space<vmem>> -> memref<112x32xf32, #tpu.memory_space<vmem>>
      %dma_wait3A_1050 = arith.constant 0 : i32
      %dma_wait3A_1051 = tpu.memref_slice %arg6[%dma_wait3A_1044, %dma_wait3A_1050] : memref<5x112xi32, #tpu.memory_space<vmem>> -> memref<1x112xi32, #tpu.memory_space<vmem>>
      %dma_wait3A_1052 = tpu.memref_squeeze %dma_wait3A_1051 : memref<1x112xi32, #tpu.memory_space<vmem>> -> memref<112xi32, #tpu.memory_space<vmem>>
      %dma_wait3A_1053 = arith.constant 0 : i32
      %dma_wait3A_1054 = arith.constant 0 : i32
      %dma_wait3A_1055 = tpu.memref_slice %arg5[%arg0, %dma_wait3A_1053, %dma_wait3A_1054] : memref<2x50176x32xf32, #tpu.memory_space<hbm>> -> memref<1x50176x32xf32, #tpu.memory_space<hbm>>
      %dma_wait3A_1056 = tpu.memref_squeeze %dma_wait3A_1055 : memref<1x50176x32xf32, #tpu.memory_space<hbm>> -> memref<50176x32xf32, #tpu.memory_space<hbm>>
      %dma_wait3A_1057 = arith.constant 0 : i32
      %dma_wait3A_1058 = arith.constant 0 : i32
      %dma_wait3A_1059 = tpu.memref_slice %dma_wait3A_1056[%dma_wait3A_1057, %dma_wait3A_1058] : memref<50176x32xf32, #tpu.memory_space<hbm>> -> memref<50176x32xf32, #tpu.memory_space<hbm>>
      tpu.wait_indirect_dma semaphore(%arg21 : memref<!tpu.dma_semaphore, #tpu.memory_space<semaphore_mem>>) src(%dma_wait3A_1059 : memref<50176x32xf32, #tpu.memory_space<hbm>>) dst(%dma_wait3A_1049 : memref<112x32xf32, #tpu.memory_space<vmem>>)
      %dma_wait3A_1060 = arith.constant 1 : i32
      %dma_wait3A_1061 = arith.constant 4 : i32
      %dma_wait3A_1062 = arith.constant 0 : i32
      %dma_wait3A_1063 = tpu.memref_slice %arg7[%dma_wait3A_1061, %dma_wait3A_1062] : memref<5x112xi32, #tpu.memory_space<vmem>> -> memref<1x112xi32, #tpu.memory_space<vmem>>
      %dma_wait3A_1064 = tpu.memref_squeeze %dma_wait3A_1063 : memref<1x112xi32, #tpu.memory_space<vmem>> -> memref<112xi32, #tpu.memory_space<vmem>>
      %dma_wait3A_1065 = tpu.memref_slice %arg2[%dma_wait3A_1060, %add3A_731] : memref<2x800000xi32, #tpu.memory_space<hbm>> -> memref<1x112xi32, #tpu.memory_space<hbm>>
      %dma_wait3A_1066 = tpu.memref_squeeze %dma_wait3A_1065 : memref<1x112xi32, #tpu.memory_space<hbm>> -> memref<112xi32, #tpu.memory_space<hbm>>
      %dma_wait3A_1067 = arith.constant 0 : i32
      %dma_wait3A_1068 = tpu.memref_slice %arg7[%dma_wait3A_1061, %dma_wait3A_1067] : memref<5x112xi32, #tpu.memory_space<vmem>> -> memref<1x112xi32, #tpu.memory_space<vmem>>
      %dma_wait3A_1069 = tpu.memref_squeeze %dma_wait3A_1068 : memref<1x112xi32, #tpu.memory_space<vmem>> -> memref<112xi32, #tpu.memory_space<vmem>>
      %dma_wait3A_1070 = tpu.memref_slice %arg2[%dma_wait3A_1060, %add3A_731] : memref<2x800000xi32, #tpu.memory_space<hbm>> -> memref<1x112xi32, #tpu.memory_space<hbm>>
      %dma_wait3A_1071 = tpu.memref_squeeze %dma_wait3A_1070 : memref<1x112xi32, #tpu.memory_space<hbm>> -> memref<112xi32, #tpu.memory_space<hbm>>
      tpu.wait_dma2 semaphore(%arg20 : memref<!tpu.dma_semaphore, #tpu.memory_space<semaphore_mem>>) src(%dma_wait3A_1071 : memref<112xi32, #tpu.memory_space<hbm>>) dst(%dma_wait3A_1069 : memref<112xi32, #tpu.memory_space<vmem>>)
      %dma_start3A_1072 = arith.constant 4 : i32
      %dma_start3A_1073 = arith.constant 4 : i32
      %dma_start3A_1074 = arith.constant 0 : i32
      %dma_start3A_1075 = arith.constant 0 : i32
      %dma_start3A_1076 = tpu.memref_slice %arg8[%dma_start3A_1072, %dma_start3A_1074, %dma_start3A_1075] : memref<5x112x32xf32, #tpu.memory_space<vmem>> -> memref<1x112x32xf32, #tpu.memory_space<vmem>>
      %dma_start3A_1077 = tpu.memref_squeeze %dma_start3A_1076 : memref<1x112x32xf32, #tpu.memory_space<vmem>> -> memref<112x32xf32, #tpu.memory_space<vmem>>
      %dma_start3A_1078 = arith.constant 0 : i32
      %dma_start3A_1079 = tpu.memref_slice %arg7[%dma_start3A_1073, %dma_start3A_1078] : memref<5x112xi32, #tpu.memory_space<vmem>> -> memref<1x112xi32, #tpu.memory_space<vmem>>
      %dma_start3A_1080 = tpu.memref_squeeze %dma_start3A_1079 : memref<1x112xi32, #tpu.memory_space<vmem>> -> memref<112xi32, #tpu.memory_space<vmem>>
      %dma_start3A_1081 = arith.constant 0 : i32
      %dma_start3A_1082 = arith.constant 0 : i32
      %dma_start3A_1083 = tpu.memref_slice %arg17[%dma_start3A_1081, %dma_start3A_1082] : memref<50176x32xf32, #tpu.memory_space<vmem_shared>> -> memref<50176x32xf32, #tpu.memory_space<vmem_shared>>
      tpu.enqueue_indirect_dma source(%dma_start3A_1077 : memref<112x32xf32, #tpu.memory_space<vmem>>) target(%dma_start3A_1083 : memref<50176x32xf32, #tpu.memory_space<vmem_shared>>) offsets(%dma_start3A_1080 : memref<112xi32, #tpu.memory_space<vmem>>) semaphore(%arg22 : memref<!tpu.dma_semaphore, #tpu.memory_space<semaphore_mem>>) {add = true}
      %dma_wait3A_1084 = arith.constant 0 : i32
      %dma_wait3A_1085 = arith.constant 0 : i32
      %dma_wait3A_1086 = arith.constant 0 : i32
      %dma_wait3A_1087 = arith.constant 0 : i32
      %dma_wait3A_1088 = tpu.memref_slice %arg8[%dma_wait3A_1084, %dma_wait3A_1086, %dma_wait3A_1087] : memref<5x112x32xf32, #tpu.memory_space<vmem>> -> memref<1x112x32xf32, #tpu.memory_space<vmem>>
      %dma_wait3A_1089 = tpu.memref_squeeze %dma_wait3A_1088 : memref<1x112x32xf32, #tpu.memory_space<vmem>> -> memref<112x32xf32, #tpu.memory_space<vmem>>
      %dma_wait3A_1090 = arith.constant 0 : i32
      %dma_wait3A_1091 = tpu.memref_slice %arg7[%dma_wait3A_1085, %dma_wait3A_1090] : memref<5x112xi32, #tpu.memory_space<vmem>> -> memref<1x112xi32, #tpu.memory_space<vmem>>
      %dma_wait3A_1092 = tpu.memref_squeeze %dma_wait3A_1091 : memref<1x112xi32, #tpu.memory_space<vmem>> -> memref<112xi32, #tpu.memory_space<vmem>>
      %dma_wait3A_1093 = arith.constant 0 : i32
      %dma_wait3A_1094 = arith.constant 0 : i32
      %dma_wait3A_1095 = tpu.memref_slice %arg17[%dma_wait3A_1093, %dma_wait3A_1094] : memref<50176x32xf32, #tpu.memory_space<vmem_shared>> -> memref<50176x32xf32, #tpu.memory_space<vmem_shared>>
      tpu.wait_indirect_dma semaphore(%arg22 : memref<!tpu.dma_semaphore, #tpu.memory_space<semaphore_mem>>) src(%dma_wait3A_1089 : memref<112x32xf32, #tpu.memory_space<vmem>>) dst(%dma_wait3A_1095 : memref<50176x32xf32, #tpu.memory_space<vmem_shared>>)
      %dma_wait3A_1096 = arith.constant 1 : i32
      %dma_wait3A_1097 = arith.constant 1 : i32
      %dma_wait3A_1098 = arith.constant 0 : i32
      %dma_wait3A_1099 = arith.constant 0 : i32
      %dma_wait3A_1100 = tpu.memref_slice %arg8[%dma_wait3A_1096, %dma_wait3A_1098, %dma_wait3A_1099] : memref<5x112x32xf32, #tpu.memory_space<vmem>> -> memref<1x112x32xf32, #tpu.memory_space<vmem>>
      %dma_wait3A_1101 = tpu.memref_squeeze %dma_wait3A_1100 : memref<1x112x32xf32, #tpu.memory_space<vmem>> -> memref<112x32xf32, #tpu.memory_space<vmem>>
      %dma_wait3A_1102 = arith.constant 0 : i32
      %dma_wait3A_1103 = tpu.memref_slice %arg7[%dma_wait3A_1097, %dma_wait3A_1102] : memref<5x112xi32, #tpu.memory_space<vmem>> -> memref<1x112xi32, #tpu.memory_space<vmem>>
      %dma_wait3A_1104 = tpu.memref_squeeze %dma_wait3A_1103 : memref<1x112xi32, #tpu.memory_space<vmem>> -> memref<112xi32, #tpu.memory_space<vmem>>
      %dma_wait3A_1105 = arith.constant 0 : i32
      %dma_wait3A_1106 = arith.constant 0 : i32
      %dma_wait3A_1107 = tpu.memref_slice %arg17[%dma_wait3A_1105, %dma_wait3A_1106] : memref<50176x32xf32, #tpu.memory_space<vmem_shared>> -> memref<50176x32xf32, #tpu.memory_space<vmem_shared>>
      tpu.wait_indirect_dma semaphore(%arg22 : memref<!tpu.dma_semaphore, #tpu.memory_space<semaphore_mem>>) src(%dma_wait3A_1101 : memref<112x32xf32, #tpu.memory_space<vmem>>) dst(%dma_wait3A_1107 : memref<50176x32xf32, #tpu.memory_space<vmem_shared>>)
      %dma_wait3A_1108 = arith.constant 2 : i32
      %dma_wait3A_1109 = arith.constant 2 : i32
      %dma_wait3A_1110 = arith.constant 0 : i32
      %dma_wait3A_1111 = arith.constant 0 : i32
      %dma_wait3A_1112 = tpu.memref_slice %arg8[%dma_wait3A_1108, %dma_wait3A_1110, %dma_wait3A_1111] : memref<5x112x32xf32, #tpu.memory_space<vmem>> -> memref<1x112x32xf32, #tpu.memory_space<vmem>>
      %dma_wait3A_1113 = tpu.memref_squeeze %dma_wait3A_1112 : memref<1x112x32xf32, #tpu.memory_space<vmem>> -> memref<112x32xf32, #tpu.memory_space<vmem>>
      %dma_wait3A_1114 = arith.constant 0 : i32
      %dma_wait3A_1115 = tpu.memref_slice %arg7[%dma_wait3A_1109, %dma_wait3A_1114] : memref<5x112xi32, #tpu.memory_space<vmem>> -> memref<1x112xi32, #tpu.memory_space<vmem>>
      %dma_wait3A_1116 = tpu.memref_squeeze %dma_wait3A_1115 : memref<1x112xi32, #tpu.memory_space<vmem>> -> memref<112xi32, #tpu.memory_space<vmem>>
      %dma_wait3A_1117 = arith.constant 0 : i32
      %dma_wait3A_1118 = arith.constant 0 : i32
      %dma_wait3A_1119 = tpu.memref_slice %arg17[%dma_wait3A_1117, %dma_wait3A_1118] : memref<50176x32xf32, #tpu.memory_space<vmem_shared>> -> memref<50176x32xf32, #tpu.memory_space<vmem_shared>>
      tpu.wait_indirect_dma semaphore(%arg22 : memref<!tpu.dma_semaphore, #tpu.memory_space<semaphore_mem>>) src(%dma_wait3A_1113 : memref<112x32xf32, #tpu.memory_space<vmem>>) dst(%dma_wait3A_1119 : memref<50176x32xf32, #tpu.memory_space<vmem_shared>>)
      %dma_wait3A_1120 = arith.constant 3 : i32
      %dma_wait3A_1121 = arith.constant 3 : i32
      %dma_wait3A_1122 = arith.constant 0 : i32
      %dma_wait3A_1123 = arith.constant 0 : i32
      %dma_wait3A_1124 = tpu.memref_slice %arg8[%dma_wait3A_1120, %dma_wait3A_1122, %dma_wait3A_1123] : memref<5x112x32xf32, #tpu.memory_space<vmem>> -> memref<1x112x32xf32, #tpu.memory_space<vmem>>
      %dma_wait3A_1125 = tpu.memref_squeeze %dma_wait3A_1124 : memref<1x112x32xf32, #tpu.memory_space<vmem>> -> memref<112x32xf32, #tpu.memory_space<vmem>>
      %dma_wait3A_1126 = arith.constant 0 : i32
      %dma_wait3A_1127 = tpu.memref_slice %arg7[%dma_wait3A_1121, %dma_wait3A_1126] : memref<5x112xi32, #tpu.memory_space<vmem>> -> memref<1x112xi32, #tpu.memory_space<vmem>>
      %dma_wait3A_1128 = tpu.memref_squeeze %dma_wait3A_1127 : memref<1x112xi32, #tpu.memory_space<vmem>> -> memref<112xi32, #tpu.memory_space<vmem>>
      %dma_wait3A_1129 = arith.constant 0 : i32
      %dma_wait3A_1130 = arith.constant 0 : i32
      %dma_wait3A_1131 = tpu.memref_slice %arg17[%dma_wait3A_1129, %dma_wait3A_1130] : memref<50176x32xf32, #tpu.memory_space<vmem_shared>> -> memref<50176x32xf32, #tpu.memory_space<vmem_shared>>
      tpu.wait_indirect_dma semaphore(%arg22 : memref<!tpu.dma_semaphore, #tpu.memory_space<semaphore_mem>>) src(%dma_wait3A_1125 : memref<112x32xf32, #tpu.memory_space<vmem>>) dst(%dma_wait3A_1131 : memref<50176x32xf32, #tpu.memory_space<vmem_shared>>)
      %dma_wait3A_1132 = arith.constant 4 : i32
      %dma_wait3A_1133 = arith.constant 4 : i32
      %dma_wait3A_1134 = arith.constant 0 : i32
      %dma_wait3A_1135 = arith.constant 0 : i32
      %dma_wait3A_1136 = tpu.memref_slice %arg8[%dma_wait3A_1132, %dma_wait3A_1134, %dma_wait3A_1135] : memref<5x112x32xf32, #tpu.memory_space<vmem>> -> memref<1x112x32xf32, #tpu.memory_space<vmem>>
      %dma_wait3A_1137 = tpu.memref_squeeze %dma_wait3A_1136 : memref<1x112x32xf32, #tpu.memory_space<vmem>> -> memref<112x32xf32, #tpu.memory_space<vmem>>
      %dma_wait3A_1138 = arith.constant 0 : i32
      %dma_wait3A_1139 = tpu.memref_slice %arg7[%dma_wait3A_1133, %dma_wait3A_1138] : memref<5x112xi32, #tpu.memory_space<vmem>> -> memref<1x112xi32, #tpu.memory_space<vmem>>
      %dma_wait3A_1140 = tpu.memref_squeeze %dma_wait3A_1139 : memref<1x112xi32, #tpu.memory_space<vmem>> -> memref<112xi32, #tpu.memory_space<vmem>>
      %dma_wait3A_1141 = arith.constant 0 : i32
      %dma_wait3A_1142 = arith.constant 0 : i32
      %dma_wait3A_1143 = tpu.memref_slice %arg17[%dma_wait3A_1141, %dma_wait3A_1142] : memref<50176x32xf32, #tpu.memory_space<vmem_shared>> -> memref<50176x32xf32, #tpu.memory_space<vmem_shared>>
      tpu.wait_indirect_dma semaphore(%arg22 : memref<!tpu.dma_semaphore, #tpu.memory_space<semaphore_mem>>) src(%dma_wait3A_1137 : memref<112x32xf32, #tpu.memory_space<vmem>>) dst(%dma_wait3A_1143 : memref<50176x32xf32, #tpu.memory_space<vmem_shared>>)
    }
    %scan3A_119 = arith.constant 89 : i32
    %dma_start3A_120 = arith.constant 0 : i32
    %dma_start3A_121 = arith.constant 0 : i32
    %dma_start3A_122 = arith.constant 0 : i32
    %dma_start3A_123 = tpu.memref_slice %arg6[%dma_start3A_121, %dma_start3A_122] : memref<5x112xi32, #tpu.memory_space<vmem>> -> memref<1x112xi32, #tpu.memory_space<vmem>>
    %dma_start3A_124 = tpu.memref_squeeze %dma_start3A_123 : memref<1x112xi32, #tpu.memory_space<vmem>> -> memref<112xi32, #tpu.memory_space<vmem>>
    %dma_start3A_125 = tpu.memref_slice %arg2[%dma_start3A_120, %add3A_1] : memref<2x800000xi32, #tpu.memory_space<hbm>> -> memref<1x112xi32, #tpu.memory_space<hbm>>
    %dma_start3A_126 = tpu.memref_squeeze %dma_start3A_125 : memref<1x112xi32, #tpu.memory_space<hbm>> -> memref<112xi32, #tpu.memory_space<hbm>>
    %dma_start3A_127 = arith.constant 0 : i32
    %dma_start3A_128 = tpu.memref_slice %arg6[%dma_start3A_121, %dma_start3A_127] : memref<5x112xi32, #tpu.memory_space<vmem>> -> memref<1x112xi32, #tpu.memory_space<vmem>>
    %dma_start3A_129 = tpu.memref_squeeze %dma_start3A_128 : memref<1x112xi32, #tpu.memory_space<vmem>> -> memref<112xi32, #tpu.memory_space<vmem>>
    %dma_start3A_130 = tpu.memref_slice %arg2[%dma_start3A_120, %add3A_1] : memref<2x800000xi32, #tpu.memory_space<hbm>> -> memref<1x112xi32, #tpu.memory_space<hbm>>
    %dma_start3A_131 = tpu.memref_squeeze %dma_start3A_130 : memref<1x112xi32, #tpu.memory_space<hbm>> -> memref<112xi32, #tpu.memory_space<hbm>>
    tpu.enqueue_dma source(%dma_start3A_131 : memref<112xi32, #tpu.memory_space<hbm>>) target(%dma_start3A_129 : memref<112xi32, #tpu.memory_space<vmem>>) target_semaphore(%arg19 : memref<!tpu.dma_semaphore, #tpu.memory_space<semaphore_mem>>)
    %add3A_132 = arith.constant 112 : i32
    %add3A_133 = arith.addi %add3A_1, %add3A_132 : i32
    %dma_start3A_134 = arith.constant 0 : i32
    %dma_start3A_135 = tpu.memref_slice %arg2[%dma_start3A_134, %add3A_133] : memref<2x800000xi32, #tpu.memory_space<hbm>> -> memref<1x48xi32, #tpu.memory_space<hbm>>
    %dma_start3A_136 = tpu.memref_squeeze %dma_start3A_135 : memref<1x48xi32, #tpu.memory_space<hbm>> -> memref<48xi32, #tpu.memory_space<hbm>>
    %dma_start3A_137 = tpu.memref_slice %arg2[%dma_start3A_134, %add3A_133] : memref<2x800000xi32, #tpu.memory_space<hbm>> -> memref<1x48xi32, #tpu.memory_space<hbm>>
    %dma_start3A_138 = tpu.memref_squeeze %dma_start3A_137 : memref<1x48xi32, #tpu.memory_space<hbm>> -> memref<48xi32, #tpu.memory_space<hbm>>
    tpu.enqueue_dma source(%dma_start3A_138 : memref<48xi32, #tpu.memory_space<hbm>>) target(%arg14 : memref<48xi32, #tpu.memory_space<vmem>>) target_semaphore(%arg19 : memref<!tpu.dma_semaphore, #tpu.memory_space<semaphore_mem>>)
    %dma_start3A_139 = arith.constant 1 : i32
    %dma_start3A_140 = arith.constant 0 : i32
    %dma_start3A_141 = arith.constant 0 : i32
    %dma_start3A_142 = tpu.memref_slice %arg7[%dma_start3A_140, %dma_start3A_141] : memref<5x112xi32, #tpu.memory_space<vmem>> -> memref<1x112xi32, #tpu.memory_space<vmem>>
    %dma_start3A_143 = tpu.memref_squeeze %dma_start3A_142 : memref<1x112xi32, #tpu.memory_space<vmem>> -> memref<112xi32, #tpu.memory_space<vmem>>
    %dma_start3A_144 = tpu.memref_slice %arg2[%dma_start3A_139, %add3A_1] : memref<2x800000xi32, #tpu.memory_space<hbm>> -> memref<1x112xi32, #tpu.memory_space<hbm>>
    %dma_start3A_145 = tpu.memref_squeeze %dma_start3A_144 : memref<1x112xi32, #tpu.memory_space<hbm>> -> memref<112xi32, #tpu.memory_space<hbm>>
    %dma_start3A_146 = arith.constant 0 : i32
    %dma_start3A_147 = tpu.memref_slice %arg7[%dma_start3A_140, %dma_start3A_146] : memref<5x112xi32, #tpu.memory_space<vmem>> -> memref<1x112xi32, #tpu.memory_space<vmem>>
    %dma_start3A_148 = tpu.memref_squeeze %dma_start3A_147 : memref<1x112xi32, #tpu.memory_space<vmem>> -> memref<112xi32, #tpu.memory_space<vmem>>
    %dma_start3A_149 = tpu.memref_slice %arg2[%dma_start3A_139, %add3A_1] : memref<2x800000xi32, #tpu.memory_space<hbm>> -> memref<1x112xi32, #tpu.memory_space<hbm>>
    %dma_start3A_150 = tpu.memref_squeeze %dma_start3A_149 : memref<1x112xi32, #tpu.memory_space<hbm>> -> memref<112xi32, #tpu.memory_space<hbm>>
    tpu.enqueue_dma source(%dma_start3A_150 : memref<112xi32, #tpu.memory_space<hbm>>) target(%dma_start3A_148 : memref<112xi32, #tpu.memory_space<vmem>>) target_semaphore(%arg20 : memref<!tpu.dma_semaphore, #tpu.memory_space<semaphore_mem>>)
    %add3A_151 = arith.constant 112 : i32
    %add3A_152 = arith.addi %add3A_1, %add3A_151 : i32
    %dma_start3A_153 = arith.constant 1 : i32
    %dma_start3A_154 = tpu.memref_slice %arg2[%dma_start3A_153, %add3A_152] : memref<2x800000xi32, #tpu.memory_space<hbm>> -> memref<1x48xi32, #tpu.memory_space<hbm>>
    %dma_start3A_155 = tpu.memref_squeeze %dma_start3A_154 : memref<1x48xi32, #tpu.memory_space<hbm>> -> memref<48xi32, #tpu.memory_space<hbm>>
    %dma_start3A_156 = tpu.memref_slice %arg2[%dma_start3A_153, %add3A_152] : memref<2x800000xi32, #tpu.memory_space<hbm>> -> memref<1x48xi32, #tpu.memory_space<hbm>>
    %dma_start3A_157 = tpu.memref_squeeze %dma_start3A_156 : memref<1x48xi32, #tpu.memory_space<hbm>> -> memref<48xi32, #tpu.memory_space<hbm>>
    tpu.enqueue_dma source(%dma_start3A_157 : memref<48xi32, #tpu.memory_space<hbm>>) target(%arg15 : memref<48xi32, #tpu.memory_space<vmem>>) target_semaphore(%arg20 : memref<!tpu.dma_semaphore, #tpu.memory_space<semaphore_mem>>)
    %dma_wait3A_158 = arith.constant 0 : i32
    %dma_wait3A_159 = arith.constant 0 : i32
    %dma_wait3A_160 = arith.constant 0 : i32
    %dma_wait3A_161 = tpu.memref_slice %arg6[%dma_wait3A_159, %dma_wait3A_160] : memref<5x112xi32, #tpu.memory_space<vmem>> -> memref<1x112xi32, #tpu.memory_space<vmem>>
    %dma_wait3A_162 = tpu.memref_squeeze %dma_wait3A_161 : memref<1x112xi32, #tpu.memory_space<vmem>> -> memref<112xi32, #tpu.memory_space<vmem>>
    %dma_wait3A_163 = tpu.memref_slice %arg2[%dma_wait3A_158, %add3A_1] : memref<2x800000xi32, #tpu.memory_space<hbm>> -> memref<1x112xi32, #tpu.memory_space<hbm>>
    %dma_wait3A_164 = tpu.memref_squeeze %dma_wait3A_163 : memref<1x112xi32, #tpu.memory_space<hbm>> -> memref<112xi32, #tpu.memory_space<hbm>>
    %dma_wait3A_165 = arith.constant 0 : i32
    %dma_wait3A_166 = tpu.memref_slice %arg6[%dma_wait3A_159, %dma_wait3A_165] : memref<5x112xi32, #tpu.memory_space<vmem>> -> memref<1x112xi32, #tpu.memory_space<vmem>>
    %dma_wait3A_167 = tpu.memref_squeeze %dma_wait3A_166 : memref<1x112xi32, #tpu.memory_space<vmem>> -> memref<112xi32, #tpu.memory_space<vmem>>
    %dma_wait3A_168 = tpu.memref_slice %arg2[%dma_wait3A_158, %add3A_1] : memref<2x800000xi32, #tpu.memory_space<hbm>> -> memref<1x112xi32, #tpu.memory_space<hbm>>
    %dma_wait3A_169 = tpu.memref_squeeze %dma_wait3A_168 : memref<1x112xi32, #tpu.memory_space<hbm>> -> memref<112xi32, #tpu.memory_space<hbm>>
    tpu.wait_dma2 semaphore(%arg19 : memref<!tpu.dma_semaphore, #tpu.memory_space<semaphore_mem>>) src(%dma_wait3A_169 : memref<112xi32, #tpu.memory_space<hbm>>) dst(%dma_wait3A_167 : memref<112xi32, #tpu.memory_space<vmem>>)
    %dma_start3A_170 = arith.constant 0 : i32
    %dma_start3A_171 = arith.constant 0 : i32
    %dma_start3A_172 = arith.constant 0 : i32
    %dma_start3A_173 = arith.constant 0 : i32
    %dma_start3A_174 = tpu.memref_slice %arg8[%dma_start3A_171, %dma_start3A_172, %dma_start3A_173] : memref<5x112x32xf32, #tpu.memory_space<vmem>> -> memref<1x112x32xf32, #tpu.memory_space<vmem>>
    %dma_start3A_175 = tpu.memref_squeeze %dma_start3A_174 : memref<1x112x32xf32, #tpu.memory_space<vmem>> -> memref<112x32xf32, #tpu.memory_space<vmem>>
    %dma_start3A_176 = arith.constant 0 : i32
    %dma_start3A_177 = tpu.memref_slice %arg6[%dma_start3A_170, %dma_start3A_176] : memref<5x112xi32, #tpu.memory_space<vmem>> -> memref<1x112xi32, #tpu.memory_space<vmem>>
    %dma_start3A_178 = tpu.memref_squeeze %dma_start3A_177 : memref<1x112xi32, #tpu.memory_space<vmem>> -> memref<112xi32, #tpu.memory_space<vmem>>
    %dma_start3A_179 = arith.constant 0 : i32
    %dma_start3A_180 = arith.constant 0 : i32
    %dma_start3A_181 = tpu.memref_slice %arg5[%arg0, %dma_start3A_179, %dma_start3A_180] : memref<2x50176x32xf32, #tpu.memory_space<hbm>> -> memref<1x50176x32xf32, #tpu.memory_space<hbm>>
    %dma_start3A_182 = tpu.memref_squeeze %dma_start3A_181 : memref<1x50176x32xf32, #tpu.memory_space<hbm>> -> memref<50176x32xf32, #tpu.memory_space<hbm>>
    %dma_start3A_183 = arith.constant 0 : i32
    %dma_start3A_184 = arith.constant 0 : i32
    %dma_start3A_185 = tpu.memref_slice %dma_start3A_182[%dma_start3A_183, %dma_start3A_184] : memref<50176x32xf32, #tpu.memory_space<hbm>> -> memref<50176x32xf32, #tpu.memory_space<hbm>>
    tpu.enqueue_indirect_dma source(%dma_start3A_185 : memref<50176x32xf32, #tpu.memory_space<hbm>>) target(%dma_start3A_175 : memref<112x32xf32, #tpu.memory_space<vmem>>) offsets(%dma_start3A_178 : memref<112xi32, #tpu.memory_space<vmem>>) semaphore(%arg21 : memref<!tpu.dma_semaphore, #tpu.memory_space<semaphore_mem>>)
    %dma_wait3A_186 = arith.constant 0 : i32
    %dma_wait3A_187 = tpu.memref_slice %arg2[%dma_wait3A_186, %add3A_133] : memref<2x800000xi32, #tpu.memory_space<hbm>> -> memref<1x48xi32, #tpu.memory_space<hbm>>
    %dma_wait3A_188 = tpu.memref_squeeze %dma_wait3A_187 : memref<1x48xi32, #tpu.memory_space<hbm>> -> memref<48xi32, #tpu.memory_space<hbm>>
    %dma_wait3A_189 = tpu.memref_slice %arg2[%dma_wait3A_186, %add3A_133] : memref<2x800000xi32, #tpu.memory_space<hbm>> -> memref<1x48xi32, #tpu.memory_space<hbm>>
    %dma_wait3A_190 = tpu.memref_squeeze %dma_wait3A_189 : memref<1x48xi32, #tpu.memory_space<hbm>> -> memref<48xi32, #tpu.memory_space<hbm>>
    tpu.wait_dma2 semaphore(%arg19 : memref<!tpu.dma_semaphore, #tpu.memory_space<semaphore_mem>>) src(%dma_wait3A_190 : memref<48xi32, #tpu.memory_space<hbm>>) dst(%arg14 : memref<48xi32, #tpu.memory_space<vmem>>)
    %dma_start3A_191 = arith.constant 0 : i32
    %dma_start3A_192 = arith.constant 0 : i32
    %dma_start3A_193 = tpu.memref_slice %arg5[%arg0, %dma_start3A_191, %dma_start3A_192] : memref<2x50176x32xf32, #tpu.memory_space<hbm>> -> memref<1x50176x32xf32, #tpu.memory_space<hbm>>
    %dma_start3A_194 = tpu.memref_squeeze %dma_start3A_193 : memref<1x50176x32xf32, #tpu.memory_space<hbm>> -> memref<50176x32xf32, #tpu.memory_space<hbm>>
    %dma_start3A_195 = arith.constant 0 : i32
    %dma_start3A_196 = arith.constant 0 : i32
    %dma_start3A_197 = tpu.memref_slice %dma_start3A_194[%dma_start3A_195, %dma_start3A_196] : memref<50176x32xf32, #tpu.memory_space<hbm>> -> memref<50176x32xf32, #tpu.memory_space<hbm>>
    tpu.enqueue_indirect_dma source(%dma_start3A_197 : memref<50176x32xf32, #tpu.memory_space<hbm>>) target(%arg16 : memref<48x32xf32, #tpu.memory_space<vmem>>) offsets(%arg14 : memref<48xi32, #tpu.memory_space<vmem>>) semaphore(%arg21 : memref<!tpu.dma_semaphore, #tpu.memory_space<semaphore_mem>>)
    %dma_wait3A_198 = arith.constant 0 : i32
    %dma_wait3A_199 = arith.constant 0 : i32
    %dma_wait3A_200 = arith.constant 0 : i32
    %dma_wait3A_201 = arith.constant 0 : i32
    %dma_wait3A_202 = tpu.memref_slice %arg8[%dma_wait3A_199, %dma_wait3A_200, %dma_wait3A_201] : memref<5x112x32xf32, #tpu.memory_space<vmem>> -> memref<1x112x32xf32, #tpu.memory_space<vmem>>
    %dma_wait3A_203 = tpu.memref_squeeze %dma_wait3A_202 : memref<1x112x32xf32, #tpu.memory_space<vmem>> -> memref<112x32xf32, #tpu.memory_space<vmem>>
    %dma_wait3A_204 = arith.constant 0 : i32
    %dma_wait3A_205 = tpu.memref_slice %arg6[%dma_wait3A_198, %dma_wait3A_204] : memref<5x112xi32, #tpu.memory_space<vmem>> -> memref<1x112xi32, #tpu.memory_space<vmem>>
    %dma_wait3A_206 = tpu.memref_squeeze %dma_wait3A_205 : memref<1x112xi32, #tpu.memory_space<vmem>> -> memref<112xi32, #tpu.memory_space<vmem>>
    %dma_wait3A_207 = arith.constant 0 : i32
    %dma_wait3A_208 = arith.constant 0 : i32
    %dma_wait3A_209 = tpu.memref_slice %arg5[%arg0, %dma_wait3A_207, %dma_wait3A_208] : memref<2x50176x32xf32, #tpu.memory_space<hbm>> -> memref<1x50176x32xf32, #tpu.memory_space<hbm>>
    %dma_wait3A_210 = tpu.memref_squeeze %dma_wait3A_209 : memref<1x50176x32xf32, #tpu.memory_space<hbm>> -> memref<50176x32xf32, #tpu.memory_space<hbm>>
    %dma_wait3A_211 = arith.constant 0 : i32
    %dma_wait3A_212 = arith.constant 0 : i32
    %dma_wait3A_213 = tpu.memref_slice %dma_wait3A_210[%dma_wait3A_211, %dma_wait3A_212] : memref<50176x32xf32, #tpu.memory_space<hbm>> -> memref<50176x32xf32, #tpu.memory_space<hbm>>
    tpu.wait_indirect_dma semaphore(%arg21 : memref<!tpu.dma_semaphore, #tpu.memory_space<semaphore_mem>>) src(%dma_wait3A_213 : memref<50176x32xf32, #tpu.memory_space<hbm>>) dst(%dma_wait3A_203 : memref<112x32xf32, #tpu.memory_space<vmem>>)
    %dma_wait3A_214 = arith.constant 1 : i32
    %dma_wait3A_215 = arith.constant 0 : i32
    %dma_wait3A_216 = arith.constant 0 : i32
    %dma_wait3A_217 = tpu.memref_slice %arg7[%dma_wait3A_215, %dma_wait3A_216] : memref<5x112xi32, #tpu.memory_space<vmem>> -> memref<1x112xi32, #tpu.memory_space<vmem>>
    %dma_wait3A_218 = tpu.memref_squeeze %dma_wait3A_217 : memref<1x112xi32, #tpu.memory_space<vmem>> -> memref<112xi32, #tpu.memory_space<vmem>>
    %dma_wait3A_219 = tpu.memref_slice %arg2[%dma_wait3A_214, %add3A_1] : memref<2x800000xi32, #tpu.memory_space<hbm>> -> memref<1x112xi32, #tpu.memory_space<hbm>>
    %dma_wait3A_220 = tpu.memref_squeeze %dma_wait3A_219 : memref<1x112xi32, #tpu.memory_space<hbm>> -> memref<112xi32, #tpu.memory_space<hbm>>
    %dma_wait3A_221 = arith.constant 0 : i32
    %dma_wait3A_222 = tpu.memref_slice %arg7[%dma_wait3A_215, %dma_wait3A_221] : memref<5x112xi32, #tpu.memory_space<vmem>> -> memref<1x112xi32, #tpu.memory_space<vmem>>
    %dma_wait3A_223 = tpu.memref_squeeze %dma_wait3A_222 : memref<1x112xi32, #tpu.memory_space<vmem>> -> memref<112xi32, #tpu.memory_space<vmem>>
    %dma_wait3A_224 = tpu.memref_slice %arg2[%dma_wait3A_214, %add3A_1] : memref<2x800000xi32, #tpu.memory_space<hbm>> -> memref<1x112xi32, #tpu.memory_space<hbm>>
    %dma_wait3A_225 = tpu.memref_squeeze %dma_wait3A_224 : memref<1x112xi32, #tpu.memory_space<hbm>> -> memref<112xi32, #tpu.memory_space<hbm>>
    tpu.wait_dma2 semaphore(%arg20 : memref<!tpu.dma_semaphore, #tpu.memory_space<semaphore_mem>>) src(%dma_wait3A_225 : memref<112xi32, #tpu.memory_space<hbm>>) dst(%dma_wait3A_223 : memref<112xi32, #tpu.memory_space<vmem>>)
    %dma_start3A_226 = arith.constant 0 : i32
    %dma_start3A_227 = arith.constant 0 : i32
    %dma_start3A_228 = arith.constant 0 : i32
    %dma_start3A_229 = arith.constant 0 : i32
    %dma_start3A_230 = tpu.memref_slice %arg8[%dma_start3A_226, %dma_start3A_228, %dma_start3A_229] : memref<5x112x32xf32, #tpu.memory_space<vmem>> -> memref<1x112x32xf32, #tpu.memory_space<vmem>>
    %dma_start3A_231 = tpu.memref_squeeze %dma_start3A_230 : memref<1x112x32xf32, #tpu.memory_space<vmem>> -> memref<112x32xf32, #tpu.memory_space<vmem>>
    %dma_start3A_232 = arith.constant 0 : i32
    %dma_start3A_233 = tpu.memref_slice %arg7[%dma_start3A_227, %dma_start3A_232] : memref<5x112xi32, #tpu.memory_space<vmem>> -> memref<1x112xi32, #tpu.memory_space<vmem>>
    %dma_start3A_234 = tpu.memref_squeeze %dma_start3A_233 : memref<1x112xi32, #tpu.memory_space<vmem>> -> memref<112xi32, #tpu.memory_space<vmem>>
    %dma_start3A_235 = arith.constant 0 : i32
    %dma_start3A_236 = arith.constant 0 : i32
    %dma_start3A_237 = tpu.memref_slice %arg17[%dma_start3A_235, %dma_start3A_236] : memref<50176x32xf32, #tpu.memory_space<vmem_shared>> -> memref<50176x32xf32, #tpu.memory_space<vmem_shared>>
    tpu.enqueue_indirect_dma source(%dma_start3A_231 : memref<112x32xf32, #tpu.memory_space<vmem>>) target(%dma_start3A_237 : memref<50176x32xf32, #tpu.memory_space<vmem_shared>>) offsets(%dma_start3A_234 : memref<112xi32, #tpu.memory_space<vmem>>) semaphore(%arg22 : memref<!tpu.dma_semaphore, #tpu.memory_space<semaphore_mem>>) {add = true}
    %dma_wait3A_238 = arith.constant 0 : i32
    %dma_wait3A_239 = arith.constant 0 : i32
    %dma_wait3A_240 = tpu.memref_slice %arg5[%arg0, %dma_wait3A_238, %dma_wait3A_239] : memref<2x50176x32xf32, #tpu.memory_space<hbm>> -> memref<1x50176x32xf32, #tpu.memory_space<hbm>>
    %dma_wait3A_241 = tpu.memref_squeeze %dma_wait3A_240 : memref<1x50176x32xf32, #tpu.memory_space<hbm>> -> memref<50176x32xf32, #tpu.memory_space<hbm>>
    %dma_wait3A_242 = arith.constant 0 : i32
    %dma_wait3A_243 = arith.constant 0 : i32
    %dma_wait3A_244 = tpu.memref_slice %dma_wait3A_241[%dma_wait3A_242, %dma_wait3A_243] : memref<50176x32xf32, #tpu.memory_space<hbm>> -> memref<50176x32xf32, #tpu.memory_space<hbm>>
    tpu.wait_indirect_dma semaphore(%arg21 : memref<!tpu.dma_semaphore, #tpu.memory_space<semaphore_mem>>) src(%dma_wait3A_244 : memref<50176x32xf32, #tpu.memory_space<hbm>>) dst(%arg16 : memref<48x32xf32, #tpu.memory_space<vmem>>)
    %dma_wait3A_245 = arith.constant 1 : i32
    %dma_wait3A_246 = tpu.memref_slice %arg2[%dma_wait3A_245, %add3A_152] : memref<2x800000xi32, #tpu.memory_space<hbm>> -> memref<1x48xi32, #tpu.memory_space<hbm>>
    %dma_wait3A_247 = tpu.memref_squeeze %dma_wait3A_246 : memref<1x48xi32, #tpu.memory_space<hbm>> -> memref<48xi32, #tpu.memory_space<hbm>>
    %dma_wait3A_248 = tpu.memref_slice %arg2[%dma_wait3A_245, %add3A_152] : memref<2x800000xi32, #tpu.memory_space<hbm>> -> memref<1x48xi32, #tpu.memory_space<hbm>>
    %dma_wait3A_249 = tpu.memref_squeeze %dma_wait3A_248 : memref<1x48xi32, #tpu.memory_space<hbm>> -> memref<48xi32, #tpu.memory_space<hbm>>
    tpu.wait_dma2 semaphore(%arg20 : memref<!tpu.dma_semaphore, #tpu.memory_space<semaphore_mem>>) src(%dma_wait3A_249 : memref<48xi32, #tpu.memory_space<hbm>>) dst(%arg15 : memref<48xi32, #tpu.memory_space<vmem>>)
    %dma_start3A_250 = arith.constant 0 : i32
    %dma_start3A_251 = arith.constant 0 : i32
    %dma_start3A_252 = tpu.memref_slice %arg17[%dma_start3A_250, %dma_start3A_251] : memref<50176x32xf32, #tpu.memory_space<vmem_shared>> -> memref<50176x32xf32, #tpu.memory_space<vmem_shared>>
    tpu.enqueue_indirect_dma source(%arg16 : memref<48x32xf32, #tpu.memory_space<vmem>>) target(%dma_start3A_252 : memref<50176x32xf32, #tpu.memory_space<vmem_shared>>) offsets(%arg15 : memref<48xi32, #tpu.memory_space<vmem>>) semaphore(%arg22 : memref<!tpu.dma_semaphore, #tpu.memory_space<semaphore_mem>>) {add = true}
    %dma_wait3A_253 = arith.constant 0 : i32
    %dma_wait3A_254 = arith.constant 0 : i32
    %dma_wait3A_255 = arith.constant 0 : i32
    %dma_wait3A_256 = arith.constant 0 : i32
    %dma_wait3A_257 = tpu.memref_slice %arg8[%dma_wait3A_253, %dma_wait3A_255, %dma_wait3A_256] : memref<5x112x32xf32, #tpu.memory_space<vmem>> -> memref<1x112x32xf32, #tpu.memory_space<vmem>>
    %dma_wait3A_258 = tpu.memref_squeeze %dma_wait3A_257 : memref<1x112x32xf32, #tpu.memory_space<vmem>> -> memref<112x32xf32, #tpu.memory_space<vmem>>
    %dma_wait3A_259 = arith.constant 0 : i32
    %dma_wait3A_260 = tpu.memref_slice %arg7[%dma_wait3A_254, %dma_wait3A_259] : memref<5x112xi32, #tpu.memory_space<vmem>> -> memref<1x112xi32, #tpu.memory_space<vmem>>
    %dma_wait3A_261 = tpu.memref_squeeze %dma_wait3A_260 : memref<1x112xi32, #tpu.memory_space<vmem>> -> memref<112xi32, #tpu.memory_space<vmem>>
    %dma_wait3A_262 = arith.constant 0 : i32
    %dma_wait3A_263 = arith.constant 0 : i32
    %dma_wait3A_264 = tpu.memref_slice %arg17[%dma_wait3A_262, %dma_wait3A_263] : memref<50176x32xf32, #tpu.memory_space<vmem_shared>> -> memref<50176x32xf32, #tpu.memory_space<vmem_shared>>
    tpu.wait_indirect_dma semaphore(%arg22 : memref<!tpu.dma_semaphore, #tpu.memory_space<semaphore_mem>>) src(%dma_wait3A_258 : memref<112x32xf32, #tpu.memory_space<vmem>>) dst(%dma_wait3A_264 : memref<50176x32xf32, #tpu.memory_space<vmem_shared>>)
    %dma_wait3A_265 = arith.constant 0 : i32
    %dma_wait3A_266 = arith.constant 0 : i32
    %dma_wait3A_267 = tpu.memref_slice %arg17[%dma_wait3A_265, %dma_wait3A_266] : memref<50176x32xf32, #tpu.memory_space<vmem_shared>> -> memref<50176x32xf32, #tpu.memory_space<vmem_shared>>
    tpu.wait_indirect_dma semaphore(%arg22 : memref<!tpu.dma_semaphore, #tpu.memory_space<semaphore_mem>>) src(%arg16 : memref<48x32xf32, #tpu.memory_space<vmem>>) dst(%dma_wait3A_267 : memref<50176x32xf32, #tpu.memory_space<vmem_shared>>)
    %barrier3A_268 = arith.constant 0 : index
    tpu.barrier barrier_id(%barrier3A_268)
    %scan3A_269 = arith.constant 0 : i32
    %scan3A_270 = arith.constant 0 : i32
    %scan3A_271 = arith.constant 49 : i32
    %scan3A_272 = arith.addi %scan3A_270, %scan3A_271 : i32
    %scan3A_273 = arith.constant 1 : i32
    scf.for %scan3A_600 = %scan3A_270 to %scan3A_272 step %scan3A_273  : i32 {
      %mul3A_601 = arith.constant 64 : i32
      %mul3A_602 = arith.muli %scan3A_600, %mul3A_601 : i32
      %add3A_603 = arith.addi %mul3A_3, %mul3A_602 : i32
      "tpu.region"() ({
        %run_scoped3A = tpu.sem_alloc : memref<!tpu.dma_semaphore, #tpu.memory_space<semaphore_mem>>
        %dma_start3A_616 = arith.constant 0 : i32
        %dma_start3A_617 = tpu.memref_slice %arg17[%add3A_603, %dma_start3A_616] : memref<50176x32xf32, #tpu.memory_space<vmem_shared>> -> memref<64x32xf32, #tpu.memory_space<vmem_shared>>
        %dma_start3A_618 = arith.constant 0 : i32
        %dma_start3A_619 = tpu.memref_slice %arg17[%add3A_603, %dma_start3A_618] : memref<50176x32xf32, #tpu.memory_space<vmem_shared>> -> memref<64x32xf32, #tpu.memory_space<vmem_shared>>
        tpu.enqueue_dma source(%dma_start3A_619 : memref<64x32xf32, #tpu.memory_space<vmem_shared>>) target(%arg10 : memref<64x32xf32, #tpu.memory_space<vmem>>) target_semaphore(%run_scoped3A : memref<!tpu.dma_semaphore, #tpu.memory_space<semaphore_mem>>)
        %dma_wait3A_620 = arith.constant 0 : i32
        %dma_wait3A_621 = tpu.memref_slice %arg17[%add3A_603, %dma_wait3A_620] : memref<50176x32xf32, #tpu.memory_space<vmem_shared>> -> memref<64x32xf32, #tpu.memory_space<vmem_shared>>
        %dma_wait3A_622 = arith.constant 0 : i32
        %dma_wait3A_623 = tpu.memref_slice %arg17[%add3A_603, %dma_wait3A_622] : memref<50176x32xf32, #tpu.memory_space<vmem_shared>> -> memref<64x32xf32, #tpu.memory_space<vmem_shared>>
        tpu.wait_dma2 semaphore(%run_scoped3A : memref<!tpu.dma_semaphore, #tpu.memory_space<semaphore_mem>>) src(%dma_wait3A_623 : memref<64x32xf32, #tpu.memory_space<vmem_shared>>) dst(%arg10 : memref<64x32xf32, #tpu.memory_space<vmem>>)
        tpu.yield
      }) : () -> ()
      "tpu.region"() ({
        %run_scoped3A = tpu.sem_alloc : memref<!tpu.dma_semaphore, #tpu.memory_space<semaphore_mem>>
        %dma_start3A_616 = arith.constant 0 : i32
        %dma_start3A_617 = tpu.memref_slice %arg17[%add3A_603, %dma_start3A_616] : memref<50176x32xf32, #tpu.memory_space<vmem_shared>> -> memref<64x32xf32, #tpu.memory_space<vmem_shared>>
        %dma_start3A_618 = arith.constant 0 : i32
        %dma_start3A_619 = tpu.memref_slice %arg17[%add3A_603, %dma_start3A_618] : memref<50176x32xf32, #tpu.memory_space<vmem_shared>> -> memref<64x32xf32, #tpu.memory_space<vmem_shared>>
        tpu.enqueue_dma source(%arg13 : memref<64x32xf32, #tpu.memory_space<vmem>>) target(%dma_start3A_619 : memref<64x32xf32, #tpu.memory_space<vmem_shared>>) target_semaphore(%run_scoped3A : memref<!tpu.dma_semaphore, #tpu.memory_space<semaphore_mem>>)
        %dma_wait3A_620 = arith.constant 0 : i32
        %dma_wait3A_621 = tpu.memref_slice %arg17[%add3A_603, %dma_wait3A_620] : memref<50176x32xf32, #tpu.memory_space<vmem_shared>> -> memref<64x32xf32, #tpu.memory_space<vmem_shared>>
        %dma_wait3A_622 = arith.constant 0 : i32
        %dma_wait3A_623 = tpu.memref_slice %arg17[%add3A_603, %dma_wait3A_622] : memref<50176x32xf32, #tpu.memory_space<vmem_shared>> -> memref<64x32xf32, #tpu.memory_space<vmem_shared>>
        tpu.wait_dma2 semaphore(%run_scoped3A : memref<!tpu.dma_semaphore, #tpu.memory_space<semaphore_mem>>) src(%arg13 : memref<64x32xf32, #tpu.memory_space<vmem>>) dst(%dma_wait3A_623 : memref<64x32xf32, #tpu.memory_space<vmem_shared>>)
        tpu.yield
      }) : () -> ()
      "tpu.region"() ({
        %run_scoped3A = tpu.sem_alloc : memref<!tpu.dma_semaphore, #tpu.memory_space<semaphore_mem>>
        %dma_start3A_616 = arith.constant 0 : i32
        %dma_start3A_617 = arith.constant 0 : i32
        %dma_start3A_618 = tpu.memref_slice %arg4[%arg0, %dma_start3A_616, %dma_start3A_617] : memref<2x50176x32xf32, #tpu.memory_space<hbm>> -> memref<1x50176x32xf32, #tpu.memory_space<hbm>>
        %dma_start3A_619 = tpu.memref_squeeze %dma_start3A_618 : memref<1x50176x32xf32, #tpu.memory_space<hbm>> -> memref<50176x32xf32, #tpu.memory_space<hbm>>
        %dma_start3A_620 = arith.constant 0 : i32
        %dma_start3A_621 = tpu.memref_slice %dma_start3A_619[%add3A_603, %dma_start3A_620] : memref<50176x32xf32, #tpu.memory_space<hbm>> -> memref<64x32xf32, #tpu.memory_space<hbm>>
        %dma_start3A_622 = arith.constant 0 : i32
        %dma_start3A_623 = arith.constant 0 : i32
        %dma_start3A_624 = tpu.memref_slice %arg4[%arg0, %dma_start3A_622, %dma_start3A_623] : memref<2x50176x32xf32, #tpu.memory_space<hbm>> -> memref<1x50176x32xf32, #tpu.memory_space<hbm>>
        %dma_start3A_625 = tpu.memref_squeeze %dma_start3A_624 : memref<1x50176x32xf32, #tpu.memory_space<hbm>> -> memref<50176x32xf32, #tpu.memory_space<hbm>>
        %dma_start3A_626 = arith.constant 0 : i32
        %dma_start3A_627 = tpu.memref_slice %dma_start3A_625[%add3A_603, %dma_start3A_626] : memref<50176x32xf32, #tpu.memory_space<hbm>> -> memref<64x32xf32, #tpu.memory_space<hbm>>
        tpu.enqueue_dma source(%arg10 : memref<64x32xf32, #tpu.memory_space<vmem>>) target(%dma_start3A_627 : memref<64x32xf32, #tpu.memory_space<hbm>>) target_semaphore(%run_scoped3A : memref<!tpu.dma_semaphore, #tpu.memory_space<semaphore_mem>>)
        %dma_wait3A_628 = arith.constant 0 : i32
        %dma_wait3A_629 = arith.constant 0 : i32
        %dma_wait3A_630 = tpu.memref_slice %arg4[%arg0, %dma_wait3A_628, %dma_wait3A_629] : memref<2x50176x32xf32, #tpu.memory_space<hbm>> -> memref<1x50176x32xf32, #tpu.memory_space<hbm>>
        %dma_wait3A_631 = tpu.memref_squeeze %dma_wait3A_630 : memref<1x50176x32xf32, #tpu.memory_space<hbm>> -> memref<50176x32xf32, #tpu.memory_space<hbm>>
        %dma_wait3A_632 = arith.constant 0 : i32
        %dma_wait3A_633 = tpu.memref_slice %dma_wait3A_631[%add3A_603, %dma_wait3A_632] : memref<50176x32xf32, #tpu.memory_space<hbm>> -> memref<64x32xf32, #tpu.memory_space<hbm>>
        %dma_wait3A_634 = arith.constant 0 : i32
        %dma_wait3A_635 = arith.constant 0 : i32
        %dma_wait3A_636 = tpu.memref_slice %arg4[%arg0, %dma_wait3A_634, %dma_wait3A_635] : memref<2x50176x32xf32, #tpu.memory_space<hbm>> -> memref<1x50176x32xf32, #tpu.memory_space<hbm>>
        %dma_wait3A_637 = tpu.memref_squeeze %dma_wait3A_636 : memref<1x50176x32xf32, #tpu.memory_space<hbm>> -> memref<50176x32xf32, #tpu.memory_space<hbm>>
        %dma_wait3A_638 = arith.constant 0 : i32
        %dma_wait3A_639 = tpu.memref_slice %dma_wait3A_637[%add3A_603, %dma_wait3A_638] : memref<50176x32xf32, #tpu.memory_space<hbm>> -> memref<64x32xf32, #tpu.memory_space<hbm>>
        tpu.wait_dma2 semaphore(%run_scoped3A : memref<!tpu.dma_semaphore, #tpu.memory_space<semaphore_mem>>) src(%arg10 : memref<64x32xf32, #tpu.memory_space<vmem>>) dst(%dma_wait3A_639 : memref<64x32xf32, #tpu.memory_space<hbm>>)
        tpu.yield
      }) : () -> ()
      "tpu.region"() ({
        %run_scoped3A = tpu.sem_alloc : memref<!tpu.dma_semaphore, #tpu.memory_space<semaphore_mem>>
        %dma_start3A_616 = tpu.memref_slice %arg18[%add3A_603] : memref<50176xf32, #tpu.memory_space<vmem_shared>> -> memref<64xf32, #tpu.memory_space<vmem_shared>>
        %dma_start3A_617 = tpu.memref_slice %arg18[%add3A_603] : memref<50176xf32, #tpu.memory_space<vmem_shared>> -> memref<64xf32, #tpu.memory_space<vmem_shared>>
        tpu.enqueue_dma source(%dma_start3A_617 : memref<64xf32, #tpu.memory_space<vmem_shared>>) target(%arg12 : memref<64xf32, #tpu.memory_space<vmem>>) target_semaphore(%run_scoped3A : memref<!tpu.dma_semaphore, #tpu.memory_space<semaphore_mem>>)
        %dma_wait3A_618 = tpu.memref_slice %arg18[%add3A_603] : memref<50176xf32, #tpu.memory_space<vmem_shared>> -> memref<64xf32, #tpu.memory_space<vmem_shared>>
        %dma_wait3A_619 = tpu.memref_slice %arg18[%add3A_603] : memref<50176xf32, #tpu.memory_space<vmem_shared>> -> memref<64xf32, #tpu.memory_space<vmem_shared>>
        tpu.wait_dma2 semaphore(%run_scoped3A : memref<!tpu.dma_semaphore, #tpu.memory_space<semaphore_mem>>) src(%dma_wait3A_619 : memref<64xf32, #tpu.memory_space<vmem_shared>>) dst(%arg12 : memref<64xf32, #tpu.memory_space<vmem>>)
        tpu.yield
      }) : () -> ()
      %scan3A_604 = arith.constant 0 : i32
      %scan3A_605 = arith.constant 0 : i32
      %scan3A_606 = arith.constant 4 : i32
      %scan3A_607 = arith.addi %scan3A_605, %scan3A_606 : i32
      %scan3A_608 = arith.constant 1 : i32
      scf.for %scan3A_616 = %scan3A_605 to %scan3A_607 step %scan3A_608  : i32 {
        %mul3A_617 = arith.constant 16 : i32
        %mul3A_618 = arith.muli %mul3A_617, %scan3A_616 : i32
        %get3A = arith.index_cast %mul3A_618 : i32 to index
        %get3A_619 = tpu.vector_load %arg12[%get3A] {strides = array<i32>} : memref<64xf32, #tpu.memory_space<vmem>>, vector<16xf32>,
        %mul3A_620 = arith.mulf %get3A_619, %get3A_619 : vector<16xf32>
        %mul3A_621 = arith.constant 16 : i32
        %mul3A_622 = arith.muli %mul3A_621, %scan3A_616 : i32
        %swap3A_623 = arith.index_cast %mul3A_622 : i32 to index
        %swap3A_624 = tpu.vector_load %arg12[%swap3A_623] {strides = array<i32>} : memref<64xf32, #tpu.memory_space<vmem>>, vector<16xf32>,
        tpu.vector_store %arg12[%swap3A_623], %mul3A_620 {strides = array<i32>} : memref<64xf32, #tpu.memory_space<vmem>>, vector<16xf32>,
      }
      %scan3A_609 = arith.constant 4 : i32
      %scan3A_610 = arith.constant 0 : i32
      %scan3A_611 = arith.constant 0 : i32
      %scan3A_612 = arith.constant 64 : i32
      %scan3A_613 = arith.addi %scan3A_611, %scan3A_612 : i32
      %scan3A_614 = arith.constant 1 : i32
      scf.for %scan3A_616 = %scan3A_611 to %scan3A_613 step %scan3A_614  : i32 {
        %broadcast_in_dim3A_617 = vector.broadcast %scan3A_616 : i32 to vector<16xi32>
        %gather3A = tpu.vector_load_idx %arg12[%broadcast_in_dim3A_617] : memref<64xf32, #tpu.memory_space<vmem>>[vector<16xi32>], vector<16xf32>,
        %get3A = arith.index_cast %scan3A_616 : i32 to index
        %get3A_618 = arith.constant 0 : index
        %get3A_619 = tpu.vector_load %arg10[%get3A, %get3A_618] {strides = array<i32>} : memref<64x32xf32, #tpu.memory_space<vmem>>, vector<16xf32>,
        %mul3A_620 = arith.mulf %get3A_619, %gather3A : vector<16xf32>
        %swap3A_621 = arith.index_cast %scan3A_616 : i32 to index
        %swap3A_622 = arith.constant 0 : index
        %swap3A_623 = tpu.vector_load %arg10[%swap3A_621, %swap3A_622] {strides = array<i32>} : memref<64x32xf32, #tpu.memory_space<vmem>>, vector<16xf32>,
        tpu.vector_store %arg10[%swap3A_621, %swap3A_622], %mul3A_620 {strides = array<i32>} : memref<64x32xf32, #tpu.memory_space<vmem>>, vector<16xf32>,
        %get3A_624 = arith.index_cast %scan3A_616 : i32 to index
        %get3A_625 = arith.constant 16 : index
        %get3A_626 = tpu.vector_load %arg10[%get3A_624, %get3A_625] {strides = array<i32>} : memref<64x32xf32, #tpu.memory_space<vmem>>, vector<16xf32>,
        %mul3A_627 = arith.mulf %get3A_626, %gather3A : vector<16xf32>
        %swap3A_628 = arith.index_cast %scan3A_616 : i32 to index
        %swap3A_629 = arith.constant 16 : index
        %swap3A_630 = tpu.vector_load %arg10[%swap3A_628, %swap3A_629] {strides = array<i32>} : memref<64x32xf32, #tpu.memory_space<vmem>>, vector<16xf32>,
        tpu.vector_store %arg10[%swap3A_628, %swap3A_629], %mul3A_627 {strides = array<i32>} : memref<64x32xf32, #tpu.memory_space<vmem>>, vector<16xf32>,
      }
      %scan3A_615 = arith.constant 64 : i32
      "tpu.region"() ({
        %run_scoped3A = tpu.sem_alloc : memref<!tpu.dma_semaphore, #tpu.memory_space<semaphore_mem>>
        %dma_start3A_616 = arith.constant 0 : i32
        %dma_start3A_617 = arith.constant 0 : i32
        %dma_start3A_618 = tpu.memref_slice %arg5[%arg0, %dma_start3A_616, %dma_start3A_617] : memref<2x50176x32xf32, #tpu.memory_space<hbm>> -> memref<1x50176x32xf32, #tpu.memory_space<hbm>>
        %dma_start3A_619 = tpu.memref_squeeze %dma_start3A_618 : memref<1x50176x32xf32, #tpu.memory_space<hbm>> -> memref<50176x32xf32, #tpu.memory_space<hbm>>
        %dma_start3A_620 = arith.constant 0 : i32
        %dma_start3A_621 = tpu.memref_slice %dma_start3A_619[%add3A_603, %dma_start3A_620] : memref<50176x32xf32, #tpu.memory_space<hbm>> -> memref<64x32xf32, #tpu.memory_space<hbm>>
        %dma_start3A_622 = arith.constant 0 : i32
        %dma_start3A_623 = arith.constant 0 : i32
        %dma_start3A_624 = tpu.memref_slice %arg5[%arg0, %dma_start3A_622, %dma_start3A_623] : memref<2x50176x32xf32, #tpu.memory_space<hbm>> -> memref<1x50176x32xf32, #tpu.memory_space<hbm>>
        %dma_start3A_625 = tpu.memref_squeeze %dma_start3A_624 : memref<1x50176x32xf32, #tpu.memory_space<hbm>> -> memref<50176x32xf32, #tpu.memory_space<hbm>>
        %dma_start3A_626 = arith.constant 0 : i32
        %dma_start3A_627 = tpu.memref_slice %dma_start3A_625[%add3A_603, %dma_start3A_626] : memref<50176x32xf32, #tpu.memory_space<hbm>> -> memref<64x32xf32, #tpu.memory_space<hbm>>
        tpu.enqueue_dma source(%arg10 : memref<64x32xf32, #tpu.memory_space<vmem>>) target(%dma_start3A_627 : memref<64x32xf32, #tpu.memory_space<hbm>>) target_semaphore(%run_scoped3A : memref<!tpu.dma_semaphore, #tpu.memory_space<semaphore_mem>>)
        %dma_wait3A_628 = arith.constant 0 : i32
        %dma_wait3A_629 = arith.constant 0 : i32
        %dma_wait3A_630 = tpu.memref_slice %arg5[%arg0, %dma_wait3A_628, %dma_wait3A_629] : memref<2x50176x32xf32, #tpu.memory_space<hbm>> -> memref<1x50176x32xf32, #tpu.memory_space<hbm>>
        %dma_wait3A_631 = tpu.memref_squeeze %dma_wait3A_630 : memref<1x50176x32xf32, #tpu.memory_space<hbm>> -> memref<50176x32xf32, #tpu.memory_space<hbm>>
        %dma_wait3A_632 = arith.constant 0 : i32
        %dma_wait3A_633 = tpu.memref_slice %dma_wait3A_631[%add3A_603, %dma_wait3A_632] : memref<50176x32xf32, #tpu.memory_space<hbm>> -> memref<64x32xf32, #tpu.memory_space<hbm>>
        %dma_wait3A_634 = arith.constant 0 : i32
        %dma_wait3A_635 = arith.constant 0 : i32
        %dma_wait3A_636 = tpu.memref_slice %arg5[%arg0, %dma_wait3A_634, %dma_wait3A_635] : memref<2x50176x32xf32, #tpu.memory_space<hbm>> -> memref<1x50176x32xf32, #tpu.memory_space<hbm>>
        %dma_wait3A_637 = tpu.memref_squeeze %dma_wait3A_636 : memref<1x50176x32xf32, #tpu.memory_space<hbm>> -> memref<50176x32xf32, #tpu.memory_space<hbm>>
        %dma_wait3A_638 = arith.constant 0 : i32
        %dma_wait3A_639 = tpu.memref_slice %dma_wait3A_637[%add3A_603, %dma_wait3A_638] : memref<50176x32xf32, #tpu.memory_space<hbm>> -> memref<64x32xf32, #tpu.memory_space<hbm>>
        tpu.wait_dma2 semaphore(%run_scoped3A : memref<!tpu.dma_semaphore, #tpu.memory_space<semaphore_mem>>) src(%arg10 : memref<64x32xf32, #tpu.memory_space<vmem>>) dst(%dma_wait3A_639 : memref<64x32xf32, #tpu.memory_space<hbm>>)
        tpu.yield
      }) : () -> ()
    }
    %scan3A_274 = arith.constant 49 : i32
    %barrier3A_275 = arith.constant 0 : index
    tpu.barrier barrier_id(%barrier3A_275)
    %scan3A_276 = arith.constant 0 : i32
    %scan3A_277 = arith.constant 0 : i32
    %scan3A_278 = arith.constant 89 : i32
    %scan3A_279 = arith.addi %scan3A_277, %scan3A_278 : i32
    %scan3A_280 = arith.constant 1 : i32
    scf.for %scan3A_600 = %scan3A_277 to %scan3A_279 step %scan3A_280  : i32 {
      %mul3A_601 = arith.constant 560 : i32
      %mul3A_602 = arith.muli %scan3A_600, %mul3A_601 : i32
      %add3A_603 = arith.addi %mul3A_0, %mul3A_602 : i32
      %add3A_604 = arith.constant 0 : i32
      %add3A_605 = arith.addi %add3A_603, %add3A_604 : i32
      %dma_start3A_606 = arith.constant 0 : i32
      %dma_start3A_607 = arith.constant 0 : i32
      %dma_start3A_608 = arith.constant 0 : i32
      %dma_start3A_609 = tpu.memref_slice %arg6[%dma_start3A_607, %dma_start3A_608] : memref<5x112xi32, #tpu.memory_space<vmem>> -> memref<1x112xi32, #tpu.memory_space<vmem>>
      %dma_start3A_610 = tpu.memref_squeeze %dma_start3A_609 : memref<1x112xi32, #tpu.memory_space<vmem>> -> memref<112xi32, #tpu.memory_space<vmem>>
      %dma_start3A_611 = tpu.memref_slice %arg2[%dma_start3A_606, %add3A_605] : memref<2x800000xi32, #tpu.memory_space<hbm>> -> memref<1x112xi32, #tpu.memory_space<hbm>>
      %dma_start3A_612 = tpu.memref_squeeze %dma_start3A_611 : memref<1x112xi32, #tpu.memory_space<hbm>> -> memref<112xi32, #tpu.memory_space<hbm>>
      %dma_start3A_613 = arith.constant 0 : i32
      %dma_start3A_614 = tpu.memref_slice %arg6[%dma_start3A_607, %dma_start3A_613] : memref<5x112xi32, #tpu.memory_space<vmem>> -> memref<1x112xi32, #tpu.memory_space<vmem>>
      %dma_start3A_615 = tpu.memref_squeeze %dma_start3A_614 : memref<1x112xi32, #tpu.memory_space<vmem>> -> memref<112xi32, #tpu.memory_space<vmem>>
      %dma_start3A_616 = tpu.memref_slice %arg2[%dma_start3A_606, %add3A_605] : memref<2x800000xi32, #tpu.memory_space<hbm>> -> memref<1x112xi32, #tpu.memory_space<hbm>>
      %dma_start3A_617 = tpu.memref_squeeze %dma_start3A_616 : memref<1x112xi32, #tpu.memory_space<hbm>> -> memref<112xi32, #tpu.memory_space<hbm>>
      tpu.enqueue_dma source(%dma_start3A_617 : memref<112xi32, #tpu.memory_space<hbm>>) target(%dma_start3A_615 : memref<112xi32, #tpu.memory_space<vmem>>) target_semaphore(%arg19 : memref<!tpu.dma_semaphore, #tpu.memory_space<semaphore_mem>>)
      %add3A_618 = arith.constant 112 : i32
      %add3A_619 = arith.addi %add3A_603, %add3A_618 : i32
      %dma_start3A_620 = arith.constant 0 : i32
      %dma_start3A_621 = arith.constant 1 : i32
      %dma_start3A_622 = arith.constant 0 : i32
      %dma_start3A_623 = tpu.memref_slice %arg6[%dma_start3A_621, %dma_start3A_622] : memref<5x112xi32, #tpu.memory_space<vmem>> -> memref<1x112xi32, #tpu.memory_space<vmem>>
      %dma_start3A_624 = tpu.memref_squeeze %dma_start3A_623 : memref<1x112xi32, #tpu.memory_space<vmem>> -> memref<112xi32, #tpu.memory_space<vmem>>
      %dma_start3A_625 = tpu.memref_slice %arg2[%dma_start3A_620, %add3A_619] : memref<2x800000xi32, #tpu.memory_space<hbm>> -> memref<1x112xi32, #tpu.memory_space<hbm>>
      %dma_start3A_626 = tpu.memref_squeeze %dma_start3A_625 : memref<1x112xi32, #tpu.memory_space<hbm>> -> memref<112xi32, #tpu.memory_space<hbm>>
      %dma_start3A_627 = arith.constant 0 : i32
      %dma_start3A_628 = tpu.memref_slice %arg6[%dma_start3A_621, %dma_start3A_627] : memref<5x112xi32, #tpu.memory_space<vmem>> -> memref<1x112xi32, #tpu.memory_space<vmem>>
      %dma_start3A_629 = tpu.memref_squeeze %dma_start3A_628 : memref<1x112xi32, #tpu.memory_space<vmem>> -> memref<112xi32, #tpu.memory_space<vmem>>
      %dma_start3A_630 = tpu.memref_slice %arg2[%dma_start3A_620, %add3A_619] : memref<2x800000xi32, #tpu.memory_space<hbm>> -> memref<1x112xi32, #tpu.memory_space<hbm>>
      %dma_start3A_631 = tpu.memref_squeeze %dma_start3A_630 : memref<1x112xi32, #tpu.memory_space<hbm>> -> memref<112xi32, #tpu.memory_space<hbm>>
      tpu.enqueue_dma source(%dma_start3A_631 : memref<112xi32, #tpu.memory_space<hbm>>) target(%dma_start3A_629 : memref<112xi32, #tpu.memory_space<vmem>>) target_semaphore(%arg19 : memref<!tpu.dma_semaphore, #tpu.memory_space<semaphore_mem>>)
      %add3A_632 = arith.constant 224 : i32
      %add3A_633 = arith.addi %add3A_603, %add3A_632 : i32
      %dma_start3A_634 = arith.constant 0 : i32
      %dma_start3A_635 = arith.constant 2 : i32
      %dma_start3A_636 = arith.constant 0 : i32
      %dma_start3A_637 = tpu.memref_slice %arg6[%dma_start3A_635, %dma_start3A_636] : memref<5x112xi32, #tpu.memory_space<vmem>> -> memref<1x112xi32, #tpu.memory_space<vmem>>
      %dma_start3A_638 = tpu.memref_squeeze %dma_start3A_637 : memref<1x112xi32, #tpu.memory_space<vmem>> -> memref<112xi32, #tpu.memory_space<vmem>>
      %dma_start3A_639 = tpu.memref_slice %arg2[%dma_start3A_634, %add3A_633] : memref<2x800000xi32, #tpu.memory_space<hbm>> -> memref<1x112xi32, #tpu.memory_space<hbm>>
      %dma_start3A_640 = tpu.memref_squeeze %dma_start3A_639 : memref<1x112xi32, #tpu.memory_space<hbm>> -> memref<112xi32, #tpu.memory_space<hbm>>
      %dma_start3A_641 = arith.constant 0 : i32
      %dma_start3A_642 = tpu.memref_slice %arg6[%dma_start3A_635, %dma_start3A_641] : memref<5x112xi32, #tpu.memory_space<vmem>> -> memref<1x112xi32, #tpu.memory_space<vmem>>
      %dma_start3A_643 = tpu.memref_squeeze %dma_start3A_642 : memref<1x112xi32, #tpu.memory_space<vmem>> -> memref<112xi32, #tpu.memory_space<vmem>>
      %dma_start3A_644 = tpu.memref_slice %arg2[%dma_start3A_634, %add3A_633] : memref<2x800000xi32, #tpu.memory_space<hbm>> -> memref<1x112xi32, #tpu.memory_space<hbm>>
      %dma_start3A_645 = tpu.memref_squeeze %dma_start3A_644 : memref<1x112xi32, #tpu.memory_space<hbm>> -> memref<112xi32, #tpu.memory_space<hbm>>
      tpu.enqueue_dma source(%dma_start3A_645 : memref<112xi32, #tpu.memory_space<hbm>>) target(%dma_start3A_643 : memref<112xi32, #tpu.memory_space<vmem>>) target_semaphore(%arg19 : memref<!tpu.dma_semaphore, #tpu.memory_space<semaphore_mem>>)
      %add3A_646 = arith.constant 336 : i32
      %add3A_647 = arith.addi %add3A_603, %add3A_646 : i32
      %dma_start3A_648 = arith.constant 0 : i32
      %dma_start3A_649 = arith.constant 3 : i32
      %dma_start3A_650 = arith.constant 0 : i32
      %dma_start3A_651 = tpu.memref_slice %arg6[%dma_start3A_649, %dma_start3A_650] : memref<5x112xi32, #tpu.memory_space<vmem>> -> memref<1x112xi32, #tpu.memory_space<vmem>>
      %dma_start3A_652 = tpu.memref_squeeze %dma_start3A_651 : memref<1x112xi32, #tpu.memory_space<vmem>> -> memref<112xi32, #tpu.memory_space<vmem>>
      %dma_start3A_653 = tpu.memref_slice %arg2[%dma_start3A_648, %add3A_647] : memref<2x800000xi32, #tpu.memory_space<hbm>> -> memref<1x112xi32, #tpu.memory_space<hbm>>
      %dma_start3A_654 = tpu.memref_squeeze %dma_start3A_653 : memref<1x112xi32, #tpu.memory_space<hbm>> -> memref<112xi32, #tpu.memory_space<hbm>>
      %dma_start3A_655 = arith.constant 0 : i32
      %dma_start3A_656 = tpu.memref_slice %arg6[%dma_start3A_649, %dma_start3A_655] : memref<5x112xi32, #tpu.memory_space<vmem>> -> memref<1x112xi32, #tpu.memory_space<vmem>>
      %dma_start3A_657 = tpu.memref_squeeze %dma_start3A_656 : memref<1x112xi32, #tpu.memory_space<vmem>> -> memref<112xi32, #tpu.memory_space<vmem>>
      %dma_start3A_658 = tpu.memref_slice %arg2[%dma_start3A_648, %add3A_647] : memref<2x800000xi32, #tpu.memory_space<hbm>> -> memref<1x112xi32, #tpu.memory_space<hbm>>
      %dma_start3A_659 = tpu.memref_squeeze %dma_start3A_658 : memref<1x112xi32, #tpu.memory_space<hbm>> -> memref<112xi32, #tpu.memory_space<hbm>>
      tpu.enqueue_dma source(%dma_start3A_659 : memref<112xi32, #tpu.memory_space<hbm>>) target(%dma_start3A_657 : memref<112xi32, #tpu.memory_space<vmem>>) target_semaphore(%arg19 : memref<!tpu.dma_semaphore, #tpu.memory_space<semaphore_mem>>)
      %add3A_660 = arith.constant 448 : i32
      %add3A_661 = arith.addi %add3A_603, %add3A_660 : i32
      %dma_start3A_662 = arith.constant 0 : i32
      %dma_start3A_663 = arith.constant 4 : i32
      %dma_start3A_664 = arith.constant 0 : i32
      %dma_start3A_665 = tpu.memref_slice %arg6[%dma_start3A_663, %dma_start3A_664] : memref<5x112xi32, #tpu.memory_space<vmem>> -> memref<1x112xi32, #tpu.memory_space<vmem>>
      %dma_start3A_666 = tpu.memref_squeeze %dma_start3A_665 : memref<1x112xi32, #tpu.memory_space<vmem>> -> memref<112xi32, #tpu.memory_space<vmem>>
      %dma_start3A_667 = tpu.memref_slice %arg2[%dma_start3A_662, %add3A_661] : memref<2x800000xi32, #tpu.memory_space<hbm>> -> memref<1x112xi32, #tpu.memory_space<hbm>>
      %dma_start3A_668 = tpu.memref_squeeze %dma_start3A_667 : memref<1x112xi32, #tpu.memory_space<hbm>> -> memref<112xi32, #tpu.memory_space<hbm>>
      %dma_start3A_669 = arith.constant 0 : i32
      %dma_start3A_670 = tpu.memref_slice %arg6[%dma_start3A_663, %dma_start3A_669] : memref<5x112xi32, #tpu.memory_space<vmem>> -> memref<1x112xi32, #tpu.memory_space<vmem>>
      %dma_start3A_671 = tpu.memref_squeeze %dma_start3A_670 : memref<1x112xi32, #tpu.memory_space<vmem>> -> memref<112xi32, #tpu.memory_space<vmem>>
      %dma_start3A_672 = tpu.memref_slice %arg2[%dma_start3A_662, %add3A_661] : memref<2x800000xi32, #tpu.memory_space<hbm>> -> memref<1x112xi32, #tpu.memory_space<hbm>>
      %dma_start3A_673 = tpu.memref_squeeze %dma_start3A_672 : memref<1x112xi32, #tpu.memory_space<hbm>> -> memref<112xi32, #tpu.memory_space<hbm>>
      tpu.enqueue_dma source(%dma_start3A_673 : memref<112xi32, #tpu.memory_space<hbm>>) target(%dma_start3A_671 : memref<112xi32, #tpu.memory_space<vmem>>) target_semaphore(%arg19 : memref<!tpu.dma_semaphore, #tpu.memory_space<semaphore_mem>>)
      %add3A_674 = arith.constant 0 : i32
      %add3A_675 = arith.addi %add3A_603, %add3A_674 : i32
      %dma_start3A_676 = arith.constant 1 : i32
      %dma_start3A_677 = arith.constant 0 : i32
      %dma_start3A_678 = arith.constant 0 : i32
      %dma_start3A_679 = tpu.memref_slice %arg7[%dma_start3A_677, %dma_start3A_678] : memref<5x112xi32, #tpu.memory_space<vmem>> -> memref<1x112xi32, #tpu.memory_space<vmem>>
      %dma_start3A_680 = tpu.memref_squeeze %dma_start3A_679 : memref<1x112xi32, #tpu.memory_space<vmem>> -> memref<112xi32, #tpu.memory_space<vmem>>
      %dma_start3A_681 = tpu.memref_slice %arg2[%dma_start3A_676, %add3A_675] : memref<2x800000xi32, #tpu.memory_space<hbm>> -> memref<1x112xi32, #tpu.memory_space<hbm>>
      %dma_start3A_682 = tpu.memref_squeeze %dma_start3A_681 : memref<1x112xi32, #tpu.memory_space<hbm>> -> memref<112xi32, #tpu.memory_space<hbm>>
      %dma_start3A_683 = arith.constant 0 : i32
      %dma_start3A_684 = tpu.memref_slice %arg7[%dma_start3A_677, %dma_start3A_683] : memref<5x112xi32, #tpu.memory_space<vmem>> -> memref<1x112xi32, #tpu.memory_space<vmem>>
      %dma_start3A_685 = tpu.memref_squeeze %dma_start3A_684 : memref<1x112xi32, #tpu.memory_space<vmem>> -> memref<112xi32, #tpu.memory_space<vmem>>
      %dma_start3A_686 = tpu.memref_slice %arg2[%dma_start3A_676, %add3A_675] : memref<2x800000xi32, #tpu.memory_space<hbm>> -> memref<1x112xi32, #tpu.memory_space<hbm>>
      %dma_start3A_687 = tpu.memref_squeeze %dma_start3A_686 : memref<1x112xi32, #tpu.memory_space<hbm>> -> memref<112xi32, #tpu.memory_space<hbm>>
      tpu.enqueue_dma source(%dma_start3A_687 : memref<112xi32, #tpu.memory_space<hbm>>) target(%dma_start3A_685 : memref<112xi32, #tpu.memory_space<vmem>>) target_semaphore(%arg20 : memref<!tpu.dma_semaphore, #tpu.memory_space<semaphore_mem>>)
      %add3A_688 = arith.constant 112 : i32
      %add3A_689 = arith.addi %add3A_603, %add3A_688 : i32
      %dma_start3A_690 = arith.constant 1 : i32
      %dma_start3A_691 = arith.constant 1 : i32
      %dma_start3A_692 = arith.constant 0 : i32
      %dma_start3A_693 = tpu.memref_slice %arg7[%dma_start3A_691, %dma_start3A_692] : memref<5x112xi32, #tpu.memory_space<vmem>> -> memref<1x112xi32, #tpu.memory_space<vmem>>
      %dma_start3A_694 = tpu.memref_squeeze %dma_start3A_693 : memref<1x112xi32, #tpu.memory_space<vmem>> -> memref<112xi32, #tpu.memory_space<vmem>>
      %dma_start3A_695 = tpu.memref_slice %arg2[%dma_start3A_690, %add3A_689] : memref<2x800000xi32, #tpu.memory_space<hbm>> -> memref<1x112xi32, #tpu.memory_space<hbm>>
      %dma_start3A_696 = tpu.memref_squeeze %dma_start3A_695 : memref<1x112xi32, #tpu.memory_space<hbm>> -> memref<112xi32, #tpu.memory_space<hbm>>
      %dma_start3A_697 = arith.constant 0 : i32
      %dma_start3A_698 = tpu.memref_slice %arg7[%dma_start3A_691, %dma_start3A_697] : memref<5x112xi32, #tpu.memory_space<vmem>> -> memref<1x112xi32, #tpu.memory_space<vmem>>
      %dma_start3A_699 = tpu.memref_squeeze %dma_start3A_698 : memref<1x112xi32, #tpu.memory_space<vmem>> -> memref<112xi32, #tpu.memory_space<vmem>>
      %dma_start3A_700 = tpu.memref_slice %arg2[%dma_start3A_690, %add3A_689] : memref<2x800000xi32, #tpu.memory_space<hbm>> -> memref<1x112xi32, #tpu.memory_space<hbm>>
      %dma_start3A_701 = tpu.memref_squeeze %dma_start3A_700 : memref<1x112xi32, #tpu.memory_space<hbm>> -> memref<112xi32, #tpu.memory_space<hbm>>
      tpu.enqueue_dma source(%dma_start3A_701 : memref<112xi32, #tpu.memory_space<hbm>>) target(%dma_start3A_699 : memref<112xi32, #tpu.memory_space<vmem>>) target_semaphore(%arg20 : memref<!tpu.dma_semaphore, #tpu.memory_space<semaphore_mem>>)
      %add3A_702 = arith.constant 224 : i32
      %add3A_703 = arith.addi %add3A_603, %add3A_702 : i32
      %dma_start3A_704 = arith.constant 1 : i32
      %dma_start3A_705 = arith.constant 2 : i32
      %dma_start3A_706 = arith.constant 0 : i32
      %dma_start3A_707 = tpu.memref_slice %arg7[%dma_start3A_705, %dma_start3A_706] : memref<5x112xi32, #tpu.memory_space<vmem>> -> memref<1x112xi32, #tpu.memory_space<vmem>>
      %dma_start3A_708 = tpu.memref_squeeze %dma_start3A_707 : memref<1x112xi32, #tpu.memory_space<vmem>> -> memref<112xi32, #tpu.memory_space<vmem>>
      %dma_start3A_709 = tpu.memref_slice %arg2[%dma_start3A_704, %add3A_703] : memref<2x800000xi32, #tpu.memory_space<hbm>> -> memref<1x112xi32, #tpu.memory_space<hbm>>
      %dma_start3A_710 = tpu.memref_squeeze %dma_start3A_709 : memref<1x112xi32, #tpu.memory_space<hbm>> -> memref<112xi32, #tpu.memory_space<hbm>>
      %dma_start3A_711 = arith.constant 0 : i32
      %dma_start3A_712 = tpu.memref_slice %arg7[%dma_start3A_705, %dma_start3A_711] : memref<5x112xi32, #tpu.memory_space<vmem>> -> memref<1x112xi32, #tpu.memory_space<vmem>>
      %dma_start3A_713 = tpu.memref_squeeze %dma_start3A_712 : memref<1x112xi32, #tpu.memory_space<vmem>> -> memref<112xi32, #tpu.memory_space<vmem>>
      %dma_start3A_714 = tpu.memref_slice %arg2[%dma_start3A_704, %add3A_703] : memref<2x800000xi32, #tpu.memory_space<hbm>> -> memref<1x112xi32, #tpu.memory_space<hbm>>
      %dma_start3A_715 = tpu.memref_squeeze %dma_start3A_714 : memref<1x112xi32, #tpu.memory_space<hbm>> -> memref<112xi32, #tpu.memory_space<hbm>>
      tpu.enqueue_dma source(%dma_start3A_715 : memref<112xi32, #tpu.memory_space<hbm>>) target(%dma_start3A_713 : memref<112xi32, #tpu.memory_space<vmem>>) target_semaphore(%arg20 : memref<!tpu.dma_semaphore, #tpu.memory_space<semaphore_mem>>)
      %add3A_716 = arith.constant 336 : i32
      %add3A_717 = arith.addi %add3A_603, %add3A_716 : i32
      %dma_start3A_718 = arith.constant 1 : i32
      %dma_start3A_719 = arith.constant 3 : i32
      %dma_start3A_720 = arith.constant 0 : i32
      %dma_start3A_721 = tpu.memref_slice %arg7[%dma_start3A_719, %dma_start3A_720] : memref<5x112xi32, #tpu.memory_space<vmem>> -> memref<1x112xi32, #tpu.memory_space<vmem>>
      %dma_start3A_722 = tpu.memref_squeeze %dma_start3A_721 : memref<1x112xi32, #tpu.memory_space<vmem>> -> memref<112xi32, #tpu.memory_space<vmem>>
      %dma_start3A_723 = tpu.memref_slice %arg2[%dma_start3A_718, %add3A_717] : memref<2x800000xi32, #tpu.memory_space<hbm>> -> memref<1x112xi32, #tpu.memory_space<hbm>>
      %dma_start3A_724 = tpu.memref_squeeze %dma_start3A_723 : memref<1x112xi32, #tpu.memory_space<hbm>> -> memref<112xi32, #tpu.memory_space<hbm>>
      %dma_start3A_725 = arith.constant 0 : i32
      %dma_start3A_726 = tpu.memref_slice %arg7[%dma_start3A_719, %dma_start3A_725] : memref<5x112xi32, #tpu.memory_space<vmem>> -> memref<1x112xi32, #tpu.memory_space<vmem>>
      %dma_start3A_727 = tpu.memref_squeeze %dma_start3A_726 : memref<1x112xi32, #tpu.memory_space<vmem>> -> memref<112xi32, #tpu.memory_space<vmem>>
      %dma_start3A_728 = tpu.memref_slice %arg2[%dma_start3A_718, %add3A_717] : memref<2x800000xi32, #tpu.memory_space<hbm>> -> memref<1x112xi32, #tpu.memory_space<hbm>>
      %dma_start3A_729 = tpu.memref_squeeze %dma_start3A_728 : memref<1x112xi32, #tpu.memory_space<hbm>> -> memref<112xi32, #tpu.memory_space<hbm>>
      tpu.enqueue_dma source(%dma_start3A_729 : memref<112xi32, #tpu.memory_space<hbm>>) target(%dma_start3A_727 : memref<112xi32, #tpu.memory_space<vmem>>) target_semaphore(%arg20 : memref<!tpu.dma_semaphore, #tpu.memory_space<semaphore_mem>>)
      %add3A_730 = arith.constant 448 : i32
      %add3A_731 = arith.addi %add3A_603, %add3A_730 : i32
      %dma_start3A_732 = arith.constant 1 : i32
      %dma_start3A_733 = arith.constant 4 : i32
      %dma_start3A_734 = arith.constant 0 : i32
      %dma_start3A_735 = tpu.memref_slice %arg7[%dma_start3A_733, %dma_start3A_734] : memref<5x112xi32, #tpu.memory_space<vmem>> -> memref<1x112xi32, #tpu.memory_space<vmem>>
      %dma_start3A_736 = tpu.memref_squeeze %dma_start3A_735 : memref<1x112xi32, #tpu.memory_space<vmem>> -> memref<112xi32, #tpu.memory_space<vmem>>
      %dma_start3A_737 = tpu.memref_slice %arg2[%dma_start3A_732, %add3A_731] : memref<2x800000xi32, #tpu.memory_space<hbm>> -> memref<1x112xi32, #tpu.memory_space<hbm>>
      %dma_start3A_738 = tpu.memref_squeeze %dma_start3A_737 : memref<1x112xi32, #tpu.memory_space<hbm>> -> memref<112xi32, #tpu.memory_space<hbm>>
      %dma_start3A_739 = arith.constant 0 : i32
      %dma_start3A_740 = tpu.memref_slice %arg7[%dma_start3A_733, %dma_start3A_739] : memref<5x112xi32, #tpu.memory_space<vmem>> -> memref<1x112xi32, #tpu.memory_space<vmem>>
      %dma_start3A_741 = tpu.memref_squeeze %dma_start3A_740 : memref<1x112xi32, #tpu.memory_space<vmem>> -> memref<112xi32, #tpu.memory_space<vmem>>
      %dma_start3A_742 = tpu.memref_slice %arg2[%dma_start3A_732, %add3A_731] : memref<2x800000xi32, #tpu.memory_space<hbm>> -> memref<1x112xi32, #tpu.memory_space<hbm>>
      %dma_start3A_743 = tpu.memref_squeeze %dma_start3A_742 : memref<1x112xi32, #tpu.memory_space<hbm>> -> memref<112xi32, #tpu.memory_space<hbm>>
      tpu.enqueue_dma source(%dma_start3A_743 : memref<112xi32, #tpu.memory_space<hbm>>) target(%dma_start3A_741 : memref<112xi32, #tpu.memory_space<vmem>>) target_semaphore(%arg20 : memref<!tpu.dma_semaphore, #tpu.memory_space<semaphore_mem>>)
      %dma_wait3A_744 = arith.constant 0 : i32
      %dma_wait3A_745 = arith.constant 0 : i32
      %dma_wait3A_746 = arith.constant 0 : i32
      %dma_wait3A_747 = tpu.memref_slice %arg6[%dma_wait3A_745, %dma_wait3A_746] : memref<5x112xi32, #tpu.memory_space<vmem>> -> memref<1x112xi32, #tpu.memory_space<vmem>>
      %dma_wait3A_748 = tpu.memref_squeeze %dma_wait3A_747 : memref<1x112xi32, #tpu.memory_space<vmem>> -> memref<112xi32, #tpu.memory_space<vmem>>
      %dma_wait3A_749 = tpu.memref_slice %arg2[%dma_wait3A_744, %add3A_605] : memref<2x800000xi32, #tpu.memory_space<hbm>> -> memref<1x112xi32, #tpu.memory_space<hbm>>
      %dma_wait3A_750 = tpu.memref_squeeze %dma_wait3A_749 : memref<1x112xi32, #tpu.memory_space<hbm>> -> memref<112xi32, #tpu.memory_space<hbm>>
      %dma_wait3A_751 = arith.constant 0 : i32
      %dma_wait3A_752 = tpu.memref_slice %arg6[%dma_wait3A_745, %dma_wait3A_751] : memref<5x112xi32, #tpu.memory_space<vmem>> -> memref<1x112xi32, #tpu.memory_space<vmem>>
      %dma_wait3A_753 = tpu.memref_squeeze %dma_wait3A_752 : memref<1x112xi32, #tpu.memory_space<vmem>> -> memref<112xi32, #tpu.memory_space<vmem>>
      %dma_wait3A_754 = tpu.memref_slice %arg2[%dma_wait3A_744, %add3A_605] : memref<2x800000xi32, #tpu.memory_space<hbm>> -> memref<1x112xi32, #tpu.memory_space<hbm>>
      %dma_wait3A_755 = tpu.memref_squeeze %dma_wait3A_754 : memref<1x112xi32, #tpu.memory_space<hbm>> -> memref<112xi32, #tpu.memory_space<hbm>>
      tpu.wait_dma2 semaphore(%arg19 : memref<!tpu.dma_semaphore, #tpu.memory_space<semaphore_mem>>) src(%dma_wait3A_755 : memref<112xi32, #tpu.memory_space<hbm>>) dst(%dma_wait3A_753 : memref<112xi32, #tpu.memory_space<vmem>>)
      %dma_start3A_756 = arith.constant 0 : i32
      %dma_start3A_757 = arith.constant 0 : i32
      %dma_start3A_758 = arith.constant 0 : i32
      %dma_start3A_759 = arith.constant 0 : i32
      %dma_start3A_760 = tpu.memref_slice %arg8[%dma_start3A_757, %dma_start3A_758, %dma_start3A_759] : memref<5x112x32xf32, #tpu.memory_space<vmem>> -> memref<1x112x32xf32, #tpu.memory_space<vmem>>
      %dma_start3A_761 = tpu.memref_squeeze %dma_start3A_760 : memref<1x112x32xf32, #tpu.memory_space<vmem>> -> memref<112x32xf32, #tpu.memory_space<vmem>>
      %dma_start3A_762 = arith.constant 0 : i32
      %dma_start3A_763 = tpu.memref_slice %arg6[%dma_start3A_756, %dma_start3A_762] : memref<5x112xi32, #tpu.memory_space<vmem>> -> memref<1x112xi32, #tpu.memory_space<vmem>>
      %dma_start3A_764 = tpu.memref_squeeze %dma_start3A_763 : memref<1x112xi32, #tpu.memory_space<vmem>> -> memref<112xi32, #tpu.memory_space<vmem>>
      %dma_start3A_765 = arith.constant 0 : i32
      %dma_start3A_766 = arith.constant 0 : i32
      %dma_start3A_767 = tpu.memref_slice %arg5[%arg0, %dma_start3A_765, %dma_start3A_766] : memref<2x50176x32xf32, #tpu.memory_space<hbm>> -> memref<1x50176x32xf32, #tpu.memory_space<hbm>>
      %dma_start3A_768 = tpu.memref_squeeze %dma_start3A_767 : memref<1x50176x32xf32, #tpu.memory_space<hbm>> -> memref<50176x32xf32, #tpu.memory_space<hbm>>
      %dma_start3A_769 = arith.constant 0 : i32
      %dma_start3A_770 = arith.constant 0 : i32
      %dma_start3A_771 = tpu.memref_slice %dma_start3A_768[%dma_start3A_769, %dma_start3A_770] : memref<50176x32xf32, #tpu.memory_space<hbm>> -> memref<50176x32xf32, #tpu.memory_space<hbm>>
      tpu.enqueue_indirect_dma source(%dma_start3A_771 : memref<50176x32xf32, #tpu.memory_space<hbm>>) target(%dma_start3A_761 : memref<112x32xf32, #tpu.memory_space<vmem>>) offsets(%dma_start3A_764 : memref<112xi32, #tpu.memory_space<vmem>>) semaphore(%arg21 : memref<!tpu.dma_semaphore, #tpu.memory_space<semaphore_mem>>)
      %dma_wait3A_772 = arith.constant 0 : i32
      %dma_wait3A_773 = arith.constant 1 : i32
      %dma_wait3A_774 = arith.constant 0 : i32
      %dma_wait3A_775 = tpu.memref_slice %arg6[%dma_wait3A_773, %dma_wait3A_774] : memref<5x112xi32, #tpu.memory_space<vmem>> -> memref<1x112xi32, #tpu.memory_space<vmem>>
      %dma_wait3A_776 = tpu.memref_squeeze %dma_wait3A_775 : memref<1x112xi32, #tpu.memory_space<vmem>> -> memref<112xi32, #tpu.memory_space<vmem>>
      %dma_wait3A_777 = tpu.memref_slice %arg2[%dma_wait3A_772, %add3A_619] : memref<2x800000xi32, #tpu.memory_space<hbm>> -> memref<1x112xi32, #tpu.memory_space<hbm>>
      %dma_wait3A_778 = tpu.memref_squeeze %dma_wait3A_777 : memref<1x112xi32, #tpu.memory_space<hbm>> -> memref<112xi32, #tpu.memory_space<hbm>>
      %dma_wait3A_779 = arith.constant 0 : i32
      %dma_wait3A_780 = tpu.memref_slice %arg6[%dma_wait3A_773, %dma_wait3A_779] : memref<5x112xi32, #tpu.memory_space<vmem>> -> memref<1x112xi32, #tpu.memory_space<vmem>>
      %dma_wait3A_781 = tpu.memref_squeeze %dma_wait3A_780 : memref<1x112xi32, #tpu.memory_space<vmem>> -> memref<112xi32, #tpu.memory_space<vmem>>
      %dma_wait3A_782 = tpu.memref_slice %arg2[%dma_wait3A_772, %add3A_619] : memref<2x800000xi32, #tpu.memory_space<hbm>> -> memref<1x112xi32, #tpu.memory_space<hbm>>
      %dma_wait3A_783 = tpu.memref_squeeze %dma_wait3A_782 : memref<1x112xi32, #tpu.memory_space<hbm>> -> memref<112xi32, #tpu.memory_space<hbm>>
      tpu.wait_dma2 semaphore(%arg19 : memref<!tpu.dma_semaphore, #tpu.memory_space<semaphore_mem>>) src(%dma_wait3A_783 : memref<112xi32, #tpu.memory_space<hbm>>) dst(%dma_wait3A_781 : memref<112xi32, #tpu.memory_space<vmem>>)
      %dma_start3A_784 = arith.constant 1 : i32
      %dma_start3A_785 = arith.constant 1 : i32
      %dma_start3A_786 = arith.constant 0 : i32
      %dma_start3A_787 = arith.constant 0 : i32
      %dma_start3A_788 = tpu.memref_slice %arg8[%dma_start3A_785, %dma_start3A_786, %dma_start3A_787] : memref<5x112x32xf32, #tpu.memory_space<vmem>> -> memref<1x112x32xf32, #tpu.memory_space<vmem>>
      %dma_start3A_789 = tpu.memref_squeeze %dma_start3A_788 : memref<1x112x32xf32, #tpu.memory_space<vmem>> -> memref<112x32xf32, #tpu.memory_space<vmem>>
      %dma_start3A_790 = arith.constant 0 : i32
      %dma_start3A_791 = tpu.memref_slice %arg6[%dma_start3A_784, %dma_start3A_790] : memref<5x112xi32, #tpu.memory_space<vmem>> -> memref<1x112xi32, #tpu.memory_space<vmem>>
      %dma_start3A_792 = tpu.memref_squeeze %dma_start3A_791 : memref<1x112xi32, #tpu.memory_space<vmem>> -> memref<112xi32, #tpu.memory_space<vmem>>
      %dma_start3A_793 = arith.constant 0 : i32
      %dma_start3A_794 = arith.constant 0 : i32
      %dma_start3A_795 = tpu.memref_slice %arg5[%arg0, %dma_start3A_793, %dma_start3A_794] : memref<2x50176x32xf32, #tpu.memory_space<hbm>> -> memref<1x50176x32xf32, #tpu.memory_space<hbm>>
      %dma_start3A_796 = tpu.memref_squeeze %dma_start3A_795 : memref<1x50176x32xf32, #tpu.memory_space<hbm>> -> memref<50176x32xf32, #tpu.memory_space<hbm>>
      %dma_start3A_797 = arith.constant 0 : i32
      %dma_start3A_798 = arith.constant 0 : i32
      %dma_start3A_799 = tpu.memref_slice %dma_start3A_796[%dma_start3A_797, %dma_start3A_798] : memref<50176x32xf32, #tpu.memory_space<hbm>> -> memref<50176x32xf32, #tpu.memory_space<hbm>>
      tpu.enqueue_indirect_dma source(%dma_start3A_799 : memref<50176x32xf32, #tpu.memory_space<hbm>>) target(%dma_start3A_789 : memref<112x32xf32, #tpu.memory_space<vmem>>) offsets(%dma_start3A_792 : memref<112xi32, #tpu.memory_space<vmem>>) semaphore(%arg21 : memref<!tpu.dma_semaphore, #tpu.memory_space<semaphore_mem>>)
      %dma_wait3A_800 = arith.constant 0 : i32
      %dma_wait3A_801 = arith.constant 2 : i32
      %dma_wait3A_802 = arith.constant 0 : i32
      %dma_wait3A_803 = tpu.memref_slice %arg6[%dma_wait3A_801, %dma_wait3A_802] : memref<5x112xi32, #tpu.memory_space<vmem>> -> memref<1x112xi32, #tpu.memory_space<vmem>>
      %dma_wait3A_804 = tpu.memref_squeeze %dma_wait3A_803 : memref<1x112xi32, #tpu.memory_space<vmem>> -> memref<112xi32, #tpu.memory_space<vmem>>
      %dma_wait3A_805 = tpu.memref_slice %arg2[%dma_wait3A_800, %add3A_633] : memref<2x800000xi32, #tpu.memory_space<hbm>> -> memref<1x112xi32, #tpu.memory_space<hbm>>
      %dma_wait3A_806 = tpu.memref_squeeze %dma_wait3A_805 : memref<1x112xi32, #tpu.memory_space<hbm>> -> memref<112xi32, #tpu.memory_space<hbm>>
      %dma_wait3A_807 = arith.constant 0 : i32
      %dma_wait3A_808 = tpu.memref_slice %arg6[%dma_wait3A_801, %dma_wait3A_807] : memref<5x112xi32, #tpu.memory_space<vmem>> -> memref<1x112xi32, #tpu.memory_space<vmem>>
      %dma_wait3A_809 = tpu.memref_squeeze %dma_wait3A_808 : memref<1x112xi32, #tpu.memory_space<vmem>> -> memref<112xi32, #tpu.memory_space<vmem>>
      %dma_wait3A_810 = tpu.memref_slice %arg2[%dma_wait3A_800, %add3A_633] : memref<2x800000xi32, #tpu.memory_space<hbm>> -> memref<1x112xi32, #tpu.memory_space<hbm>>
      %dma_wait3A_811 = tpu.memref_squeeze %dma_wait3A_810 : memref<1x112xi32, #tpu.memory_space<hbm>> -> memref<112xi32, #tpu.memory_space<hbm>>
      tpu.wait_dma2 semaphore(%arg19 : memref<!tpu.dma_semaphore, #tpu.memory_space<semaphore_mem>>) src(%dma_wait3A_811 : memref<112xi32, #tpu.memory_space<hbm>>) dst(%dma_wait3A_809 : memref<112xi32, #tpu.memory_space<vmem>>)
      %dma_start3A_812 = arith.constant 2 : i32
      %dma_start3A_813 = arith.constant 2 : i32
      %dma_start3A_814 = arith.constant 0 : i32
      %dma_start3A_815 = arith.constant 0 : i32
      %dma_start3A_816 = tpu.memref_slice %arg8[%dma_start3A_813, %dma_start3A_814, %dma_start3A_815] : memref<5x112x32xf32, #tpu.memory_space<vmem>> -> memref<1x112x32xf32, #tpu.memory_space<vmem>>
      %dma_start3A_817 = tpu.memref_squeeze %dma_start3A_816 : memref<1x112x32xf32, #tpu.memory_space<vmem>> -> memref<112x32xf32, #tpu.memory_space<vmem>>
      %dma_start3A_818 = arith.constant 0 : i32
      %dma_start3A_819 = tpu.memref_slice %arg6[%dma_start3A_812, %dma_start3A_818] : memref<5x112xi32, #tpu.memory_space<vmem>> -> memref<1x112xi32, #tpu.memory_space<vmem>>
      %dma_start3A_820 = tpu.memref_squeeze %dma_start3A_819 : memref<1x112xi32, #tpu.memory_space<vmem>> -> memref<112xi32, #tpu.memory_space<vmem>>
      %dma_start3A_821 = arith.constant 0 : i32
      %dma_start3A_822 = arith.constant 0 : i32
      %dma_start3A_823 = tpu.memref_slice %arg5[%arg0, %dma_start3A_821, %dma_start3A_822] : memref<2x50176x32xf32, #tpu.memory_space<hbm>> -> memref<1x50176x32xf32, #tpu.memory_space<hbm>>
      %dma_start3A_824 = tpu.memref_squeeze %dma_start3A_823 : memref<1x50176x32xf32, #tpu.memory_space<hbm>> -> memref<50176x32xf32, #tpu.memory_space<hbm>>
      %dma_start3A_825 = arith.constant 0 : i32
      %dma_start3A_826 = arith.constant 0 : i32
      %dma_start3A_827 = tpu.memref_slice %dma_start3A_824[%dma_start3A_825, %dma_start3A_826] : memref<50176x32xf32, #tpu.memory_space<hbm>> -> memref<50176x32xf32, #tpu.memory_space<hbm>>
      tpu.enqueue_indirect_dma source(%dma_start3A_827 : memref<50176x32xf32, #tpu.memory_space<hbm>>) target(%dma_start3A_817 : memref<112x32xf32, #tpu.memory_space<vmem>>) offsets(%dma_start3A_820 : memref<112xi32, #tpu.memory_space<vmem>>) semaphore(%arg21 : memref<!tpu.dma_semaphore, #tpu.memory_space<semaphore_mem>>)
      %dma_wait3A_828 = arith.constant 0 : i32
      %dma_wait3A_829 = arith.constant 3 : i32
      %dma_wait3A_830 = arith.constant 0 : i32
      %dma_wait3A_831 = tpu.memref_slice %arg6[%dma_wait3A_829, %dma_wait3A_830] : memref<5x112xi32, #tpu.memory_space<vmem>> -> memref<1x112xi32, #tpu.memory_space<vmem>>
      %dma_wait3A_832 = tpu.memref_squeeze %dma_wait3A_831 : memref<1x112xi32, #tpu.memory_space<vmem>> -> memref<112xi32, #tpu.memory_space<vmem>>
      %dma_wait3A_833 = tpu.memref_slice %arg2[%dma_wait3A_828, %add3A_647] : memref<2x800000xi32, #tpu.memory_space<hbm>> -> memref<1x112xi32, #tpu.memory_space<hbm>>
      %dma_wait3A_834 = tpu.memref_squeeze %dma_wait3A_833 : memref<1x112xi32, #tpu.memory_space<hbm>> -> memref<112xi32, #tpu.memory_space<hbm>>
      %dma_wait3A_835 = arith.constant 0 : i32
      %dma_wait3A_836 = tpu.memref_slice %arg6[%dma_wait3A_829, %dma_wait3A_835] : memref<5x112xi32, #tpu.memory_space<vmem>> -> memref<1x112xi32, #tpu.memory_space<vmem>>
      %dma_wait3A_837 = tpu.memref_squeeze %dma_wait3A_836 : memref<1x112xi32, #tpu.memory_space<vmem>> -> memref<112xi32, #tpu.memory_space<vmem>>
      %dma_wait3A_838 = tpu.memref_slice %arg2[%dma_wait3A_828, %add3A_647] : memref<2x800000xi32, #tpu.memory_space<hbm>> -> memref<1x112xi32, #tpu.memory_space<hbm>>
      %dma_wait3A_839 = tpu.memref_squeeze %dma_wait3A_838 : memref<1x112xi32, #tpu.memory_space<hbm>> -> memref<112xi32, #tpu.memory_space<hbm>>
      tpu.wait_dma2 semaphore(%arg19 : memref<!tpu.dma_semaphore, #tpu.memory_space<semaphore_mem>>) src(%dma_wait3A_839 : memref<112xi32, #tpu.memory_space<hbm>>) dst(%dma_wait3A_837 : memref<112xi32, #tpu.memory_space<vmem>>)
      %dma_start3A_840 = arith.constant 3 : i32
      %dma_start3A_841 = arith.constant 3 : i32
      %dma_start3A_842 = arith.constant 0 : i32
      %dma_start3A_843 = arith.constant 0 : i32
      %dma_start3A_844 = tpu.memref_slice %arg8[%dma_start3A_841, %dma_start3A_842, %dma_start3A_843] : memref<5x112x32xf32, #tpu.memory_space<vmem>> -> memref<1x112x32xf32, #tpu.memory_space<vmem>>
      %dma_start3A_845 = tpu.memref_squeeze %dma_start3A_844 : memref<1x112x32xf32, #tpu.memory_space<vmem>> -> memref<112x32xf32, #tpu.memory_space<vmem>>
      %dma_start3A_846 = arith.constant 0 : i32
      %dma_start3A_847 = tpu.memref_slice %arg6[%dma_start3A_840, %dma_start3A_846] : memref<5x112xi32, #tpu.memory_space<vmem>> -> memref<1x112xi32, #tpu.memory_space<vmem>>
      %dma_start3A_848 = tpu.memref_squeeze %dma_start3A_847 : memref<1x112xi32, #tpu.memory_space<vmem>> -> memref<112xi32, #tpu.memory_space<vmem>>
      %dma_start3A_849 = arith.constant 0 : i32
      %dma_start3A_850 = arith.constant 0 : i32
      %dma_start3A_851 = tpu.memref_slice %arg5[%arg0, %dma_start3A_849, %dma_start3A_850] : memref<2x50176x32xf32, #tpu.memory_space<hbm>> -> memref<1x50176x32xf32, #tpu.memory_space<hbm>>
      %dma_start3A_852 = tpu.memref_squeeze %dma_start3A_851 : memref<1x50176x32xf32, #tpu.memory_space<hbm>> -> memref<50176x32xf32, #tpu.memory_space<hbm>>
      %dma_start3A_853 = arith.constant 0 : i32
      %dma_start3A_854 = arith.constant 0 : i32
      %dma_start3A_855 = tpu.memref_slice %dma_start3A_852[%dma_start3A_853, %dma_start3A_854] : memref<50176x32xf32, #tpu.memory_space<hbm>> -> memref<50176x32xf32, #tpu.memory_space<hbm>>
      tpu.enqueue_indirect_dma source(%dma_start3A_855 : memref<50176x32xf32, #tpu.memory_space<hbm>>) target(%dma_start3A_845 : memref<112x32xf32, #tpu.memory_space<vmem>>) offsets(%dma_start3A_848 : memref<112xi32, #tpu.memory_space<vmem>>) semaphore(%arg21 : memref<!tpu.dma_semaphore, #tpu.memory_space<semaphore_mem>>)
      %dma_wait3A_856 = arith.constant 0 : i32
      %dma_wait3A_857 = arith.constant 4 : i32
      %dma_wait3A_858 = arith.constant 0 : i32
      %dma_wait3A_859 = tpu.memref_slice %arg6[%dma_wait3A_857, %dma_wait3A_858] : memref<5x112xi32, #tpu.memory_space<vmem>> -> memref<1x112xi32, #tpu.memory_space<vmem>>
      %dma_wait3A_860 = tpu.memref_squeeze %dma_wait3A_859 : memref<1x112xi32, #tpu.memory_space<vmem>> -> memref<112xi32, #tpu.memory_space<vmem>>
      %dma_wait3A_861 = tpu.memref_slice %arg2[%dma_wait3A_856, %add3A_661] : memref<2x800000xi32, #tpu.memory_space<hbm>> -> memref<1x112xi32, #tpu.memory_space<hbm>>
      %dma_wait3A_862 = tpu.memref_squeeze %dma_wait3A_861 : memref<1x112xi32, #tpu.memory_space<hbm>> -> memref<112xi32, #tpu.memory_space<hbm>>
      %dma_wait3A_863 = arith.constant 0 : i32
      %dma_wait3A_864 = tpu.memref_slice %arg6[%dma_wait3A_857, %dma_wait3A_863] : memref<5x112xi32, #tpu.memory_space<vmem>> -> memref<1x112xi32, #tpu.memory_space<vmem>>
      %dma_wait3A_865 = tpu.memref_squeeze %dma_wait3A_864 : memref<1x112xi32, #tpu.memory_space<vmem>> -> memref<112xi32, #tpu.memory_space<vmem>>
      %dma_wait3A_866 = tpu.memref_slice %arg2[%dma_wait3A_856, %add3A_661] : memref<2x800000xi32, #tpu.memory_space<hbm>> -> memref<1x112xi32, #tpu.memory_space<hbm>>
      %dma_wait3A_867 = tpu.memref_squeeze %dma_wait3A_866 : memref<1x112xi32, #tpu.memory_space<hbm>> -> memref<112xi32, #tpu.memory_space<hbm>>
      tpu.wait_dma2 semaphore(%arg19 : memref<!tpu.dma_semaphore, #tpu.memory_space<semaphore_mem>>) src(%dma_wait3A_867 : memref<112xi32, #tpu.memory_space<hbm>>) dst(%dma_wait3A_865 : memref<112xi32, #tpu.memory_space<vmem>>)
      %dma_start3A_868 = arith.constant 4 : i32
      %dma_start3A_869 = arith.constant 4 : i32
      %dma_start3A_870 = arith.constant 0 : i32
      %dma_start3A_871 = arith.constant 0 : i32
      %dma_start3A_872 = tpu.memref_slice %arg8[%dma_start3A_869, %dma_start3A_870, %dma_start3A_871] : memref<5x112x32xf32, #tpu.memory_space<vmem>> -> memref<1x112x32xf32, #tpu.memory_space<vmem>>
      %dma_start3A_873 = tpu.memref_squeeze %dma_start3A_872 : memref<1x112x32xf32, #tpu.memory_space<vmem>> -> memref<112x32xf32, #tpu.memory_space<vmem>>
      %dma_start3A_874 = arith.constant 0 : i32
      %dma_start3A_875 = tpu.memref_slice %arg6[%dma_start3A_868, %dma_start3A_874] : memref<5x112xi32, #tpu.memory_space<vmem>> -> memref<1x112xi32, #tpu.memory_space<vmem>>
      %dma_start3A_876 = tpu.memref_squeeze %dma_start3A_875 : memref<1x112xi32, #tpu.memory_space<vmem>> -> memref<112xi32, #tpu.memory_space<vmem>>
      %dma_start3A_877 = arith.constant 0 : i32
      %dma_start3A_878 = arith.constant 0 : i32
      %dma_start3A_879 = tpu.memref_slice %arg5[%arg0, %dma_start3A_877, %dma_start3A_878] : memref<2x50176x32xf32, #tpu.memory_space<hbm>> -> memref<1x50176x32xf32, #tpu.memory_space<hbm>>
      %dma_start3A_880 = tpu.memref_squeeze %dma_start3A_879 : memref<1x50176x32xf32, #tpu.memory_space<hbm>> -> memref<50176x32xf32, #tpu.memory_space<hbm>>
      %dma_start3A_881 = arith.constant 0 : i32
      %dma_start3A_882 = arith.constant 0 : i32
      %dma_start3A_883 = tpu.memref_slice %dma_start3A_880[%dma_start3A_881, %dma_start3A_882] : memref<50176x32xf32, #tpu.memory_space<hbm>> -> memref<50176x32xf32, #tpu.memory_space<hbm>>
      tpu.enqueue_indirect_dma source(%dma_start3A_883 : memref<50176x32xf32, #tpu.memory_space<hbm>>) target(%dma_start3A_873 : memref<112x32xf32, #tpu.memory_space<vmem>>) offsets(%dma_start3A_876 : memref<112xi32, #tpu.memory_space<vmem>>) semaphore(%arg21 : memref<!tpu.dma_semaphore, #tpu.memory_space<semaphore_mem>>)
      %dma_wait3A_884 = arith.constant 0 : i32
      %dma_wait3A_885 = arith.constant 0 : i32
      %dma_wait3A_886 = arith.constant 0 : i32
      %dma_wait3A_887 = arith.constant 0 : i32
      %dma_wait3A_888 = tpu.memref_slice %arg8[%dma_wait3A_885, %dma_wait3A_886, %dma_wait3A_887] : memref<5x112x32xf32, #tpu.memory_space<vmem>> -> memref<1x112x32xf32, #tpu.memory_space<vmem>>
      %dma_wait3A_889 = tpu.memref_squeeze %dma_wait3A_888 : memref<1x112x32xf32, #tpu.memory_space<vmem>> -> memref<112x32xf32, #tpu.memory_space<vmem>>
      %dma_wait3A_890 = arith.constant 0 : i32
      %dma_wait3A_891 = tpu.memref_slice %arg6[%dma_wait3A_884, %dma_wait3A_890] : memref<5x112xi32, #tpu.memory_space<vmem>> -> memref<1x112xi32, #tpu.memory_space<vmem>>
      %dma_wait3A_892 = tpu.memref_squeeze %dma_wait3A_891 : memref<1x112xi32, #tpu.memory_space<vmem>> -> memref<112xi32, #tpu.memory_space<vmem>>
      %dma_wait3A_893 = arith.constant 0 : i32
      %dma_wait3A_894 = arith.constant 0 : i32
      %dma_wait3A_895 = tpu.memref_slice %arg5[%arg0, %dma_wait3A_893, %dma_wait3A_894] : memref<2x50176x32xf32, #tpu.memory_space<hbm>> -> memref<1x50176x32xf32, #tpu.memory_space<hbm>>
      %dma_wait3A_896 = tpu.memref_squeeze %dma_wait3A_895 : memref<1x50176x32xf32, #tpu.memory_space<hbm>> -> memref<50176x32xf32, #tpu.memory_space<hbm>>
      %dma_wait3A_897 = arith.constant 0 : i32
      %dma_wait3A_898 = arith.constant 0 : i32
      %dma_wait3A_899 = tpu.memref_slice %dma_wait3A_896[%dma_wait3A_897, %dma_wait3A_898] : memref<50176x32xf32, #tpu.memory_space<hbm>> -> memref<50176x32xf32, #tpu.memory_space<hbm>>
      tpu.wait_indirect_dma semaphore(%arg21 : memref<!tpu.dma_semaphore, #tpu.memory_space<semaphore_mem>>) src(%dma_wait3A_899 : memref<50176x32xf32, #tpu.memory_space<hbm>>) dst(%dma_wait3A_889 : memref<112x32xf32, #tpu.memory_space<vmem>>)
      %dma_wait3A_900 = arith.constant 1 : i32
      %dma_wait3A_901 = arith.constant 0 : i32
      %dma_wait3A_902 = arith.constant 0 : i32
      %dma_wait3A_903 = tpu.memref_slice %arg7[%dma_wait3A_901, %dma_wait3A_902] : memref<5x112xi32, #tpu.memory_space<vmem>> -> memref<1x112xi32, #tpu.memory_space<vmem>>
      %dma_wait3A_904 = tpu.memref_squeeze %dma_wait3A_903 : memref<1x112xi32, #tpu.memory_space<vmem>> -> memref<112xi32, #tpu.memory_space<vmem>>
      %dma_wait3A_905 = tpu.memref_slice %arg2[%dma_wait3A_900, %add3A_675] : memref<2x800000xi32, #tpu.memory_space<hbm>> -> memref<1x112xi32, #tpu.memory_space<hbm>>
      %dma_wait3A_906 = tpu.memref_squeeze %dma_wait3A_905 : memref<1x112xi32, #tpu.memory_space<hbm>> -> memref<112xi32, #tpu.memory_space<hbm>>
      %dma_wait3A_907 = arith.constant 0 : i32
      %dma_wait3A_908 = tpu.memref_slice %arg7[%dma_wait3A_901, %dma_wait3A_907] : memref<5x112xi32, #tpu.memory_space<vmem>> -> memref<1x112xi32, #tpu.memory_space<vmem>>
      %dma_wait3A_909 = tpu.memref_squeeze %dma_wait3A_908 : memref<1x112xi32, #tpu.memory_space<vmem>> -> memref<112xi32, #tpu.memory_space<vmem>>
      %dma_wait3A_910 = tpu.memref_slice %arg2[%dma_wait3A_900, %add3A_675] : memref<2x800000xi32, #tpu.memory_space<hbm>> -> memref<1x112xi32, #tpu.memory_space<hbm>>
      %dma_wait3A_911 = tpu.memref_squeeze %dma_wait3A_910 : memref<1x112xi32, #tpu.memory_space<hbm>> -> memref<112xi32, #tpu.memory_space<hbm>>
      tpu.wait_dma2 semaphore(%arg20 : memref<!tpu.dma_semaphore, #tpu.memory_space<semaphore_mem>>) src(%dma_wait3A_911 : memref<112xi32, #tpu.memory_space<hbm>>) dst(%dma_wait3A_909 : memref<112xi32, #tpu.memory_space<vmem>>)
      %dma_start3A_912 = arith.constant 0 : i32
      %dma_start3A_913 = arith.constant 0 : i32
      %dma_start3A_914 = arith.constant 0 : i32
      %dma_start3A_915 = arith.constant 0 : i32
      %dma_start3A_916 = tpu.memref_slice %arg8[%dma_start3A_912, %dma_start3A_914, %dma_start3A_915] : memref<5x112x32xf32, #tpu.memory_space<vmem>> -> memref<1x112x32xf32, #tpu.memory_space<vmem>>
      %dma_start3A_917 = tpu.memref_squeeze %dma_start3A_916 : memref<1x112x32xf32, #tpu.memory_space<vmem>> -> memref<112x32xf32, #tpu.memory_space<vmem>>
      %dma_start3A_918 = arith.constant 0 : i32
      %dma_start3A_919 = tpu.memref_slice %arg7[%dma_start3A_913, %dma_start3A_918] : memref<5x112xi32, #tpu.memory_space<vmem>> -> memref<1x112xi32, #tpu.memory_space<vmem>>
      %dma_start3A_920 = tpu.memref_squeeze %dma_start3A_919 : memref<1x112xi32, #tpu.memory_space<vmem>> -> memref<112xi32, #tpu.memory_space<vmem>>
      %dma_start3A_921 = arith.constant 0 : i32
      %dma_start3A_922 = arith.constant 0 : i32
      %dma_start3A_923 = tpu.memref_slice %arg17[%dma_start3A_921, %dma_start3A_922] : memref<50176x32xf32, #tpu.memory_space<vmem_shared>> -> memref<50176x32xf32, #tpu.memory_space<vmem_shared>>
      tpu.enqueue_indirect_dma source(%dma_start3A_917 : memref<112x32xf32, #tpu.memory_space<vmem>>) target(%dma_start3A_923 : memref<50176x32xf32, #tpu.memory_space<vmem_shared>>) offsets(%dma_start3A_920 : memref<112xi32, #tpu.memory_space<vmem>>) semaphore(%arg22 : memref<!tpu.dma_semaphore, #tpu.memory_space<semaphore_mem>>) {add = true}
      %dma_wait3A_924 = arith.constant 1 : i32
      %dma_wait3A_925 = arith.constant 1 : i32
      %dma_wait3A_926 = arith.constant 0 : i32
      %dma_wait3A_927 = arith.constant 0 : i32
      %dma_wait3A_928 = tpu.memref_slice %arg8[%dma_wait3A_925, %dma_wait3A_926, %dma_wait3A_927] : memref<5x112x32xf32, #tpu.memory_space<vmem>> -> memref<1x112x32xf32, #tpu.memory_space<vmem>>
      %dma_wait3A_929 = tpu.memref_squeeze %dma_wait3A_928 : memref<1x112x32xf32, #tpu.memory_space<vmem>> -> memref<112x32xf32, #tpu.memory_space<vmem>>
      %dma_wait3A_930 = arith.constant 0 : i32
      %dma_wait3A_931 = tpu.memref_slice %arg6[%dma_wait3A_924, %dma_wait3A_930] : memref<5x112xi32, #tpu.memory_space<vmem>> -> memref<1x112xi32, #tpu.memory_space<vmem>>
      %dma_wait3A_932 = tpu.memref_squeeze %dma_wait3A_931 : memref<1x112xi32, #tpu.memory_space<vmem>> -> memref<112xi32, #tpu.memory_space<vmem>>
      %dma_wait3A_933 = arith.constant 0 : i32
      %dma_wait3A_934 = arith.constant 0 : i32
      %dma_wait3A_935 = tpu.memref_slice %arg5[%arg0, %dma_wait3A_933, %dma_wait3A_934] : memref<2x50176x32xf32, #tpu.memory_space<hbm>> -> memref<1x50176x32xf32, #tpu.memory_space<hbm>>
      %dma_wait3A_936 = tpu.memref_squeeze %dma_wait3A_935 : memref<1x50176x32xf32, #tpu.memory_space<hbm>> -> memref<50176x32xf32, #tpu.memory_space<hbm>>
      %dma_wait3A_937 = arith.constant 0 : i32
      %dma_wait3A_938 = arith.constant 0 : i32
      %dma_wait3A_939 = tpu.memref_slice %dma_wait3A_936[%dma_wait3A_937, %dma_wait3A_938] : memref<50176x32xf32, #tpu.memory_space<hbm>> -> memref<50176x32xf32, #tpu.memory_space<hbm>>
      tpu.wait_indirect_dma semaphore(%arg21 : memref<!tpu.dma_semaphore, #tpu.memory_space<semaphore_mem>>) src(%dma_wait3A_939 : memref<50176x32xf32, #tpu.memory_space<hbm>>) dst(%dma_wait3A_929 : memref<112x32xf32, #tpu.memory_space<vmem>>)
      %dma_wait3A_940 = arith.constant 1 : i32
      %dma_wait3A_941 = arith.constant 1 : i32
      %dma_wait3A_942 = arith.constant 0 : i32
      %dma_wait3A_943 = tpu.memref_slice %arg7[%dma_wait3A_941, %dma_wait3A_942] : memref<5x112xi32, #tpu.memory_space<vmem>> -> memref<1x112xi32, #tpu.memory_space<vmem>>
      %dma_wait3A_944 = tpu.memref_squeeze %dma_wait3A_943 : memref<1x112xi32, #tpu.memory_space<vmem>> -> memref<112xi32, #tpu.memory_space<vmem>>
      %dma_wait3A_945 = tpu.memref_slice %arg2[%dma_wait3A_940, %add3A_689] : memref<2x800000xi32, #tpu.memory_space<hbm>> -> memref<1x112xi32, #tpu.memory_space<hbm>>
      %dma_wait3A_946 = tpu.memref_squeeze %dma_wait3A_945 : memref<1x112xi32, #tpu.memory_space<hbm>> -> memref<112xi32, #tpu.memory_space<hbm>>
      %dma_wait3A_947 = arith.constant 0 : i32
      %dma_wait3A_948 = tpu.memref_slice %arg7[%dma_wait3A_941, %dma_wait3A_947] : memref<5x112xi32, #tpu.memory_space<vmem>> -> memref<1x112xi32, #tpu.memory_space<vmem>>
      %dma_wait3A_949 = tpu.memref_squeeze %dma_wait3A_948 : memref<1x112xi32, #tpu.memory_space<vmem>> -> memref<112xi32, #tpu.memory_space<vmem>>
      %dma_wait3A_950 = tpu.memref_slice %arg2[%dma_wait3A_940, %add3A_689] : memref<2x800000xi32, #tpu.memory_space<hbm>> -> memref<1x112xi32, #tpu.memory_space<hbm>>
      %dma_wait3A_951 = tpu.memref_squeeze %dma_wait3A_950 : memref<1x112xi32, #tpu.memory_space<hbm>> -> memref<112xi32, #tpu.memory_space<hbm>>
      tpu.wait_dma2 semaphore(%arg20 : memref<!tpu.dma_semaphore, #tpu.memory_space<semaphore_mem>>) src(%dma_wait3A_951 : memref<112xi32, #tpu.memory_space<hbm>>) dst(%dma_wait3A_949 : memref<112xi32, #tpu.memory_space<vmem>>)
      %dma_start3A_952 = arith.constant 1 : i32
      %dma_start3A_953 = arith.constant 1 : i32
      %dma_start3A_954 = arith.constant 0 : i32
      %dma_start3A_955 = arith.constant 0 : i32
      %dma_start3A_956 = tpu.memref_slice %arg8[%dma_start3A_952, %dma_start3A_954, %dma_start3A_955] : memref<5x112x32xf32, #tpu.memory_space<vmem>> -> memref<1x112x32xf32, #tpu.memory_space<vmem>>
      %dma_start3A_957 = tpu.memref_squeeze %dma_start3A_956 : memref<1x112x32xf32, #tpu.memory_space<vmem>> -> memref<112x32xf32, #tpu.memory_space<vmem>>
      %dma_start3A_958 = arith.constant 0 : i32
      %dma_start3A_959 = tpu.memref_slice %arg7[%dma_start3A_953, %dma_start3A_958] : memref<5x112xi32, #tpu.memory_space<vmem>> -> memref<1x112xi32, #tpu.memory_space<vmem>>
      %dma_start3A_960 = tpu.memref_squeeze %dma_start3A_959 : memref<1x112xi32, #tpu.memory_space<vmem>> -> memref<112xi32, #tpu.memory_space<vmem>>
      %dma_start3A_961 = arith.constant 0 : i32
      %dma_start3A_962 = arith.constant 0 : i32
      %dma_start3A_963 = tpu.memref_slice %arg17[%dma_start3A_961, %dma_start3A_962] : memref<50176x32xf32, #tpu.memory_space<vmem_shared>> -> memref<50176x32xf32, #tpu.memory_space<vmem_shared>>
      tpu.enqueue_indirect_dma source(%dma_start3A_957 : memref<112x32xf32, #tpu.memory_space<vmem>>) target(%dma_start3A_963 : memref<50176x32xf32, #tpu.memory_space<vmem_shared>>) offsets(%dma_start3A_960 : memref<112xi32, #tpu.memory_space<vmem>>) semaphore(%arg22 : memref<!tpu.dma_semaphore, #tpu.memory_space<semaphore_mem>>) {add = true}
      %dma_wait3A_964 = arith.constant 2 : i32
      %dma_wait3A_965 = arith.constant 2 : i32
      %dma_wait3A_966 = arith.constant 0 : i32
      %dma_wait3A_967 = arith.constant 0 : i32
      %dma_wait3A_968 = tpu.memref_slice %arg8[%dma_wait3A_965, %dma_wait3A_966, %dma_wait3A_967] : memref<5x112x32xf32, #tpu.memory_space<vmem>> -> memref<1x112x32xf32, #tpu.memory_space<vmem>>
      %dma_wait3A_969 = tpu.memref_squeeze %dma_wait3A_968 : memref<1x112x32xf32, #tpu.memory_space<vmem>> -> memref<112x32xf32, #tpu.memory_space<vmem>>
      %dma_wait3A_970 = arith.constant 0 : i32
      %dma_wait3A_971 = tpu.memref_slice %arg6[%dma_wait3A_964, %dma_wait3A_970] : memref<5x112xi32, #tpu.memory_space<vmem>> -> memref<1x112xi32, #tpu.memory_space<vmem>>
      %dma_wait3A_972 = tpu.memref_squeeze %dma_wait3A_971 : memref<1x112xi32, #tpu.memory_space<vmem>> -> memref<112xi32, #tpu.memory_space<vmem>>
      %dma_wait3A_973 = arith.constant 0 : i32
      %dma_wait3A_974 = arith.constant 0 : i32
      %dma_wait3A_975 = tpu.memref_slice %arg5[%arg0, %dma_wait3A_973, %dma_wait3A_974] : memref<2x50176x32xf32, #tpu.memory_space<hbm>> -> memref<1x50176x32xf32, #tpu.memory_space<hbm>>
      %dma_wait3A_976 = tpu.memref_squeeze %dma_wait3A_975 : memref<1x50176x32xf32, #tpu.memory_space<hbm>> -> memref<50176x32xf32, #tpu.memory_space<hbm>>
      %dma_wait3A_977 = arith.constant 0 : i32
      %dma_wait3A_978 = arith.constant 0 : i32
      %dma_wait3A_979 = tpu.memref_slice %dma_wait3A_976[%dma_wait3A_977, %dma_wait3A_978] : memref<50176x32xf32, #tpu.memory_space<hbm>> -> memref<50176x32xf32, #tpu.memory_space<hbm>>
      tpu.wait_indirect_dma semaphore(%arg21 : memref<!tpu.dma_semaphore, #tpu.memory_space<semaphore_mem>>) src(%dma_wait3A_979 : memref<50176x32xf32, #tpu.memory_space<hbm>>) dst(%dma_wait3A_969 : memref<112x32xf32, #tpu.memory_space<vmem>>)
      %dma_wait3A_980 = arith.constant 1 : i32
      %dma_wait3A_981 = arith.constant 2 : i32
      %dma_wait3A_982 = arith.constant 0 : i32
      %dma_wait3A_983 = tpu.memref_slice %arg7[%dma_wait3A_981, %dma_wait3A_982] : memref<5x112xi32, #tpu.memory_space<vmem>> -> memref<1x112xi32, #tpu.memory_space<vmem>>
      %dma_wait3A_984 = tpu.memref_squeeze %dma_wait3A_983 : memref<1x112xi32, #tpu.memory_space<vmem>> -> memref<112xi32, #tpu.memory_space<vmem>>
      %dma_wait3A_985 = tpu.memref_slice %arg2[%dma_wait3A_980, %add3A_703] : memref<2x800000xi32, #tpu.memory_space<hbm>> -> memref<1x112xi32, #tpu.memory_space<hbm>>
      %dma_wait3A_986 = tpu.memref_squeeze %dma_wait3A_985 : memref<1x112xi32, #tpu.memory_space<hbm>> -> memref<112xi32, #tpu.memory_space<hbm>>
      %dma_wait3A_987 = arith.constant 0 : i32
      %dma_wait3A_988 = tpu.memref_slice %arg7[%dma_wait3A_981, %dma_wait3A_987] : memref<5x112xi32, #tpu.memory_space<vmem>> -> memref<1x112xi32, #tpu.memory_space<vmem>>
      %dma_wait3A_989 = tpu.memref_squeeze %dma_wait3A_988 : memref<1x112xi32, #tpu.memory_space<vmem>> -> memref<112xi32, #tpu.memory_space<vmem>>
      %dma_wait3A_990 = tpu.memref_slice %arg2[%dma_wait3A_980, %add3A_703] : memref<2x800000xi32, #tpu.memory_space<hbm>> -> memref<1x112xi32, #tpu.memory_space<hbm>>
      %dma_wait3A_991 = tpu.memref_squeeze %dma_wait3A_990 : memref<1x112xi32, #tpu.memory_space<hbm>> -> memref<112xi32, #tpu.memory_space<hbm>>
      tpu.wait_dma2 semaphore(%arg20 : memref<!tpu.dma_semaphore, #tpu.memory_space<semaphore_mem>>) src(%dma_wait3A_991 : memref<112xi32, #tpu.memory_space<hbm>>) dst(%dma_wait3A_989 : memref<112xi32, #tpu.memory_space<vmem>>)
      %dma_start3A_992 = arith.constant 2 : i32
      %dma_start3A_993 = arith.constant 2 : i32
      %dma_start3A_994 = arith.constant 0 : i32
      %dma_start3A_995 = arith.constant 0 : i32
      %dma_start3A_996 = tpu.memref_slice %arg8[%dma_start3A_992, %dma_start3A_994, %dma_start3A_995] : memref<5x112x32xf32, #tpu.memory_space<vmem>> -> memref<1x112x32xf32, #tpu.memory_space<vmem>>
      %dma_start3A_997 = tpu.memref_squeeze %dma_start3A_996 : memref<1x112x32xf32, #tpu.memory_space<vmem>> -> memref<112x32xf32, #tpu.memory_space<vmem>>
      %dma_start3A_998 = arith.constant 0 : i32
      %dma_start3A_999 = tpu.memref_slice %arg7[%dma_start3A_993, %dma_start3A_998] : memref<5x112xi32, #tpu.memory_space<vmem>> -> memref<1x112xi32, #tpu.memory_space<vmem>>
      %dma_start3A_1000 = tpu.memref_squeeze %dma_start3A_999 : memref<1x112xi32, #tpu.memory_space<vmem>> -> memref<112xi32, #tpu.memory_space<vmem>>
      %dma_start3A_1001 = arith.constant 0 : i32
      %dma_start3A_1002 = arith.constant 0 : i32
      %dma_start3A_1003 = tpu.memref_slice %arg17[%dma_start3A_1001, %dma_start3A_1002] : memref<50176x32xf32, #tpu.memory_space<vmem_shared>> -> memref<50176x32xf32, #tpu.memory_space<vmem_shared>>
      tpu.enqueue_indirect_dma source(%dma_start3A_997 : memref<112x32xf32, #tpu.memory_space<vmem>>) target(%dma_start3A_1003 : memref<50176x32xf32, #tpu.memory_space<vmem_shared>>) offsets(%dma_start3A_1000 : memref<112xi32, #tpu.memory_space<vmem>>) semaphore(%arg22 : memref<!tpu.dma_semaphore, #tpu.memory_space<semaphore_mem>>) {add = true}
      %dma_wait3A_1004 = arith.constant 3 : i32
      %dma_wait3A_1005 = arith.constant 3 : i32
      %dma_wait3A_1006 = arith.constant 0 : i32
      %dma_wait3A_1007 = arith.constant 0 : i32
      %dma_wait3A_1008 = tpu.memref_slice %arg8[%dma_wait3A_1005, %dma_wait3A_1006, %dma_wait3A_1007] : memref<5x112x32xf32, #tpu.memory_space<vmem>> -> memref<1x112x32xf32, #tpu.memory_space<vmem>>
      %dma_wait3A_1009 = tpu.memref_squeeze %dma_wait3A_1008 : memref<1x112x32xf32, #tpu.memory_space<vmem>> -> memref<112x32xf32, #tpu.memory_space<vmem>>
      %dma_wait3A_1010 = arith.constant 0 : i32
      %dma_wait3A_1011 = tpu.memref_slice %arg6[%dma_wait3A_1004, %dma_wait3A_1010] : memref<5x112xi32, #tpu.memory_space<vmem>> -> memref<1x112xi32, #tpu.memory_space<vmem>>
      %dma_wait3A_1012 = tpu.memref_squeeze %dma_wait3A_1011 : memref<1x112xi32, #tpu.memory_space<vmem>> -> memref<112xi32, #tpu.memory_space<vmem>>
      %dma_wait3A_1013 = arith.constant 0 : i32
      %dma_wait3A_1014 = arith.constant 0 : i32
      %dma_wait3A_1015 = tpu.memref_slice %arg5[%arg0, %dma_wait3A_1013, %dma_wait3A_1014] : memref<2x50176x32xf32, #tpu.memory_space<hbm>> -> memref<1x50176x32xf32, #tpu.memory_space<hbm>>
      %dma_wait3A_1016 = tpu.memref_squeeze %dma_wait3A_1015 : memref<1x50176x32xf32, #tpu.memory_space<hbm>> -> memref<50176x32xf32, #tpu.memory_space<hbm>>
      %dma_wait3A_1017 = arith.constant 0 : i32
      %dma_wait3A_1018 = arith.constant 0 : i32
      %dma_wait3A_1019 = tpu.memref_slice %dma_wait3A_1016[%dma_wait3A_1017, %dma_wait3A_1018] : memref<50176x32xf32, #tpu.memory_space<hbm>> -> memref<50176x32xf32, #tpu.memory_space<hbm>>
      tpu.wait_indirect_dma semaphore(%arg21 : memref<!tpu.dma_semaphore, #tpu.memory_space<semaphore_mem>>) src(%dma_wait3A_1019 : memref<50176x32xf32, #tpu.memory_space<hbm>>) dst(%dma_wait3A_1009 : memref<112x32xf32, #tpu.memory_space<vmem>>)
      %dma_wait3A_1020 = arith.constant 1 : i32
      %dma_wait3A_1021 = arith.constant 3 : i32
      %dma_wait3A_1022 = arith.constant 0 : i32
      %dma_wait3A_1023 = tpu.memref_slice %arg7[%dma_wait3A_1021, %dma_wait3A_1022] : memref<5x112xi32, #tpu.memory_space<vmem>> -> memref<1x112xi32, #tpu.memory_space<vmem>>
      %dma_wait3A_1024 = tpu.memref_squeeze %dma_wait3A_1023 : memref<1x112xi32, #tpu.memory_space<vmem>> -> memref<112xi32, #tpu.memory_space<vmem>>
      %dma_wait3A_1025 = tpu.memref_slice %arg2[%dma_wait3A_1020, %add3A_717] : memref<2x800000xi32, #tpu.memory_space<hbm>> -> memref<1x112xi32, #tpu.memory_space<hbm>>
      %dma_wait3A_1026 = tpu.memref_squeeze %dma_wait3A_1025 : memref<1x112xi32, #tpu.memory_space<hbm>> -> memref<112xi32, #tpu.memory_space<hbm>>
      %dma_wait3A_1027 = arith.constant 0 : i32
      %dma_wait3A_1028 = tpu.memref_slice %arg7[%dma_wait3A_1021, %dma_wait3A_1027] : memref<5x112xi32, #tpu.memory_space<vmem>> -> memref<1x112xi32, #tpu.memory_space<vmem>>
      %dma_wait3A_1029 = tpu.memref_squeeze %dma_wait3A_1028 : memref<1x112xi32, #tpu.memory_space<vmem>> -> memref<112xi32, #tpu.memory_space<vmem>>
      %dma_wait3A_1030 = tpu.memref_slice %arg2[%dma_wait3A_1020, %add3A_717] : memref<2x800000xi32, #tpu.memory_space<hbm>> -> memref<1x112xi32, #tpu.memory_space<hbm>>
      %dma_wait3A_1031 = tpu.memref_squeeze %dma_wait3A_1030 : memref<1x112xi32, #tpu.memory_space<hbm>> -> memref<112xi32, #tpu.memory_space<hbm>>
      tpu.wait_dma2 semaphore(%arg20 : memref<!tpu.dma_semaphore, #tpu.memory_space<semaphore_mem>>) src(%dma_wait3A_1031 : memref<112xi32, #tpu.memory_space<hbm>>) dst(%dma_wait3A_1029 : memref<112xi32, #tpu.memory_space<vmem>>)
      %dma_start3A_1032 = arith.constant 3 : i32
      %dma_start3A_1033 = arith.constant 3 : i32
      %dma_start3A_1034 = arith.constant 0 : i32
      %dma_start3A_1035 = arith.constant 0 : i32
      %dma_start3A_1036 = tpu.memref_slice %arg8[%dma_start3A_1032, %dma_start3A_1034, %dma_start3A_1035] : memref<5x112x32xf32, #tpu.memory_space<vmem>> -> memref<1x112x32xf32, #tpu.memory_space<vmem>>
      %dma_start3A_1037 = tpu.memref_squeeze %dma_start3A_1036 : memref<1x112x32xf32, #tpu.memory_space<vmem>> -> memref<112x32xf32, #tpu.memory_space<vmem>>
      %dma_start3A_1038 = arith.constant 0 : i32
      %dma_start3A_1039 = tpu.memref_slice %arg7[%dma_start3A_1033, %dma_start3A_1038] : memref<5x112xi32, #tpu.memory_space<vmem>> -> memref<1x112xi32, #tpu.memory_space<vmem>>
      %dma_start3A_1040 = tpu.memref_squeeze %dma_start3A_1039 : memref<1x112xi32, #tpu.memory_space<vmem>> -> memref<112xi32, #tpu.memory_space<vmem>>
      %dma_start3A_1041 = arith.constant 0 : i32
      %dma_start3A_1042 = arith.constant 0 : i32
      %dma_start3A_1043 = tpu.memref_slice %arg17[%dma_start3A_1041, %dma_start3A_1042] : memref<50176x32xf32, #tpu.memory_space<vmem_shared>> -> memref<50176x32xf32, #tpu.memory_space<vmem_shared>>
      tpu.enqueue_indirect_dma source(%dma_start3A_1037 : memref<112x32xf32, #tpu.memory_space<vmem>>) target(%dma_start3A_1043 : memref<50176x32xf32, #tpu.memory_space<vmem_shared>>) offsets(%dma_start3A_1040 : memref<112xi32, #tpu.memory_space<vmem>>) semaphore(%arg22 : memref<!tpu.dma_semaphore, #tpu.memory_space<semaphore_mem>>) {add = true}
      %dma_wait3A_1044 = arith.constant 4 : i32
      %dma_wait3A_1045 = arith.constant 4 : i32
      %dma_wait3A_1046 = arith.constant 0 : i32
      %dma_wait3A_1047 = arith.constant 0 : i32
      %dma_wait3A_1048 = tpu.memref_slice %arg8[%dma_wait3A_1045, %dma_wait3A_1046, %dma_wait3A_1047] : memref<5x112x32xf32, #tpu.memory_space<vmem>> -> memref<1x112x32xf32, #tpu.memory_space<vmem>>
      %dma_wait3A_1049 = tpu.memref_squeeze %dma_wait3A_1048 : memref<1x112x32xf32, #tpu.memory_space<vmem>> -> memref<112x32xf32, #tpu.memory_space<vmem>>
      %dma_wait3A_1050 = arith.constant 0 : i32
      %dma_wait3A_1051 = tpu.memref_slice %arg6[%dma_wait3A_1044, %dma_wait3A_1050] : memref<5x112xi32, #tpu.memory_space<vmem>> -> memref<1x112xi32, #tpu.memory_space<vmem>>
      %dma_wait3A_1052 = tpu.memref_squeeze %dma_wait3A_1051 : memref<1x112xi32, #tpu.memory_space<vmem>> -> memref<112xi32, #tpu.memory_space<vmem>>
      %dma_wait3A_1053 = arith.constant 0 : i32
      %dma_wait3A_1054 = arith.constant 0 : i32
      %dma_wait3A_1055 = tpu.memref_slice %arg5[%arg0, %dma_wait3A_1053, %dma_wait3A_1054] : memref<2x50176x32xf32, #tpu.memory_space<hbm>> -> memref<1x50176x32xf32, #tpu.memory_space<hbm>>
      %dma_wait3A_1056 = tpu.memref_squeeze %dma_wait3A_1055 : memref<1x50176x32xf32, #tpu.memory_space<hbm>> -> memref<50176x32xf32, #tpu.memory_space<hbm>>
      %dma_wait3A_1057 = arith.constant 0 : i32
      %dma_wait3A_1058 = arith.constant 0 : i32
      %dma_wait3A_1059 = tpu.memref_slice %dma_wait3A_1056[%dma_wait3A_1057, %dma_wait3A_1058] : memref<50176x32xf32, #tpu.memory_space<hbm>> -> memref<50176x32xf32, #tpu.memory_space<hbm>>
      tpu.wait_indirect_dma semaphore(%arg21 : memref<!tpu.dma_semaphore, #tpu.memory_space<semaphore_mem>>) src(%dma_wait3A_1059 : memref<50176x32xf32, #tpu.memory_space<hbm>>) dst(%dma_wait3A_1049 : memref<112x32xf32, #tpu.memory_space<vmem>>)
      %dma_wait3A_1060 = arith.constant 1 : i32
      %dma_wait3A_1061 = arith.constant 4 : i32
      %dma_wait3A_1062 = arith.constant 0 : i32
      %dma_wait3A_1063 = tpu.memref_slice %arg7[%dma_wait3A_1061, %dma_wait3A_1062] : memref<5x112xi32, #tpu.memory_space<vmem>> -> memref<1x112xi32, #tpu.memory_space<vmem>>
      %dma_wait3A_1064 = tpu.memref_squeeze %dma_wait3A_1063 : memref<1x112xi32, #tpu.memory_space<vmem>> -> memref<112xi32, #tpu.memory_space<vmem>>
      %dma_wait3A_1065 = tpu.memref_slice %arg2[%dma_wait3A_1060, %add3A_731] : memref<2x800000xi32, #tpu.memory_space<hbm>> -> memref<1x112xi32, #tpu.memory_space<hbm>>
      %dma_wait3A_1066 = tpu.memref_squeeze %dma_wait3A_1065 : memref<1x112xi32, #tpu.memory_space<hbm>> -> memref<112xi32, #tpu.memory_space<hbm>>
      %dma_wait3A_1067 = arith.constant 0 : i32
      %dma_wait3A_1068 = tpu.memref_slice %arg7[%dma_wait3A_1061, %dma_wait3A_1067] : memref<5x112xi32, #tpu.memory_space<vmem>> -> memref<1x112xi32, #tpu.memory_space<vmem>>
      %dma_wait3A_1069 = tpu.memref_squeeze %dma_wait3A_1068 : memref<1x112xi32, #tpu.memory_space<vmem>> -> memref<112xi32, #tpu.memory_space<vmem>>
      %dma_wait3A_1070 = tpu.memref_slice %arg2[%dma_wait3A_1060, %add3A_731] : memref<2x800000xi32, #tpu.memory_space<hbm>> -> memref<1x112xi32, #tpu.memory_space<hbm>>
      %dma_wait3A_1071 = tpu.memref_squeeze %dma_wait3A_1070 : memref<1x112xi32, #tpu.memory_space<hbm>> -> memref<112xi32, #tpu.memory_space<hbm>>
      tpu.wait_dma2 semaphore(%arg20 : memref<!tpu.dma_semaphore, #tpu.memory_space<semaphore_mem>>) src(%dma_wait3A_1071 : memref<112xi32, #tpu.memory_space<hbm>>) dst(%dma_wait3A_1069 : memref<112xi32, #tpu.memory_space<vmem>>)
      %dma_start3A_1072 = arith.constant 4 : i32
      %dma_start3A_1073 = arith.constant 4 : i32
      %dma_start3A_1074 = arith.constant 0 : i32
      %dma_start3A_1075 = arith.constant 0 : i32
      %dma_start3A_1076 = tpu.memref_slice %arg8[%dma_start3A_1072, %dma_start3A_1074, %dma_start3A_1075] : memref<5x112x32xf32, #tpu.memory_space<vmem>> -> memref<1x112x32xf32, #tpu.memory_space<vmem>>
      %dma_start3A_1077 = tpu.memref_squeeze %dma_start3A_1076 : memref<1x112x32xf32, #tpu.memory_space<vmem>> -> memref<112x32xf32, #tpu.memory_space<vmem>>
      %dma_start3A_1078 = arith.constant 0 : i32
      %dma_start3A_1079 = tpu.memref_slice %arg7[%dma_start3A_1073, %dma_start3A_1078] : memref<5x112xi32, #tpu.memory_space<vmem>> -> memref<1x112xi32, #tpu.memory_space<vmem>>
      %dma_start3A_1080 = tpu.memref_squeeze %dma_start3A_1079 : memref<1x112xi32, #tpu.memory_space<vmem>> -> memref<112xi32, #tpu.memory_space<vmem>>
      %dma_start3A_1081 = arith.constant 0 : i32
      %dma_start3A_1082 = arith.constant 0 : i32
      %dma_start3A_1083 = tpu.memref_slice %arg17[%dma_start3A_1081, %dma_start3A_1082] : memref<50176x32xf32, #tpu.memory_space<vmem_shared>> -> memref<50176x32xf32, #tpu.memory_space<vmem_shared>>
      tpu.enqueue_indirect_dma source(%dma_start3A_1077 : memref<112x32xf32, #tpu.memory_space<vmem>>) target(%dma_start3A_1083 : memref<50176x32xf32, #tpu.memory_space<vmem_shared>>) offsets(%dma_start3A_1080 : memref<112xi32, #tpu.memory_space<vmem>>) semaphore(%arg22 : memref<!tpu.dma_semaphore, #tpu.memory_space<semaphore_mem>>) {add = true}
      %dma_wait3A_1084 = arith.constant 0 : i32
      %dma_wait3A_1085 = arith.constant 0 : i32
      %dma_wait3A_1086 = arith.constant 0 : i32
      %dma_wait3A_1087 = arith.constant 0 : i32
      %dma_wait3A_1088 = tpu.memref_slice %arg8[%dma_wait3A_1084, %dma_wait3A_1086, %dma_wait3A_1087] : memref<5x112x32xf32, #tpu.memory_space<vmem>> -> memref<1x112x32xf32, #tpu.memory_space<vmem>>
      %dma_wait3A_1089 = tpu.memref_squeeze %dma_wait3A_1088 : memref<1x112x32xf32, #tpu.memory_space<vmem>> -> memref<112x32xf32, #tpu.memory_space<vmem>>
      %dma_wait3A_1090 = arith.constant 0 : i32
      %dma_wait3A_1091 = tpu.memref_slice %arg7[%dma_wait3A_1085, %dma_wait3A_1090] : memref<5x112xi32, #tpu.memory_space<vmem>> -> memref<1x112xi32, #tpu.memory_space<vmem>>
      %dma_wait3A_1092 = tpu.memref_squeeze %dma_wait3A_1091 : memref<1x112xi32, #tpu.memory_space<vmem>> -> memref<112xi32, #tpu.memory_space<vmem>>
      %dma_wait3A_1093 = arith.constant 0 : i32
      %dma_wait3A_1094 = arith.constant 0 : i32
      %dma_wait3A_1095 = tpu.memref_slice %arg17[%dma_wait3A_1093, %dma_wait3A_1094] : memref<50176x32xf32, #tpu.memory_space<vmem_shared>> -> memref<50176x32xf32, #tpu.memory_space<vmem_shared>>
      tpu.wait_indirect_dma semaphore(%arg22 : memref<!tpu.dma_semaphore, #tpu.memory_space<semaphore_mem>>) src(%dma_wait3A_1089 : memref<112x32xf32, #tpu.memory_space<vmem>>) dst(%dma_wait3A_1095 : memref<50176x32xf32, #tpu.memory_space<vmem_shared>>)
      %dma_wait3A_1096 = arith.constant 1 : i32
      %dma_wait3A_1097 = arith.constant 1 : i32
      %dma_wait3A_1098 = arith.constant 0 : i32
      %dma_wait3A_1099 = arith.constant 0 : i32
      %dma_wait3A_1100 = tpu.memref_slice %arg8[%dma_wait3A_1096, %dma_wait3A_1098, %dma_wait3A_1099] : memref<5x112x32xf32, #tpu.memory_space<vmem>> -> memref<1x112x32xf32, #tpu.memory_space<vmem>>
      %dma_wait3A_1101 = tpu.memref_squeeze %dma_wait3A_1100 : memref<1x112x32xf32, #tpu.memory_space<vmem>> -> memref<112x32xf32, #tpu.memory_space<vmem>>
      %dma_wait3A_1102 = arith.constant 0 : i32
      %dma_wait3A_1103 = tpu.memref_slice %arg7[%dma_wait3A_1097, %dma_wait3A_1102] : memref<5x112xi32, #tpu.memory_space<vmem>> -> memref<1x112xi32, #tpu.memory_space<vmem>>
      %dma_wait3A_1104 = tpu.memref_squeeze %dma_wait3A_1103 : memref<1x112xi32, #tpu.memory_space<vmem>> -> memref<112xi32, #tpu.memory_space<vmem>>
      %dma_wait3A_1105 = arith.constant 0 : i32
      %dma_wait3A_1106 = arith.constant 0 : i32
      %dma_wait3A_1107 = tpu.memref_slice %arg17[%dma_wait3A_1105, %dma_wait3A_1106] : memref<50176x32xf32, #tpu.memory_space<vmem_shared>> -> memref<50176x32xf32, #tpu.memory_space<vmem_shared>>
      tpu.wait_indirect_dma semaphore(%arg22 : memref<!tpu.dma_semaphore, #tpu.memory_space<semaphore_mem>>) src(%dma_wait3A_1101 : memref<112x32xf32, #tpu.memory_space<vmem>>) dst(%dma_wait3A_1107 : memref<50176x32xf32, #tpu.memory_space<vmem_shared>>)
      %dma_wait3A_1108 = arith.constant 2 : i32
      %dma_wait3A_1109 = arith.constant 2 : i32
      %dma_wait3A_1110 = arith.constant 0 : i32
      %dma_wait3A_1111 = arith.constant 0 : i32
      %dma_wait3A_1112 = tpu.memref_slice %arg8[%dma_wait3A_1108, %dma_wait3A_1110, %dma_wait3A_1111] : memref<5x112x32xf32, #tpu.memory_space<vmem>> -> memref<1x112x32xf32, #tpu.memory_space<vmem>>
      %dma_wait3A_1113 = tpu.memref_squeeze %dma_wait3A_1112 : memref<1x112x32xf32, #tpu.memory_space<vmem>> -> memref<112x32xf32, #tpu.memory_space<vmem>>
      %dma_wait3A_1114 = arith.constant 0 : i32
      %dma_wait3A_1115 = tpu.memref_slice %arg7[%dma_wait3A_1109, %dma_wait3A_1114] : memref<5x112xi32, #tpu.memory_space<vmem>> -> memref<1x112xi32, #tpu.memory_space<vmem>>
      %dma_wait3A_1116 = tpu.memref_squeeze %dma_wait3A_1115 : memref<1x112xi32, #tpu.memory_space<vmem>> -> memref<112xi32, #tpu.memory_space<vmem>>
      %dma_wait3A_1117 = arith.constant 0 : i32
      %dma_wait3A_1118 = arith.constant 0 : i32
      %dma_wait3A_1119 = tpu.memref_slice %arg17[%dma_wait3A_1117, %dma_wait3A_1118] : memref<50176x32xf32, #tpu.memory_space<vmem_shared>> -> memref<50176x32xf32, #tpu.memory_space<vmem_shared>>
      tpu.wait_indirect_dma semaphore(%arg22 : memref<!tpu.dma_semaphore, #tpu.memory_space<semaphore_mem>>) src(%dma_wait3A_1113 : memref<112x32xf32, #tpu.memory_space<vmem>>) dst(%dma_wait3A_1119 : memref<50176x32xf32, #tpu.memory_space<vmem_shared>>)
      %dma_wait3A_1120 = arith.constant 3 : i32
      %dma_wait3A_1121 = arith.constant 3 : i32
      %dma_wait3A_1122 = arith.constant 0 : i32
      %dma_wait3A_1123 = arith.constant 0 : i32
      %dma_wait3A_1124 = tpu.memref_slice %arg8[%dma_wait3A_1120, %dma_wait3A_1122, %dma_wait3A_1123] : memref<5x112x32xf32, #tpu.memory_space<vmem>> -> memref<1x112x32xf32, #tpu.memory_space<vmem>>
      %dma_wait3A_1125 = tpu.memref_squeeze %dma_wait3A_1124 : memref<1x112x32xf32, #tpu.memory_space<vmem>> -> memref<112x32xf32, #tpu.memory_space<vmem>>
      %dma_wait3A_1126 = arith.constant 0 : i32
      %dma_wait3A_1127 = tpu.memref_slice %arg7[%dma_wait3A_1121, %dma_wait3A_1126] : memref<5x112xi32, #tpu.memory_space<vmem>> -> memref<1x112xi32, #tpu.memory_space<vmem>>
      %dma_wait3A_1128 = tpu.memref_squeeze %dma_wait3A_1127 : memref<1x112xi32, #tpu.memory_space<vmem>> -> memref<112xi32, #tpu.memory_space<vmem>>
      %dma_wait3A_1129 = arith.constant 0 : i32
      %dma_wait3A_1130 = arith.constant 0 : i32
      %dma_wait3A_1131 = tpu.memref_slice %arg17[%dma_wait3A_1129, %dma_wait3A_1130] : memref<50176x32xf32, #tpu.memory_space<vmem_shared>> -> memref<50176x32xf32, #tpu.memory_space<vmem_shared>>
      tpu.wait_indirect_dma semaphore(%arg22 : memref<!tpu.dma_semaphore, #tpu.memory_space<semaphore_mem>>) src(%dma_wait3A_1125 : memref<112x32xf32, #tpu.memory_space<vmem>>) dst(%dma_wait3A_1131 : memref<50176x32xf32, #tpu.memory_space<vmem_shared>>)
      %dma_wait3A_1132 = arith.constant 4 : i32
      %dma_wait3A_1133 = arith.constant 4 : i32
      %dma_wait3A_1134 = arith.constant 0 : i32
      %dma_wait3A_1135 = arith.constant 0 : i32
      %dma_wait3A_1136 = tpu.memref_slice %arg8[%dma_wait3A_1132, %dma_wait3A_1134, %dma_wait3A_1135] : memref<5x112x32xf32, #tpu.memory_space<vmem>> -> memref<1x112x32xf32, #tpu.memory_space<vmem>>
      %dma_wait3A_1137 = tpu.memref_squeeze %dma_wait3A_1136 : memref<1x112x32xf32, #tpu.memory_space<vmem>> -> memref<112x32xf32, #tpu.memory_space<vmem>>
      %dma_wait3A_1138 = arith.constant 0 : i32
      %dma_wait3A_1139 = tpu.memref_slice %arg7[%dma_wait3A_1133, %dma_wait3A_1138] : memref<5x112xi32, #tpu.memory_space<vmem>> -> memref<1x112xi32, #tpu.memory_space<vmem>>
      %dma_wait3A_1140 = tpu.memref_squeeze %dma_wait3A_1139 : memref<1x112xi32, #tpu.memory_space<vmem>> -> memref<112xi32, #tpu.memory_space<vmem>>
      %dma_wait3A_1141 = arith.constant 0 : i32
      %dma_wait3A_1142 = arith.constant 0 : i32
      %dma_wait3A_1143 = tpu.memref_slice %arg17[%dma_wait3A_1141, %dma_wait3A_1142] : memref<50176x32xf32, #tpu.memory_space<vmem_shared>> -> memref<50176x32xf32, #tpu.memory_space<vmem_shared>>
      tpu.wait_indirect_dma semaphore(%arg22 : memref<!tpu.dma_semaphore, #tpu.memory_space<semaphore_mem>>) src(%dma_wait3A_1137 : memref<112x32xf32, #tpu.memory_space<vmem>>) dst(%dma_wait3A_1143 : memref<50176x32xf32, #tpu.memory_space<vmem_shared>>)
    }
    %scan3A_281 = arith.constant 89 : i32
    %dma_start3A_282 = arith.constant 0 : i32
    %dma_start3A_283 = arith.constant 0 : i32
    %dma_start3A_284 = arith.constant 0 : i32
    %dma_start3A_285 = tpu.memref_slice %arg6[%dma_start3A_283, %dma_start3A_284] : memref<5x112xi32, #tpu.memory_space<vmem>> -> memref<1x112xi32, #tpu.memory_space<vmem>>
    %dma_start3A_286 = tpu.memref_squeeze %dma_start3A_285 : memref<1x112xi32, #tpu.memory_space<vmem>> -> memref<112xi32, #tpu.memory_space<vmem>>
    %dma_start3A_287 = tpu.memref_slice %arg2[%dma_start3A_282, %add3A_1] : memref<2x800000xi32, #tpu.memory_space<hbm>> -> memref<1x112xi32, #tpu.memory_space<hbm>>
    %dma_start3A_288 = tpu.memref_squeeze %dma_start3A_287 : memref<1x112xi32, #tpu.memory_space<hbm>> -> memref<112xi32, #tpu.memory_space<hbm>>
    %dma_start3A_289 = arith.constant 0 : i32
    %dma_start3A_290 = tpu.memref_slice %arg6[%dma_start3A_283, %dma_start3A_289] : memref<5x112xi32, #tpu.memory_space<vmem>> -> memref<1x112xi32, #tpu.memory_space<vmem>>
    %dma_start3A_291 = tpu.memref_squeeze %dma_start3A_290 : memref<1x112xi32, #tpu.memory_space<vmem>> -> memref<112xi32, #tpu.memory_space<vmem>>
    %dma_start3A_292 = tpu.memref_slice %arg2[%dma_start3A_282, %add3A_1] : memref<2x800000xi32, #tpu.memory_space<hbm>> -> memref<1x112xi32, #tpu.memory_space<hbm>>
    %dma_start3A_293 = tpu.memref_squeeze %dma_start3A_292 : memref<1x112xi32, #tpu.memory_space<hbm>> -> memref<112xi32, #tpu.memory_space<hbm>>
    tpu.enqueue_dma source(%dma_start3A_293 : memref<112xi32, #tpu.memory_space<hbm>>) target(%dma_start3A_291 : memref<112xi32, #tpu.memory_space<vmem>>) target_semaphore(%arg19 : memref<!tpu.dma_semaphore, #tpu.memory_space<semaphore_mem>>)
    %add3A_294 = arith.constant 112 : i32
    %add3A_295 = arith.addi %add3A_1, %add3A_294 : i32
    %dma_start3A_296 = arith.constant 0 : i32
    %dma_start3A_297 = tpu.memref_slice %arg2[%dma_start3A_296, %add3A_295] : memref<2x800000xi32, #tpu.memory_space<hbm>> -> memref<1x48xi32, #tpu.memory_space<hbm>>
    %dma_start3A_298 = tpu.memref_squeeze %dma_start3A_297 : memref<1x48xi32, #tpu.memory_space<hbm>> -> memref<48xi32, #tpu.memory_space<hbm>>
    %dma_start3A_299 = tpu.memref_slice %arg2[%dma_start3A_296, %add3A_295] : memref<2x800000xi32, #tpu.memory_space<hbm>> -> memref<1x48xi32, #tpu.memory_space<hbm>>
    %dma_start3A_300 = tpu.memref_squeeze %dma_start3A_299 : memref<1x48xi32, #tpu.memory_space<hbm>> -> memref<48xi32, #tpu.memory_space<hbm>>
    tpu.enqueue_dma source(%dma_start3A_300 : memref<48xi32, #tpu.memory_space<hbm>>) target(%arg14 : memref<48xi32, #tpu.memory_space<vmem>>) target_semaphore(%arg19 : memref<!tpu.dma_semaphore, #tpu.memory_space<semaphore_mem>>)
    %dma_start3A_301 = arith.constant 1 : i32
    %dma_start3A_302 = arith.constant 0 : i32
    %dma_start3A_303 = arith.constant 0 : i32
    %dma_start3A_304 = tpu.memref_slice %arg7[%dma_start3A_302, %dma_start3A_303] : memref<5x112xi32, #tpu.memory_space<vmem>> -> memref<1x112xi32, #tpu.memory_space<vmem>>
    %dma_start3A_305 = tpu.memref_squeeze %dma_start3A_304 : memref<1x112xi32, #tpu.memory_space<vmem>> -> memref<112xi32, #tpu.memory_space<vmem>>
    %dma_start3A_306 = tpu.memref_slice %arg2[%dma_start3A_301, %add3A_1] : memref<2x800000xi32, #tpu.memory_space<hbm>> -> memref<1x112xi32, #tpu.memory_space<hbm>>
    %dma_start3A_307 = tpu.memref_squeeze %dma_start3A_306 : memref<1x112xi32, #tpu.memory_space<hbm>> -> memref<112xi32, #tpu.memory_space<hbm>>
    %dma_start3A_308 = arith.constant 0 : i32
    %dma_start3A_309 = tpu.memref_slice %arg7[%dma_start3A_302, %dma_start3A_308] : memref<5x112xi32, #tpu.memory_space<vmem>> -> memref<1x112xi32, #tpu.memory_space<vmem>>
    %dma_start3A_310 = tpu.memref_squeeze %dma_start3A_309 : memref<1x112xi32, #tpu.memory_space<vmem>> -> memref<112xi32, #tpu.memory_space<vmem>>
    %dma_start3A_311 = tpu.memref_slice %arg2[%dma_start3A_301, %add3A_1] : memref<2x800000xi32, #tpu.memory_space<hbm>> -> memref<1x112xi32, #tpu.memory_space<hbm>>
    %dma_start3A_312 = tpu.memref_squeeze %dma_start3A_311 : memref<1x112xi32, #tpu.memory_space<hbm>> -> memref<112xi32, #tpu.memory_space<hbm>>
    tpu.enqueue_dma source(%dma_start3A_312 : memref<112xi32, #tpu.memory_space<hbm>>) target(%dma_start3A_310 : memref<112xi32, #tpu.memory_space<vmem>>) target_semaphore(%arg20 : memref<!tpu.dma_semaphore, #tpu.memory_space<semaphore_mem>>)
    %add3A_313 = arith.constant 112 : i32
    %add3A_314 = arith.addi %add3A_1, %add3A_313 : i32
    %dma_start3A_315 = arith.constant 1 : i32
    %dma_start3A_316 = tpu.memref_slice %arg2[%dma_start3A_315, %add3A_314] : memref<2x800000xi32, #tpu.memory_space<hbm>> -> memref<1x48xi32, #tpu.memory_space<hbm>>
    %dma_start3A_317 = tpu.memref_squeeze %dma_start3A_316 : memref<1x48xi32, #tpu.memory_space<hbm>> -> memref<48xi32, #tpu.memory_space<hbm>>
    %dma_start3A_318 = tpu.memref_slice %arg2[%dma_start3A_315, %add3A_314] : memref<2x800000xi32, #tpu.memory_space<hbm>> -> memref<1x48xi32, #tpu.memory_space<hbm>>
    %dma_start3A_319 = tpu.memref_squeeze %dma_start3A_318 : memref<1x48xi32, #tpu.memory_space<hbm>> -> memref<48xi32, #tpu.memory_space<hbm>>
    tpu.enqueue_dma source(%dma_start3A_319 : memref<48xi32, #tpu.memory_space<hbm>>) target(%arg15 : memref<48xi32, #tpu.memory_space<vmem>>) target_semaphore(%arg20 : memref<!tpu.dma_semaphore, #tpu.memory_space<semaphore_mem>>)
    %dma_wait3A_320 = arith.constant 0 : i32
    %dma_wait3A_321 = arith.constant 0 : i32
    %dma_wait3A_322 = arith.constant 0 : i32
    %dma_wait3A_323 = tpu.memref_slice %arg6[%dma_wait3A_321, %dma_wait3A_322] : memref<5x112xi32, #tpu.memory_space<vmem>> -> memref<1x112xi32, #tpu.memory_space<vmem>>
    %dma_wait3A_324 = tpu.memref_squeeze %dma_wait3A_323 : memref<1x112xi32, #tpu.memory_space<vmem>> -> memref<112xi32, #tpu.memory_space<vmem>>
    %dma_wait3A_325 = tpu.memref_slice %arg2[%dma_wait3A_320, %add3A_1] : memref<2x800000xi32, #tpu.memory_space<hbm>> -> memref<1x112xi32, #tpu.memory_space<hbm>>
    %dma_wait3A_326 = tpu.memref_squeeze %dma_wait3A_325 : memref<1x112xi32, #tpu.memory_space<hbm>> -> memref<112xi32, #tpu.memory_space<hbm>>
    %dma_wait3A_327 = arith.constant 0 : i32
    %dma_wait3A_328 = tpu.memref_slice %arg6[%dma_wait3A_321, %dma_wait3A_327] : memref<5x112xi32, #tpu.memory_space<vmem>> -> memref<1x112xi32, #tpu.memory_space<vmem>>
    %dma_wait3A_329 = tpu.memref_squeeze %dma_wait3A_328 : memref<1x112xi32, #tpu.memory_space<vmem>> -> memref<112xi32, #tpu.memory_space<vmem>>
    %dma_wait3A_330 = tpu.memref_slice %arg2[%dma_wait3A_320, %add3A_1] : memref<2x800000xi32, #tpu.memory_space<hbm>> -> memref<1x112xi32, #tpu.memory_space<hbm>>
    %dma_wait3A_331 = tpu.memref_squeeze %dma_wait3A_330 : memref<1x112xi32, #tpu.memory_space<hbm>> -> memref<112xi32, #tpu.memory_space<hbm>>
    tpu.wait_dma2 semaphore(%arg19 : memref<!tpu.dma_semaphore, #tpu.memory_space<semaphore_mem>>) src(%dma_wait3A_331 : memref<112xi32, #tpu.memory_space<hbm>>) dst(%dma_wait3A_329 : memref<112xi32, #tpu.memory_space<vmem>>)
    %dma_start3A_332 = arith.constant 0 : i32
    %dma_start3A_333 = arith.constant 0 : i32
    %dma_start3A_334 = arith.constant 0 : i32
    %dma_start3A_335 = arith.constant 0 : i32
    %dma_start3A_336 = tpu.memref_slice %arg8[%dma_start3A_333, %dma_start3A_334, %dma_start3A_335] : memref<5x112x32xf32, #tpu.memory_space<vmem>> -> memref<1x112x32xf32, #tpu.memory_space<vmem>>
    %dma_start3A_337 = tpu.memref_squeeze %dma_start3A_336 : memref<1x112x32xf32, #tpu.memory_space<vmem>> -> memref<112x32xf32, #tpu.memory_space<vmem>>
    %dma_start3A_338 = arith.constant 0 : i32
    %dma_start3A_339 = tpu.memref_slice %arg6[%dma_start3A_332, %dma_start3A_338] : memref<5x112xi32, #tpu.memory_space<vmem>> -> memref<1x112xi32, #tpu.memory_space<vmem>>
    %dma_start3A_340 = tpu.memref_squeeze %dma_start3A_339 : memref<1x112xi32, #tpu.memory_space<vmem>> -> memref<112xi32, #tpu.memory_space<vmem>>
    %dma_start3A_341 = arith.constant 0 : i32
    %dma_start3A_342 = arith.constant 0 : i32
    %dma_start3A_343 = tpu.memref_slice %arg5[%arg0, %dma_start3A_341, %dma_start3A_342] : memref<2x50176x32xf32, #tpu.memory_space<hbm>> -> memref<1x50176x32xf32, #tpu.memory_space<hbm>>
    %dma_start3A_344 = tpu.memref_squeeze %dma_start3A_343 : memref<1x50176x32xf32, #tpu.memory_space<hbm>> -> memref<50176x32xf32, #tpu.memory_space<hbm>>
    %dma_start3A_345 = arith.constant 0 : i32
    %dma_start3A_346 = arith.constant 0 : i32
    %dma_start3A_347 = tpu.memref_slice %dma_start3A_344[%dma_start3A_345, %dma_start3A_346] : memref<50176x32xf32, #tpu.memory_space<hbm>> -> memref<50176x32xf32, #tpu.memory_space<hbm>>
    tpu.enqueue_indirect_dma source(%dma_start3A_347 : memref<50176x32xf32, #tpu.memory_space<hbm>>) target(%dma_start3A_337 : memref<112x32xf32, #tpu.memory_space<vmem>>) offsets(%dma_start3A_340 : memref<112xi32, #tpu.memory_space<vmem>>) semaphore(%arg21 : memref<!tpu.dma_semaphore, #tpu.memory_space<semaphore_mem>>)
    %dma_wait3A_348 = arith.constant 0 : i32
    %dma_wait3A_349 = tpu.memref_slice %arg2[%dma_wait3A_348, %add3A_295] : memref<2x800000xi32, #tpu.memory_space<hbm>> -> memref<1x48xi32, #tpu.memory_space<hbm>>
    %dma_wait3A_350 = tpu.memref_squeeze %dma_wait3A_349 : memref<1x48xi32, #tpu.memory_space<hbm>> -> memref<48xi32, #tpu.memory_space<hbm>>
    %dma_wait3A_351 = tpu.memref_slice %arg2[%dma_wait3A_348, %add3A_295] : memref<2x800000xi32, #tpu.memory_space<hbm>> -> memref<1x48xi32, #tpu.memory_space<hbm>>
    %dma_wait3A_352 = tpu.memref_squeeze %dma_wait3A_351 : memref<1x48xi32, #tpu.memory_space<hbm>> -> memref<48xi32, #tpu.memory_space<hbm>>
    tpu.wait_dma2 semaphore(%arg19 : memref<!tpu.dma_semaphore, #tpu.memory_space<semaphore_mem>>) src(%dma_wait3A_352 : memref<48xi32, #tpu.memory_space<hbm>>) dst(%arg14 : memref<48xi32, #tpu.memory_space<vmem>>)
    %dma_start3A_353 = arith.constant 0 : i32
    %dma_start3A_354 = arith.constant 0 : i32
    %dma_start3A_355 = tpu.memref_slice %arg5[%arg0, %dma_start3A_353, %dma_start3A_354] : memref<2x50176x32xf32, #tpu.memory_space<hbm>> -> memref<1x50176x32xf32, #tpu.memory_space<hbm>>
    %dma_start3A_356 = tpu.memref_squeeze %dma_start3A_355 : memref<1x50176x32xf32, #tpu.memory_space<hbm>> -> memref<50176x32xf32, #tpu.memory_space<hbm>>
    %dma_start3A_357 = arith.constant 0 : i32
    %dma_start3A_358 = arith.constant 0 : i32
    %dma_start3A_359 = tpu.memref_slice %dma_start3A_356[%dma_start3A_357, %dma_start3A_358] : memref<50176x32xf32, #tpu.memory_space<hbm>> -> memref<50176x32xf32, #tpu.memory_space<hbm>>
    tpu.enqueue_indirect_dma source(%dma_start3A_359 : memref<50176x32xf32, #tpu.memory_space<hbm>>) target(%arg16 : memref<48x32xf32, #tpu.memory_space<vmem>>) offsets(%arg14 : memref<48xi32, #tpu.memory_space<vmem>>) semaphore(%arg21 : memref<!tpu.dma_semaphore, #tpu.memory_space<semaphore_mem>>)
    %dma_wait3A_360 = arith.constant 0 : i32
    %dma_wait3A_361 = arith.constant 0 : i32
    %dma_wait3A_362 = arith.constant 0 : i32
    %dma_wait3A_363 = arith.constant 0 : i32
    %dma_wait3A_364 = tpu.memref_slice %arg8[%dma_wait3A_361, %dma_wait3A_362, %dma_wait3A_363] : memref<5x112x32xf32, #tpu.memory_space<vmem>> -> memref<1x112x32xf32, #tpu.memory_space<vmem>>
    %dma_wait3A_365 = tpu.memref_squeeze %dma_wait3A_364 : memref<1x112x32xf32, #tpu.memory_space<vmem>> -> memref<112x32xf32, #tpu.memory_space<vmem>>
    %dma_wait3A_366 = arith.constant 0 : i32
    %dma_wait3A_367 = tpu.memref_slice %arg6[%dma_wait3A_360, %dma_wait3A_366] : memref<5x112xi32, #tpu.memory_space<vmem>> -> memref<1x112xi32, #tpu.memory_space<vmem>>
    %dma_wait3A_368 = tpu.memref_squeeze %dma_wait3A_367 : memref<1x112xi32, #tpu.memory_space<vmem>> -> memref<112xi32, #tpu.memory_space<vmem>>
    %dma_wait3A_369 = arith.constant 0 : i32
    %dma_wait3A_370 = arith.constant 0 : i32
    %dma_wait3A_371 = tpu.memref_slice %arg5[%arg0, %dma_wait3A_369, %dma_wait3A_370] : memref<2x50176x32xf32, #tpu.memory_space<hbm>> -> memref<1x50176x32xf32, #tpu.memory_space<hbm>>
    %dma_wait3A_372 = tpu.memref_squeeze %dma_wait3A_371 : memref<1x50176x32xf32, #tpu.memory_space<hbm>> -> memref<50176x32xf32, #tpu.memory_space<hbm>>
    %dma_wait3A_373 = arith.constant 0 : i32
    %dma_wait3A_374 = arith.constant 0 : i32
    %dma_wait3A_375 = tpu.memref_slice %dma_wait3A_372[%dma_wait3A_373, %dma_wait3A_374] : memref<50176x32xf32, #tpu.memory_space<hbm>> -> memref<50176x32xf32, #tpu.memory_space<hbm>>
    tpu.wait_indirect_dma semaphore(%arg21 : memref<!tpu.dma_semaphore, #tpu.memory_space<semaphore_mem>>) src(%dma_wait3A_375 : memref<50176x32xf32, #tpu.memory_space<hbm>>) dst(%dma_wait3A_365 : memref<112x32xf32, #tpu.memory_space<vmem>>)
    %dma_wait3A_376 = arith.constant 1 : i32
    %dma_wait3A_377 = arith.constant 0 : i32
    %dma_wait3A_378 = arith.constant 0 : i32
    %dma_wait3A_379 = tpu.memref_slice %arg7[%dma_wait3A_377, %dma_wait3A_378] : memref<5x112xi32, #tpu.memory_space<vmem>> -> memref<1x112xi32, #tpu.memory_space<vmem>>
    %dma_wait3A_380 = tpu.memref_squeeze %dma_wait3A_379 : memref<1x112xi32, #tpu.memory_space<vmem>> -> memref<112xi32, #tpu.memory_space<vmem>>
    %dma_wait3A_381 = tpu.memref_slice %arg2[%dma_wait3A_376, %add3A_1] : memref<2x800000xi32, #tpu.memory_space<hbm>> -> memref<1x112xi32, #tpu.memory_space<hbm>>
    %dma_wait3A_382 = tpu.memref_squeeze %dma_wait3A_381 : memref<1x112xi32, #tpu.memory_space<hbm>> -> memref<112xi32, #tpu.memory_space<hbm>>
    %dma_wait3A_383 = arith.constant 0 : i32
    %dma_wait3A_384 = tpu.memref_slice %arg7[%dma_wait3A_377, %dma_wait3A_383] : memref<5x112xi32, #tpu.memory_space<vmem>> -> memref<1x112xi32, #tpu.memory_space<vmem>>
    %dma_wait3A_385 = tpu.memref_squeeze %dma_wait3A_384 : memref<1x112xi32, #tpu.memory_space<vmem>> -> memref<112xi32, #tpu.memory_space<vmem>>
    %dma_wait3A_386 = tpu.memref_slice %arg2[%dma_wait3A_376, %add3A_1] : memref<2x800000xi32, #tpu.memory_space<hbm>> -> memref<1x112xi32, #tpu.memory_space<hbm>>
    %dma_wait3A_387 = tpu.memref_squeeze %dma_wait3A_386 : memref<1x112xi32, #tpu.memory_space<hbm>> -> memref<112xi32, #tpu.memory_space<hbm>>
    tpu.wait_dma2 semaphore(%arg20 : memref<!tpu.dma_semaphore, #tpu.memory_space<semaphore_mem>>) src(%dma_wait3A_387 : memref<112xi32, #tpu.memory_space<hbm>>) dst(%dma_wait3A_385 : memref<112xi32, #tpu.memory_space<vmem>>)
    %dma_start3A_388 = arith.constant 0 : i32
    %dma_start3A_389 = arith.constant 0 : i32
    %dma_start3A_390 = arith.constant 0 : i32
    %dma_start3A_391 = arith.constant 0 : i32
    %dma_start3A_392 = tpu.memref_slice %arg8[%dma_start3A_388, %dma_start3A_390, %dma_start3A_391] : memref<5x112x32xf32, #tpu.memory_space<vmem>> -> memref<1x112x32xf32, #tpu.memory_space<vmem>>
    %dma_start3A_393 = tpu.memref_squeeze %dma_start3A_392 : memref<1x112x32xf32, #tpu.memory_space<vmem>> -> memref<112x32xf32, #tpu.memory_space<vmem>>
    %dma_start3A_394 = arith.constant 0 : i32
    %dma_start3A_395 = tpu.memref_slice %arg7[%dma_start3A_389, %dma_start3A_394] : memref<5x112xi32, #tpu.memory_space<vmem>> -> memref<1x112xi32, #tpu.memory_space<vmem>>
    %dma_start3A_396 = tpu.memref_squeeze %dma_start3A_395 : memref<1x112xi32, #tpu.memory_space<vmem>> -> memref<112xi32, #tpu.memory_space<vmem>>
    %dma_start3A_397 = arith.constant 0 : i32
    %dma_start3A_398 = arith.constant 0 : i32
    %dma_start3A_399 = tpu.memref_slice %arg17[%dma_start3A_397, %dma_start3A_398] : memref<50176x32xf32, #tpu.memory_space<vmem_shared>> -> memref<50176x32xf32, #tpu.memory_space<vmem_shared>>
    tpu.enqueue_indirect_dma source(%dma_start3A_393 : memref<112x32xf32, #tpu.memory_space<vmem>>) target(%dma_start3A_399 : memref<50176x32xf32, #tpu.memory_space<vmem_shared>>) offsets(%dma_start3A_396 : memref<112xi32, #tpu.memory_space<vmem>>) semaphore(%arg22 : memref<!tpu.dma_semaphore, #tpu.memory_space<semaphore_mem>>) {add = true}
    %dma_wait3A_400 = arith.constant 0 : i32
    %dma_wait3A_401 = arith.constant 0 : i32
    %dma_wait3A_402 = tpu.memref_slice %arg5[%arg0, %dma_wait3A_400, %dma_wait3A_401] : memref<2x50176x32xf32, #tpu.memory_space<hbm>> -> memref<1x50176x32xf32, #tpu.memory_space<hbm>>
    %dma_wait3A_403 = tpu.memref_squeeze %dma_wait3A_402 : memref<1x50176x32xf32, #tpu.memory_space<hbm>> -> memref<50176x32xf32, #tpu.memory_space<hbm>>
    %dma_wait3A_404 = arith.constant 0 : i32
    %dma_wait3A_405 = arith.constant 0 : i32
    %dma_wait3A_406 = tpu.memref_slice %dma_wait3A_403[%dma_wait3A_404, %dma_wait3A_405] : memref<50176x32xf32, #tpu.memory_space<hbm>> -> memref<50176x32xf32, #tpu.memory_space<hbm>>
    tpu.wait_indirect_dma semaphore(%arg21 : memref<!tpu.dma_semaphore, #tpu.memory_space<semaphore_mem>>) src(%dma_wait3A_406 : memref<50176x32xf32, #tpu.memory_space<hbm>>) dst(%arg16 : memref<48x32xf32, #tpu.memory_space<vmem>>)
    %dma_wait3A_407 = arith.constant 1 : i32
    %dma_wait3A_408 = tpu.memref_slice %arg2[%dma_wait3A_407, %add3A_314] : memref<2x800000xi32, #tpu.memory_space<hbm>> -> memref<1x48xi32, #tpu.memory_space<hbm>>
    %dma_wait3A_409 = tpu.memref_squeeze %dma_wait3A_408 : memref<1x48xi32, #tpu.memory_space<hbm>> -> memref<48xi32, #tpu.memory_space<hbm>>
    %dma_wait3A_410 = tpu.memref_slice %arg2[%dma_wait3A_407, %add3A_314] : memref<2x800000xi32, #tpu.memory_space<hbm>> -> memref<1x48xi32, #tpu.memory_space<hbm>>
    %dma_wait3A_411 = tpu.memref_squeeze %dma_wait3A_410 : memref<1x48xi32, #tpu.memory_space<hbm>> -> memref<48xi32, #tpu.memory_space<hbm>>
    tpu.wait_dma2 semaphore(%arg20 : memref<!tpu.dma_semaphore, #tpu.memory_space<semaphore_mem>>) src(%dma_wait3A_411 : memref<48xi32, #tpu.memory_space<hbm>>) dst(%arg15 : memref<48xi32, #tpu.memory_space<vmem>>)
    %dma_start3A_412 = arith.constant 0 : i32
    %dma_start3A_413 = arith.constant 0 : i32
    %dma_start3A_414 = tpu.memref_slice %arg17[%dma_start3A_412, %dma_start3A_413] : memref<50176x32xf32, #tpu.memory_space<vmem_shared>> -> memref<50176x32xf32, #tpu.memory_space<vmem_shared>>
    tpu.enqueue_indirect_dma source(%arg16 : memref<48x32xf32, #tpu.memory_space<vmem>>) target(%dma_start3A_414 : memref<50176x32xf32, #tpu.memory_space<vmem_shared>>) offsets(%arg15 : memref<48xi32, #tpu.memory_space<vmem>>) semaphore(%arg22 : memref<!tpu.dma_semaphore, #tpu.memory_space<semaphore_mem>>) {add = true}
    %dma_wait3A_415 = arith.constant 0 : i32
    %dma_wait3A_416 = arith.constant 0 : i32
    %dma_wait3A_417 = arith.constant 0 : i32
    %dma_wait3A_418 = arith.constant 0 : i32
    %dma_wait3A_419 = tpu.memref_slice %arg8[%dma_wait3A_415, %dma_wait3A_417, %dma_wait3A_418] : memref<5x112x32xf32, #tpu.memory_space<vmem>> -> memref<1x112x32xf32, #tpu.memory_space<vmem>>
    %dma_wait3A_420 = tpu.memref_squeeze %dma_wait3A_419 : memref<1x112x32xf32, #tpu.memory_space<vmem>> -> memref<112x32xf32, #tpu.memory_space<vmem>>
    %dma_wait3A_421 = arith.constant 0 : i32
    %dma_wait3A_422 = tpu.memref_slice %arg7[%dma_wait3A_416, %dma_wait3A_421] : memref<5x112xi32, #tpu.memory_space<vmem>> -> memref<1x112xi32, #tpu.memory_space<vmem>>
    %dma_wait3A_423 = tpu.memref_squeeze %dma_wait3A_422 : memref<1x112xi32, #tpu.memory_space<vmem>> -> memref<112xi32, #tpu.memory_space<vmem>>
    %dma_wait3A_424 = arith.constant 0 : i32
    %dma_wait3A_425 = arith.constant 0 : i32
    %dma_wait3A_426 = tpu.memref_slice %arg17[%dma_wait3A_424, %dma_wait3A_425] : memref<50176x32xf32, #tpu.memory_space<vmem_shared>> -> memref<50176x32xf32, #tpu.memory_space<vmem_shared>>
    tpu.wait_indirect_dma semaphore(%arg22 : memref<!tpu.dma_semaphore, #tpu.memory_space<semaphore_mem>>) src(%dma_wait3A_420 : memref<112x32xf32, #tpu.memory_space<vmem>>) dst(%dma_wait3A_426 : memref<50176x32xf32, #tpu.memory_space<vmem_shared>>)
    %dma_wait3A_427 = arith.constant 0 : i32
    %dma_wait3A_428 = arith.constant 0 : i32
    %dma_wait3A_429 = tpu.memref_slice %arg17[%dma_wait3A_427, %dma_wait3A_428] : memref<50176x32xf32, #tpu.memory_space<vmem_shared>> -> memref<50176x32xf32, #tpu.memory_space<vmem_shared>>
    tpu.wait_indirect_dma semaphore(%arg22 : memref<!tpu.dma_semaphore, #tpu.memory_space<semaphore_mem>>) src(%arg16 : memref<48x32xf32, #tpu.memory_space<vmem>>) dst(%dma_wait3A_429 : memref<50176x32xf32, #tpu.memory_space<vmem_shared>>)
    %barrier3A_430 = arith.constant 0 : index
    tpu.barrier barrier_id(%barrier3A_430)
    %scan3A_431 = arith.constant 0 : i32
    %scan3A_432 = arith.constant 0 : i32
    %scan3A_433 = arith.constant 49 : i32
    %scan3A_434 = arith.addi %scan3A_432, %scan3A_433 : i32
    %scan3A_435 = arith.constant 1 : i32
    scf.for %scan3A_600 = %scan3A_432 to %scan3A_434 step %scan3A_435  : i32 {
      %mul3A_601 = arith.constant 64 : i32
      %mul3A_602 = arith.muli %scan3A_600, %mul3A_601 : i32
      %add3A_603 = arith.addi %mul3A_3, %mul3A_602 : i32
      "tpu.region"() ({
        %run_scoped3A = tpu.sem_alloc : memref<!tpu.dma_semaphore, #tpu.memory_space<semaphore_mem>>
        %dma_start3A_622 = arith.constant 0 : i32
        %dma_start3A_623 = tpu.memref_slice %arg17[%add3A_603, %dma_start3A_622] : memref<50176x32xf32, #tpu.memory_space<vmem_shared>> -> memref<64x32xf32, #tpu.memory_space<vmem_shared>>
        %dma_start3A_624 = arith.constant 0 : i32
        %dma_start3A_625 = tpu.memref_slice %arg17[%add3A_603, %dma_start3A_624] : memref<50176x32xf32, #tpu.memory_space<vmem_shared>> -> memref<64x32xf32, #tpu.memory_space<vmem_shared>>
        tpu.enqueue_dma source(%dma_start3A_625 : memref<64x32xf32, #tpu.memory_space<vmem_shared>>) target(%arg10 : memref<64x32xf32, #tpu.memory_space<vmem>>) target_semaphore(%run_scoped3A : memref<!tpu.dma_semaphore, #tpu.memory_space<semaphore_mem>>)
        %dma_wait3A_626 = arith.constant 0 : i32
        %dma_wait3A_627 = tpu.memref_slice %arg17[%add3A_603, %dma_wait3A_626] : memref<50176x32xf32, #tpu.memory_space<vmem_shared>> -> memref<64x32xf32, #tpu.memory_space<vmem_shared>>
        %dma_wait3A_628 = arith.constant 0 : i32
        %dma_wait3A_629 = tpu.memref_slice %arg17[%add3A_603, %dma_wait3A_628] : memref<50176x32xf32, #tpu.memory_space<vmem_shared>> -> memref<64x32xf32, #tpu.memory_space<vmem_shared>>
        tpu.wait_dma2 semaphore(%run_scoped3A : memref<!tpu.dma_semaphore, #tpu.memory_space<semaphore_mem>>) src(%dma_wait3A_629 : memref<64x32xf32, #tpu.memory_space<vmem_shared>>) dst(%arg10 : memref<64x32xf32, #tpu.memory_space<vmem>>)
        tpu.yield
      }) : () -> ()
      "tpu.region"() ({
        %run_scoped3A = tpu.sem_alloc : memref<!tpu.dma_semaphore, #tpu.memory_space<semaphore_mem>>
        %dma_start3A_622 = arith.constant 0 : i32
        %dma_start3A_623 = tpu.memref_slice %arg17[%add3A_603, %dma_start3A_622] : memref<50176x32xf32, #tpu.memory_space<vmem_shared>> -> memref<64x32xf32, #tpu.memory_space<vmem_shared>>
        %dma_start3A_624 = arith.constant 0 : i32
        %dma_start3A_625 = tpu.memref_slice %arg17[%add3A_603, %dma_start3A_624] : memref<50176x32xf32, #tpu.memory_space<vmem_shared>> -> memref<64x32xf32, #tpu.memory_space<vmem_shared>>
        tpu.enqueue_dma source(%arg13 : memref<64x32xf32, #tpu.memory_space<vmem>>) target(%dma_start3A_625 : memref<64x32xf32, #tpu.memory_space<vmem_shared>>) target_semaphore(%run_scoped3A : memref<!tpu.dma_semaphore, #tpu.memory_space<semaphore_mem>>)
        %dma_wait3A_626 = arith.constant 0 : i32
        %dma_wait3A_627 = tpu.memref_slice %arg17[%add3A_603, %dma_wait3A_626] : memref<50176x32xf32, #tpu.memory_space<vmem_shared>> -> memref<64x32xf32, #tpu.memory_space<vmem_shared>>
        %dma_wait3A_628 = arith.constant 0 : i32
        %dma_wait3A_629 = tpu.memref_slice %arg17[%add3A_603, %dma_wait3A_628] : memref<50176x32xf32, #tpu.memory_space<vmem_shared>> -> memref<64x32xf32, #tpu.memory_space<vmem_shared>>
        tpu.wait_dma2 semaphore(%run_scoped3A : memref<!tpu.dma_semaphore, #tpu.memory_space<semaphore_mem>>) src(%arg13 : memref<64x32xf32, #tpu.memory_space<vmem>>) dst(%dma_wait3A_629 : memref<64x32xf32, #tpu.memory_space<vmem_shared>>)
        tpu.yield
      }) : () -> ()
      "tpu.region"() ({
        %run_scoped3A = tpu.sem_alloc : memref<!tpu.dma_semaphore, #tpu.memory_space<semaphore_mem>>
        %dma_start3A_622 = arith.constant 0 : i32
        %dma_start3A_623 = arith.constant 0 : i32
        %dma_start3A_624 = tpu.memref_slice %arg4[%arg0, %dma_start3A_622, %dma_start3A_623] : memref<2x50176x32xf32, #tpu.memory_space<hbm>> -> memref<1x50176x32xf32, #tpu.memory_space<hbm>>
        %dma_start3A_625 = tpu.memref_squeeze %dma_start3A_624 : memref<1x50176x32xf32, #tpu.memory_space<hbm>> -> memref<50176x32xf32, #tpu.memory_space<hbm>>
        %dma_start3A_626 = arith.constant 0 : i32
        %dma_start3A_627 = tpu.memref_slice %dma_start3A_625[%add3A_603, %dma_start3A_626] : memref<50176x32xf32, #tpu.memory_space<hbm>> -> memref<64x32xf32, #tpu.memory_space<hbm>>
        %dma_start3A_628 = arith.constant 0 : i32
        %dma_start3A_629 = arith.constant 0 : i32
        %dma_start3A_630 = tpu.memref_slice %arg4[%arg0, %dma_start3A_628, %dma_start3A_629] : memref<2x50176x32xf32, #tpu.memory_space<hbm>> -> memref<1x50176x32xf32, #tpu.memory_space<hbm>>
        %dma_start3A_631 = tpu.memref_squeeze %dma_start3A_630 : memref<1x50176x32xf32, #tpu.memory_space<hbm>> -> memref<50176x32xf32, #tpu.memory_space<hbm>>
        %dma_start3A_632 = arith.constant 0 : i32
        %dma_start3A_633 = tpu.memref_slice %dma_start3A_631[%add3A_603, %dma_start3A_632] : memref<50176x32xf32, #tpu.memory_space<hbm>> -> memref<64x32xf32, #tpu.memory_space<hbm>>
        tpu.enqueue_dma source(%dma_start3A_633 : memref<64x32xf32, #tpu.memory_space<hbm>>) target(%arg11 : memref<64x32xf32, #tpu.memory_space<vmem>>) target_semaphore(%run_scoped3A : memref<!tpu.dma_semaphore, #tpu.memory_space<semaphore_mem>>)
        %dma_wait3A_634 = arith.constant 0 : i32
        %dma_wait3A_635 = arith.constant 0 : i32
        %dma_wait3A_636 = tpu.memref_slice %arg4[%arg0, %dma_wait3A_634, %dma_wait3A_635] : memref<2x50176x32xf32, #tpu.memory_space<hbm>> -> memref<1x50176x32xf32, #tpu.memory_space<hbm>>
        %dma_wait3A_637 = tpu.memref_squeeze %dma_wait3A_636 : memref<1x50176x32xf32, #tpu.memory_space<hbm>> -> memref<50176x32xf32, #tpu.memory_space<hbm>>
        %dma_wait3A_638 = arith.constant 0 : i32
        %dma_wait3A_639 = tpu.memref_slice %dma_wait3A_637[%add3A_603, %dma_wait3A_638] : memref<50176x32xf32, #tpu.memory_space<hbm>> -> memref<64x32xf32, #tpu.memory_space<hbm>>
        %dma_wait3A_640 = arith.constant 0 : i32
        %dma_wait3A_641 = arith.constant 0 : i32
        %dma_wait3A_642 = tpu.memref_slice %arg4[%arg0, %dma_wait3A_640, %dma_wait3A_641] : memref<2x50176x32xf32, #tpu.memory_space<hbm>> -> memref<1x50176x32xf32, #tpu.memory_space<hbm>>
        %dma_wait3A_643 = tpu.memref_squeeze %dma_wait3A_642 : memref<1x50176x32xf32, #tpu.memory_space<hbm>> -> memref<50176x32xf32, #tpu.memory_space<hbm>>
        %dma_wait3A_644 = arith.constant 0 : i32
        %dma_wait3A_645 = tpu.memref_slice %dma_wait3A_643[%add3A_603, %dma_wait3A_644] : memref<50176x32xf32, #tpu.memory_space<hbm>> -> memref<64x32xf32, #tpu.memory_space<hbm>>
        tpu.wait_dma2 semaphore(%run_scoped3A : memref<!tpu.dma_semaphore, #tpu.memory_space<semaphore_mem>>) src(%dma_wait3A_645 : memref<64x32xf32, #tpu.memory_space<hbm>>) dst(%arg11 : memref<64x32xf32, #tpu.memory_space<vmem>>)
        tpu.yield
      }) : () -> ()
      %scan3A_604 = arith.constant 0 : i32
      %scan3A_605 = arith.constant 0 : i32
      %scan3A_606 = arith.constant 64 : i32
      %scan3A_607 = arith.addi %scan3A_605, %scan3A_606 : i32
      %scan3A_608 = arith.constant 1 : i32
      scf.for %scan3A_622 = %scan3A_605 to %scan3A_607 step %scan3A_608  : i32 {
        %get3A = arith.index_cast %scan3A_622 : i32 to index
        %get3A_623 = arith.constant 0 : index
        %get3A_624 = tpu.vector_load %arg11[%get3A, %get3A_623] {strides = array<i32>} : memref<64x32xf32, #tpu.memory_space<vmem>>, vector<16xf32>,
        %get3A_625 = arith.index_cast %scan3A_622 : i32 to index
        %get3A_626 = arith.constant 0 : index
        %get3A_627 = tpu.vector_load %arg10[%get3A_625, %get3A_626] {strides = array<i32>} : memref<64x32xf32, #tpu.memory_space<vmem>>, vector<16xf32>,
        %add3A_628 = arith.addf %get3A_624, %get3A_627 : vector<16xf32>
        %swap3A_629 = arith.index_cast %scan3A_622 : i32 to index
        %swap3A_630 = arith.constant 0 : index
        %swap3A_631 = tpu.vector_load %arg11[%swap3A_629, %swap3A_630] {strides = array<i32>} : memref<64x32xf32, #tpu.memory_space<vmem>>, vector<16xf32>,
        tpu.vector_store %arg11[%swap3A_629, %swap3A_630], %add3A_628 {strides = array<i32>} : memref<64x32xf32, #tpu.memory_space<vmem>>, vector<16xf32>,
        %get3A_632 = arith.index_cast %scan3A_622 : i32 to index
        %get3A_633 = arith.constant 16 : index
        %get3A_634 = tpu.vector_load %arg11[%get3A_632, %get3A_633] {strides = array<i32>} : memref<64x32xf32, #tpu.memory_space<vmem>>, vector<16xf32>,
        %get3A_635 = arith.index_cast %scan3A_622 : i32 to index
        %get3A_636 = arith.constant 16 : index
        %get3A_637 = tpu.vector_load %arg10[%get3A_635, %get3A_636] {strides = array<i32>} : memref<64x32xf32, #tpu.memory_space<vmem>>, vector<16xf32>,
        %add3A_638 = arith.addf %get3A_634, %get3A_637 : vector<16xf32>
        %swap3A_639 = arith.index_cast %scan3A_622 : i32 to index
        %swap3A_640 = arith.constant 16 : index
        %swap3A_641 = tpu.vector_load %arg11[%swap3A_639, %swap3A_640] {strides = array<i32>} : memref<64x32xf32, #tpu.memory_space<vmem>>, vector<16xf32>,
        tpu.vector_store %arg11[%swap3A_639, %swap3A_640], %add3A_638 {strides = array<i32>} : memref<64x32xf32, #tpu.memory_space<vmem>>, vector<16xf32>,
      }
      %scan3A_609 = arith.constant 64 : i32
      "tpu.region"() ({
        %run_scoped3A = tpu.sem_alloc : memref<!tpu.dma_semaphore, #tpu.memory_space<semaphore_mem>>
        %dma_start3A_622 = arith.constant 0 : i32
        %dma_start3A_623 = arith.constant 0 : i32
        %dma_start3A_624 = tpu.memref_slice %arg4[%arg0, %dma_start3A_622, %dma_start3A_623] : memref<2x50176x32xf32, #tpu.memory_space<hbm>> -> memref<1x50176x32xf32, #tpu.memory_space<hbm>>
        %dma_start3A_625 = tpu.memref_squeeze %dma_start3A_624 : memref<1x50176x32xf32, #tpu.memory_space<hbm>> -> memref<50176x32xf32, #tpu.memory_space<hbm>>
        %dma_start3A_626 = arith.constant 0 : i32
        %dma_start3A_627 = tpu.memref_slice %dma_start3A_625[%add3A_603, %dma_start3A_626] : memref<50176x32xf32, #tpu.memory_space<hbm>> -> memref<64x32xf32, #tpu.memory_space<hbm>>
        %dma_start3A_628 = arith.constant 0 : i32
        %dma_start3A_629 = arith.constant 0 : i32
        %dma_start3A_630 = tpu.memref_slice %arg4[%arg0, %dma_start3A_628, %dma_start3A_629] : memref<2x50176x32xf32, #tpu.memory_space<hbm>> -> memref<1x50176x32xf32, #tpu.memory_space<hbm>>
        %dma_start3A_631 = tpu.memref_squeeze %dma_start3A_630 : memref<1x50176x32xf32, #tpu.memory_space<hbm>> -> memref<50176x32xf32, #tpu.memory_space<hbm>>
        %dma_start3A_632 = arith.constant 0 : i32
        %dma_start3A_633 = tpu.memref_slice %dma_start3A_631[%add3A_603, %dma_start3A_632] : memref<50176x32xf32, #tpu.memory_space<hbm>> -> memref<64x32xf32, #tpu.memory_space<hbm>>
        tpu.enqueue_dma source(%arg11 : memref<64x32xf32, #tpu.memory_space<vmem>>) target(%dma_start3A_633 : memref<64x32xf32, #tpu.memory_space<hbm>>) target_semaphore(%run_scoped3A : memref<!tpu.dma_semaphore, #tpu.memory_space<semaphore_mem>>)
        %dma_wait3A_634 = arith.constant 0 : i32
        %dma_wait3A_635 = arith.constant 0 : i32
        %dma_wait3A_636 = tpu.memref_slice %arg4[%arg0, %dma_wait3A_634, %dma_wait3A_635] : memref<2x50176x32xf32, #tpu.memory_space<hbm>> -> memref<1x50176x32xf32, #tpu.memory_space<hbm>>
        %dma_wait3A_637 = tpu.memref_squeeze %dma_wait3A_636 : memref<1x50176x32xf32, #tpu.memory_space<hbm>> -> memref<50176x32xf32, #tpu.memory_space<hbm>>
        %dma_wait3A_638 = arith.constant 0 : i32
        %dma_wait3A_639 = tpu.memref_slice %dma_wait3A_637[%add3A_603, %dma_wait3A_638] : memref<50176x32xf32, #tpu.memory_space<hbm>> -> memref<64x32xf32, #tpu.memory_space<hbm>>
        %dma_wait3A_640 = arith.constant 0 : i32
        %dma_wait3A_641 = arith.constant 0 : i32
        %dma_wait3A_642 = tpu.memref_slice %arg4[%arg0, %dma_wait3A_640, %dma_wait3A_641] : memref<2x50176x32xf32, #tpu.memory_space<hbm>> -> memref<1x50176x32xf32, #tpu.memory_space<hbm>>
        %dma_wait3A_643 = tpu.memref_squeeze %dma_wait3A_642 : memref<1x50176x32xf32, #tpu.memory_space<hbm>> -> memref<50176x32xf32, #tpu.memory_space<hbm>>
        %dma_wait3A_644 = arith.constant 0 : i32
        %dma_wait3A_645 = tpu.memref_slice %dma_wait3A_643[%add3A_603, %dma_wait3A_644] : memref<50176x32xf32, #tpu.memory_space<hbm>> -> memref<64x32xf32, #tpu.memory_space<hbm>>
        tpu.wait_dma2 semaphore(%run_scoped3A : memref<!tpu.dma_semaphore, #tpu.memory_space<semaphore_mem>>) src(%arg11 : memref<64x32xf32, #tpu.memory_space<vmem>>) dst(%dma_wait3A_645 : memref<64x32xf32, #tpu.memory_space<hbm>>)
        tpu.yield
      }) : () -> ()
      "tpu.region"() ({
        %run_scoped3A = tpu.sem_alloc : memref<!tpu.dma_semaphore, #tpu.memory_space<semaphore_mem>>
        %dma_start3A_622 = tpu.memref_slice %arg18[%add3A_603] : memref<50176xf32, #tpu.memory_space<vmem_shared>> -> memref<64xf32, #tpu.memory_space<vmem_shared>>
        %dma_start3A_623 = tpu.memref_slice %arg18[%add3A_603] : memref<50176xf32, #tpu.memory_space<vmem_shared>> -> memref<64xf32, #tpu.memory_space<vmem_shared>>
        tpu.enqueue_dma source(%dma_start3A_623 : memref<64xf32, #tpu.memory_space<vmem_shared>>) target(%arg12 : memref<64xf32, #tpu.memory_space<vmem>>) target_semaphore(%run_scoped3A : memref<!tpu.dma_semaphore, #tpu.memory_space<semaphore_mem>>)
        %dma_wait3A_624 = tpu.memref_slice %arg18[%add3A_603] : memref<50176xf32, #tpu.memory_space<vmem_shared>> -> memref<64xf32, #tpu.memory_space<vmem_shared>>
        %dma_wait3A_625 = tpu.memref_slice %arg18[%add3A_603] : memref<50176xf32, #tpu.memory_space<vmem_shared>> -> memref<64xf32, #tpu.memory_space<vmem_shared>>
        tpu.wait_dma2 semaphore(%run_scoped3A : memref<!tpu.dma_semaphore, #tpu.memory_space<semaphore_mem>>) src(%dma_wait3A_625 : memref<64xf32, #tpu.memory_space<vmem_shared>>) dst(%arg12 : memref<64xf32, #tpu.memory_space<vmem>>)
        tpu.yield
      }) : () -> ()
      %scan3A_610 = arith.constant 0 : i32
      %scan3A_611 = arith.constant 0 : i32
      %scan3A_612 = arith.constant 4 : i32
      %scan3A_613 = arith.addi %scan3A_611, %scan3A_612 : i32
      %scan3A_614 = arith.constant 1 : i32
      scf.for %scan3A_622 = %scan3A_611 to %scan3A_613 step %scan3A_614  : i32 {
        %mul3A_623 = arith.constant 16 : i32
        %mul3A_624 = arith.muli %mul3A_623, %scan3A_622 : i32
        %get3A = arith.index_cast %mul3A_624 : i32 to index
        %get3A_625 = tpu.vector_load %arg12[%get3A] {strides = array<i32>} : memref<64xf32, #tpu.memory_space<vmem>>, vector<16xf32>,
        %mul3A_626 = arith.mulf %get3A_625, %get3A_625 : vector<16xf32>
        %mul3A_627 = arith.constant 16 : i32
        %mul3A_628 = arith.muli %mul3A_627, %scan3A_622 : i32
        %swap3A_629 = arith.index_cast %mul3A_628 : i32 to index
        %swap3A_630 = tpu.vector_load %arg12[%swap3A_629] {strides = array<i32>} : memref<64xf32, #tpu.memory_space<vmem>>, vector<16xf32>,
        tpu.vector_store %arg12[%swap3A_629], %mul3A_626 {strides = array<i32>} : memref<64xf32, #tpu.memory_space<vmem>>, vector<16xf32>,
      }
      %scan3A_615 = arith.constant 4 : i32
      %scan3A_616 = arith.constant 0 : i32
      %scan3A_617 = arith.constant 0 : i32
      %scan3A_618 = arith.constant 64 : i32
      %scan3A_619 = arith.addi %scan3A_617, %scan3A_618 : i32
      %scan3A_620 = arith.constant 1 : i32
      scf.for %scan3A_622 = %scan3A_617 to %scan3A_619 step %scan3A_620  : i32 {
        %broadcast_in_dim3A_623 = vector.broadcast %scan3A_622 : i32 to vector<16xi32>
        %gather3A = tpu.vector_load_idx %arg12[%broadcast_in_dim3A_623] : memref<64xf32, #tpu.memory_space<vmem>>[vector<16xi32>], vector<16xf32>,
        %get3A = arith.index_cast %scan3A_622 : i32 to index
        %get3A_624 = arith.constant 0 : index
        %get3A_625 = tpu.vector_load %arg10[%get3A, %get3A_624] {strides = array<i32>} : memref<64x32xf32, #tpu.memory_space<vmem>>, vector<16xf32>,
        %mul3A_626 = arith.mulf %get3A_625, %gather3A : vector<16xf32>
        %swap3A_627 = arith.index_cast %scan3A_622 : i32 to index
        %swap3A_628 = arith.constant 0 : index
        %swap3A_629 = tpu.vector_load %arg10[%swap3A_627, %swap3A_628] {strides = array<i32>} : memref<64x32xf32, #tpu.memory_space<vmem>>, vector<16xf32>,
        tpu.vector_store %arg10[%swap3A_627, %swap3A_628], %mul3A_626 {strides = array<i32>} : memref<64x32xf32, #tpu.memory_space<vmem>>, vector<16xf32>,
        %get3A_630 = arith.index_cast %scan3A_622 : i32 to index
        %get3A_631 = arith.constant 16 : index
        %get3A_632 = tpu.vector_load %arg10[%get3A_630, %get3A_631] {strides = array<i32>} : memref<64x32xf32, #tpu.memory_space<vmem>>, vector<16xf32>,
        %mul3A_633 = arith.mulf %get3A_632, %gather3A : vector<16xf32>
        %swap3A_634 = arith.index_cast %scan3A_622 : i32 to index
        %swap3A_635 = arith.constant 16 : index
        %swap3A_636 = tpu.vector_load %arg10[%swap3A_634, %swap3A_635] {strides = array<i32>} : memref<64x32xf32, #tpu.memory_space<vmem>>, vector<16xf32>,
        tpu.vector_store %arg10[%swap3A_634, %swap3A_635], %mul3A_633 {strides = array<i32>} : memref<64x32xf32, #tpu.memory_space<vmem>>, vector<16xf32>,
      }
      %scan3A_621 = arith.constant 64 : i32
      "tpu.region"() ({
        %run_scoped3A = tpu.sem_alloc : memref<!tpu.dma_semaphore, #tpu.memory_space<semaphore_mem>>
        %dma_start3A_622 = arith.constant 0 : i32
        %dma_start3A_623 = arith.constant 0 : i32
        %dma_start3A_624 = tpu.memref_slice %arg5[%arg0, %dma_start3A_622, %dma_start3A_623] : memref<2x50176x32xf32, #tpu.memory_space<hbm>> -> memref<1x50176x32xf32, #tpu.memory_space<hbm>>
        %dma_start3A_625 = tpu.memref_squeeze %dma_start3A_624 : memref<1x50176x32xf32, #tpu.memory_space<hbm>> -> memref<50176x32xf32, #tpu.memory_space<hbm>>
        %dma_start3A_626 = arith.constant 0 : i32
        %dma_start3A_627 = tpu.memref_slice %dma_start3A_625[%add3A_603, %dma_start3A_626] : memref<50176x32xf32, #tpu.memory_space<hbm>> -> memref<64x32xf32, #tpu.memory_space<hbm>>
        %dma_start3A_628 = arith.constant 0 : i32
        %dma_start3A_629 = arith.constant 0 : i32
        %dma_start3A_630 = tpu.memref_slice %arg5[%arg0, %dma_start3A_628, %dma_start3A_629] : memref<2x50176x32xf32, #tpu.memory_space<hbm>> -> memref<1x50176x32xf32, #tpu.memory_space<hbm>>
        %dma_start3A_631 = tpu.memref_squeeze %dma_start3A_630 : memref<1x50176x32xf32, #tpu.memory_space<hbm>> -> memref<50176x32xf32, #tpu.memory_space<hbm>>
        %dma_start3A_632 = arith.constant 0 : i32
        %dma_start3A_633 = tpu.memref_slice %dma_start3A_631[%add3A_603, %dma_start3A_632] : memref<50176x32xf32, #tpu.memory_space<hbm>> -> memref<64x32xf32, #tpu.memory_space<hbm>>
        tpu.enqueue_dma source(%arg10 : memref<64x32xf32, #tpu.memory_space<vmem>>) target(%dma_start3A_633 : memref<64x32xf32, #tpu.memory_space<hbm>>) target_semaphore(%run_scoped3A : memref<!tpu.dma_semaphore, #tpu.memory_space<semaphore_mem>>)
        %dma_wait3A_634 = arith.constant 0 : i32
        %dma_wait3A_635 = arith.constant 0 : i32
        %dma_wait3A_636 = tpu.memref_slice %arg5[%arg0, %dma_wait3A_634, %dma_wait3A_635] : memref<2x50176x32xf32, #tpu.memory_space<hbm>> -> memref<1x50176x32xf32, #tpu.memory_space<hbm>>
        %dma_wait3A_637 = tpu.memref_squeeze %dma_wait3A_636 : memref<1x50176x32xf32, #tpu.memory_space<hbm>> -> memref<50176x32xf32, #tpu.memory_space<hbm>>
        %dma_wait3A_638 = arith.constant 0 : i32
        %dma_wait3A_639 = tpu.memref_slice %dma_wait3A_637[%add3A_603, %dma_wait3A_638] : memref<50176x32xf32, #tpu.memory_space<hbm>> -> memref<64x32xf32, #tpu.memory_space<hbm>>
        %dma_wait3A_640 = arith.constant 0 : i32
        %dma_wait3A_641 = arith.constant 0 : i32
        %dma_wait3A_642 = tpu.memref_slice %arg5[%arg0, %dma_wait3A_640, %dma_wait3A_641] : memref<2x50176x32xf32, #tpu.memory_space<hbm>> -> memref<1x50176x32xf32, #tpu.memory_space<hbm>>
        %dma_wait3A_643 = tpu.memref_squeeze %dma_wait3A_642 : memref<1x50176x32xf32, #tpu.memory_space<hbm>> -> memref<50176x32xf32, #tpu.memory_space<hbm>>
        %dma_wait3A_644 = arith.constant 0 : i32
        %dma_wait3A_645 = tpu.memref_slice %dma_wait3A_643[%add3A_603, %dma_wait3A_644] : memref<50176x32xf32, #tpu.memory_space<hbm>> -> memref<64x32xf32, #tpu.memory_space<hbm>>
        tpu.wait_dma2 semaphore(%run_scoped3A : memref<!tpu.dma_semaphore, #tpu.memory_space<semaphore_mem>>) src(%arg10 : memref<64x32xf32, #tpu.memory_space<vmem>>) dst(%dma_wait3A_645 : memref<64x32xf32, #tpu.memory_space<hbm>>)
        tpu.yield
      }) : () -> ()
    }
    %scan3A_436 = arith.constant 49 : i32
    %barrier3A_437 = arith.constant 0 : index
    tpu.barrier barrier_id(%barrier3A_437)
    %scan3A_438 = arith.constant 0 : i32
    %scan3A_439 = arith.constant 0 : i32
    %scan3A_440 = arith.constant 89 : i32
    %scan3A_441 = arith.addi %scan3A_439, %scan3A_440 : i32
    %scan3A_442 = arith.constant 1 : i32
    scf.for %scan3A_600 = %scan3A_439 to %scan3A_441 step %scan3A_442  : i32 {
      %mul3A_601 = arith.constant 560 : i32
      %mul3A_602 = arith.muli %scan3A_600, %mul3A_601 : i32
      %add3A_603 = arith.addi %mul3A_0, %mul3A_602 : i32
      %add3A_604 = arith.constant 0 : i32
      %add3A_605 = arith.addi %add3A_603, %add3A_604 : i32
      %dma_start3A_606 = arith.constant 0 : i32
      %dma_start3A_607 = arith.constant 0 : i32
      %dma_start3A_608 = arith.constant 0 : i32
      %dma_start3A_609 = tpu.memref_slice %arg6[%dma_start3A_607, %dma_start3A_608] : memref<5x112xi32, #tpu.memory_space<vmem>> -> memref<1x112xi32, #tpu.memory_space<vmem>>
      %dma_start3A_610 = tpu.memref_squeeze %dma_start3A_609 : memref<1x112xi32, #tpu.memory_space<vmem>> -> memref<112xi32, #tpu.memory_space<vmem>>
      %dma_start3A_611 = tpu.memref_slice %arg2[%dma_start3A_606, %add3A_605] : memref<2x800000xi32, #tpu.memory_space<hbm>> -> memref<1x112xi32, #tpu.memory_space<hbm>>
      %dma_start3A_612 = tpu.memref_squeeze %dma_start3A_611 : memref<1x112xi32, #tpu.memory_space<hbm>> -> memref<112xi32, #tpu.memory_space<hbm>>
      %dma_start3A_613 = arith.constant 0 : i32
      %dma_start3A_614 = tpu.memref_slice %arg6[%dma_start3A_607, %dma_start3A_613] : memref<5x112xi32, #tpu.memory_space<vmem>> -> memref<1x112xi32, #tpu.memory_space<vmem>>
      %dma_start3A_615 = tpu.memref_squeeze %dma_start3A_614 : memref<1x112xi32, #tpu.memory_space<vmem>> -> memref<112xi32, #tpu.memory_space<vmem>>
      %dma_start3A_616 = tpu.memref_slice %arg2[%dma_start3A_606, %add3A_605] : memref<2x800000xi32, #tpu.memory_space<hbm>> -> memref<1x112xi32, #tpu.memory_space<hbm>>
      %dma_start3A_617 = tpu.memref_squeeze %dma_start3A_616 : memref<1x112xi32, #tpu.memory_space<hbm>> -> memref<112xi32, #tpu.memory_space<hbm>>
      tpu.enqueue_dma source(%dma_start3A_617 : memref<112xi32, #tpu.memory_space<hbm>>) target(%dma_start3A_615 : memref<112xi32, #tpu.memory_space<vmem>>) target_semaphore(%arg19 : memref<!tpu.dma_semaphore, #tpu.memory_space<semaphore_mem>>)
      %add3A_618 = arith.constant 112 : i32
      %add3A_619 = arith.addi %add3A_603, %add3A_618 : i32
      %dma_start3A_620 = arith.constant 0 : i32
      %dma_start3A_621 = arith.constant 1 : i32
      %dma_start3A_622 = arith.constant 0 : i32
      %dma_start3A_623 = tpu.memref_slice %arg6[%dma_start3A_621, %dma_start3A_622] : memref<5x112xi32, #tpu.memory_space<vmem>> -> memref<1x112xi32, #tpu.memory_space<vmem>>
      %dma_start3A_624 = tpu.memref_squeeze %dma_start3A_623 : memref<1x112xi32, #tpu.memory_space<vmem>> -> memref<112xi32, #tpu.memory_space<vmem>>
      %dma_start3A_625 = tpu.memref_slice %arg2[%dma_start3A_620, %add3A_619] : memref<2x800000xi32, #tpu.memory_space<hbm>> -> memref<1x112xi32, #tpu.memory_space<hbm>>
      %dma_start3A_626 = tpu.memref_squeeze %dma_start3A_625 : memref<1x112xi32, #tpu.memory_space<hbm>> -> memref<112xi32, #tpu.memory_space<hbm>>
      %dma_start3A_627 = arith.constant 0 : i32
      %dma_start3A_628 = tpu.memref_slice %arg6[%dma_start3A_621, %dma_start3A_627] : memref<5x112xi32, #tpu.memory_space<vmem>> -> memref<1x112xi32, #tpu.memory_space<vmem>>
      %dma_start3A_629 = tpu.memref_squeeze %dma_start3A_628 : memref<1x112xi32, #tpu.memory_space<vmem>> -> memref<112xi32, #tpu.memory_space<vmem>>
      %dma_start3A_630 = tpu.memref_slice %arg2[%dma_start3A_620, %add3A_619] : memref<2x800000xi32, #tpu.memory_space<hbm>> -> memref<1x112xi32, #tpu.memory_space<hbm>>
      %dma_start3A_631 = tpu.memref_squeeze %dma_start3A_630 : memref<1x112xi32, #tpu.memory_space<hbm>> -> memref<112xi32, #tpu.memory_space<hbm>>
      tpu.enqueue_dma source(%dma_start3A_631 : memref<112xi32, #tpu.memory_space<hbm>>) target(%dma_start3A_629 : memref<112xi32, #tpu.memory_space<vmem>>) target_semaphore(%arg19 : memref<!tpu.dma_semaphore, #tpu.memory_space<semaphore_mem>>)
      %add3A_632 = arith.constant 224 : i32
      %add3A_633 = arith.addi %add3A_603, %add3A_632 : i32
      %dma_start3A_634 = arith.constant 0 : i32
      %dma_start3A_635 = arith.constant 2 : i32
      %dma_start3A_636 = arith.constant 0 : i32
      %dma_start3A_637 = tpu.memref_slice %arg6[%dma_start3A_635, %dma_start3A_636] : memref<5x112xi32, #tpu.memory_space<vmem>> -> memref<1x112xi32, #tpu.memory_space<vmem>>
      %dma_start3A_638 = tpu.memref_squeeze %dma_start3A_637 : memref<1x112xi32, #tpu.memory_space<vmem>> -> memref<112xi32, #tpu.memory_space<vmem>>
      %dma_start3A_639 = tpu.memref_slice %arg2[%dma_start3A_634, %add3A_633] : memref<2x800000xi32, #tpu.memory_space<hbm>> -> memref<1x112xi32, #tpu.memory_space<hbm>>
      %dma_start3A_640 = tpu.memref_squeeze %dma_start3A_639 : memref<1x112xi32, #tpu.memory_space<hbm>> -> memref<112xi32, #tpu.memory_space<hbm>>
      %dma_start3A_641 = arith.constant 0 : i32
      %dma_start3A_642 = tpu.memref_slice %arg6[%dma_start3A_635, %dma_start3A_641] : memref<5x112xi32, #tpu.memory_space<vmem>> -> memref<1x112xi32, #tpu.memory_space<vmem>>
      %dma_start3A_643 = tpu.memref_squeeze %dma_start3A_642 : memref<1x112xi32, #tpu.memory_space<vmem>> -> memref<112xi32, #tpu.memory_space<vmem>>
      %dma_start3A_644 = tpu.memref_slice %arg2[%dma_start3A_634, %add3A_633] : memref<2x800000xi32, #tpu.memory_space<hbm>> -> memref<1x112xi32, #tpu.memory_space<hbm>>
      %dma_start3A_645 = tpu.memref_squeeze %dma_start3A_644 : memref<1x112xi32, #tpu.memory_space<hbm>> -> memref<112xi32, #tpu.memory_space<hbm>>
      tpu.enqueue_dma source(%dma_start3A_645 : memref<112xi32, #tpu.memory_space<hbm>>) target(%dma_start3A_643 : memref<112xi32, #tpu.memory_space<vmem>>) target_semaphore(%arg19 : memref<!tpu.dma_semaphore, #tpu.memory_space<semaphore_mem>>)
      %add3A_646 = arith.constant 336 : i32
      %add3A_647 = arith.addi %add3A_603, %add3A_646 : i32
      %dma_start3A_648 = arith.constant 0 : i32
      %dma_start3A_649 = arith.constant 3 : i32
      %dma_start3A_650 = arith.constant 0 : i32
      %dma_start3A_651 = tpu.memref_slice %arg6[%dma_start3A_649, %dma_start3A_650] : memref<5x112xi32, #tpu.memory_space<vmem>> -> memref<1x112xi32, #tpu.memory_space<vmem>>
      %dma_start3A_652 = tpu.memref_squeeze %dma_start3A_651 : memref<1x112xi32, #tpu.memory_space<vmem>> -> memref<112xi32, #tpu.memory_space<vmem>>
      %dma_start3A_653 = tpu.memref_slice %arg2[%dma_start3A_648, %add3A_647] : memref<2x800000xi32, #tpu.memory_space<hbm>> -> memref<1x112xi32, #tpu.memory_space<hbm>>
      %dma_start3A_654 = tpu.memref_squeeze %dma_start3A_653 : memref<1x112xi32, #tpu.memory_space<hbm>> -> memref<112xi32, #tpu.memory_space<hbm>>
      %dma_start3A_655 = arith.constant 0 : i32
      %dma_start3A_656 = tpu.memref_slice %arg6[%dma_start3A_649, %dma_start3A_655] : memref<5x112xi32, #tpu.memory_space<vmem>> -> memref<1x112xi32, #tpu.memory_space<vmem>>
      %dma_start3A_657 = tpu.memref_squeeze %dma_start3A_656 : memref<1x112xi32, #tpu.memory_space<vmem>> -> memref<112xi32, #tpu.memory_space<vmem>>
      %dma_start3A_658 = tpu.memref_slice %arg2[%dma_start3A_648, %add3A_647] : memref<2x800000xi32, #tpu.memory_space<hbm>> -> memref<1x112xi32, #tpu.memory_space<hbm>>
      %dma_start3A_659 = tpu.memref_squeeze %dma_start3A_658 : memref<1x112xi32, #tpu.memory_space<hbm>> -> memref<112xi32, #tpu.memory_space<hbm>>
      tpu.enqueue_dma source(%dma_start3A_659 : memref<112xi32, #tpu.memory_space<hbm>>) target(%dma_start3A_657 : memref<112xi32, #tpu.memory_space<vmem>>) target_semaphore(%arg19 : memref<!tpu.dma_semaphore, #tpu.memory_space<semaphore_mem>>)
      %add3A_660 = arith.constant 448 : i32
      %add3A_661 = arith.addi %add3A_603, %add3A_660 : i32
      %dma_start3A_662 = arith.constant 0 : i32
      %dma_start3A_663 = arith.constant 4 : i32
      %dma_start3A_664 = arith.constant 0 : i32
      %dma_start3A_665 = tpu.memref_slice %arg6[%dma_start3A_663, %dma_start3A_664] : memref<5x112xi32, #tpu.memory_space<vmem>> -> memref<1x112xi32, #tpu.memory_space<vmem>>
      %dma_start3A_666 = tpu.memref_squeeze %dma_start3A_665 : memref<1x112xi32, #tpu.memory_space<vmem>> -> memref<112xi32, #tpu.memory_space<vmem>>
      %dma_start3A_667 = tpu.memref_slice %arg2[%dma_start3A_662, %add3A_661] : memref<2x800000xi32, #tpu.memory_space<hbm>> -> memref<1x112xi32, #tpu.memory_space<hbm>>
      %dma_start3A_668 = tpu.memref_squeeze %dma_start3A_667 : memref<1x112xi32, #tpu.memory_space<hbm>> -> memref<112xi32, #tpu.memory_space<hbm>>
      %dma_start3A_669 = arith.constant 0 : i32
      %dma_start3A_670 = tpu.memref_slice %arg6[%dma_start3A_663, %dma_start3A_669] : memref<5x112xi32, #tpu.memory_space<vmem>> -> memref<1x112xi32, #tpu.memory_space<vmem>>
      %dma_start3A_671 = tpu.memref_squeeze %dma_start3A_670 : memref<1x112xi32, #tpu.memory_space<vmem>> -> memref<112xi32, #tpu.memory_space<vmem>>
      %dma_start3A_672 = tpu.memref_slice %arg2[%dma_start3A_662, %add3A_661] : memref<2x800000xi32, #tpu.memory_space<hbm>> -> memref<1x112xi32, #tpu.memory_space<hbm>>
      %dma_start3A_673 = tpu.memref_squeeze %dma_start3A_672 : memref<1x112xi32, #tpu.memory_space<hbm>> -> memref<112xi32, #tpu.memory_space<hbm>>
      tpu.enqueue_dma source(%dma_start3A_673 : memref<112xi32, #tpu.memory_space<hbm>>) target(%dma_start3A_671 : memref<112xi32, #tpu.memory_space<vmem>>) target_semaphore(%arg19 : memref<!tpu.dma_semaphore, #tpu.memory_space<semaphore_mem>>)
      %add3A_674 = arith.constant 0 : i32
      %add3A_675 = arith.addi %add3A_603, %add3A_674 : i32
      %dma_start3A_676 = arith.constant 1 : i32
      %dma_start3A_677 = arith.constant 0 : i32
      %dma_start3A_678 = arith.constant 0 : i32
      %dma_start3A_679 = tpu.memref_slice %arg7[%dma_start3A_677, %dma_start3A_678] : memref<5x112xi32, #tpu.memory_space<vmem>> -> memref<1x112xi32, #tpu.memory_space<vmem>>
      %dma_start3A_680 = tpu.memref_squeeze %dma_start3A_679 : memref<1x112xi32, #tpu.memory_space<vmem>> -> memref<112xi32, #tpu.memory_space<vmem>>
      %dma_start3A_681 = tpu.memref_slice %arg2[%dma_start3A_676, %add3A_675] : memref<2x800000xi32, #tpu.memory_space<hbm>> -> memref<1x112xi32, #tpu.memory_space<hbm>>
      %dma_start3A_682 = tpu.memref_squeeze %dma_start3A_681 : memref<1x112xi32, #tpu.memory_space<hbm>> -> memref<112xi32, #tpu.memory_space<hbm>>
      %dma_start3A_683 = arith.constant 0 : i32
      %dma_start3A_684 = tpu.memref_slice %arg7[%dma_start3A_677, %dma_start3A_683] : memref<5x112xi32, #tpu.memory_space<vmem>> -> memref<1x112xi32, #tpu.memory_space<vmem>>
      %dma_start3A_685 = tpu.memref_squeeze %dma_start3A_684 : memref<1x112xi32, #tpu.memory_space<vmem>> -> memref<112xi32, #tpu.memory_space<vmem>>
      %dma_start3A_686 = tpu.memref_slice %arg2[%dma_start3A_676, %add3A_675] : memref<2x800000xi32, #tpu.memory_space<hbm>> -> memref<1x112xi32, #tpu.memory_space<hbm>>
      %dma_start3A_687 = tpu.memref_squeeze %dma_start3A_686 : memref<1x112xi32, #tpu.memory_space<hbm>> -> memref<112xi32, #tpu.memory_space<hbm>>
      tpu.enqueue_dma source(%dma_start3A_687 : memref<112xi32, #tpu.memory_space<hbm>>) target(%dma_start3A_685 : memref<112xi32, #tpu.memory_space<vmem>>) target_semaphore(%arg20 : memref<!tpu.dma_semaphore, #tpu.memory_space<semaphore_mem>>)
      %add3A_688 = arith.constant 112 : i32
      %add3A_689 = arith.addi %add3A_603, %add3A_688 : i32
      %dma_start3A_690 = arith.constant 1 : i32
      %dma_start3A_691 = arith.constant 1 : i32
      %dma_start3A_692 = arith.constant 0 : i32
      %dma_start3A_693 = tpu.memref_slice %arg7[%dma_start3A_691, %dma_start3A_692] : memref<5x112xi32, #tpu.memory_space<vmem>> -> memref<1x112xi32, #tpu.memory_space<vmem>>
      %dma_start3A_694 = tpu.memref_squeeze %dma_start3A_693 : memref<1x112xi32, #tpu.memory_space<vmem>> -> memref<112xi32, #tpu.memory_space<vmem>>
      %dma_start3A_695 = tpu.memref_slice %arg2[%dma_start3A_690, %add3A_689] : memref<2x800000xi32, #tpu.memory_space<hbm>> -> memref<1x112xi32, #tpu.memory_space<hbm>>
      %dma_start3A_696 = tpu.memref_squeeze %dma_start3A_695 : memref<1x112xi32, #tpu.memory_space<hbm>> -> memref<112xi32, #tpu.memory_space<hbm>>
      %dma_start3A_697 = arith.constant 0 : i32
      %dma_start3A_698 = tpu.memref_slice %arg7[%dma_start3A_691, %dma_start3A_697] : memref<5x112xi32, #tpu.memory_space<vmem>> -> memref<1x112xi32, #tpu.memory_space<vmem>>
      %dma_start3A_699 = tpu.memref_squeeze %dma_start3A_698 : memref<1x112xi32, #tpu.memory_space<vmem>> -> memref<112xi32, #tpu.memory_space<vmem>>
      %dma_start3A_700 = tpu.memref_slice %arg2[%dma_start3A_690, %add3A_689] : memref<2x800000xi32, #tpu.memory_space<hbm>> -> memref<1x112xi32, #tpu.memory_space<hbm>>
      %dma_start3A_701 = tpu.memref_squeeze %dma_start3A_700 : memref<1x112xi32, #tpu.memory_space<hbm>> -> memref<112xi32, #tpu.memory_space<hbm>>
      tpu.enqueue_dma source(%dma_start3A_701 : memref<112xi32, #tpu.memory_space<hbm>>) target(%dma_start3A_699 : memref<112xi32, #tpu.memory_space<vmem>>) target_semaphore(%arg20 : memref<!tpu.dma_semaphore, #tpu.memory_space<semaphore_mem>>)
      %add3A_702 = arith.constant 224 : i32
      %add3A_703 = arith.addi %add3A_603, %add3A_702 : i32
      %dma_start3A_704 = arith.constant 1 : i32
      %dma_start3A_705 = arith.constant 2 : i32
      %dma_start3A_706 = arith.constant 0 : i32
      %dma_start3A_707 = tpu.memref_slice %arg7[%dma_start3A_705, %dma_start3A_706] : memref<5x112xi32, #tpu.memory_space<vmem>> -> memref<1x112xi32, #tpu.memory_space<vmem>>
      %dma_start3A_708 = tpu.memref_squeeze %dma_start3A_707 : memref<1x112xi32, #tpu.memory_space<vmem>> -> memref<112xi32, #tpu.memory_space<vmem>>
      %dma_start3A_709 = tpu.memref_slice %arg2[%dma_start3A_704, %add3A_703] : memref<2x800000xi32, #tpu.memory_space<hbm>> -> memref<1x112xi32, #tpu.memory_space<hbm>>
      %dma_start3A_710 = tpu.memref_squeeze %dma_start3A_709 : memref<1x112xi32, #tpu.memory_space<hbm>> -> memref<112xi32, #tpu.memory_space<hbm>>
      %dma_start3A_711 = arith.constant 0 : i32
      %dma_start3A_712 = tpu.memref_slice %arg7[%dma_start3A_705, %dma_start3A_711] : memref<5x112xi32, #tpu.memory_space<vmem>> -> memref<1x112xi32, #tpu.memory_space<vmem>>
      %dma_start3A_713 = tpu.memref_squeeze %dma_start3A_712 : memref<1x112xi32, #tpu.memory_space<vmem>> -> memref<112xi32, #tpu.memory_space<vmem>>
      %dma_start3A_714 = tpu.memref_slice %arg2[%dma_start3A_704, %add3A_703] : memref<2x800000xi32, #tpu.memory_space<hbm>> -> memref<1x112xi32, #tpu.memory_space<hbm>>
      %dma_start3A_715 = tpu.memref_squeeze %dma_start3A_714 : memref<1x112xi32, #tpu.memory_space<hbm>> -> memref<112xi32, #tpu.memory_space<hbm>>
      tpu.enqueue_dma source(%dma_start3A_715 : memref<112xi32, #tpu.memory_space<hbm>>) target(%dma_start3A_713 : memref<112xi32, #tpu.memory_space<vmem>>) target_semaphore(%arg20 : memref<!tpu.dma_semaphore, #tpu.memory_space<semaphore_mem>>)
      %add3A_716 = arith.constant 336 : i32
      %add3A_717 = arith.addi %add3A_603, %add3A_716 : i32
      %dma_start3A_718 = arith.constant 1 : i32
      %dma_start3A_719 = arith.constant 3 : i32
      %dma_start3A_720 = arith.constant 0 : i32
      %dma_start3A_721 = tpu.memref_slice %arg7[%dma_start3A_719, %dma_start3A_720] : memref<5x112xi32, #tpu.memory_space<vmem>> -> memref<1x112xi32, #tpu.memory_space<vmem>>
      %dma_start3A_722 = tpu.memref_squeeze %dma_start3A_721 : memref<1x112xi32, #tpu.memory_space<vmem>> -> memref<112xi32, #tpu.memory_space<vmem>>
      %dma_start3A_723 = tpu.memref_slice %arg2[%dma_start3A_718, %add3A_717] : memref<2x800000xi32, #tpu.memory_space<hbm>> -> memref<1x112xi32, #tpu.memory_space<hbm>>
      %dma_start3A_724 = tpu.memref_squeeze %dma_start3A_723 : memref<1x112xi32, #tpu.memory_space<hbm>> -> memref<112xi32, #tpu.memory_space<hbm>>
      %dma_start3A_725 = arith.constant 0 : i32
      %dma_start3A_726 = tpu.memref_slice %arg7[%dma_start3A_719, %dma_start3A_725] : memref<5x112xi32, #tpu.memory_space<vmem>> -> memref<1x112xi32, #tpu.memory_space<vmem>>
      %dma_start3A_727 = tpu.memref_squeeze %dma_start3A_726 : memref<1x112xi32, #tpu.memory_space<vmem>> -> memref<112xi32, #tpu.memory_space<vmem>>
      %dma_start3A_728 = tpu.memref_slice %arg2[%dma_start3A_718, %add3A_717] : memref<2x800000xi32, #tpu.memory_space<hbm>> -> memref<1x112xi32, #tpu.memory_space<hbm>>
      %dma_start3A_729 = tpu.memref_squeeze %dma_start3A_728 : memref<1x112xi32, #tpu.memory_space<hbm>> -> memref<112xi32, #tpu.memory_space<hbm>>
      tpu.enqueue_dma source(%dma_start3A_729 : memref<112xi32, #tpu.memory_space<hbm>>) target(%dma_start3A_727 : memref<112xi32, #tpu.memory_space<vmem>>) target_semaphore(%arg20 : memref<!tpu.dma_semaphore, #tpu.memory_space<semaphore_mem>>)
      %add3A_730 = arith.constant 448 : i32
      %add3A_731 = arith.addi %add3A_603, %add3A_730 : i32
      %dma_start3A_732 = arith.constant 1 : i32
      %dma_start3A_733 = arith.constant 4 : i32
      %dma_start3A_734 = arith.constant 0 : i32
      %dma_start3A_735 = tpu.memref_slice %arg7[%dma_start3A_733, %dma_start3A_734] : memref<5x112xi32, #tpu.memory_space<vmem>> -> memref<1x112xi32, #tpu.memory_space<vmem>>
      %dma_start3A_736 = tpu.memref_squeeze %dma_start3A_735 : memref<1x112xi32, #tpu.memory_space<vmem>> -> memref<112xi32, #tpu.memory_space<vmem>>
      %dma_start3A_737 = tpu.memref_slice %arg2[%dma_start3A_732, %add3A_731] : memref<2x800000xi32, #tpu.memory_space<hbm>> -> memref<1x112xi32, #tpu.memory_space<hbm>>
      %dma_start3A_738 = tpu.memref_squeeze %dma_start3A_737 : memref<1x112xi32, #tpu.memory_space<hbm>> -> memref<112xi32, #tpu.memory_space<hbm>>
      %dma_start3A_739 = arith.constant 0 : i32
      %dma_start3A_740 = tpu.memref_slice %arg7[%dma_start3A_733, %dma_start3A_739] : memref<5x112xi32, #tpu.memory_space<vmem>> -> memref<1x112xi32, #tpu.memory_space<vmem>>
      %dma_start3A_741 = tpu.memref_squeeze %dma_start3A_740 : memref<1x112xi32, #tpu.memory_space<vmem>> -> memref<112xi32, #tpu.memory_space<vmem>>
      %dma_start3A_742 = tpu.memref_slice %arg2[%dma_start3A_732, %add3A_731] : memref<2x800000xi32, #tpu.memory_space<hbm>> -> memref<1x112xi32, #tpu.memory_space<hbm>>
      %dma_start3A_743 = tpu.memref_squeeze %dma_start3A_742 : memref<1x112xi32, #tpu.memory_space<hbm>> -> memref<112xi32, #tpu.memory_space<hbm>>
      tpu.enqueue_dma source(%dma_start3A_743 : memref<112xi32, #tpu.memory_space<hbm>>) target(%dma_start3A_741 : memref<112xi32, #tpu.memory_space<vmem>>) target_semaphore(%arg20 : memref<!tpu.dma_semaphore, #tpu.memory_space<semaphore_mem>>)
      %dma_wait3A_744 = arith.constant 0 : i32
      %dma_wait3A_745 = arith.constant 0 : i32
      %dma_wait3A_746 = arith.constant 0 : i32
      %dma_wait3A_747 = tpu.memref_slice %arg6[%dma_wait3A_745, %dma_wait3A_746] : memref<5x112xi32, #tpu.memory_space<vmem>> -> memref<1x112xi32, #tpu.memory_space<vmem>>
      %dma_wait3A_748 = tpu.memref_squeeze %dma_wait3A_747 : memref<1x112xi32, #tpu.memory_space<vmem>> -> memref<112xi32, #tpu.memory_space<vmem>>
      %dma_wait3A_749 = tpu.memref_slice %arg2[%dma_wait3A_744, %add3A_605] : memref<2x800000xi32, #tpu.memory_space<hbm>> -> memref<1x112xi32, #tpu.memory_space<hbm>>
      %dma_wait3A_750 = tpu.memref_squeeze %dma_wait3A_749 : memref<1x112xi32, #tpu.memory_space<hbm>> -> memref<112xi32, #tpu.memory_space<hbm>>
      %dma_wait3A_751 = arith.constant 0 : i32
      %dma_wait3A_752 = tpu.memref_slice %arg6[%dma_wait3A_745, %dma_wait3A_751] : memref<5x112xi32, #tpu.memory_space<vmem>> -> memref<1x112xi32, #tpu.memory_space<vmem>>
      %dma_wait3A_753 = tpu.memref_squeeze %dma_wait3A_752 : memref<1x112xi32, #tpu.memory_space<vmem>> -> memref<112xi32, #tpu.memory_space<vmem>>
      %dma_wait3A_754 = tpu.memref_slice %arg2[%dma_wait3A_744, %add3A_605] : memref<2x800000xi32, #tpu.memory_space<hbm>> -> memref<1x112xi32, #tpu.memory_space<hbm>>
      %dma_wait3A_755 = tpu.memref_squeeze %dma_wait3A_754 : memref<1x112xi32, #tpu.memory_space<hbm>> -> memref<112xi32, #tpu.memory_space<hbm>>
      tpu.wait_dma2 semaphore(%arg19 : memref<!tpu.dma_semaphore, #tpu.memory_space<semaphore_mem>>) src(%dma_wait3A_755 : memref<112xi32, #tpu.memory_space<hbm>>) dst(%dma_wait3A_753 : memref<112xi32, #tpu.memory_space<vmem>>)
      %dma_start3A_756 = arith.constant 0 : i32
      %dma_start3A_757 = arith.constant 0 : i32
      %dma_start3A_758 = arith.constant 0 : i32
      %dma_start3A_759 = arith.constant 0 : i32
      %dma_start3A_760 = tpu.memref_slice %arg8[%dma_start3A_757, %dma_start3A_758, %dma_start3A_759] : memref<5x112x32xf32, #tpu.memory_space<vmem>> -> memref<1x112x32xf32, #tpu.memory_space<vmem>>
      %dma_start3A_761 = tpu.memref_squeeze %dma_start3A_760 : memref<1x112x32xf32, #tpu.memory_space<vmem>> -> memref<112x32xf32, #tpu.memory_space<vmem>>
      %dma_start3A_762 = arith.constant 0 : i32
      %dma_start3A_763 = tpu.memref_slice %arg6[%dma_start3A_756, %dma_start3A_762] : memref<5x112xi32, #tpu.memory_space<vmem>> -> memref<1x112xi32, #tpu.memory_space<vmem>>
      %dma_start3A_764 = tpu.memref_squeeze %dma_start3A_763 : memref<1x112xi32, #tpu.memory_space<vmem>> -> memref<112xi32, #tpu.memory_space<vmem>>
      %dma_start3A_765 = arith.constant 0 : i32
      %dma_start3A_766 = arith.constant 0 : i32
      %dma_start3A_767 = tpu.memref_slice %arg5[%arg0, %dma_start3A_765, %dma_start3A_766] : memref<2x50176x32xf32, #tpu.memory_space<hbm>> -> memref<1x50176x32xf32, #tpu.memory_space<hbm>>
      %dma_start3A_768 = tpu.memref_squeeze %dma_start3A_767 : memref<1x50176x32xf32, #tpu.memory_space<hbm>> -> memref<50176x32xf32, #tpu.memory_space<hbm>>
      %dma_start3A_769 = arith.constant 0 : i32
      %dma_start3A_770 = arith.constant 0 : i32
      %dma_start3A_771 = tpu.memref_slice %dma_start3A_768[%dma_start3A_769, %dma_start3A_770] : memref<50176x32xf32, #tpu.memory_space<hbm>> -> memref<50176x32xf32, #tpu.memory_space<hbm>>
      tpu.enqueue_indirect_dma source(%dma_start3A_771 : memref<50176x32xf32, #tpu.memory_space<hbm>>) target(%dma_start3A_761 : memref<112x32xf32, #tpu.memory_space<vmem>>) offsets(%dma_start3A_764 : memref<112xi32, #tpu.memory_space<vmem>>) semaphore(%arg21 : memref<!tpu.dma_semaphore, #tpu.memory_space<semaphore_mem>>)
      %dma_wait3A_772 = arith.constant 0 : i32
      %dma_wait3A_773 = arith.constant 1 : i32
      %dma_wait3A_774 = arith.constant 0 : i32
      %dma_wait3A_775 = tpu.memref_slice %arg6[%dma_wait3A_773, %dma_wait3A_774] : memref<5x112xi32, #tpu.memory_space<vmem>> -> memref<1x112xi32, #tpu.memory_space<vmem>>
      %dma_wait3A_776 = tpu.memref_squeeze %dma_wait3A_775 : memref<1x112xi32, #tpu.memory_space<vmem>> -> memref<112xi32, #tpu.memory_space<vmem>>
      %dma_wait3A_777 = tpu.memref_slice %arg2[%dma_wait3A_772, %add3A_619] : memref<2x800000xi32, #tpu.memory_space<hbm>> -> memref<1x112xi32, #tpu.memory_space<hbm>>
      %dma_wait3A_778 = tpu.memref_squeeze %dma_wait3A_777 : memref<1x112xi32, #tpu.memory_space<hbm>> -> memref<112xi32, #tpu.memory_space<hbm>>
      %dma_wait3A_779 = arith.constant 0 : i32
      %dma_wait3A_780 = tpu.memref_slice %arg6[%dma_wait3A_773, %dma_wait3A_779] : memref<5x112xi32, #tpu.memory_space<vmem>> -> memref<1x112xi32, #tpu.memory_space<vmem>>
      %dma_wait3A_781 = tpu.memref_squeeze %dma_wait3A_780 : memref<1x112xi32, #tpu.memory_space<vmem>> -> memref<112xi32, #tpu.memory_space<vmem>>
      %dma_wait3A_782 = tpu.memref_slice %arg2[%dma_wait3A_772, %add3A_619] : memref<2x800000xi32, #tpu.memory_space<hbm>> -> memref<1x112xi32, #tpu.memory_space<hbm>>
      %dma_wait3A_783 = tpu.memref_squeeze %dma_wait3A_782 : memref<1x112xi32, #tpu.memory_space<hbm>> -> memref<112xi32, #tpu.memory_space<hbm>>
      tpu.wait_dma2 semaphore(%arg19 : memref<!tpu.dma_semaphore, #tpu.memory_space<semaphore_mem>>) src(%dma_wait3A_783 : memref<112xi32, #tpu.memory_space<hbm>>) dst(%dma_wait3A_781 : memref<112xi32, #tpu.memory_space<vmem>>)
      %dma_start3A_784 = arith.constant 1 : i32
      %dma_start3A_785 = arith.constant 1 : i32
      %dma_start3A_786 = arith.constant 0 : i32
      %dma_start3A_787 = arith.constant 0 : i32
      %dma_start3A_788 = tpu.memref_slice %arg8[%dma_start3A_785, %dma_start3A_786, %dma_start3A_787] : memref<5x112x32xf32, #tpu.memory_space<vmem>> -> memref<1x112x32xf32, #tpu.memory_space<vmem>>
      %dma_start3A_789 = tpu.memref_squeeze %dma_start3A_788 : memref<1x112x32xf32, #tpu.memory_space<vmem>> -> memref<112x32xf32, #tpu.memory_space<vmem>>
      %dma_start3A_790 = arith.constant 0 : i32
      %dma_start3A_791 = tpu.memref_slice %arg6[%dma_start3A_784, %dma_start3A_790] : memref<5x112xi32, #tpu.memory_space<vmem>> -> memref<1x112xi32, #tpu.memory_space<vmem>>
      %dma_start3A_792 = tpu.memref_squeeze %dma_start3A_791 : memref<1x112xi32, #tpu.memory_space<vmem>> -> memref<112xi32, #tpu.memory_space<vmem>>
      %dma_start3A_793 = arith.constant 0 : i32
      %dma_start3A_794 = arith.constant 0 : i32
      %dma_start3A_795 = tpu.memref_slice %arg5[%arg0, %dma_start3A_793, %dma_start3A_794] : memref<2x50176x32xf32, #tpu.memory_space<hbm>> -> memref<1x50176x32xf32, #tpu.memory_space<hbm>>
      %dma_start3A_796 = tpu.memref_squeeze %dma_start3A_795 : memref<1x50176x32xf32, #tpu.memory_space<hbm>> -> memref<50176x32xf32, #tpu.memory_space<hbm>>
      %dma_start3A_797 = arith.constant 0 : i32
      %dma_start3A_798 = arith.constant 0 : i32
      %dma_start3A_799 = tpu.memref_slice %dma_start3A_796[%dma_start3A_797, %dma_start3A_798] : memref<50176x32xf32, #tpu.memory_space<hbm>> -> memref<50176x32xf32, #tpu.memory_space<hbm>>
      tpu.enqueue_indirect_dma source(%dma_start3A_799 : memref<50176x32xf32, #tpu.memory_space<hbm>>) target(%dma_start3A_789 : memref<112x32xf32, #tpu.memory_space<vmem>>) offsets(%dma_start3A_792 : memref<112xi32, #tpu.memory_space<vmem>>) semaphore(%arg21 : memref<!tpu.dma_semaphore, #tpu.memory_space<semaphore_mem>>)
      %dma_wait3A_800 = arith.constant 0 : i32
      %dma_wait3A_801 = arith.constant 2 : i32
      %dma_wait3A_802 = arith.constant 0 : i32
      %dma_wait3A_803 = tpu.memref_slice %arg6[%dma_wait3A_801, %dma_wait3A_802] : memref<5x112xi32, #tpu.memory_space<vmem>> -> memref<1x112xi32, #tpu.memory_space<vmem>>
      %dma_wait3A_804 = tpu.memref_squeeze %dma_wait3A_803 : memref<1x112xi32, #tpu.memory_space<vmem>> -> memref<112xi32, #tpu.memory_space<vmem>>
      %dma_wait3A_805 = tpu.memref_slice %arg2[%dma_wait3A_800, %add3A_633] : memref<2x800000xi32, #tpu.memory_space<hbm>> -> memref<1x112xi32, #tpu.memory_space<hbm>>
      %dma_wait3A_806 = tpu.memref_squeeze %dma_wait3A_805 : memref<1x112xi32, #tpu.memory_space<hbm>> -> memref<112xi32, #tpu.memory_space<hbm>>
      %dma_wait3A_807 = arith.constant 0 : i32
      %dma_wait3A_808 = tpu.memref_slice %arg6[%dma_wait3A_801, %dma_wait3A_807] : memref<5x112xi32, #tpu.memory_space<vmem>> -> memref<1x112xi32, #tpu.memory_space<vmem>>
      %dma_wait3A_809 = tpu.memref_squeeze %dma_wait3A_808 : memref<1x112xi32, #tpu.memory_space<vmem>> -> memref<112xi32, #tpu.memory_space<vmem>>
      %dma_wait3A_810 = tpu.memref_slice %arg2[%dma_wait3A_800, %add3A_633] : memref<2x800000xi32, #tpu.memory_space<hbm>> -> memref<1x112xi32, #tpu.memory_space<hbm>>
      %dma_wait3A_811 = tpu.memref_squeeze %dma_wait3A_810 : memref<1x112xi32, #tpu.memory_space<hbm>> -> memref<112xi32, #tpu.memory_space<hbm>>
      tpu.wait_dma2 semaphore(%arg19 : memref<!tpu.dma_semaphore, #tpu.memory_space<semaphore_mem>>) src(%dma_wait3A_811 : memref<112xi32, #tpu.memory_space<hbm>>) dst(%dma_wait3A_809 : memref<112xi32, #tpu.memory_space<vmem>>)
      %dma_start3A_812 = arith.constant 2 : i32
      %dma_start3A_813 = arith.constant 2 : i32
      %dma_start3A_814 = arith.constant 0 : i32
      %dma_start3A_815 = arith.constant 0 : i32
      %dma_start3A_816 = tpu.memref_slice %arg8[%dma_start3A_813, %dma_start3A_814, %dma_start3A_815] : memref<5x112x32xf32, #tpu.memory_space<vmem>> -> memref<1x112x32xf32, #tpu.memory_space<vmem>>
      %dma_start3A_817 = tpu.memref_squeeze %dma_start3A_816 : memref<1x112x32xf32, #tpu.memory_space<vmem>> -> memref<112x32xf32, #tpu.memory_space<vmem>>
      %dma_start3A_818 = arith.constant 0 : i32
      %dma_start3A_819 = tpu.memref_slice %arg6[%dma_start3A_812, %dma_start3A_818] : memref<5x112xi32, #tpu.memory_space<vmem>> -> memref<1x112xi32, #tpu.memory_space<vmem>>
      %dma_start3A_820 = tpu.memref_squeeze %dma_start3A_819 : memref<1x112xi32, #tpu.memory_space<vmem>> -> memref<112xi32, #tpu.memory_space<vmem>>
      %dma_start3A_821 = arith.constant 0 : i32
      %dma_start3A_822 = arith.constant 0 : i32
      %dma_start3A_823 = tpu.memref_slice %arg5[%arg0, %dma_start3A_821, %dma_start3A_822] : memref<2x50176x32xf32, #tpu.memory_space<hbm>> -> memref<1x50176x32xf32, #tpu.memory_space<hbm>>
      %dma_start3A_824 = tpu.memref_squeeze %dma_start3A_823 : memref<1x50176x32xf32, #tpu.memory_space<hbm>> -> memref<50176x32xf32, #tpu.memory_space<hbm>>
      %dma_start3A_825 = arith.constant 0 : i32
      %dma_start3A_826 = arith.constant 0 : i32
      %dma_start3A_827 = tpu.memref_slice %dma_start3A_824[%dma_start3A_825, %dma_start3A_826] : memref<50176x32xf32, #tpu.memory_space<hbm>> -> memref<50176x32xf32, #tpu.memory_space<hbm>>
      tpu.enqueue_indirect_dma source(%dma_start3A_827 : memref<50176x32xf32, #tpu.memory_space<hbm>>) target(%dma_start3A_817 : memref<112x32xf32, #tpu.memory_space<vmem>>) offsets(%dma_start3A_820 : memref<112xi32, #tpu.memory_space<vmem>>) semaphore(%arg21 : memref<!tpu.dma_semaphore, #tpu.memory_space<semaphore_mem>>)
      %dma_wait3A_828 = arith.constant 0 : i32
      %dma_wait3A_829 = arith.constant 3 : i32
      %dma_wait3A_830 = arith.constant 0 : i32
      %dma_wait3A_831 = tpu.memref_slice %arg6[%dma_wait3A_829, %dma_wait3A_830] : memref<5x112xi32, #tpu.memory_space<vmem>> -> memref<1x112xi32, #tpu.memory_space<vmem>>
      %dma_wait3A_832 = tpu.memref_squeeze %dma_wait3A_831 : memref<1x112xi32, #tpu.memory_space<vmem>> -> memref<112xi32, #tpu.memory_space<vmem>>
      %dma_wait3A_833 = tpu.memref_slice %arg2[%dma_wait3A_828, %add3A_647] : memref<2x800000xi32, #tpu.memory_space<hbm>> -> memref<1x112xi32, #tpu.memory_space<hbm>>
      %dma_wait3A_834 = tpu.memref_squeeze %dma_wait3A_833 : memref<1x112xi32, #tpu.memory_space<hbm>> -> memref<112xi32, #tpu.memory_space<hbm>>
      %dma_wait3A_835 = arith.constant 0 : i32
      %dma_wait3A_836 = tpu.memref_slice %arg6[%dma_wait3A_829, %dma_wait3A_835] : memref<5x112xi32, #tpu.memory_space<vmem>> -> memref<1x112xi32, #tpu.memory_space<vmem>>
      %dma_wait3A_837 = tpu.memref_squeeze %dma_wait3A_836 : memref<1x112xi32, #tpu.memory_space<vmem>> -> memref<112xi32, #tpu.memory_space<vmem>>
      %dma_wait3A_838 = tpu.memref_slice %arg2[%dma_wait3A_828, %add3A_647] : memref<2x800000xi32, #tpu.memory_space<hbm>> -> memref<1x112xi32, #tpu.memory_space<hbm>>
      %dma_wait3A_839 = tpu.memref_squeeze %dma_wait3A_838 : memref<1x112xi32, #tpu.memory_space<hbm>> -> memref<112xi32, #tpu.memory_space<hbm>>
      tpu.wait_dma2 semaphore(%arg19 : memref<!tpu.dma_semaphore, #tpu.memory_space<semaphore_mem>>) src(%dma_wait3A_839 : memref<112xi32, #tpu.memory_space<hbm>>) dst(%dma_wait3A_837 : memref<112xi32, #tpu.memory_space<vmem>>)
      %dma_start3A_840 = arith.constant 3 : i32
      %dma_start3A_841 = arith.constant 3 : i32
      %dma_start3A_842 = arith.constant 0 : i32
      %dma_start3A_843 = arith.constant 0 : i32
      %dma_start3A_844 = tpu.memref_slice %arg8[%dma_start3A_841, %dma_start3A_842, %dma_start3A_843] : memref<5x112x32xf32, #tpu.memory_space<vmem>> -> memref<1x112x32xf32, #tpu.memory_space<vmem>>
      %dma_start3A_845 = tpu.memref_squeeze %dma_start3A_844 : memref<1x112x32xf32, #tpu.memory_space<vmem>> -> memref<112x32xf32, #tpu.memory_space<vmem>>
      %dma_start3A_846 = arith.constant 0 : i32
      %dma_start3A_847 = tpu.memref_slice %arg6[%dma_start3A_840, %dma_start3A_846] : memref<5x112xi32, #tpu.memory_space<vmem>> -> memref<1x112xi32, #tpu.memory_space<vmem>>
      %dma_start3A_848 = tpu.memref_squeeze %dma_start3A_847 : memref<1x112xi32, #tpu.memory_space<vmem>> -> memref<112xi32, #tpu.memory_space<vmem>>
      %dma_start3A_849 = arith.constant 0 : i32
      %dma_start3A_850 = arith.constant 0 : i32
      %dma_start3A_851 = tpu.memref_slice %arg5[%arg0, %dma_start3A_849, %dma_start3A_850] : memref<2x50176x32xf32, #tpu.memory_space<hbm>> -> memref<1x50176x32xf32, #tpu.memory_space<hbm>>
      %dma_start3A_852 = tpu.memref_squeeze %dma_start3A_851 : memref<1x50176x32xf32, #tpu.memory_space<hbm>> -> memref<50176x32xf32, #tpu.memory_space<hbm>>
      %dma_start3A_853 = arith.constant 0 : i32
      %dma_start3A_854 = arith.constant 0 : i32
      %dma_start3A_855 = tpu.memref_slice %dma_start3A_852[%dma_start3A_853, %dma_start3A_854] : memref<50176x32xf32, #tpu.memory_space<hbm>> -> memref<50176x32xf32, #tpu.memory_space<hbm>>
      tpu.enqueue_indirect_dma source(%dma_start3A_855 : memref<50176x32xf32, #tpu.memory_space<hbm>>) target(%dma_start3A_845 : memref<112x32xf32, #tpu.memory_space<vmem>>) offsets(%dma_start3A_848 : memref<112xi32, #tpu.memory_space<vmem>>) semaphore(%arg21 : memref<!tpu.dma_semaphore, #tpu.memory_space<semaphore_mem>>)
      %dma_wait3A_856 = arith.constant 0 : i32
      %dma_wait3A_857 = arith.constant 4 : i32
      %dma_wait3A_858 = arith.constant 0 : i32
      %dma_wait3A_859 = tpu.memref_slice %arg6[%dma_wait3A_857, %dma_wait3A_858] : memref<5x112xi32, #tpu.memory_space<vmem>> -> memref<1x112xi32, #tpu.memory_space<vmem>>
      %dma_wait3A_860 = tpu.memref_squeeze %dma_wait3A_859 : memref<1x112xi32, #tpu.memory_space<vmem>> -> memref<112xi32, #tpu.memory_space<vmem>>
      %dma_wait3A_861 = tpu.memref_slice %arg2[%dma_wait3A_856, %add3A_661] : memref<2x800000xi32, #tpu.memory_space<hbm>> -> memref<1x112xi32, #tpu.memory_space<hbm>>
      %dma_wait3A_862 = tpu.memref_squeeze %dma_wait3A_861 : memref<1x112xi32, #tpu.memory_space<hbm>> -> memref<112xi32, #tpu.memory_space<hbm>>
      %dma_wait3A_863 = arith.constant 0 : i32
      %dma_wait3A_864 = tpu.memref_slice %arg6[%dma_wait3A_857, %dma_wait3A_863] : memref<5x112xi32, #tpu.memory_space<vmem>> -> memref<1x112xi32, #tpu.memory_space<vmem>>
      %dma_wait3A_865 = tpu.memref_squeeze %dma_wait3A_864 : memref<1x112xi32, #tpu.memory_space<vmem>> -> memref<112xi32, #tpu.memory_space<vmem>>
      %dma_wait3A_866 = tpu.memref_slice %arg2[%dma_wait3A_856, %add3A_661] : memref<2x800000xi32, #tpu.memory_space<hbm>> -> memref<1x112xi32, #tpu.memory_space<hbm>>
      %dma_wait3A_867 = tpu.memref_squeeze %dma_wait3A_866 : memref<1x112xi32, #tpu.memory_space<hbm>> -> memref<112xi32, #tpu.memory_space<hbm>>
      tpu.wait_dma2 semaphore(%arg19 : memref<!tpu.dma_semaphore, #tpu.memory_space<semaphore_mem>>) src(%dma_wait3A_867 : memref<112xi32, #tpu.memory_space<hbm>>) dst(%dma_wait3A_865 : memref<112xi32, #tpu.memory_space<vmem>>)
      %dma_start3A_868 = arith.constant 4 : i32
      %dma_start3A_869 = arith.constant 4 : i32
      %dma_start3A_870 = arith.constant 0 : i32
      %dma_start3A_871 = arith.constant 0 : i32
      %dma_start3A_872 = tpu.memref_slice %arg8[%dma_start3A_869, %dma_start3A_870, %dma_start3A_871] : memref<5x112x32xf32, #tpu.memory_space<vmem>> -> memref<1x112x32xf32, #tpu.memory_space<vmem>>
      %dma_start3A_873 = tpu.memref_squeeze %dma_start3A_872 : memref<1x112x32xf32, #tpu.memory_space<vmem>> -> memref<112x32xf32, #tpu.memory_space<vmem>>
      %dma_start3A_874 = arith.constant 0 : i32
      %dma_start3A_875 = tpu.memref_slice %arg6[%dma_start3A_868, %dma_start3A_874] : memref<5x112xi32, #tpu.memory_space<vmem>> -> memref<1x112xi32, #tpu.memory_space<vmem>>
      %dma_start3A_876 = tpu.memref_squeeze %dma_start3A_875 : memref<1x112xi32, #tpu.memory_space<vmem>> -> memref<112xi32, #tpu.memory_space<vmem>>
      %dma_start3A_877 = arith.constant 0 : i32
      %dma_start3A_878 = arith.constant 0 : i32
      %dma_start3A_879 = tpu.memref_slice %arg5[%arg0, %dma_start3A_877, %dma_start3A_878] : memref<2x50176x32xf32, #tpu.memory_space<hbm>> -> memref<1x50176x32xf32, #tpu.memory_space<hbm>>
      %dma_start3A_880 = tpu.memref_squeeze %dma_start3A_879 : memref<1x50176x32xf32, #tpu.memory_space<hbm>> -> memref<50176x32xf32, #tpu.memory_space<hbm>>
      %dma_start3A_881 = arith.constant 0 : i32
      %dma_start3A_882 = arith.constant 0 : i32
      %dma_start3A_883 = tpu.memref_slice %dma_start3A_880[%dma_start3A_881, %dma_start3A_882] : memref<50176x32xf32, #tpu.memory_space<hbm>> -> memref<50176x32xf32, #tpu.memory_space<hbm>>
      tpu.enqueue_indirect_dma source(%dma_start3A_883 : memref<50176x32xf32, #tpu.memory_space<hbm>>) target(%dma_start3A_873 : memref<112x32xf32, #tpu.memory_space<vmem>>) offsets(%dma_start3A_876 : memref<112xi32, #tpu.memory_space<vmem>>) semaphore(%arg21 : memref<!tpu.dma_semaphore, #tpu.memory_space<semaphore_mem>>)
      %dma_wait3A_884 = arith.constant 0 : i32
      %dma_wait3A_885 = arith.constant 0 : i32
      %dma_wait3A_886 = arith.constant 0 : i32
      %dma_wait3A_887 = arith.constant 0 : i32
      %dma_wait3A_888 = tpu.memref_slice %arg8[%dma_wait3A_885, %dma_wait3A_886, %dma_wait3A_887] : memref<5x112x32xf32, #tpu.memory_space<vmem>> -> memref<1x112x32xf32, #tpu.memory_space<vmem>>
      %dma_wait3A_889 = tpu.memref_squeeze %dma_wait3A_888 : memref<1x112x32xf32, #tpu.memory_space<vmem>> -> memref<112x32xf32, #tpu.memory_space<vmem>>
      %dma_wait3A_890 = arith.constant 0 : i32
      %dma_wait3A_891 = tpu.memref_slice %arg6[%dma_wait3A_884, %dma_wait3A_890] : memref<5x112xi32, #tpu.memory_space<vmem>> -> memref<1x112xi32, #tpu.memory_space<vmem>>
      %dma_wait3A_892 = tpu.memref_squeeze %dma_wait3A_891 : memref<1x112xi32, #tpu.memory_space<vmem>> -> memref<112xi32, #tpu.memory_space<vmem>>
      %dma_wait3A_893 = arith.constant 0 : i32
      %dma_wait3A_894 = arith.constant 0 : i32
      %dma_wait3A_895 = tpu.memref_slice %arg5[%arg0, %dma_wait3A_893, %dma_wait3A_894] : memref<2x50176x32xf32, #tpu.memory_space<hbm>> -> memref<1x50176x32xf32, #tpu.memory_space<hbm>>
      %dma_wait3A_896 = tpu.memref_squeeze %dma_wait3A_895 : memref<1x50176x32xf32, #tpu.memory_space<hbm>> -> memref<50176x32xf32, #tpu.memory_space<hbm>>
      %dma_wait3A_897 = arith.constant 0 : i32
      %dma_wait3A_898 = arith.constant 0 : i32
      %dma_wait3A_899 = tpu.memref_slice %dma_wait3A_896[%dma_wait3A_897, %dma_wait3A_898] : memref<50176x32xf32, #tpu.memory_space<hbm>> -> memref<50176x32xf32, #tpu.memory_space<hbm>>
      tpu.wait_indirect_dma semaphore(%arg21 : memref<!tpu.dma_semaphore, #tpu.memory_space<semaphore_mem>>) src(%dma_wait3A_899 : memref<50176x32xf32, #tpu.memory_space<hbm>>) dst(%dma_wait3A_889 : memref<112x32xf32, #tpu.memory_space<vmem>>)
      %dma_wait3A_900 = arith.constant 1 : i32
      %dma_wait3A_901 = arith.constant 0 : i32
      %dma_wait3A_902 = arith.constant 0 : i32
      %dma_wait3A_903 = tpu.memref_slice %arg7[%dma_wait3A_901, %dma_wait3A_902] : memref<5x112xi32, #tpu.memory_space<vmem>> -> memref<1x112xi32, #tpu.memory_space<vmem>>
      %dma_wait3A_904 = tpu.memref_squeeze %dma_wait3A_903 : memref<1x112xi32, #tpu.memory_space<vmem>> -> memref<112xi32, #tpu.memory_space<vmem>>
      %dma_wait3A_905 = tpu.memref_slice %arg2[%dma_wait3A_900, %add3A_675] : memref<2x800000xi32, #tpu.memory_space<hbm>> -> memref<1x112xi32, #tpu.memory_space<hbm>>
      %dma_wait3A_906 = tpu.memref_squeeze %dma_wait3A_905 : memref<1x112xi32, #tpu.memory_space<hbm>> -> memref<112xi32, #tpu.memory_space<hbm>>
      %dma_wait3A_907 = arith.constant 0 : i32
      %dma_wait3A_908 = tpu.memref_slice %arg7[%dma_wait3A_901, %dma_wait3A_907] : memref<5x112xi32, #tpu.memory_space<vmem>> -> memref<1x112xi32, #tpu.memory_space<vmem>>
      %dma_wait3A_909 = tpu.memref_squeeze %dma_wait3A_908 : memref<1x112xi32, #tpu.memory_space<vmem>> -> memref<112xi32, #tpu.memory_space<vmem>>
      %dma_wait3A_910 = tpu.memref_slice %arg2[%dma_wait3A_900, %add3A_675] : memref<2x800000xi32, #tpu.memory_space<hbm>> -> memref<1x112xi32, #tpu.memory_space<hbm>>
      %dma_wait3A_911 = tpu.memref_squeeze %dma_wait3A_910 : memref<1x112xi32, #tpu.memory_space<hbm>> -> memref<112xi32, #tpu.memory_space<hbm>>
      tpu.wait_dma2 semaphore(%arg20 : memref<!tpu.dma_semaphore, #tpu.memory_space<semaphore_mem>>) src(%dma_wait3A_911 : memref<112xi32, #tpu.memory_space<hbm>>) dst(%dma_wait3A_909 : memref<112xi32, #tpu.memory_space<vmem>>)
      %dma_start3A_912 = arith.constant 0 : i32
      %dma_start3A_913 = arith.constant 0 : i32
      %dma_start3A_914 = arith.constant 0 : i32
      %dma_start3A_915 = arith.constant 0 : i32
      %dma_start3A_916 = tpu.memref_slice %arg8[%dma_start3A_912, %dma_start3A_914, %dma_start3A_915] : memref<5x112x32xf32, #tpu.memory_space<vmem>> -> memref<1x112x32xf32, #tpu.memory_space<vmem>>
      %dma_start3A_917 = tpu.memref_squeeze %dma_start3A_916 : memref<1x112x32xf32, #tpu.memory_space<vmem>> -> memref<112x32xf32, #tpu.memory_space<vmem>>
      %dma_start3A_918 = arith.constant 0 : i32
      %dma_start3A_919 = tpu.memref_slice %arg7[%dma_start3A_913, %dma_start3A_918] : memref<5x112xi32, #tpu.memory_space<vmem>> -> memref<1x112xi32, #tpu.memory_space<vmem>>
      %dma_start3A_920 = tpu.memref_squeeze %dma_start3A_919 : memref<1x112xi32, #tpu.memory_space<vmem>> -> memref<112xi32, #tpu.memory_space<vmem>>
      %dma_start3A_921 = arith.constant 0 : i32
      %dma_start3A_922 = arith.constant 0 : i32
      %dma_start3A_923 = tpu.memref_slice %arg17[%dma_start3A_921, %dma_start3A_922] : memref<50176x32xf32, #tpu.memory_space<vmem_shared>> -> memref<50176x32xf32, #tpu.memory_space<vmem_shared>>
      tpu.enqueue_indirect_dma source(%dma_start3A_917 : memref<112x32xf32, #tpu.memory_space<vmem>>) target(%dma_start3A_923 : memref<50176x32xf32, #tpu.memory_space<vmem_shared>>) offsets(%dma_start3A_920 : memref<112xi32, #tpu.memory_space<vmem>>) semaphore(%arg22 : memref<!tpu.dma_semaphore, #tpu.memory_space<semaphore_mem>>) {add = true}
      %dma_wait3A_924 = arith.constant 1 : i32
      %dma_wait3A_925 = arith.constant 1 : i32
      %dma_wait3A_926 = arith.constant 0 : i32
      %dma_wait3A_927 = arith.constant 0 : i32
      %dma_wait3A_928 = tpu.memref_slice %arg8[%dma_wait3A_925, %dma_wait3A_926, %dma_wait3A_927] : memref<5x112x32xf32, #tpu.memory_space<vmem>> -> memref<1x112x32xf32, #tpu.memory_space<vmem>>
      %dma_wait3A_929 = tpu.memref_squeeze %dma_wait3A_928 : memref<1x112x32xf32, #tpu.memory_space<vmem>> -> memref<112x32xf32, #tpu.memory_space<vmem>>
      %dma_wait3A_930 = arith.constant 0 : i32
      %dma_wait3A_931 = tpu.memref_slice %arg6[%dma_wait3A_924, %dma_wait3A_930] : memref<5x112xi32, #tpu.memory_space<vmem>> -> memref<1x112xi32, #tpu.memory_space<vmem>>
      %dma_wait3A_932 = tpu.memref_squeeze %dma_wait3A_931 : memref<1x112xi32, #tpu.memory_space<vmem>> -> memref<112xi32, #tpu.memory_space<vmem>>
      %dma_wait3A_933 = arith.constant 0 : i32
      %dma_wait3A_934 = arith.constant 0 : i32
      %dma_wait3A_935 = tpu.memref_slice %arg5[%arg0, %dma_wait3A_933, %dma_wait3A_934] : memref<2x50176x32xf32, #tpu.memory_space<hbm>> -> memref<1x50176x32xf32, #tpu.memory_space<hbm>>
      %dma_wait3A_936 = tpu.memref_squeeze %dma_wait3A_935 : memref<1x50176x32xf32, #tpu.memory_space<hbm>> -> memref<50176x32xf32, #tpu.memory_space<hbm>>
      %dma_wait3A_937 = arith.constant 0 : i32
      %dma_wait3A_938 = arith.constant 0 : i32
      %dma_wait3A_939 = tpu.memref_slice %dma_wait3A_936[%dma_wait3A_937, %dma_wait3A_938] : memref<50176x32xf32, #tpu.memory_space<hbm>> -> memref<50176x32xf32, #tpu.memory_space<hbm>>
      tpu.wait_indirect_dma semaphore(%arg21 : memref<!tpu.dma_semaphore, #tpu.memory_space<semaphore_mem>>) src(%dma_wait3A_939 : memref<50176x32xf32, #tpu.memory_space<hbm>>) dst(%dma_wait3A_929 : memref<112x32xf32, #tpu.memory_space<vmem>>)
      %dma_wait3A_940 = arith.constant 1 : i32
      %dma_wait3A_941 = arith.constant 1 : i32
      %dma_wait3A_942 = arith.constant 0 : i32
      %dma_wait3A_943 = tpu.memref_slice %arg7[%dma_wait3A_941, %dma_wait3A_942] : memref<5x112xi32, #tpu.memory_space<vmem>> -> memref<1x112xi32, #tpu.memory_space<vmem>>
      %dma_wait3A_944 = tpu.memref_squeeze %dma_wait3A_943 : memref<1x112xi32, #tpu.memory_space<vmem>> -> memref<112xi32, #tpu.memory_space<vmem>>
      %dma_wait3A_945 = tpu.memref_slice %arg2[%dma_wait3A_940, %add3A_689] : memref<2x800000xi32, #tpu.memory_space<hbm>> -> memref<1x112xi32, #tpu.memory_space<hbm>>
      %dma_wait3A_946 = tpu.memref_squeeze %dma_wait3A_945 : memref<1x112xi32, #tpu.memory_space<hbm>> -> memref<112xi32, #tpu.memory_space<hbm>>
      %dma_wait3A_947 = arith.constant 0 : i32
      %dma_wait3A_948 = tpu.memref_slice %arg7[%dma_wait3A_941, %dma_wait3A_947] : memref<5x112xi32, #tpu.memory_space<vmem>> -> memref<1x112xi32, #tpu.memory_space<vmem>>
      %dma_wait3A_949 = tpu.memref_squeeze %dma_wait3A_948 : memref<1x112xi32, #tpu.memory_space<vmem>> -> memref<112xi32, #tpu.memory_space<vmem>>
      %dma_wait3A_950 = tpu.memref_slice %arg2[%dma_wait3A_940, %add3A_689] : memref<2x800000xi32, #tpu.memory_space<hbm>> -> memref<1x112xi32, #tpu.memory_space<hbm>>
      %dma_wait3A_951 = tpu.memref_squeeze %dma_wait3A_950 : memref<1x112xi32, #tpu.memory_space<hbm>> -> memref<112xi32, #tpu.memory_space<hbm>>
      tpu.wait_dma2 semaphore(%arg20 : memref<!tpu.dma_semaphore, #tpu.memory_space<semaphore_mem>>) src(%dma_wait3A_951 : memref<112xi32, #tpu.memory_space<hbm>>) dst(%dma_wait3A_949 : memref<112xi32, #tpu.memory_space<vmem>>)
      %dma_start3A_952 = arith.constant 1 : i32
      %dma_start3A_953 = arith.constant 1 : i32
      %dma_start3A_954 = arith.constant 0 : i32
      %dma_start3A_955 = arith.constant 0 : i32
      %dma_start3A_956 = tpu.memref_slice %arg8[%dma_start3A_952, %dma_start3A_954, %dma_start3A_955] : memref<5x112x32xf32, #tpu.memory_space<vmem>> -> memref<1x112x32xf32, #tpu.memory_space<vmem>>
      %dma_start3A_957 = tpu.memref_squeeze %dma_start3A_956 : memref<1x112x32xf32, #tpu.memory_space<vmem>> -> memref<112x32xf32, #tpu.memory_space<vmem>>
      %dma_start3A_958 = arith.constant 0 : i32
      %dma_start3A_959 = tpu.memref_slice %arg7[%dma_start3A_953, %dma_start3A_958] : memref<5x112xi32, #tpu.memory_space<vmem>> -> memref<1x112xi32, #tpu.memory_space<vmem>>
      %dma_start3A_960 = tpu.memref_squeeze %dma_start3A_959 : memref<1x112xi32, #tpu.memory_space<vmem>> -> memref<112xi32, #tpu.memory_space<vmem>>
      %dma_start3A_961 = arith.constant 0 : i32
      %dma_start3A_962 = arith.constant 0 : i32
      %dma_start3A_963 = tpu.memref_slice %arg17[%dma_start3A_961, %dma_start3A_962] : memref<50176x32xf32, #tpu.memory_space<vmem_shared>> -> memref<50176x32xf32, #tpu.memory_space<vmem_shared>>
      tpu.enqueue_indirect_dma source(%dma_start3A_957 : memref<112x32xf32, #tpu.memory_space<vmem>>) target(%dma_start3A_963 : memref<50176x32xf32, #tpu.memory_space<vmem_shared>>) offsets(%dma_start3A_960 : memref<112xi32, #tpu.memory_space<vmem>>) semaphore(%arg22 : memref<!tpu.dma_semaphore, #tpu.memory_space<semaphore_mem>>) {add = true}
      %dma_wait3A_964 = arith.constant 2 : i32
      %dma_wait3A_965 = arith.constant 2 : i32
      %dma_wait3A_966 = arith.constant 0 : i32
      %dma_wait3A_967 = arith.constant 0 : i32
      %dma_wait3A_968 = tpu.memref_slice %arg8[%dma_wait3A_965, %dma_wait3A_966, %dma_wait3A_967] : memref<5x112x32xf32, #tpu.memory_space<vmem>> -> memref<1x112x32xf32, #tpu.memory_space<vmem>>
      %dma_wait3A_969 = tpu.memref_squeeze %dma_wait3A_968 : memref<1x112x32xf32, #tpu.memory_space<vmem>> -> memref<112x32xf32, #tpu.memory_space<vmem>>
      %dma_wait3A_970 = arith.constant 0 : i32
      %dma_wait3A_971 = tpu.memref_slice %arg6[%dma_wait3A_964, %dma_wait3A_970] : memref<5x112xi32, #tpu.memory_space<vmem>> -> memref<1x112xi32, #tpu.memory_space<vmem>>
      %dma_wait3A_972 = tpu.memref_squeeze %dma_wait3A_971 : memref<1x112xi32, #tpu.memory_space<vmem>> -> memref<112xi32, #tpu.memory_space<vmem>>
      %dma_wait3A_973 = arith.constant 0 : i32
      %dma_wait3A_974 = arith.constant 0 : i32
      %dma_wait3A_975 = tpu.memref_slice %arg5[%arg0, %dma_wait3A_973, %dma_wait3A_974] : memref<2x50176x32xf32, #tpu.memory_space<hbm>> -> memref<1x50176x32xf32, #tpu.memory_space<hbm>>
      %dma_wait3A_976 = tpu.memref_squeeze %dma_wait3A_975 : memref<1x50176x32xf32, #tpu.memory_space<hbm>> -> memref<50176x32xf32, #tpu.memory_space<hbm>>
      %dma_wait3A_977 = arith.constant 0 : i32
      %dma_wait3A_978 = arith.constant 0 : i32
      %dma_wait3A_979 = tpu.memref_slice %dma_wait3A_976[%dma_wait3A_977, %dma_wait3A_978] : memref<50176x32xf32, #tpu.memory_space<hbm>> -> memref<50176x32xf32, #tpu.memory_space<hbm>>
      tpu.wait_indirect_dma semaphore(%arg21 : memref<!tpu.dma_semaphore, #tpu.memory_space<semaphore_mem>>) src(%dma_wait3A_979 : memref<50176x32xf32, #tpu.memory_space<hbm>>) dst(%dma_wait3A_969 : memref<112x32xf32, #tpu.memory_space<vmem>>)
      %dma_wait3A_980 = arith.constant 1 : i32
      %dma_wait3A_981 = arith.constant 2 : i32
      %dma_wait3A_982 = arith.constant 0 : i32
      %dma_wait3A_983 = tpu.memref_slice %arg7[%dma_wait3A_981, %dma_wait3A_982] : memref<5x112xi32, #tpu.memory_space<vmem>> -> memref<1x112xi32, #tpu.memory_space<vmem>>
      %dma_wait3A_984 = tpu.memref_squeeze %dma_wait3A_983 : memref<1x112xi32, #tpu.memory_space<vmem>> -> memref<112xi32, #tpu.memory_space<vmem>>
      %dma_wait3A_985 = tpu.memref_slice %arg2[%dma_wait3A_980, %add3A_703] : memref<2x800000xi32, #tpu.memory_space<hbm>> -> memref<1x112xi32, #tpu.memory_space<hbm>>
      %dma_wait3A_986 = tpu.memref_squeeze %dma_wait3A_985 : memref<1x112xi32, #tpu.memory_space<hbm>> -> memref<112xi32, #tpu.memory_space<hbm>>
      %dma_wait3A_987 = arith.constant 0 : i32
      %dma_wait3A_988 = tpu.memref_slice %arg7[%dma_wait3A_981, %dma_wait3A_987] : memref<5x112xi32, #tpu.memory_space<vmem>> -> memref<1x112xi32, #tpu.memory_space<vmem>>
      %dma_wait3A_989 = tpu.memref_squeeze %dma_wait3A_988 : memref<1x112xi32, #tpu.memory_space<vmem>> -> memref<112xi32, #tpu.memory_space<vmem>>
      %dma_wait3A_990 = tpu.memref_slice %arg2[%dma_wait3A_980, %add3A_703] : memref<2x800000xi32, #tpu.memory_space<hbm>> -> memref<1x112xi32, #tpu.memory_space<hbm>>
      %dma_wait3A_991 = tpu.memref_squeeze %dma_wait3A_990 : memref<1x112xi32, #tpu.memory_space<hbm>> -> memref<112xi32, #tpu.memory_space<hbm>>
      tpu.wait_dma2 semaphore(%arg20 : memref<!tpu.dma_semaphore, #tpu.memory_space<semaphore_mem>>) src(%dma_wait3A_991 : memref<112xi32, #tpu.memory_space<hbm>>) dst(%dma_wait3A_989 : memref<112xi32, #tpu.memory_space<vmem>>)
      %dma_start3A_992 = arith.constant 2 : i32
      %dma_start3A_993 = arith.constant 2 : i32
      %dma_start3A_994 = arith.constant 0 : i32
      %dma_start3A_995 = arith.constant 0 : i32
      %dma_start3A_996 = tpu.memref_slice %arg8[%dma_start3A_992, %dma_start3A_994, %dma_start3A_995] : memref<5x112x32xf32, #tpu.memory_space<vmem>> -> memref<1x112x32xf32, #tpu.memory_space<vmem>>
      %dma_start3A_997 = tpu.memref_squeeze %dma_start3A_996 : memref<1x112x32xf32, #tpu.memory_space<vmem>> -> memref<112x32xf32, #tpu.memory_space<vmem>>
      %dma_start3A_998 = arith.constant 0 : i32
      %dma_start3A_999 = tpu.memref_slice %arg7[%dma_start3A_993, %dma_start3A_998] : memref<5x112xi32, #tpu.memory_space<vmem>> -> memref<1x112xi32, #tpu.memory_space<vmem>>
      %dma_start3A_1000 = tpu.memref_squeeze %dma_start3A_999 : memref<1x112xi32, #tpu.memory_space<vmem>> -> memref<112xi32, #tpu.memory_space<vmem>>
      %dma_start3A_1001 = arith.constant 0 : i32
      %dma_start3A_1002 = arith.constant 0 : i32
      %dma_start3A_1003 = tpu.memref_slice %arg17[%dma_start3A_1001, %dma_start3A_1002] : memref<50176x32xf32, #tpu.memory_space<vmem_shared>> -> memref<50176x32xf32, #tpu.memory_space<vmem_shared>>
      tpu.enqueue_indirect_dma source(%dma_start3A_997 : memref<112x32xf32, #tpu.memory_space<vmem>>) target(%dma_start3A_1003 : memref<50176x32xf32, #tpu.memory_space<vmem_shared>>) offsets(%dma_start3A_1000 : memref<112xi32, #tpu.memory_space<vmem>>) semaphore(%arg22 : memref<!tpu.dma_semaphore, #tpu.memory_space<semaphore_mem>>) {add = true}
      %dma_wait3A_1004 = arith.constant 3 : i32
      %dma_wait3A_1005 = arith.constant 3 : i32
      %dma_wait3A_1006 = arith.constant 0 : i32
      %dma_wait3A_1007 = arith.constant 0 : i32
      %dma_wait3A_1008 = tpu.memref_slice %arg8[%dma_wait3A_1005, %dma_wait3A_1006, %dma_wait3A_1007] : memref<5x112x32xf32, #tpu.memory_space<vmem>> -> memref<1x112x32xf32, #tpu.memory_space<vmem>>
      %dma_wait3A_1009 = tpu.memref_squeeze %dma_wait3A_1008 : memref<1x112x32xf32, #tpu.memory_space<vmem>> -> memref<112x32xf32, #tpu.memory_space<vmem>>
      %dma_wait3A_1010 = arith.constant 0 : i32
      %dma_wait3A_1011 = tpu.memref_slice %arg6[%dma_wait3A_1004, %dma_wait3A_1010] : memref<5x112xi32, #tpu.memory_space<vmem>> -> memref<1x112xi32, #tpu.memory_space<vmem>>
      %dma_wait3A_1012 = tpu.memref_squeeze %dma_wait3A_1011 : memref<1x112xi32, #tpu.memory_space<vmem>> -> memref<112xi32, #tpu.memory_space<vmem>>
      %dma_wait3A_1013 = arith.constant 0 : i32
      %dma_wait3A_1014 = arith.constant 0 : i32
      %dma_wait3A_1015 = tpu.memref_slice %arg5[%arg0, %dma_wait3A_1013, %dma_wait3A_1014] : memref<2x50176x32xf32, #tpu.memory_space<hbm>> -> memref<1x50176x32xf32, #tpu.memory_space<hbm>>
      %dma_wait3A_1016 = tpu.memref_squeeze %dma_wait3A_1015 : memref<1x50176x32xf32, #tpu.memory_space<hbm>> -> memref<50176x32xf32, #tpu.memory_space<hbm>>
      %dma_wait3A_1017 = arith.constant 0 : i32
      %dma_wait3A_1018 = arith.constant 0 : i32
      %dma_wait3A_1019 = tpu.memref_slice %dma_wait3A_1016[%dma_wait3A_1017, %dma_wait3A_1018] : memref<50176x32xf32, #tpu.memory_space<hbm>> -> memref<50176x32xf32, #tpu.memory_space<hbm>>
      tpu.wait_indirect_dma semaphore(%arg21 : memref<!tpu.dma_semaphore, #tpu.memory_space<semaphore_mem>>) src(%dma_wait3A_1019 : memref<50176x32xf32, #tpu.memory_space<hbm>>) dst(%dma_wait3A_1009 : memref<112x32xf32, #tpu.memory_space<vmem>>)
      %dma_wait3A_1020 = arith.constant 1 : i32
      %dma_wait3A_1021 = arith.constant 3 : i32
      %dma_wait3A_1022 = arith.constant 0 : i32
      %dma_wait3A_1023 = tpu.memref_slice %arg7[%dma_wait3A_1021, %dma_wait3A_1022] : memref<5x112xi32, #tpu.memory_space<vmem>> -> memref<1x112xi32, #tpu.memory_space<vmem>>
      %dma_wait3A_1024 = tpu.memref_squeeze %dma_wait3A_1023 : memref<1x112xi32, #tpu.memory_space<vmem>> -> memref<112xi32, #tpu.memory_space<vmem>>
      %dma_wait3A_1025 = tpu.memref_slice %arg2[%dma_wait3A_1020, %add3A_717] : memref<2x800000xi32, #tpu.memory_space<hbm>> -> memref<1x112xi32, #tpu.memory_space<hbm>>
      %dma_wait3A_1026 = tpu.memref_squeeze %dma_wait3A_1025 : memref<1x112xi32, #tpu.memory_space<hbm>> -> memref<112xi32, #tpu.memory_space<hbm>>
      %dma_wait3A_1027 = arith.constant 0 : i32
      %dma_wait3A_1028 = tpu.memref_slice %arg7[%dma_wait3A_1021, %dma_wait3A_1027] : memref<5x112xi32, #tpu.memory_space<vmem>> -> memref<1x112xi32, #tpu.memory_space<vmem>>
      %dma_wait3A_1029 = tpu.memref_squeeze %dma_wait3A_1028 : memref<1x112xi32, #tpu.memory_space<vmem>> -> memref<112xi32, #tpu.memory_space<vmem>>
      %dma_wait3A_1030 = tpu.memref_slice %arg2[%dma_wait3A_1020, %add3A_717] : memref<2x800000xi32, #tpu.memory_space<hbm>> -> memref<1x112xi32, #tpu.memory_space<hbm>>
      %dma_wait3A_1031 = tpu.memref_squeeze %dma_wait3A_1030 : memref<1x112xi32, #tpu.memory_space<hbm>> -> memref<112xi32, #tpu.memory_space<hbm>>
      tpu.wait_dma2 semaphore(%arg20 : memref<!tpu.dma_semaphore, #tpu.memory_space<semaphore_mem>>) src(%dma_wait3A_1031 : memref<112xi32, #tpu.memory_space<hbm>>) dst(%dma_wait3A_1029 : memref<112xi32, #tpu.memory_space<vmem>>)
      %dma_start3A_1032 = arith.constant 3 : i32
      %dma_start3A_1033 = arith.constant 3 : i32
      %dma_start3A_1034 = arith.constant 0 : i32
      %dma_start3A_1035 = arith.constant 0 : i32
      %dma_start3A_1036 = tpu.memref_slice %arg8[%dma_start3A_1032, %dma_start3A_1034, %dma_start3A_1035] : memref<5x112x32xf32, #tpu.memory_space<vmem>> -> memref<1x112x32xf32, #tpu.memory_space<vmem>>
      %dma_start3A_1037 = tpu.memref_squeeze %dma_start3A_1036 : memref<1x112x32xf32, #tpu.memory_space<vmem>> -> memref<112x32xf32, #tpu.memory_space<vmem>>
      %dma_start3A_1038 = arith.constant 0 : i32
      %dma_start3A_1039 = tpu.memref_slice %arg7[%dma_start3A_1033, %dma_start3A_1038] : memref<5x112xi32, #tpu.memory_space<vmem>> -> memref<1x112xi32, #tpu.memory_space<vmem>>
      %dma_start3A_1040 = tpu.memref_squeeze %dma_start3A_1039 : memref<1x112xi32, #tpu.memory_space<vmem>> -> memref<112xi32, #tpu.memory_space<vmem>>
      %dma_start3A_1041 = arith.constant 0 : i32
      %dma_start3A_1042 = arith.constant 0 : i32
      %dma_start3A_1043 = tpu.memref_slice %arg17[%dma_start3A_1041, %dma_start3A_1042] : memref<50176x32xf32, #tpu.memory_space<vmem_shared>> -> memref<50176x32xf32, #tpu.memory_space<vmem_shared>>
      tpu.enqueue_indirect_dma source(%dma_start3A_1037 : memref<112x32xf32, #tpu.memory_space<vmem>>) target(%dma_start3A_1043 : memref<50176x32xf32, #tpu.memory_space<vmem_shared>>) offsets(%dma_start3A_1040 : memref<112xi32, #tpu.memory_space<vmem>>) semaphore(%arg22 : memref<!tpu.dma_semaphore, #tpu.memory_space<semaphore_mem>>) {add = true}
      %dma_wait3A_1044 = arith.constant 4 : i32
      %dma_wait3A_1045 = arith.constant 4 : i32
      %dma_wait3A_1046 = arith.constant 0 : i32
      %dma_wait3A_1047 = arith.constant 0 : i32
      %dma_wait3A_1048 = tpu.memref_slice %arg8[%dma_wait3A_1045, %dma_wait3A_1046, %dma_wait3A_1047] : memref<5x112x32xf32, #tpu.memory_space<vmem>> -> memref<1x112x32xf32, #tpu.memory_space<vmem>>
      %dma_wait3A_1049 = tpu.memref_squeeze %dma_wait3A_1048 : memref<1x112x32xf32, #tpu.memory_space<vmem>> -> memref<112x32xf32, #tpu.memory_space<vmem>>
      %dma_wait3A_1050 = arith.constant 0 : i32
      %dma_wait3A_1051 = tpu.memref_slice %arg6[%dma_wait3A_1044, %dma_wait3A_1050] : memref<5x112xi32, #tpu.memory_space<vmem>> -> memref<1x112xi32, #tpu.memory_space<vmem>>
      %dma_wait3A_1052 = tpu.memref_squeeze %dma_wait3A_1051 : memref<1x112xi32, #tpu.memory_space<vmem>> -> memref<112xi32, #tpu.memory_space<vmem>>
      %dma_wait3A_1053 = arith.constant 0 : i32
      %dma_wait3A_1054 = arith.constant 0 : i32
      %dma_wait3A_1055 = tpu.memref_slice %arg5[%arg0, %dma_wait3A_1053, %dma_wait3A_1054] : memref<2x50176x32xf32, #tpu.memory_space<hbm>> -> memref<1x50176x32xf32, #tpu.memory_space<hbm>>
      %dma_wait3A_1056 = tpu.memref_squeeze %dma_wait3A_1055 : memref<1x50176x32xf32, #tpu.memory_space<hbm>> -> memref<50176x32xf32, #tpu.memory_space<hbm>>
      %dma_wait3A_1057 = arith.constant 0 : i32
      %dma_wait3A_1058 = arith.constant 0 : i32
      %dma_wait3A_1059 = tpu.memref_slice %dma_wait3A_1056[%dma_wait3A_1057, %dma_wait3A_1058] : memref<50176x32xf32, #tpu.memory_space<hbm>> -> memref<50176x32xf32, #tpu.memory_space<hbm>>
      tpu.wait_indirect_dma semaphore(%arg21 : memref<!tpu.dma_semaphore, #tpu.memory_space<semaphore_mem>>) src(%dma_wait3A_1059 : memref<50176x32xf32, #tpu.memory_space<hbm>>) dst(%dma_wait3A_1049 : memref<112x32xf32, #tpu.memory_space<vmem>>)
      %dma_wait3A_1060 = arith.constant 1 : i32
      %dma_wait3A_1061 = arith.constant 4 : i32
      %dma_wait3A_1062 = arith.constant 0 : i32
      %dma_wait3A_1063 = tpu.memref_slice %arg7[%dma_wait3A_1061, %dma_wait3A_1062] : memref<5x112xi32, #tpu.memory_space<vmem>> -> memref<1x112xi32, #tpu.memory_space<vmem>>
      %dma_wait3A_1064 = tpu.memref_squeeze %dma_wait3A_1063 : memref<1x112xi32, #tpu.memory_space<vmem>> -> memref<112xi32, #tpu.memory_space<vmem>>
      %dma_wait3A_1065 = tpu.memref_slice %arg2[%dma_wait3A_1060, %add3A_731] : memref<2x800000xi32, #tpu.memory_space<hbm>> -> memref<1x112xi32, #tpu.memory_space<hbm>>
      %dma_wait3A_1066 = tpu.memref_squeeze %dma_wait3A_1065 : memref<1x112xi32, #tpu.memory_space<hbm>> -> memref<112xi32, #tpu.memory_space<hbm>>
      %dma_wait3A_1067 = arith.constant 0 : i32
      %dma_wait3A_1068 = tpu.memref_slice %arg7[%dma_wait3A_1061, %dma_wait3A_1067] : memref<5x112xi32, #tpu.memory_space<vmem>> -> memref<1x112xi32, #tpu.memory_space<vmem>>
      %dma_wait3A_1069 = tpu.memref_squeeze %dma_wait3A_1068 : memref<1x112xi32, #tpu.memory_space<vmem>> -> memref<112xi32, #tpu.memory_space<vmem>>
      %dma_wait3A_1070 = tpu.memref_slice %arg2[%dma_wait3A_1060, %add3A_731] : memref<2x800000xi32, #tpu.memory_space<hbm>> -> memref<1x112xi32, #tpu.memory_space<hbm>>
      %dma_wait3A_1071 = tpu.memref_squeeze %dma_wait3A_1070 : memref<1x112xi32, #tpu.memory_space<hbm>> -> memref<112xi32, #tpu.memory_space<hbm>>
      tpu.wait_dma2 semaphore(%arg20 : memref<!tpu.dma_semaphore, #tpu.memory_space<semaphore_mem>>) src(%dma_wait3A_1071 : memref<112xi32, #tpu.memory_space<hbm>>) dst(%dma_wait3A_1069 : memref<112xi32, #tpu.memory_space<vmem>>)
      %dma_start3A_1072 = arith.constant 4 : i32
      %dma_start3A_1073 = arith.constant 4 : i32
      %dma_start3A_1074 = arith.constant 0 : i32
      %dma_start3A_1075 = arith.constant 0 : i32
      %dma_start3A_1076 = tpu.memref_slice %arg8[%dma_start3A_1072, %dma_start3A_1074, %dma_start3A_1075] : memref<5x112x32xf32, #tpu.memory_space<vmem>> -> memref<1x112x32xf32, #tpu.memory_space<vmem>>
      %dma_start3A_1077 = tpu.memref_squeeze %dma_start3A_1076 : memref<1x112x32xf32, #tpu.memory_space<vmem>> -> memref<112x32xf32, #tpu.memory_space<vmem>>
      %dma_start3A_1078 = arith.constant 0 : i32
      %dma_start3A_1079 = tpu.memref_slice %arg7[%dma_start3A_1073, %dma_start3A_1078] : memref<5x112xi32, #tpu.memory_space<vmem>> -> memref<1x112xi32, #tpu.memory_space<vmem>>
      %dma_start3A_1080 = tpu.memref_squeeze %dma_start3A_1079 : memref<1x112xi32, #tpu.memory_space<vmem>> -> memref<112xi32, #tpu.memory_space<vmem>>
      %dma_start3A_1081 = arith.constant 0 : i32
      %dma_start3A_1082 = arith.constant 0 : i32
      %dma_start3A_1083 = tpu.memref_slice %arg17[%dma_start3A_1081, %dma_start3A_1082] : memref<50176x32xf32, #tpu.memory_space<vmem_shared>> -> memref<50176x32xf32, #tpu.memory_space<vmem_shared>>
      tpu.enqueue_indirect_dma source(%dma_start3A_1077 : memref<112x32xf32, #tpu.memory_space<vmem>>) target(%dma_start3A_1083 : memref<50176x32xf32, #tpu.memory_space<vmem_shared>>) offsets(%dma_start3A_1080 : memref<112xi32, #tpu.memory_space<vmem>>) semaphore(%arg22 : memref<!tpu.dma_semaphore, #tpu.memory_space<semaphore_mem>>) {add = true}
      %dma_wait3A_1084 = arith.constant 0 : i32
      %dma_wait3A_1085 = arith.constant 0 : i32
      %dma_wait3A_1086 = arith.constant 0 : i32
      %dma_wait3A_1087 = arith.constant 0 : i32
      %dma_wait3A_1088 = tpu.memref_slice %arg8[%dma_wait3A_1084, %dma_wait3A_1086, %dma_wait3A_1087] : memref<5x112x32xf32, #tpu.memory_space<vmem>> -> memref<1x112x32xf32, #tpu.memory_space<vmem>>
      %dma_wait3A_1089 = tpu.memref_squeeze %dma_wait3A_1088 : memref<1x112x32xf32, #tpu.memory_space<vmem>> -> memref<112x32xf32, #tpu.memory_space<vmem>>
      %dma_wait3A_1090 = arith.constant 0 : i32
      %dma_wait3A_1091 = tpu.memref_slice %arg7[%dma_wait3A_1085, %dma_wait3A_1090] : memref<5x112xi32, #tpu.memory_space<vmem>> -> memref<1x112xi32, #tpu.memory_space<vmem>>
      %dma_wait3A_1092 = tpu.memref_squeeze %dma_wait3A_1091 : memref<1x112xi32, #tpu.memory_space<vmem>> -> memref<112xi32, #tpu.memory_space<vmem>>
      %dma_wait3A_1093 = arith.constant 0 : i32
      %dma_wait3A_1094 = arith.constant 0 : i32
      %dma_wait3A_1095 = tpu.memref_slice %arg17[%dma_wait3A_1093, %dma_wait3A_1094] : memref<50176x32xf32, #tpu.memory_space<vmem_shared>> -> memref<50176x32xf32, #tpu.memory_space<vmem_shared>>
      tpu.wait_indirect_dma semaphore(%arg22 : memref<!tpu.dma_semaphore, #tpu.memory_space<semaphore_mem>>) src(%dma_wait3A_1089 : memref<112x32xf32, #tpu.memory_space<vmem>>) dst(%dma_wait3A_1095 : memref<50176x32xf32, #tpu.memory_space<vmem_shared>>)
      %dma_wait3A_1096 = arith.constant 1 : i32
      %dma_wait3A_1097 = arith.constant 1 : i32
      %dma_wait3A_1098 = arith.constant 0 : i32
      %dma_wait3A_1099 = arith.constant 0 : i32
      %dma_wait3A_1100 = tpu.memref_slice %arg8[%dma_wait3A_1096, %dma_wait3A_1098, %dma_wait3A_1099] : memref<5x112x32xf32, #tpu.memory_space<vmem>> -> memref<1x112x32xf32, #tpu.memory_space<vmem>>
      %dma_wait3A_1101 = tpu.memref_squeeze %dma_wait3A_1100 : memref<1x112x32xf32, #tpu.memory_space<vmem>> -> memref<112x32xf32, #tpu.memory_space<vmem>>
      %dma_wait3A_1102 = arith.constant 0 : i32
      %dma_wait3A_1103 = tpu.memref_slice %arg7[%dma_wait3A_1097, %dma_wait3A_1102] : memref<5x112xi32, #tpu.memory_space<vmem>> -> memref<1x112xi32, #tpu.memory_space<vmem>>
      %dma_wait3A_1104 = tpu.memref_squeeze %dma_wait3A_1103 : memref<1x112xi32, #tpu.memory_space<vmem>> -> memref<112xi32, #tpu.memory_space<vmem>>
      %dma_wait3A_1105 = arith.constant 0 : i32
      %dma_wait3A_1106 = arith.constant 0 : i32
      %dma_wait3A_1107 = tpu.memref_slice %arg17[%dma_wait3A_1105, %dma_wait3A_1106] : memref<50176x32xf32, #tpu.memory_space<vmem_shared>> -> memref<50176x32xf32, #tpu.memory_space<vmem_shared>>
      tpu.wait_indirect_dma semaphore(%arg22 : memref<!tpu.dma_semaphore, #tpu.memory_space<semaphore_mem>>) src(%dma_wait3A_1101 : memref<112x32xf32, #tpu.memory_space<vmem>>) dst(%dma_wait3A_1107 : memref<50176x32xf32, #tpu.memory_space<vmem_shared>>)
      %dma_wait3A_1108 = arith.constant 2 : i32
      %dma_wait3A_1109 = arith.constant 2 : i32
      %dma_wait3A_1110 = arith.constant 0 : i32
      %dma_wait3A_1111 = arith.constant 0 : i32
      %dma_wait3A_1112 = tpu.memref_slice %arg8[%dma_wait3A_1108, %dma_wait3A_1110, %dma_wait3A_1111] : memref<5x112x32xf32, #tpu.memory_space<vmem>> -> memref<1x112x32xf32, #tpu.memory_space<vmem>>
      %dma_wait3A_1113 = tpu.memref_squeeze %dma_wait3A_1112 : memref<1x112x32xf32, #tpu.memory_space<vmem>> -> memref<112x32xf32, #tpu.memory_space<vmem>>
      %dma_wait3A_1114 = arith.constant 0 : i32
      %dma_wait3A_1115 = tpu.memref_slice %arg7[%dma_wait3A_1109, %dma_wait3A_1114] : memref<5x112xi32, #tpu.memory_space<vmem>> -> memref<1x112xi32, #tpu.memory_space<vmem>>
      %dma_wait3A_1116 = tpu.memref_squeeze %dma_wait3A_1115 : memref<1x112xi32, #tpu.memory_space<vmem>> -> memref<112xi32, #tpu.memory_space<vmem>>
      %dma_wait3A_1117 = arith.constant 0 : i32
      %dma_wait3A_1118 = arith.constant 0 : i32
      %dma_wait3A_1119 = tpu.memref_slice %arg17[%dma_wait3A_1117, %dma_wait3A_1118] : memref<50176x32xf32, #tpu.memory_space<vmem_shared>> -> memref<50176x32xf32, #tpu.memory_space<vmem_shared>>
      tpu.wait_indirect_dma semaphore(%arg22 : memref<!tpu.dma_semaphore, #tpu.memory_space<semaphore_mem>>) src(%dma_wait3A_1113 : memref<112x32xf32, #tpu.memory_space<vmem>>) dst(%dma_wait3A_1119 : memref<50176x32xf32, #tpu.memory_space<vmem_shared>>)
      %dma_wait3A_1120 = arith.constant 3 : i32
      %dma_wait3A_1121 = arith.constant 3 : i32
      %dma_wait3A_1122 = arith.constant 0 : i32
      %dma_wait3A_1123 = arith.constant 0 : i32
      %dma_wait3A_1124 = tpu.memref_slice %arg8[%dma_wait3A_1120, %dma_wait3A_1122, %dma_wait3A_1123] : memref<5x112x32xf32, #tpu.memory_space<vmem>> -> memref<1x112x32xf32, #tpu.memory_space<vmem>>
      %dma_wait3A_1125 = tpu.memref_squeeze %dma_wait3A_1124 : memref<1x112x32xf32, #tpu.memory_space<vmem>> -> memref<112x32xf32, #tpu.memory_space<vmem>>
      %dma_wait3A_1126 = arith.constant 0 : i32
      %dma_wait3A_1127 = tpu.memref_slice %arg7[%dma_wait3A_1121, %dma_wait3A_1126] : memref<5x112xi32, #tpu.memory_space<vmem>> -> memref<1x112xi32, #tpu.memory_space<vmem>>
      %dma_wait3A_1128 = tpu.memref_squeeze %dma_wait3A_1127 : memref<1x112xi32, #tpu.memory_space<vmem>> -> memref<112xi32, #tpu.memory_space<vmem>>
      %dma_wait3A_1129 = arith.constant 0 : i32
      %dma_wait3A_1130 = arith.constant 0 : i32
      %dma_wait3A_1131 = tpu.memref_slice %arg17[%dma_wait3A_1129, %dma_wait3A_1130] : memref<50176x32xf32, #tpu.memory_space<vmem_shared>> -> memref<50176x32xf32, #tpu.memory_space<vmem_shared>>
      tpu.wait_indirect_dma semaphore(%arg22 : memref<!tpu.dma_semaphore, #tpu.memory_space<semaphore_mem>>) src(%dma_wait3A_1125 : memref<112x32xf32, #tpu.memory_space<vmem>>) dst(%dma_wait3A_1131 : memref<50176x32xf32, #tpu.memory_space<vmem_shared>>)
      %dma_wait3A_1132 = arith.constant 4 : i32
      %dma_wait3A_1133 = arith.constant 4 : i32
      %dma_wait3A_1134 = arith.constant 0 : i32
      %dma_wait3A_1135 = arith.constant 0 : i32
      %dma_wait3A_1136 = tpu.memref_slice %arg8[%dma_wait3A_1132, %dma_wait3A_1134, %dma_wait3A_1135] : memref<5x112x32xf32, #tpu.memory_space<vmem>> -> memref<1x112x32xf32, #tpu.memory_space<vmem>>
      %dma_wait3A_1137 = tpu.memref_squeeze %dma_wait3A_1136 : memref<1x112x32xf32, #tpu.memory_space<vmem>> -> memref<112x32xf32, #tpu.memory_space<vmem>>
      %dma_wait3A_1138 = arith.constant 0 : i32
      %dma_wait3A_1139 = tpu.memref_slice %arg7[%dma_wait3A_1133, %dma_wait3A_1138] : memref<5x112xi32, #tpu.memory_space<vmem>> -> memref<1x112xi32, #tpu.memory_space<vmem>>
      %dma_wait3A_1140 = tpu.memref_squeeze %dma_wait3A_1139 : memref<1x112xi32, #tpu.memory_space<vmem>> -> memref<112xi32, #tpu.memory_space<vmem>>
      %dma_wait3A_1141 = arith.constant 0 : i32
      %dma_wait3A_1142 = arith.constant 0 : i32
      %dma_wait3A_1143 = tpu.memref_slice %arg17[%dma_wait3A_1141, %dma_wait3A_1142] : memref<50176x32xf32, #tpu.memory_space<vmem_shared>> -> memref<50176x32xf32, #tpu.memory_space<vmem_shared>>
      tpu.wait_indirect_dma semaphore(%arg22 : memref<!tpu.dma_semaphore, #tpu.memory_space<semaphore_mem>>) src(%dma_wait3A_1137 : memref<112x32xf32, #tpu.memory_space<vmem>>) dst(%dma_wait3A_1143 : memref<50176x32xf32, #tpu.memory_space<vmem_shared>>)
    }
    %scan3A_443 = arith.constant 89 : i32
    %dma_start3A_444 = arith.constant 0 : i32
    %dma_start3A_445 = arith.constant 0 : i32
    %dma_start3A_446 = arith.constant 0 : i32
    %dma_start3A_447 = tpu.memref_slice %arg6[%dma_start3A_445, %dma_start3A_446] : memref<5x112xi32, #tpu.memory_space<vmem>> -> memref<1x112xi32, #tpu.memory_space<vmem>>
    %dma_start3A_448 = tpu.memref_squeeze %dma_start3A_447 : memref<1x112xi32, #tpu.memory_space<vmem>> -> memref<112xi32, #tpu.memory_space<vmem>>
    %dma_start3A_449 = tpu.memref_slice %arg2[%dma_start3A_444, %add3A_1] : memref<2x800000xi32, #tpu.memory_space<hbm>> -> memref<1x112xi32, #tpu.memory_space<hbm>>
    %dma_start3A_450 = tpu.memref_squeeze %dma_start3A_449 : memref<1x112xi32, #tpu.memory_space<hbm>> -> memref<112xi32, #tpu.memory_space<hbm>>
    %dma_start3A_451 = arith.constant 0 : i32
    %dma_start3A_452 = tpu.memref_slice %arg6[%dma_start3A_445, %dma_start3A_451] : memref<5x112xi32, #tpu.memory_space<vmem>> -> memref<1x112xi32, #tpu.memory_space<vmem>>
    %dma_start3A_453 = tpu.memref_squeeze %dma_start3A_452 : memref<1x112xi32, #tpu.memory_space<vmem>> -> memref<112xi32, #tpu.memory_space<vmem>>
    %dma_start3A_454 = tpu.memref_slice %arg2[%dma_start3A_444, %add3A_1] : memref<2x800000xi32, #tpu.memory_space<hbm>> -> memref<1x112xi32, #tpu.memory_space<hbm>>
    %dma_start3A_455 = tpu.memref_squeeze %dma_start3A_454 : memref<1x112xi32, #tpu.memory_space<hbm>> -> memref<112xi32, #tpu.memory_space<hbm>>
    tpu.enqueue_dma source(%dma_start3A_455 : memref<112xi32, #tpu.memory_space<hbm>>) target(%dma_start3A_453 : memref<112xi32, #tpu.memory_space<vmem>>) target_semaphore(%arg19 : memref<!tpu.dma_semaphore, #tpu.memory_space<semaphore_mem>>)
    %add3A_456 = arith.constant 112 : i32
    %add3A_457 = arith.addi %add3A_1, %add3A_456 : i32
    %dma_start3A_458 = arith.constant 0 : i32
    %dma_start3A_459 = tpu.memref_slice %arg2[%dma_start3A_458, %add3A_457] : memref<2x800000xi32, #tpu.memory_space<hbm>> -> memref<1x48xi32, #tpu.memory_space<hbm>>
    %dma_start3A_460 = tpu.memref_squeeze %dma_start3A_459 : memref<1x48xi32, #tpu.memory_space<hbm>> -> memref<48xi32, #tpu.memory_space<hbm>>
    %dma_start3A_461 = tpu.memref_slice %arg2[%dma_start3A_458, %add3A_457] : memref<2x800000xi32, #tpu.memory_space<hbm>> -> memref<1x48xi32, #tpu.memory_space<hbm>>
    %dma_start3A_462 = tpu.memref_squeeze %dma_start3A_461 : memref<1x48xi32, #tpu.memory_space<hbm>> -> memref<48xi32, #tpu.memory_space<hbm>>
    tpu.enqueue_dma source(%dma_start3A_462 : memref<48xi32, #tpu.memory_space<hbm>>) target(%arg14 : memref<48xi32, #tpu.memory_space<vmem>>) target_semaphore(%arg19 : memref<!tpu.dma_semaphore, #tpu.memory_space<semaphore_mem>>)
    %dma_start3A_463 = arith.constant 1 : i32
    %dma_start3A_464 = arith.constant 0 : i32
    %dma_start3A_465 = arith.constant 0 : i32
    %dma_start3A_466 = tpu.memref_slice %arg7[%dma_start3A_464, %dma_start3A_465] : memref<5x112xi32, #tpu.memory_space<vmem>> -> memref<1x112xi32, #tpu.memory_space<vmem>>
    %dma_start3A_467 = tpu.memref_squeeze %dma_start3A_466 : memref<1x112xi32, #tpu.memory_space<vmem>> -> memref<112xi32, #tpu.memory_space<vmem>>
    %dma_start3A_468 = tpu.memref_slice %arg2[%dma_start3A_463, %add3A_1] : memref<2x800000xi32, #tpu.memory_space<hbm>> -> memref<1x112xi32, #tpu.memory_space<hbm>>
    %dma_start3A_469 = tpu.memref_squeeze %dma_start3A_468 : memref<1x112xi32, #tpu.memory_space<hbm>> -> memref<112xi32, #tpu.memory_space<hbm>>
    %dma_start3A_470 = arith.constant 0 : i32
    %dma_start3A_471 = tpu.memref_slice %arg7[%dma_start3A_464, %dma_start3A_470] : memref<5x112xi32, #tpu.memory_space<vmem>> -> memref<1x112xi32, #tpu.memory_space<vmem>>
    %dma_start3A_472 = tpu.memref_squeeze %dma_start3A_471 : memref<1x112xi32, #tpu.memory_space<vmem>> -> memref<112xi32, #tpu.memory_space<vmem>>
    %dma_start3A_473 = tpu.memref_slice %arg2[%dma_start3A_463, %add3A_1] : memref<2x800000xi32, #tpu.memory_space<hbm>> -> memref<1x112xi32, #tpu.memory_space<hbm>>
    %dma_start3A_474 = tpu.memref_squeeze %dma_start3A_473 : memref<1x112xi32, #tpu.memory_space<hbm>> -> memref<112xi32, #tpu.memory_space<hbm>>
    tpu.enqueue_dma source(%dma_start3A_474 : memref<112xi32, #tpu.memory_space<hbm>>) target(%dma_start3A_472 : memref<112xi32, #tpu.memory_space<vmem>>) target_semaphore(%arg20 : memref<!tpu.dma_semaphore, #tpu.memory_space<semaphore_mem>>)
    %add3A_475 = arith.constant 112 : i32
    %add3A_476 = arith.addi %add3A_1, %add3A_475 : i32
    %dma_start3A_477 = arith.constant 1 : i32
    %dma_start3A_478 = tpu.memref_slice %arg2[%dma_start3A_477, %add3A_476] : memref<2x800000xi32, #tpu.memory_space<hbm>> -> memref<1x48xi32, #tpu.memory_space<hbm>>
    %dma_start3A_479 = tpu.memref_squeeze %dma_start3A_478 : memref<1x48xi32, #tpu.memory_space<hbm>> -> memref<48xi32, #tpu.memory_space<hbm>>
    %dma_start3A_480 = tpu.memref_slice %arg2[%dma_start3A_477, %add3A_476] : memref<2x800000xi32, #tpu.memory_space<hbm>> -> memref<1x48xi32, #tpu.memory_space<hbm>>
    %dma_start3A_481 = tpu.memref_squeeze %dma_start3A_480 : memref<1x48xi32, #tpu.memory_space<hbm>> -> memref<48xi32, #tpu.memory_space<hbm>>
    tpu.enqueue_dma source(%dma_start3A_481 : memref<48xi32, #tpu.memory_space<hbm>>) target(%arg15 : memref<48xi32, #tpu.memory_space<vmem>>) target_semaphore(%arg20 : memref<!tpu.dma_semaphore, #tpu.memory_space<semaphore_mem>>)
    %dma_wait3A_482 = arith.constant 0 : i32
    %dma_wait3A_483 = arith.constant 0 : i32
    %dma_wait3A_484 = arith.constant 0 : i32
    %dma_wait3A_485 = tpu.memref_slice %arg6[%dma_wait3A_483, %dma_wait3A_484] : memref<5x112xi32, #tpu.memory_space<vmem>> -> memref<1x112xi32, #tpu.memory_space<vmem>>
    %dma_wait3A_486 = tpu.memref_squeeze %dma_wait3A_485 : memref<1x112xi32, #tpu.memory_space<vmem>> -> memref<112xi32, #tpu.memory_space<vmem>>
    %dma_wait3A_487 = tpu.memref_slice %arg2[%dma_wait3A_482, %add3A_1] : memref<2x800000xi32, #tpu.memory_space<hbm>> -> memref<1x112xi32, #tpu.memory_space<hbm>>
    %dma_wait3A_488 = tpu.memref_squeeze %dma_wait3A_487 : memref<1x112xi32, #tpu.memory_space<hbm>> -> memref<112xi32, #tpu.memory_space<hbm>>
    %dma_wait3A_489 = arith.constant 0 : i32
    %dma_wait3A_490 = tpu.memref_slice %arg6[%dma_wait3A_483, %dma_wait3A_489] : memref<5x112xi32, #tpu.memory_space<vmem>> -> memref<1x112xi32, #tpu.memory_space<vmem>>
    %dma_wait3A_491 = tpu.memref_squeeze %dma_wait3A_490 : memref<1x112xi32, #tpu.memory_space<vmem>> -> memref<112xi32, #tpu.memory_space<vmem>>
    %dma_wait3A_492 = tpu.memref_slice %arg2[%dma_wait3A_482, %add3A_1] : memref<2x800000xi32, #tpu.memory_space<hbm>> -> memref<1x112xi32, #tpu.memory_space<hbm>>
    %dma_wait3A_493 = tpu.memref_squeeze %dma_wait3A_492 : memref<1x112xi32, #tpu.memory_space<hbm>> -> memref<112xi32, #tpu.memory_space<hbm>>
    tpu.wait_dma2 semaphore(%arg19 : memref<!tpu.dma_semaphore, #tpu.memory_space<semaphore_mem>>) src(%dma_wait3A_493 : memref<112xi32, #tpu.memory_space<hbm>>) dst(%dma_wait3A_491 : memref<112xi32, #tpu.memory_space<vmem>>)
    %dma_start3A_494 = arith.constant 0 : i32
    %dma_start3A_495 = arith.constant 0 : i32
    %dma_start3A_496 = arith.constant 0 : i32
    %dma_start3A_497 = arith.constant 0 : i32
    %dma_start3A_498 = tpu.memref_slice %arg8[%dma_start3A_495, %dma_start3A_496, %dma_start3A_497] : memref<5x112x32xf32, #tpu.memory_space<vmem>> -> memref<1x112x32xf32, #tpu.memory_space<vmem>>
    %dma_start3A_499 = tpu.memref_squeeze %dma_start3A_498 : memref<1x112x32xf32, #tpu.memory_space<vmem>> -> memref<112x32xf32, #tpu.memory_space<vmem>>
    %dma_start3A_500 = arith.constant 0 : i32
    %dma_start3A_501 = tpu.memref_slice %arg6[%dma_start3A_494, %dma_start3A_500] : memref<5x112xi32, #tpu.memory_space<vmem>> -> memref<1x112xi32, #tpu.memory_space<vmem>>
    %dma_start3A_502 = tpu.memref_squeeze %dma_start3A_501 : memref<1x112xi32, #tpu.memory_space<vmem>> -> memref<112xi32, #tpu.memory_space<vmem>>
    %dma_start3A_503 = arith.constant 0 : i32
    %dma_start3A_504 = arith.constant 0 : i32
    %dma_start3A_505 = tpu.memref_slice %arg5[%arg0, %dma_start3A_503, %dma_start3A_504] : memref<2x50176x32xf32, #tpu.memory_space<hbm>> -> memref<1x50176x32xf32, #tpu.memory_space<hbm>>
    %dma_start3A_506 = tpu.memref_squeeze %dma_start3A_505 : memref<1x50176x32xf32, #tpu.memory_space<hbm>> -> memref<50176x32xf32, #tpu.memory_space<hbm>>
    %dma_start3A_507 = arith.constant 0 : i32
    %dma_start3A_508 = arith.constant 0 : i32
    %dma_start3A_509 = tpu.memref_slice %dma_start3A_506[%dma_start3A_507, %dma_start3A_508] : memref<50176x32xf32, #tpu.memory_space<hbm>> -> memref<50176x32xf32, #tpu.memory_space<hbm>>
    tpu.enqueue_indirect_dma source(%dma_start3A_509 : memref<50176x32xf32, #tpu.memory_space<hbm>>) target(%dma_start3A_499 : memref<112x32xf32, #tpu.memory_space<vmem>>) offsets(%dma_start3A_502 : memref<112xi32, #tpu.memory_space<vmem>>) semaphore(%arg21 : memref<!tpu.dma_semaphore, #tpu.memory_space<semaphore_mem>>)
    %dma_wait3A_510 = arith.constant 0 : i32
    %dma_wait3A_511 = tpu.memref_slice %arg2[%dma_wait3A_510, %add3A_457] : memref<2x800000xi32, #tpu.memory_space<hbm>> -> memref<1x48xi32, #tpu.memory_space<hbm>>
    %dma_wait3A_512 = tpu.memref_squeeze %dma_wait3A_511 : memref<1x48xi32, #tpu.memory_space<hbm>> -> memref<48xi32, #tpu.memory_space<hbm>>
    %dma_wait3A_513 = tpu.memref_slice %arg2[%dma_wait3A_510, %add3A_457] : memref<2x800000xi32, #tpu.memory_space<hbm>> -> memref<1x48xi32, #tpu.memory_space<hbm>>
    %dma_wait3A_514 = tpu.memref_squeeze %dma_wait3A_513 : memref<1x48xi32, #tpu.memory_space<hbm>> -> memref<48xi32, #tpu.memory_space<hbm>>
    tpu.wait_dma2 semaphore(%arg19 : memref<!tpu.dma_semaphore, #tpu.memory_space<semaphore_mem>>) src(%dma_wait3A_514 : memref<48xi32, #tpu.memory_space<hbm>>) dst(%arg14 : memref<48xi32, #tpu.memory_space<vmem>>)
    %dma_start3A_515 = arith.constant 0 : i32
    %dma_start3A_516 = arith.constant 0 : i32
    %dma_start3A_517 = tpu.memref_slice %arg5[%arg0, %dma_start3A_515, %dma_start3A_516] : memref<2x50176x32xf32, #tpu.memory_space<hbm>> -> memref<1x50176x32xf32, #tpu.memory_space<hbm>>
    %dma_start3A_518 = tpu.memref_squeeze %dma_start3A_517 : memref<1x50176x32xf32, #tpu.memory_space<hbm>> -> memref<50176x32xf32, #tpu.memory_space<hbm>>
    %dma_start3A_519 = arith.constant 0 : i32
    %dma_start3A_520 = arith.constant 0 : i32
    %dma_start3A_521 = tpu.memref_slice %dma_start3A_518[%dma_start3A_519, %dma_start3A_520] : memref<50176x32xf32, #tpu.memory_space<hbm>> -> memref<50176x32xf32, #tpu.memory_space<hbm>>
    tpu.enqueue_indirect_dma source(%dma_start3A_521 : memref<50176x32xf32, #tpu.memory_space<hbm>>) target(%arg16 : memref<48x32xf32, #tpu.memory_space<vmem>>) offsets(%arg14 : memref<48xi32, #tpu.memory_space<vmem>>) semaphore(%arg21 : memref<!tpu.dma_semaphore, #tpu.memory_space<semaphore_mem>>)
    %dma_wait3A_522 = arith.constant 0 : i32
    %dma_wait3A_523 = arith.constant 0 : i32
    %dma_wait3A_524 = arith.constant 0 : i32
    %dma_wait3A_525 = arith.constant 0 : i32
    %dma_wait3A_526 = tpu.memref_slice %arg8[%dma_wait3A_523, %dma_wait3A_524, %dma_wait3A_525] : memref<5x112x32xf32, #tpu.memory_space<vmem>> -> memref<1x112x32xf32, #tpu.memory_space<vmem>>
    %dma_wait3A_527 = tpu.memref_squeeze %dma_wait3A_526 : memref<1x112x32xf32, #tpu.memory_space<vmem>> -> memref<112x32xf32, #tpu.memory_space<vmem>>
    %dma_wait3A_528 = arith.constant 0 : i32
    %dma_wait3A_529 = tpu.memref_slice %arg6[%dma_wait3A_522, %dma_wait3A_528] : memref<5x112xi32, #tpu.memory_space<vmem>> -> memref<1x112xi32, #tpu.memory_space<vmem>>
    %dma_wait3A_530 = tpu.memref_squeeze %dma_wait3A_529 : memref<1x112xi32, #tpu.memory_space<vmem>> -> memref<112xi32, #tpu.memory_space<vmem>>
    %dma_wait3A_531 = arith.constant 0 : i32
    %dma_wait3A_532 = arith.constant 0 : i32
    %dma_wait3A_533 = tpu.memref_slice %arg5[%arg0, %dma_wait3A_531, %dma_wait3A_532] : memref<2x50176x32xf32, #tpu.memory_space<hbm>> -> memref<1x50176x32xf32, #tpu.memory_space<hbm>>
    %dma_wait3A_534 = tpu.memref_squeeze %dma_wait3A_533 : memref<1x50176x32xf32, #tpu.memory_space<hbm>> -> memref<50176x32xf32, #tpu.memory_space<hbm>>
    %dma_wait3A_535 = arith.constant 0 : i32
    %dma_wait3A_536 = arith.constant 0 : i32
    %dma_wait3A_537 = tpu.memref_slice %dma_wait3A_534[%dma_wait3A_535, %dma_wait3A_536] : memref<50176x32xf32, #tpu.memory_space<hbm>> -> memref<50176x32xf32, #tpu.memory_space<hbm>>
    tpu.wait_indirect_dma semaphore(%arg21 : memref<!tpu.dma_semaphore, #tpu.memory_space<semaphore_mem>>) src(%dma_wait3A_537 : memref<50176x32xf32, #tpu.memory_space<hbm>>) dst(%dma_wait3A_527 : memref<112x32xf32, #tpu.memory_space<vmem>>)
    %dma_wait3A_538 = arith.constant 1 : i32
    %dma_wait3A_539 = arith.constant 0 : i32
    %dma_wait3A_540 = arith.constant 0 : i32
    %dma_wait3A_541 = tpu.memref_slice %arg7[%dma_wait3A_539, %dma_wait3A_540] : memref<5x112xi32, #tpu.memory_space<vmem>> -> memref<1x112xi32, #tpu.memory_space<vmem>>
    %dma_wait3A_542 = tpu.memref_squeeze %dma_wait3A_541 : memref<1x112xi32, #tpu.memory_space<vmem>> -> memref<112xi32, #tpu.memory_space<vmem>>
    %dma_wait3A_543 = tpu.memref_slice %arg2[%dma_wait3A_538, %add3A_1] : memref<2x800000xi32, #tpu.memory_space<hbm>> -> memref<1x112xi32, #tpu.memory_space<hbm>>
    %dma_wait3A_544 = tpu.memref_squeeze %dma_wait3A_543 : memref<1x112xi32, #tpu.memory_space<hbm>> -> memref<112xi32, #tpu.memory_space<hbm>>
    %dma_wait3A_545 = arith.constant 0 : i32
    %dma_wait3A_546 = tpu.memref_slice %arg7[%dma_wait3A_539, %dma_wait3A_545] : memref<5x112xi32, #tpu.memory_space<vmem>> -> memref<1x112xi32, #tpu.memory_space<vmem>>
    %dma_wait3A_547 = tpu.memref_squeeze %dma_wait3A_546 : memref<1x112xi32, #tpu.memory_space<vmem>> -> memref<112xi32, #tpu.memory_space<vmem>>
    %dma_wait3A_548 = tpu.memref_slice %arg2[%dma_wait3A_538, %add3A_1] : memref<2x800000xi32, #tpu.memory_space<hbm>> -> memref<1x112xi32, #tpu.memory_space<hbm>>
    %dma_wait3A_549 = tpu.memref_squeeze %dma_wait3A_548 : memref<1x112xi32, #tpu.memory_space<hbm>> -> memref<112xi32, #tpu.memory_space<hbm>>
    tpu.wait_dma2 semaphore(%arg20 : memref<!tpu.dma_semaphore, #tpu.memory_space<semaphore_mem>>) src(%dma_wait3A_549 : memref<112xi32, #tpu.memory_space<hbm>>) dst(%dma_wait3A_547 : memref<112xi32, #tpu.memory_space<vmem>>)
    %dma_start3A_550 = arith.constant 0 : i32
    %dma_start3A_551 = arith.constant 0 : i32
    %dma_start3A_552 = arith.constant 0 : i32
    %dma_start3A_553 = arith.constant 0 : i32
    %dma_start3A_554 = tpu.memref_slice %arg8[%dma_start3A_550, %dma_start3A_552, %dma_start3A_553] : memref<5x112x32xf32, #tpu.memory_space<vmem>> -> memref<1x112x32xf32, #tpu.memory_space<vmem>>
    %dma_start3A_555 = tpu.memref_squeeze %dma_start3A_554 : memref<1x112x32xf32, #tpu.memory_space<vmem>> -> memref<112x32xf32, #tpu.memory_space<vmem>>
    %dma_start3A_556 = arith.constant 0 : i32
    %dma_start3A_557 = tpu.memref_slice %arg7[%dma_start3A_551, %dma_start3A_556] : memref<5x112xi32, #tpu.memory_space<vmem>> -> memref<1x112xi32, #tpu.memory_space<vmem>>
    %dma_start3A_558 = tpu.memref_squeeze %dma_start3A_557 : memref<1x112xi32, #tpu.memory_space<vmem>> -> memref<112xi32, #tpu.memory_space<vmem>>
    %dma_start3A_559 = arith.constant 0 : i32
    %dma_start3A_560 = arith.constant 0 : i32
    %dma_start3A_561 = tpu.memref_slice %arg17[%dma_start3A_559, %dma_start3A_560] : memref<50176x32xf32, #tpu.memory_space<vmem_shared>> -> memref<50176x32xf32, #tpu.memory_space<vmem_shared>>
    tpu.enqueue_indirect_dma source(%dma_start3A_555 : memref<112x32xf32, #tpu.memory_space<vmem>>) target(%dma_start3A_561 : memref<50176x32xf32, #tpu.memory_space<vmem_shared>>) offsets(%dma_start3A_558 : memref<112xi32, #tpu.memory_space<vmem>>) semaphore(%arg22 : memref<!tpu.dma_semaphore, #tpu.memory_space<semaphore_mem>>) {add = true}
    %dma_wait3A_562 = arith.constant 0 : i32
    %dma_wait3A_563 = arith.constant 0 : i32
    %dma_wait3A_564 = tpu.memref_slice %arg5[%arg0, %dma_wait3A_562, %dma_wait3A_563] : memref<2x50176x32xf32, #tpu.memory_space<hbm>> -> memref<1x50176x32xf32, #tpu.memory_space<hbm>>
    %dma_wait3A_565 = tpu.memref_squeeze %dma_wait3A_564 : memref<1x50176x32xf32, #tpu.memory_space<hbm>> -> memref<50176x32xf32, #tpu.memory_space<hbm>>
    %dma_wait3A_566 = arith.constant 0 : i32
    %dma_wait3A_567 = arith.constant 0 : i32
    %dma_wait3A_568 = tpu.memref_slice %dma_wait3A_565[%dma_wait3A_566, %dma_wait3A_567] : memref<50176x32xf32, #tpu.memory_space<hbm>> -> memref<50176x32xf32, #tpu.memory_space<hbm>>
    tpu.wait_indirect_dma semaphore(%arg21 : memref<!tpu.dma_semaphore, #tpu.memory_space<semaphore_mem>>) src(%dma_wait3A_568 : memref<50176x32xf32, #tpu.memory_space<hbm>>) dst(%arg16 : memref<48x32xf32, #tpu.memory_space<vmem>>)
    %dma_wait3A_569 = arith.constant 1 : i32
    %dma_wait3A_570 = tpu.memref_slice %arg2[%dma_wait3A_569, %add3A_476] : memref<2x800000xi32, #tpu.memory_space<hbm>> -> memref<1x48xi32, #tpu.memory_space<hbm>>
    %dma_wait3A_571 = tpu.memref_squeeze %dma_wait3A_570 : memref<1x48xi32, #tpu.memory_space<hbm>> -> memref<48xi32, #tpu.memory_space<hbm>>
    %dma_wait3A_572 = tpu.memref_slice %arg2[%dma_wait3A_569, %add3A_476] : memref<2x800000xi32, #tpu.memory_space<hbm>> -> memref<1x48xi32, #tpu.memory_space<hbm>>
    %dma_wait3A_573 = tpu.memref_squeeze %dma_wait3A_572 : memref<1x48xi32, #tpu.memory_space<hbm>> -> memref<48xi32, #tpu.memory_space<hbm>>
    tpu.wait_dma2 semaphore(%arg20 : memref<!tpu.dma_semaphore, #tpu.memory_space<semaphore_mem>>) src(%dma_wait3A_573 : memref<48xi32, #tpu.memory_space<hbm>>) dst(%arg15 : memref<48xi32, #tpu.memory_space<vmem>>)
    %dma_start3A_574 = arith.constant 0 : i32
    %dma_start3A_575 = arith.constant 0 : i32
    %dma_start3A_576 = tpu.memref_slice %arg17[%dma_start3A_574, %dma_start3A_575] : memref<50176x32xf32, #tpu.memory_space<vmem_shared>> -> memref<50176x32xf32, #tpu.memory_space<vmem_shared>>
    tpu.enqueue_indirect_dma source(%arg16 : memref<48x32xf32, #tpu.memory_space<vmem>>) target(%dma_start3A_576 : memref<50176x32xf32, #tpu.memory_space<vmem_shared>>) offsets(%arg15 : memref<48xi32, #tpu.memory_space<vmem>>) semaphore(%arg22 : memref<!tpu.dma_semaphore, #tpu.memory_space<semaphore_mem>>) {add = true}
    %dma_wait3A_577 = arith.constant 0 : i32
    %dma_wait3A_578 = arith.constant 0 : i32
    %dma_wait3A_579 = arith.constant 0 : i32
    %dma_wait3A_580 = arith.constant 0 : i32
    %dma_wait3A_581 = tpu.memref_slice %arg8[%dma_wait3A_577, %dma_wait3A_579, %dma_wait3A_580] : memref<5x112x32xf32, #tpu.memory_space<vmem>> -> memref<1x112x32xf32, #tpu.memory_space<vmem>>
    %dma_wait3A_582 = tpu.memref_squeeze %dma_wait3A_581 : memref<1x112x32xf32, #tpu.memory_space<vmem>> -> memref<112x32xf32, #tpu.memory_space<vmem>>
    %dma_wait3A_583 = arith.constant 0 : i32
    %dma_wait3A_584 = tpu.memref_slice %arg7[%dma_wait3A_578, %dma_wait3A_583] : memref<5x112xi32, #tpu.memory_space<vmem>> -> memref<1x112xi32, #tpu.memory_space<vmem>>
    %dma_wait3A_585 = tpu.memref_squeeze %dma_wait3A_584 : memref<1x112xi32, #tpu.memory_space<vmem>> -> memref<112xi32, #tpu.memory_space<vmem>>
    %dma_wait3A_586 = arith.constant 0 : i32
    %dma_wait3A_587 = arith.constant 0 : i32
    %dma_wait3A_588 = tpu.memref_slice %arg17[%dma_wait3A_586, %dma_wait3A_587] : memref<50176x32xf32, #tpu.memory_space<vmem_shared>> -> memref<50176x32xf32, #tpu.memory_space<vmem_shared>>
    tpu.wait_indirect_dma semaphore(%arg22 : memref<!tpu.dma_semaphore, #tpu.memory_space<semaphore_mem>>) src(%dma_wait3A_582 : memref<112x32xf32, #tpu.memory_space<vmem>>) dst(%dma_wait3A_588 : memref<50176x32xf32, #tpu.memory_space<vmem_shared>>)
    %dma_wait3A_589 = arith.constant 0 : i32
    %dma_wait3A_590 = arith.constant 0 : i32
    %dma_wait3A_591 = tpu.memref_slice %arg17[%dma_wait3A_589, %dma_wait3A_590] : memref<50176x32xf32, #tpu.memory_space<vmem_shared>> -> memref<50176x32xf32, #tpu.memory_space<vmem_shared>>
    tpu.wait_indirect_dma semaphore(%arg22 : memref<!tpu.dma_semaphore, #tpu.memory_space<semaphore_mem>>) src(%arg16 : memref<48x32xf32, #tpu.memory_space<vmem>>) dst(%dma_wait3A_591 : memref<50176x32xf32, #tpu.memory_space<vmem_shared>>)
    %barrier3A_592 = arith.constant 0 : index
    tpu.barrier barrier_id(%barrier3A_592)
    %scan3A_593 = arith.constant 0 : i32
    %scan3A_594 = arith.constant 0 : i32
    %scan3A_595 = arith.constant 49 : i32
    %scan3A_596 = arith.addi %scan3A_594, %scan3A_595 : i32
    %scan3A_597 = arith.constant 1 : i32
    scf.for %scan3A_600 = %scan3A_594 to %scan3A_596 step %scan3A_597  : i32 {
      %mul3A_601 = arith.constant 64 : i32
      %mul3A_602 = arith.muli %scan3A_600, %mul3A_601 : i32
      %add3A_603 = arith.addi %mul3A_3, %mul3A_602 : i32
      "tpu.region"() ({
        %run_scoped3A = tpu.sem_alloc : memref<!tpu.dma_semaphore, #tpu.memory_space<semaphore_mem>>
        %dma_start3A_622 = arith.constant 0 : i32
        %dma_start3A_623 = tpu.memref_slice %arg17[%add3A_603, %dma_start3A_622] : memref<50176x32xf32, #tpu.memory_space<vmem_shared>> -> memref<64x32xf32, #tpu.memory_space<vmem_shared>>
        %dma_start3A_624 = arith.constant 0 : i32
        %dma_start3A_625 = tpu.memref_slice %arg17[%add3A_603, %dma_start3A_624] : memref<50176x32xf32, #tpu.memory_space<vmem_shared>> -> memref<64x32xf32, #tpu.memory_space<vmem_shared>>
        tpu.enqueue_dma source(%dma_start3A_625 : memref<64x32xf32, #tpu.memory_space<vmem_shared>>) target(%arg10 : memref<64x32xf32, #tpu.memory_space<vmem>>) target_semaphore(%run_scoped3A : memref<!tpu.dma_semaphore, #tpu.memory_space<semaphore_mem>>)
        %dma_wait3A_626 = arith.constant 0 : i32
        %dma_wait3A_627 = tpu.memref_slice %arg17[%add3A_603, %dma_wait3A_626] : memref<50176x32xf32, #tpu.memory_space<vmem_shared>> -> memref<64x32xf32, #tpu.memory_space<vmem_shared>>
        %dma_wait3A_628 = arith.constant 0 : i32
        %dma_wait3A_629 = tpu.memref_slice %arg17[%add3A_603, %dma_wait3A_628] : memref<50176x32xf32, #tpu.memory_space<vmem_shared>> -> memref<64x32xf32, #tpu.memory_space<vmem_shared>>
        tpu.wait_dma2 semaphore(%run_scoped3A : memref<!tpu.dma_semaphore, #tpu.memory_space<semaphore_mem>>) src(%dma_wait3A_629 : memref<64x32xf32, #tpu.memory_space<vmem_shared>>) dst(%arg10 : memref<64x32xf32, #tpu.memory_space<vmem>>)
        tpu.yield
      }) : () -> ()
      "tpu.region"() ({
        %run_scoped3A = tpu.sem_alloc : memref<!tpu.dma_semaphore, #tpu.memory_space<semaphore_mem>>
        %dma_start3A_622 = arith.constant 0 : i32
        %dma_start3A_623 = arith.constant 0 : i32
        %dma_start3A_624 = tpu.memref_slice %arg4[%arg0, %dma_start3A_622, %dma_start3A_623] : memref<2x50176x32xf32, #tpu.memory_space<hbm>> -> memref<1x50176x32xf32, #tpu.memory_space<hbm>>
        %dma_start3A_625 = tpu.memref_squeeze %dma_start3A_624 : memref<1x50176x32xf32, #tpu.memory_space<hbm>> -> memref<50176x32xf32, #tpu.memory_space<hbm>>
        %dma_start3A_626 = arith.constant 0 : i32
        %dma_start3A_627 = tpu.memref_slice %dma_start3A_625[%add3A_603, %dma_start3A_626] : memref<50176x32xf32, #tpu.memory_space<hbm>> -> memref<64x32xf32, #tpu.memory_space<hbm>>
        %dma_start3A_628 = arith.constant 0 : i32
        %dma_start3A_629 = arith.constant 0 : i32
        %dma_start3A_630 = tpu.memref_slice %arg4[%arg0, %dma_start3A_628, %dma_start3A_629] : memref<2x50176x32xf32, #tpu.memory_space<hbm>> -> memref<1x50176x32xf32, #tpu.memory_space<hbm>>
        %dma_start3A_631 = tpu.memref_squeeze %dma_start3A_630 : memref<1x50176x32xf32, #tpu.memory_space<hbm>> -> memref<50176x32xf32, #tpu.memory_space<hbm>>
        %dma_start3A_632 = arith.constant 0 : i32
        %dma_start3A_633 = tpu.memref_slice %dma_start3A_631[%add3A_603, %dma_start3A_632] : memref<50176x32xf32, #tpu.memory_space<hbm>> -> memref<64x32xf32, #tpu.memory_space<hbm>>
        tpu.enqueue_dma source(%dma_start3A_633 : memref<64x32xf32, #tpu.memory_space<hbm>>) target(%arg11 : memref<64x32xf32, #tpu.memory_space<vmem>>) target_semaphore(%run_scoped3A : memref<!tpu.dma_semaphore, #tpu.memory_space<semaphore_mem>>)
        %dma_wait3A_634 = arith.constant 0 : i32
        %dma_wait3A_635 = arith.constant 0 : i32
        %dma_wait3A_636 = tpu.memref_slice %arg4[%arg0, %dma_wait3A_634, %dma_wait3A_635] : memref<2x50176x32xf32, #tpu.memory_space<hbm>> -> memref<1x50176x32xf32, #tpu.memory_space<hbm>>
        %dma_wait3A_637 = tpu.memref_squeeze %dma_wait3A_636 : memref<1x50176x32xf32, #tpu.memory_space<hbm>> -> memref<50176x32xf32, #tpu.memory_space<hbm>>
        %dma_wait3A_638 = arith.constant 0 : i32
        %dma_wait3A_639 = tpu.memref_slice %dma_wait3A_637[%add3A_603, %dma_wait3A_638] : memref<50176x32xf32, #tpu.memory_space<hbm>> -> memref<64x32xf32, #tpu.memory_space<hbm>>
        %dma_wait3A_640 = arith.constant 0 : i32
        %dma_wait3A_641 = arith.constant 0 : i32
        %dma_wait3A_642 = tpu.memref_slice %arg4[%arg0, %dma_wait3A_640, %dma_wait3A_641] : memref<2x50176x32xf32, #tpu.memory_space<hbm>> -> memref<1x50176x32xf32, #tpu.memory_space<hbm>>
        %dma_wait3A_643 = tpu.memref_squeeze %dma_wait3A_642 : memref<1x50176x32xf32, #tpu.memory_space<hbm>> -> memref<50176x32xf32, #tpu.memory_space<hbm>>
        %dma_wait3A_644 = arith.constant 0 : i32
        %dma_wait3A_645 = tpu.memref_slice %dma_wait3A_643[%add3A_603, %dma_wait3A_644] : memref<50176x32xf32, #tpu.memory_space<hbm>> -> memref<64x32xf32, #tpu.memory_space<hbm>>
        tpu.wait_dma2 semaphore(%run_scoped3A : memref<!tpu.dma_semaphore, #tpu.memory_space<semaphore_mem>>) src(%dma_wait3A_645 : memref<64x32xf32, #tpu.memory_space<hbm>>) dst(%arg11 : memref<64x32xf32, #tpu.memory_space<vmem>>)
        tpu.yield
      }) : () -> ()
      %scan3A_604 = arith.constant 0 : i32
      %scan3A_605 = arith.constant 0 : i32
      %scan3A_606 = arith.constant 64 : i32
      %scan3A_607 = arith.addi %scan3A_605, %scan3A_606 : i32
      %scan3A_608 = arith.constant 1 : i32
      scf.for %scan3A_622 = %scan3A_605 to %scan3A_607 step %scan3A_608  : i32 {
        %get3A = arith.index_cast %scan3A_622 : i32 to index
        %get3A_623 = arith.constant 0 : index
        %get3A_624 = tpu.vector_load %arg11[%get3A, %get3A_623] {strides = array<i32>} : memref<64x32xf32, #tpu.memory_space<vmem>>, vector<16xf32>,
        %get3A_625 = arith.index_cast %scan3A_622 : i32 to index
        %get3A_626 = arith.constant 0 : index
        %get3A_627 = tpu.vector_load %arg10[%get3A_625, %get3A_626] {strides = array<i32>} : memref<64x32xf32, #tpu.memory_space<vmem>>, vector<16xf32>,
        %add3A_628 = arith.addf %get3A_624, %get3A_627 : vector<16xf32>
        %swap3A_629 = arith.index_cast %scan3A_622 : i32 to index
        %swap3A_630 = arith.constant 0 : index
        %swap3A_631 = tpu.vector_load %arg11[%swap3A_629, %swap3A_630] {strides = array<i32>} : memref<64x32xf32, #tpu.memory_space<vmem>>, vector<16xf32>,
        tpu.vector_store %arg11[%swap3A_629, %swap3A_630], %add3A_628 {strides = array<i32>} : memref<64x32xf32, #tpu.memory_space<vmem>>, vector<16xf32>,
        %get3A_632 = arith.index_cast %scan3A_622 : i32 to index
        %get3A_633 = arith.constant 16 : index
        %get3A_634 = tpu.vector_load %arg11[%get3A_632, %get3A_633] {strides = array<i32>} : memref<64x32xf32, #tpu.memory_space<vmem>>, vector<16xf32>,
        %get3A_635 = arith.index_cast %scan3A_622 : i32 to index
        %get3A_636 = arith.constant 16 : index
        %get3A_637 = tpu.vector_load %arg10[%get3A_635, %get3A_636] {strides = array<i32>} : memref<64x32xf32, #tpu.memory_space<vmem>>, vector<16xf32>,
        %add3A_638 = arith.addf %get3A_634, %get3A_637 : vector<16xf32>
        %swap3A_639 = arith.index_cast %scan3A_622 : i32 to index
        %swap3A_640 = arith.constant 16 : index
        %swap3A_641 = tpu.vector_load %arg11[%swap3A_639, %swap3A_640] {strides = array<i32>} : memref<64x32xf32, #tpu.memory_space<vmem>>, vector<16xf32>,
        tpu.vector_store %arg11[%swap3A_639, %swap3A_640], %add3A_638 {strides = array<i32>} : memref<64x32xf32, #tpu.memory_space<vmem>>, vector<16xf32>,
      }
      %scan3A_609 = arith.constant 64 : i32
      "tpu.region"() ({
        %run_scoped3A = tpu.sem_alloc : memref<!tpu.dma_semaphore, #tpu.memory_space<semaphore_mem>>
        %dma_start3A_622 = tpu.memref_slice %arg18[%add3A_603] : memref<50176xf32, #tpu.memory_space<vmem_shared>> -> memref<64xf32, #tpu.memory_space<vmem_shared>>
        %dma_start3A_623 = tpu.memref_slice %arg18[%add3A_603] : memref<50176xf32, #tpu.memory_space<vmem_shared>> -> memref<64xf32, #tpu.memory_space<vmem_shared>>
        tpu.enqueue_dma source(%dma_start3A_623 : memref<64xf32, #tpu.memory_space<vmem_shared>>) target(%arg12 : memref<64xf32, #tpu.memory_space<vmem>>) target_semaphore(%run_scoped3A : memref<!tpu.dma_semaphore, #tpu.memory_space<semaphore_mem>>)
        %dma_wait3A_624 = tpu.memref_slice %arg18[%add3A_603] : memref<50176xf32, #tpu.memory_space<vmem_shared>> -> memref<64xf32, #tpu.memory_space<vmem_shared>>
        %dma_wait3A_625 = tpu.memref_slice %arg18[%add3A_603] : memref<50176xf32, #tpu.memory_space<vmem_shared>> -> memref<64xf32, #tpu.memory_space<vmem_shared>>
        tpu.wait_dma2 semaphore(%run_scoped3A : memref<!tpu.dma_semaphore, #tpu.memory_space<semaphore_mem>>) src(%dma_wait3A_625 : memref<64xf32, #tpu.memory_space<vmem_shared>>) dst(%arg12 : memref<64xf32, #tpu.memory_space<vmem>>)
        tpu.yield
      }) : () -> ()
      %scan3A_610 = arith.constant 0 : i32
      %scan3A_611 = arith.constant 0 : i32
      %scan3A_612 = arith.constant 64 : i32
      %scan3A_613 = arith.addi %scan3A_611, %scan3A_612 : i32
      %scan3A_614 = arith.constant 1 : i32
      scf.for %scan3A_622 = %scan3A_611 to %scan3A_613 step %scan3A_614  : i32 {
        %broadcast_in_dim3A_623 = vector.broadcast %scan3A_622 : i32 to vector<16xi32>
        %gather3A = tpu.vector_load_idx %arg12[%broadcast_in_dim3A_623] : memref<64xf32, #tpu.memory_space<vmem>>[vector<16xi32>], vector<16xf32>,
        %get3A = arith.index_cast %scan3A_622 : i32 to index
        %get3A_624 = arith.constant 0 : index
        %get3A_625 = tpu.vector_load %arg11[%get3A, %get3A_624] {strides = array<i32>} : memref<64x32xf32, #tpu.memory_space<vmem>>, vector<16xf32>,
        %mul3A_626 = arith.mulf %get3A_625, %gather3A : vector<16xf32>
        %swap3A_627 = arith.index_cast %scan3A_622 : i32 to index
        %swap3A_628 = arith.constant 0 : index
        %swap3A_629 = tpu.vector_load %arg11[%swap3A_627, %swap3A_628] {strides = array<i32>} : memref<64x32xf32, #tpu.memory_space<vmem>>, vector<16xf32>,
        tpu.vector_store %arg11[%swap3A_627, %swap3A_628], %mul3A_626 {strides = array<i32>} : memref<64x32xf32, #tpu.memory_space<vmem>>, vector<16xf32>,
        %get3A_630 = arith.index_cast %scan3A_622 : i32 to index
        %get3A_631 = arith.constant 16 : index
        %get3A_632 = tpu.vector_load %arg11[%get3A_630, %get3A_631] {strides = array<i32>} : memref<64x32xf32, #tpu.memory_space<vmem>>, vector<16xf32>,
        %mul3A_633 = arith.mulf %get3A_632, %gather3A : vector<16xf32>
        %swap3A_634 = arith.index_cast %scan3A_622 : i32 to index
        %swap3A_635 = arith.constant 16 : index
        %swap3A_636 = tpu.vector_load %arg11[%swap3A_634, %swap3A_635] {strides = array<i32>} : memref<64x32xf32, #tpu.memory_space<vmem>>, vector<16xf32>,
        tpu.vector_store %arg11[%swap3A_634, %swap3A_635], %mul3A_633 {strides = array<i32>} : memref<64x32xf32, #tpu.memory_space<vmem>>, vector<16xf32>,
      }
      %scan3A_615 = arith.constant 64 : i32
      "tpu.region"() ({
        %run_scoped3A = tpu.sem_alloc : memref<!tpu.dma_semaphore, #tpu.memory_space<semaphore_mem>>
        %dma_start3A_622 = arith.constant 0 : i32
        %dma_start3A_623 = arith.constant 0 : i32
        %dma_start3A_624 = tpu.memref_slice %arg3[%arg0, %dma_start3A_622, %dma_start3A_623] : memref<2x50176x32xf32, #tpu.memory_space<hbm>> -> memref<1x50176x32xf32, #tpu.memory_space<hbm>>
        %dma_start3A_625 = tpu.memref_squeeze %dma_start3A_624 : memref<1x50176x32xf32, #tpu.memory_space<hbm>> -> memref<50176x32xf32, #tpu.memory_space<hbm>>
        %dma_start3A_626 = arith.constant 0 : i32
        %dma_start3A_627 = tpu.memref_slice %dma_start3A_625[%add3A_603, %dma_start3A_626] : memref<50176x32xf32, #tpu.memory_space<hbm>> -> memref<64x32xf32, #tpu.memory_space<hbm>>
        %dma_start3A_628 = arith.constant 0 : i32
        %dma_start3A_629 = arith.constant 0 : i32
        %dma_start3A_630 = tpu.memref_slice %arg3[%arg0, %dma_start3A_628, %dma_start3A_629] : memref<2x50176x32xf32, #tpu.memory_space<hbm>> -> memref<1x50176x32xf32, #tpu.memory_space<hbm>>
        %dma_start3A_631 = tpu.memref_squeeze %dma_start3A_630 : memref<1x50176x32xf32, #tpu.memory_space<hbm>> -> memref<50176x32xf32, #tpu.memory_space<hbm>>
        %dma_start3A_632 = arith.constant 0 : i32
        %dma_start3A_633 = tpu.memref_slice %dma_start3A_631[%add3A_603, %dma_start3A_632] : memref<50176x32xf32, #tpu.memory_space<hbm>> -> memref<64x32xf32, #tpu.memory_space<hbm>>
        tpu.enqueue_dma source(%dma_start3A_633 : memref<64x32xf32, #tpu.memory_space<hbm>>) target(%arg10 : memref<64x32xf32, #tpu.memory_space<vmem>>) target_semaphore(%run_scoped3A : memref<!tpu.dma_semaphore, #tpu.memory_space<semaphore_mem>>)
        %dma_wait3A_634 = arith.constant 0 : i32
        %dma_wait3A_635 = arith.constant 0 : i32
        %dma_wait3A_636 = tpu.memref_slice %arg3[%arg0, %dma_wait3A_634, %dma_wait3A_635] : memref<2x50176x32xf32, #tpu.memory_space<hbm>> -> memref<1x50176x32xf32, #tpu.memory_space<hbm>>
        %dma_wait3A_637 = tpu.memref_squeeze %dma_wait3A_636 : memref<1x50176x32xf32, #tpu.memory_space<hbm>> -> memref<50176x32xf32, #tpu.memory_space<hbm>>
        %dma_wait3A_638 = arith.constant 0 : i32
        %dma_wait3A_639 = tpu.memref_slice %dma_wait3A_637[%add3A_603, %dma_wait3A_638] : memref<50176x32xf32, #tpu.memory_space<hbm>> -> memref<64x32xf32, #tpu.memory_space<hbm>>
        %dma_wait3A_640 = arith.constant 0 : i32
        %dma_wait3A_641 = arith.constant 0 : i32
        %dma_wait3A_642 = tpu.memref_slice %arg3[%arg0, %dma_wait3A_640, %dma_wait3A_641] : memref<2x50176x32xf32, #tpu.memory_space<hbm>> -> memref<1x50176x32xf32, #tpu.memory_space<hbm>>
        %dma_wait3A_643 = tpu.memref_squeeze %dma_wait3A_642 : memref<1x50176x32xf32, #tpu.memory_space<hbm>> -> memref<50176x32xf32, #tpu.memory_space<hbm>>
        %dma_wait3A_644 = arith.constant 0 : i32
        %dma_wait3A_645 = tpu.memref_slice %dma_wait3A_643[%add3A_603, %dma_wait3A_644] : memref<50176x32xf32, #tpu.memory_space<hbm>> -> memref<64x32xf32, #tpu.memory_space<hbm>>
        tpu.wait_dma2 semaphore(%run_scoped3A : memref<!tpu.dma_semaphore, #tpu.memory_space<semaphore_mem>>) src(%dma_wait3A_645 : memref<64x32xf32, #tpu.memory_space<hbm>>) dst(%arg10 : memref<64x32xf32, #tpu.memory_space<vmem>>)
        tpu.yield
      }) : () -> ()
      %scan3A_616 = arith.constant 0 : i32
      %scan3A_617 = arith.constant 0 : i32
      %scan3A_618 = arith.constant 64 : i32
      %scan3A_619 = arith.addi %scan3A_617, %scan3A_618 : i32
      %scan3A_620 = arith.constant 1 : i32
      scf.for %scan3A_622 = %scan3A_617 to %scan3A_619 step %scan3A_620  : i32 {
        %get3A = arith.index_cast %scan3A_622 : i32 to index
        %get3A_623 = arith.constant 0 : index
        %get3A_624 = tpu.vector_load %arg11[%get3A, %get3A_623] {strides = array<i32>} : memref<64x32xf32, #tpu.memory_space<vmem>>, vector<16xf32>,
        %get3A_625 = arith.index_cast %scan3A_622 : i32 to index
        %get3A_626 = arith.constant 0 : index
        %get3A_627 = tpu.vector_load %arg10[%get3A_625, %get3A_626] {strides = array<i32>} : memref<64x32xf32, #tpu.memory_space<vmem>>, vector<16xf32>,
        %add3A_628 = arith.addf %get3A_624, %get3A_627 : vector<16xf32>
        %mul3A_629 = arith.constant 2.500000e-01 : f32
        %mul3A_630 = vector.broadcast %mul3A_629 : f32 to vector<16xf32>
        %mul3A_631 = arith.mulf %mul3A_630, %add3A_628 : vector<16xf32>
        %swap3A_632 = arith.index_cast %scan3A_622 : i32 to index
        %swap3A_633 = arith.constant 0 : index
        %swap3A_634 = tpu.vector_load %arg11[%swap3A_632, %swap3A_633] {strides = array<i32>} : memref<64x32xf32, #tpu.memory_space<vmem>>, vector<16xf32>,
        tpu.vector_store %arg11[%swap3A_632, %swap3A_633], %mul3A_631 {strides = array<i32>} : memref<64x32xf32, #tpu.memory_space<vmem>>, vector<16xf32>,
        %get3A_635 = arith.index_cast %scan3A_622 : i32 to index
        %get3A_636 = arith.constant 16 : index
        %get3A_637 = tpu.vector_load %arg11[%get3A_635, %get3A_636] {strides = array<i32>} : memref<64x32xf32, #tpu.memory_space<vmem>>, vector<16xf32>,
        %get3A_638 = arith.index_cast %scan3A_622 : i32 to index
        %get3A_639 = arith.constant 16 : index
        %get3A_640 = tpu.vector_load %arg10[%get3A_638, %get3A_639] {strides = array<i32>} : memref<64x32xf32, #tpu.memory_space<vmem>>, vector<16xf32>,
        %add3A_641 = arith.addf %get3A_637, %get3A_640 : vector<16xf32>
        %mul3A_642 = arith.constant 2.500000e-01 : f32
        %mul3A_643 = vector.broadcast %mul3A_642 : f32 to vector<16xf32>
        %mul3A_644 = arith.mulf %mul3A_643, %add3A_641 : vector<16xf32>
        %swap3A_645 = arith.index_cast %scan3A_622 : i32 to index
        %swap3A_646 = arith.constant 16 : index
        %swap3A_647 = tpu.vector_load %arg11[%swap3A_645, %swap3A_646] {strides = array<i32>} : memref<64x32xf32, #tpu.memory_space<vmem>>, vector<16xf32>,
        tpu.vector_store %arg11[%swap3A_645, %swap3A_646], %mul3A_644 {strides = array<i32>} : memref<64x32xf32, #tpu.memory_space<vmem>>, vector<16xf32>,
      }
      %scan3A_621 = arith.constant 64 : i32
      "tpu.region"() ({
        %run_scoped3A = tpu.sem_alloc : memref<!tpu.dma_semaphore, #tpu.memory_space<semaphore_mem>>
        %dma_start3A_622 = arith.constant 0 : i32
        %dma_start3A_623 = arith.constant 0 : i32
        %dma_start3A_624 = tpu.memref_slice %arg4[%arg0, %dma_start3A_622, %dma_start3A_623] : memref<2x50176x32xf32, #tpu.memory_space<hbm>> -> memref<1x50176x32xf32, #tpu.memory_space<hbm>>
        %dma_start3A_625 = tpu.memref_squeeze %dma_start3A_624 : memref<1x50176x32xf32, #tpu.memory_space<hbm>> -> memref<50176x32xf32, #tpu.memory_space<hbm>>
        %dma_start3A_626 = arith.constant 0 : i32
        %dma_start3A_627 = tpu.memref_slice %dma_start3A_625[%add3A_603, %dma_start3A_626] : memref<50176x32xf32, #tpu.memory_space<hbm>> -> memref<64x32xf32, #tpu.memory_space<hbm>>
        %dma_start3A_628 = arith.constant 0 : i32
        %dma_start3A_629 = arith.constant 0 : i32
        %dma_start3A_630 = tpu.memref_slice %arg4[%arg0, %dma_start3A_628, %dma_start3A_629] : memref<2x50176x32xf32, #tpu.memory_space<hbm>> -> memref<1x50176x32xf32, #tpu.memory_space<hbm>>
        %dma_start3A_631 = tpu.memref_squeeze %dma_start3A_630 : memref<1x50176x32xf32, #tpu.memory_space<hbm>> -> memref<50176x32xf32, #tpu.memory_space<hbm>>
        %dma_start3A_632 = arith.constant 0 : i32
        %dma_start3A_633 = tpu.memref_slice %dma_start3A_631[%add3A_603, %dma_start3A_632] : memref<50176x32xf32, #tpu.memory_space<hbm>> -> memref<64x32xf32, #tpu.memory_space<hbm>>
        tpu.enqueue_dma source(%arg11 : memref<64x32xf32, #tpu.memory_space<vmem>>) target(%dma_start3A_633 : memref<64x32xf32, #tpu.memory_space<hbm>>) target_semaphore(%run_scoped3A : memref<!tpu.dma_semaphore, #tpu.memory_space<semaphore_mem>>)
        %dma_wait3A_634 = arith.constant 0 : i32
        %dma_wait3A_635 = arith.constant 0 : i32
        %dma_wait3A_636 = tpu.memref_slice %arg4[%arg0, %dma_wait3A_634, %dma_wait3A_635] : memref<2x50176x32xf32, #tpu.memory_space<hbm>> -> memref<1x50176x32xf32, #tpu.memory_space<hbm>>
        %dma_wait3A_637 = tpu.memref_squeeze %dma_wait3A_636 : memref<1x50176x32xf32, #tpu.memory_space<hbm>> -> memref<50176x32xf32, #tpu.memory_space<hbm>>
        %dma_wait3A_638 = arith.constant 0 : i32
        %dma_wait3A_639 = tpu.memref_slice %dma_wait3A_637[%add3A_603, %dma_wait3A_638] : memref<50176x32xf32, #tpu.memory_space<hbm>> -> memref<64x32xf32, #tpu.memory_space<hbm>>
        %dma_wait3A_640 = arith.constant 0 : i32
        %dma_wait3A_641 = arith.constant 0 : i32
        %dma_wait3A_642 = tpu.memref_slice %arg4[%arg0, %dma_wait3A_640, %dma_wait3A_641] : memref<2x50176x32xf32, #tpu.memory_space<hbm>> -> memref<1x50176x32xf32, #tpu.memory_space<hbm>>
        %dma_wait3A_643 = tpu.memref_squeeze %dma_wait3A_642 : memref<1x50176x32xf32, #tpu.memory_space<hbm>> -> memref<50176x32xf32, #tpu.memory_space<hbm>>
        %dma_wait3A_644 = arith.constant 0 : i32
        %dma_wait3A_645 = tpu.memref_slice %dma_wait3A_643[%add3A_603, %dma_wait3A_644] : memref<50176x32xf32, #tpu.memory_space<hbm>> -> memref<64x32xf32, #tpu.memory_space<hbm>>
        tpu.wait_dma2 semaphore(%run_scoped3A : memref<!tpu.dma_semaphore, #tpu.memory_space<semaphore_mem>>) src(%arg11 : memref<64x32xf32, #tpu.memory_space<vmem>>) dst(%dma_wait3A_645 : memref<64x32xf32, #tpu.memory_space<hbm>>)
        tpu.yield
      }) : () -> ()
    }
    %scan3A_598 = arith.constant 49 : i32
    %barrier3A_599 = arith.constant 0 : index
    tpu.barrier barrier_id(%barrier3A_599)
    return
  }
}

module attributes {stable_mosaic.version = 14 : i64} {
  func.func @_prologue_body(%arg0: i32, %arg1: memref<3136x128xf32, #tpu.memory_space<vmem>>, %arg2: memref<64x128xf32, #tpu.memory_space<vmem>>, %arg3: memref<1x64xf32, #tpu.memory_space<vmem>>, %arg4: memref<3136x64xf32, #tpu.memory_space<vmem>>, %arg5: memref<2x3136x32xf32, #tpu.memory_space<vmem>>) attributes {dimension_semantics = [#tpu.dimension_semantics<arbitrary>], iteration_bounds = array<i64: 16>, scalar_prefetch = 0 : i64, scratch_operands = 0 : i64, tpu.core_type = #tpu.core_type<tc>, window_params = [{transform_indices = @transform_0, window_bounds = array<i64: 3136, 128>}, {pipeline_mode = #tpu.pipeline_mode<synchronous>, transform_indices = @transform_1, window_bounds = array<i64: 64, 128>}, {pipeline_mode = #tpu.pipeline_mode<synchronous>, transform_indices = @transform_2, window_bounds = array<i64: 1, 64>}, {transform_indices = @transform_3, window_bounds = array<i64: 3136, 64>}, {transform_indices = @transform_4, window_bounds = array<i64: 2, 3136, 32>}]} {
    %get3A = arith.constant 0 : index
    %get3A_0 = arith.constant 0 : index
    %get3A_1 = vector.load %arg1[%get3A, %get3A_0] : memref<3136x128xf32, #tpu.memory_space<vmem>>, vector<3136x128xf32>
    %get3A_2 = arith.constant 0 : index
    %get3A_3 = arith.constant 0 : index
    %get3A_4 = vector.load %arg2[%get3A_2, %get3A_3] : memref<64x128xf32, #tpu.memory_space<vmem>>, vector<64x128xf32>
    %dot_general3A = arith.constant dense<0.000000e+00> : vector<3136x64xf32>
    %dot_general3A_5 = tpu.matmul %get3A_1, %get3A_4, %dot_general3A {dimension_numbers = #tpu.dot_dimension_numbers<[1], [1], [0], [0], [0, 0, 1, 0], [], []>, transpose_lhs_hint = false} : vector<3136x128xf32>, vector<64x128xf32>, vector<3136x64xf32> -> vector<3136x64xf32>
    %get3A_6 = arith.constant 0 : index
    %get3A_7 = arith.constant 0 : index
    %get3A_8 = vector.load %arg3[%get3A_6, %get3A_7] : memref<1x64xf32, #tpu.memory_space<vmem>>, vector<1x64xf32>
    %add3A = vector.broadcast %get3A_8 : vector<1x64xf32> to vector<3136x64xf32>
    %add3A_9 = arith.addf %dot_general3A_5, %add3A : vector<3136x64xf32>
    %get3A_10 = arith.constant 0 : index
    %get3A_11 = arith.constant 0 : index
    %get3A_12 = vector.load %arg4[%get3A_10, %get3A_11] : memref<3136x64xf32, #tpu.memory_space<vmem>>, vector<3136x64xf32>
    %add3A_13 = arith.addf %add3A_9, %get3A_12 : vector<3136x64xf32>
    %slice3A = vector.extract_strided_slice %add3A_13 {offsets = [0, 0], sizes = [3136, 32], strides = [1, 1]} : vector<3136x64xf32> to vector<3136x32xf32>
    %swap3A = arith.constant 0 : index
    %swap3A_14 = arith.constant 0 : index
    %swap3A_15 = arith.constant 0 : index
    %swap3A_16 = vector.load %arg5[%swap3A, %swap3A_14, %swap3A_15] : memref<2x3136x32xf32, #tpu.memory_space<vmem>>, vector<1x3136x32xf32>
    %swap3A_17 = vector.shape_cast %swap3A_16 : vector<1x3136x32xf32> to vector<3136x32xf32>
    %swap3A_18 = vector.shape_cast %slice3A : vector<3136x32xf32> to vector<1x3136x32xf32>
    tpu.vector_store %arg5[%swap3A, %swap3A_14, %swap3A_15], %swap3A_18 {strides = array<i32>} : memref<2x3136x32xf32, #tpu.memory_space<vmem>>, vector<1x3136x32xf32>,
    %slice3A_19 = vector.extract_strided_slice %add3A_13 {offsets = [0, 32], sizes = [3136, 32], strides = [1, 1]} : vector<3136x64xf32> to vector<3136x32xf32>
    %swap3A_20 = arith.constant 1 : index
    %swap3A_21 = arith.constant 0 : index
    %swap3A_22 = arith.constant 0 : index
    %swap3A_23 = vector.load %arg5[%swap3A_20, %swap3A_21, %swap3A_22] : memref<2x3136x32xf32, #tpu.memory_space<vmem>>, vector<1x3136x32xf32>
    %swap3A_24 = vector.shape_cast %swap3A_23 : vector<1x3136x32xf32> to vector<3136x32xf32>
    %swap3A_25 = vector.shape_cast %slice3A_19 : vector<3136x32xf32> to vector<1x3136x32xf32>
    tpu.vector_store %arg5[%swap3A_20, %swap3A_21, %swap3A_22], %swap3A_25 {strides = array<i32>} : memref<2x3136x32xf32, #tpu.memory_space<vmem>>, vector<1x3136x32xf32>,
    return
  }
  func.func @transform_0(%arg0: i32) -> (i32, i32) {
    %c0_i32 = arith.constant 0 : i32
    %c0_i32_0 = arith.constant 0 : i32
    return %arg0, %c0_i32 : i32, i32
  }
  func.func @transform_1(%arg0: i32) -> (i32, i32) {
    %c0_i32 = arith.constant 0 : i32
    %c0_i32_0 = arith.constant 0 : i32
    %c0_i32_1 = arith.constant 0 : i32
    return %c0_i32, %c0_i32_0 : i32, i32
  }
  func.func @transform_2(%arg0: i32) -> (i32, i32) {
    %c0_i32 = arith.constant 0 : i32
    %c0_i32_0 = arith.constant 0 : i32
    %c0_i32_1 = arith.constant 0 : i32
    return %c0_i32, %c0_i32_0 : i32, i32
  }
  func.func @transform_3(%arg0: i32) -> (i32, i32) {
    %c0_i32 = arith.constant 0 : i32
    %c0_i32_0 = arith.constant 0 : i32
    return %arg0, %c0_i32 : i32, i32
  }
  func.func @transform_4(%arg0: i32) -> (i32, i32, i32) {
    %c0_i32 = arith.constant 0 : i32
    %c0_i32_0 = arith.constant 0 : i32
    %c0_i32_1 = arith.constant 0 : i32
    return %c0_i32, %arg0, %c0_i32_0 : i32, i32, i32
  }
}

</mosaic_0001>

<sc_bundles>
// kernel: kernel.4.cloned.1.call-start
scs
__scs_entry_jumppad:
0x0: {  	(pc) =	sbr.rel $0x88, $3  }
0x1: {  	(tag) =	ssettag $0x0;
	lr =	simm.s32 $0x1  }
0x2: {  	[smem:$0x3F9C] =	sst lr;
	_ =	strace $0xD0000000  }
0x3: {  	_ = 	snop  }
0x4: {  	_ = 	snop  }
0x5: {  	_ = 	snop  }
0x6: {  	_ = 	snop  }
0x7: {  	_ = 	snop  }
__scs_overlays_trampoline_lowered:
0x8: {  	[smem:$0x3FAB] =	sst s0  }
0x9: {  	[smem:$0x3FAC] =	sst s1  }
0xa: {  	[smem:$0x3FAD] =	sst s2  }
0xb: {  	[smem:$0x3FAE] =	sst s3  }
0xc: {  	[smem:$0x3FAF] =	sst s4  }
0xd: {  	[smem:$0x3FB0] =	sst s5  }
0xe: {  	[smem:$0x3FB1] =	sst s6  }
0xf: {  	[smem:$0x3FB2] =	sst s7  }
0x10: {  	[smem:$0x3FB3] =	sst s8  }
0x11: {  	[smem:$0x3FB4] =	sst s9;
	s0 =	simm.s32 @!p0 $0x0  }
0x12: {  	s1 =	sld [smem:$0x3F9A];
	s0 =	simm.s32 @p0 $0x1  }
0x13: {  	[smem:$0x3FB5] =	sst s0;
	s0 =	simm.s32 @!p1 $0x0  }
0x14: {  	s2 =	sld [smem:$0x3F99];
	s0 =	simm.s32 @p1 $0x1  }
0x15: {  	[smem:$0x3FB6] =	sst s0;
	s0 =	simm.s32 @!p2 $0x0  }
0x16: {  	s3 =	sld [smem:$0x3FDB];
	s0 =	simm.s32 @p2 $0x1  }
0x17: {  	s4 =	simm.s32 $0x1BF5;
	[smem:$0x3FB8] =	sst s0  }
0x18: {  	s0 =	sld [smem:$0x3F9B];
	_ =	swait.ge [sflag:s4], $0x0  }
0x19: {  	s7 =	sld [smem:$0x3F9C]  }
0x1a: {  	s8 =	sadd.s32 $0xFFFFE003, lr  }
0x1b: {  	s9 =	sadd.s32 $0xFFFFFEF7, lr;
	s5 =	simm.s32 $0xFFFFFFFF;
	p2 =	slt.u32 s8, $0xFFFFF086  }
0x1c: {  	p1 =	slt.u32 s9, $0xF7A;
	s5 =	simm.s32 @!p2 $0x0  }
0x1d: {  	s5 =	simm.s32 @p1 $0x1;
	p0 =	seq.s32 s7, s2  }
0x1e: {  	s7 =	smul.u32 @!p0 $0xF7A, s2;
	p2 =	seq.s32 @!p0 s5, $0x0  }
0x1f: {  	s9 =	smul.u32 $0xF7A, s1;
	s8 =	simm.s32 @!p0 $0x1BF5;
	p2 =	por !p2, p0  }
0x20: {  	[sflag:s8] =	ssyncset.s32 @!p0 $0xFFFFF086;
	s6 =	sadd.s32 @!p0 s3, s7;
	s7 =	simm.s32 @!p0 $0x108  }
0x21: {  	s3 =	sadd.s32 s3, s9;
	s6 =	sadd.s32 @!p0 $0x88, s6;
	s7 =	simm.s32 @p2 $0x1082  }
0x22: {  	[simem:s7], [sflag:s8] =	dma.local @!p0 [hbm:s6], $0xF7A  }
0x23: {  	s9 =	sor.u32 $0xD0000000, s2;
	s6 =	simm.s32 $0x108;
	_ =	swait.ge @!p0 [sflag:s8], $0x0  }
0x24: {  	s3 =	sadd.s32 $0x88, s3;
	s6 =	simm.s32 @!p1 $0x1082;
	[sflag:s4] =	ssyncset.s32 $0xFFFFF086  }
0x25: {  	[simem:s6], [sflag:s4] =	dma.local [hbm:s3], $0xF7A  }
0x26: {  	[smem:$0x3F9C] =	sst s1;
	(tag) =	ssettag s2;
	_ =	strace s9  }
0x27: {  	s1 =	sld [smem:$0x3FAC]  }
0x28: {  	s2 =	sld [smem:$0x3FAD]  }
0x29: {  	s4 =	sld [smem:$0x3FAF]  }
0x2a: {  	p0 =	seq.s32 s5, $0x0;
	s5 =	sld [smem:$0x3FB0]  }
0x2b: {  	s6 =	sld [smem:$0x3FB1]  }
0x2c: {  	s7 =	sld [smem:$0x3FB2]  }
0x2d: {  	s3 =	simm.s32 $0x108;
	s8 =	sld [smem:$0x3FB3]  }
0x2e: {  	s3 =	simm.s32 @!p0 $0x1082;
	s9 =	sld [smem:$0x3FB4]  }
0x2f: {  	lr =	sadd.s32 s0, s3;
	s0 =	sld [smem:$0x3FAB]  }
0x30: {  	s3 =	sld [smem:$0x3FAE]  }
0x31: {  	[smem:$0x3FB7] =	sst s10  }
0x32: {  	s10 =	sld [smem:$0x3FB5];
	_ =	sdelay $0x3  }
0x33: {  	p0 =	seq.s32 s10, $0x1;
	s10 =	sld [smem:$0x3FB7];
	_ =	sdelay $0x3  }
0x34: {  	[smem:$0x3FB7] =	sst s10  }
0x35: {  	s10 =	sld [smem:$0x3FB6];
	_ =	sdelay $0x3  }
0x36: {  	p1 =	seq.s32 s10, $0x1;
	s10 =	sld [smem:$0x3FB7];
	_ =	sdelay $0x3  }
0x37: {  	[smem:$0x3FB7] =	sst s10  }
0x38: {  	s10 =	sld [smem:$0x3FB8]  }
0x39: {  	_ = 	snop;
	(pc) =	sbr.ind lr, $3  }
0x3a: {  	_ = 	snop  }
0x3b: {  	_ = 	snop  }
0x3c: {  	p2 =	seq.s32 s10, $0x1;
	s10 =	sld [smem:$0x3FB7]  }
0x3d: {  	_ =	shalt  }
0x3e: {  	_ =	shalt  }
0x3f: {  	_ =	shalt  }
0x40: {  	_ =	shalt  }
0x41: {  	_ =	shalt  }
0x42: {  	_ =	shalt  }
0x43: {  	_ =	shalt  }
0x44: {  	_ =	shalt  }
0x45: {  	_ =	shalt  }
0x46: {  	_ =	shalt  }
0x47: {  	_ =	shalt  }
0x48: {  	_ =	shalt  }
0x49: {  	_ =	shalt  }
0x4a: {  	_ =	shalt  }
0x4b: {  	_ =	shalt  }
0x4c: {  	_ =	shalt  }
0x4d: {  	_ =	shalt  }
0x4e: {  	_ =	shalt  }
0x4f: {  	_ =	shalt  }
0x50: {  	_ =	shalt  }
0x51: {  	_ =	shalt  }
0x52: {  	_ =	shalt  }
0x53: {  	_ =	shalt  }
0x54: {  	_ =	shalt  }
0x55: {  	_ =	shalt  }
0x56: {  	_ =	shalt  }
0x57: {  	_ =	shalt  }
0x58: {  	_ =	shalt  }
0x59: {  	_ =	shalt  }
0x5a: {  	_ =	shalt  }
0x5b: {  	_ =	shalt  }
0x5c: {  	_ =	shalt  }
0x5d: {  	_ =	shalt  }
0x5e: {  	_ =	shalt  }
0x5f: {  	_ =	shalt  }
0x60: {  	_ =	shalt  }
0x61: {  	_ =	shalt  }
0x62: {  	_ =	shalt  }
0x63: {  	_ =	shalt  }
0x64: {  	_ =	shalt  }
0x65: {  	_ =	shalt  }
0x66: {  	_ =	shalt  }
0x67: {  	_ =	shalt  }
0x68: {  	_ =	shalt  }
0x69: {  	_ =	shalt  }
0x6a: {  	_ =	shalt  }
0x6b: {  	_ =	shalt  }
0x6c: {  	_ =	shalt  }
0x6d: {  	_ =	shalt  }
0x6e: {  	_ =	shalt  }
0x6f: {  	_ =	shalt  }
0x70: {  	_ =	shalt  }
0x71: {  	_ =	shalt  }
0x72: {  	_ =	shalt  }
0x73: {  	_ =	shalt  }
0x74: {  	_ =	shalt  }
0x75: {  	_ =	shalt  }
0x76: {  	_ =	shalt  }
0x77: {  	_ =	shalt  }
0x78: {  	_ =	shalt  }
0x79: {  	_ =	shalt  }
0x7a: {  	_ =	shalt  }
0x7b: {  	_ =	shalt  }
0x7c: {  	_ =	shalt  }
0x7d: {  	_ =	shalt  }
0x7e: {  	_ =	shalt  }
0x7f: {  	_ =	shalt  }
0x80: {  	_ =	shalt  }
0x81: {  	_ =	shalt  }
0x82: {  	_ =	shalt  }
0x83: {  	_ =	shalt  }
0x84: {  	_ =	shalt  }
0x85: {  	_ =	shalt  }
0x86: {  	_ =	shalt  }
0x87: {  	_ =	shalt  }
.Lfunc_end0:
.L_simem_size_0:
called_computation_lowered:
.L_overlay_start_0:
0x88: {  	s2 =	sld [smem:$0x3FD9]  }
0x89: {  	s3 =	sld [smem:$0x3FFE];
	_ =	sdelay $0x1  }
0x8a: {  	s1 =	srdreg.scid  }
0x8b: {  	s0 =	sand.u32 $0x1, s1  }
0x8c: {  	s17 =	sshll.u32 s0, $0xA;
	s2 =	sadd.s32 s3, s2  }
0x8d: {  	s2 =	sadd.s32 s2, s17  }
0x8e: {  	[smem:$0x3FC3] =	sst s2  }
0x8f: {  	_ = 	snop  }
0x90: {  	s2 =	sld [smem:$0x3FD0];
	(tm) =	ssettm $0x1  }
0x91: {  	s18 =	sld [smem:$0x3FFB];
	_ =	sdelay $0x3  }
0x92: {  	_ =	strace s18  }
0x93: {  	s3 =	sld [smem:$0x3FFC];
	_ =	sdelay $0x3  }
0x94: {  	_ =	strace s3  }
0x95: {  	s3 =	sld [smem:$0x3FFD];
	_ =	sdelay $0x3  }
0x96: {  	_ =	strace s3  }
0x97: {  	_ =	strace $0x8FFFFFFF  }
0x98: {  	s19 =	sld [smem:$0x3FDB];
	_ =	sdelay $0x1  }
0x99: {  	s4 =	simm.s32 $_scs_section_size  }
0x9a: {  	s5 =	simm.s32 $_size__tile_overlayer_lowered;
	s6 =	simm.s32 $_tile_overlayer_lowered  }
0x9b: {  	s22 =	simm.s32 $0x1BFF;
	s21 =	sshll.u32 s6, $0x1;
	s3 =	sadd.s32 s4, s19  }
0x9c: {  	s7 =	simm.s32 $0x0;
	s20 =	sshll.u32 s5, $0x1;
	s5 =	sadd.s32 s21, s3  }
0x9d: {  	[timem:s7], [sflag:s22] =	dma.local [hbm:s5], s20  }
0x9e: {  	_ =	swait.ge [sflag:s22], s20  }
0x9f: {  	s4 =	ssub.s32 $0x0, s20;
	[sflag:s22] =	ssyncset.done $0x0  }
0xa0: {  	[sflag:s22] =	ssyncadd.s32 s4;
	_ =	sdelay $0x1  }
0xa1: {  	s23 =	simm.s32 $0x1B8B  }
0xa2: {  	_ =	swait.ge [sflag:s23], $0x1  }
0xa3: {  	[sflag:s23] =	ssyncset.done $0x0  }
0xa4: {  	s25 =	simm.s32 $0x1B8E;
	s24 =	sld [smem:$0x3FFE];
	[sflag:s23] =	ssyncadd.s32 $0xFFFFFFFF  }
0xa5: {  	s26 =	simm.s32 $execute0_lowered;
	[smem:$0x3FD2] =	sst s25  }
0xa6: {  	s5 =	sshll.u32 s26, $0x1;
	_ =	strace $0x80000046;
	[dreg:$0x1] =	wrdreg $0xFFFFFFFF  }
0xa7: {  	s28 =	simm.s32 $_size_execute0_lowered;
	s3 =	sadd.s32 s3, s5;
	[dreg:$0x0] =	wrdreg $0x0  }
0xa8: {  	s5 =	sshll.u32 s28, $0x1;
	[dreg:$0x2] =	wrdreg s3  }
0xa9: {  	[dreg:$0x3] =	wrdreg s5  }
0xaa: {  	[dreg:$0x4] =	wrdreg $0xC0  }
0xab: {  	_ =	task [dreg:s7], $0x5FFFF  }
0xac: {  	[dreg:$0x1] =	wrdreg $0xFFFFFFFF  }
0xad: {  	[dreg:$0x0] =	wrdreg $0x60  }
0xae: {  	[dreg:$0x2] =	wrdreg s2  }
0xaf: {  	[dreg:$0x3] =	wrdreg s24  }
0xb0: {  	[dreg:$0x4] =	wrdreg $0x69700  }
0xb1: {  	[dreg:$0x5] =	wrdreg $0x1F1700  }
0xb2: {  	[dreg:$0x6] =	wrdreg $0x9  }
0xb3: {  	_ =	task.clear_ibuf [dreg:s7], $0x7FFFF;
	_ =	strace $0x90000046  }
0xb4: {  	s29 =	simm.s32 $0x9;
	_ =	strace $0x80000048  }
0xb5: {  	_ =	swait.ge [sflag:s29], $0x1  }
0xb6: {  	[sflag:s29] =	ssyncadd.s32 $0xFFFFFFFF  }
0xb7: {  	_ =	strace $0x90000048  }
0xb8: {  	_ =	sfence  }
0xb9: {  	s30 =	sld [smem:$0x0];
	_ =	sdelay $0x2  }
0xba: {  	s31 =	sshll.u32 s1, $0xD;
	s1 =	sshrl.u32 s1, $0x2  }
0xbb: {  	s3 =	sand.u32 $0x4000, s31;
	s1 =	sadd.s32 s1, s30  }
0xbc: {  	s0 =	sor.u32 s3, s0;
	s1 =	sshll.u32 s1, $0x11  }
0xbd: {  	s0 =	sor.u32 s1, s0  }
0xbe: {  	s0 =	sadd.s32 $0x8F2B, s0  }
0xbf: {  	[sflag:s0] =	ssyncadd.remote.s32 $0x1  }
0xc0: {  	_ =	sfence.sel $0xFFFF  }
0xc1: {  	[dreg:$0x0] =	wrdreg $0xFFFFFFFF;
	(pc) =	sbr.abs _section_cstart, $3  }
0xc2: {  	[dreg:$0x1] =	wrdreg $0xFFFFFFFF  }
0xc3: {  	_ =	task.clear_ibuf [dreg:s7], $0x2FFFF;
	_ =	strace $0x9FFFFFFF  }
0xc4: {  	(tm) =	ssettm $0x7FFFFFFF  }
0xc5: {  	_ =	shalt  }
tec
execute0_lowered:
.L_overlay_start_1:
0x0: {  	(tag) =	ssettag $0x1  }
0x1: {  	s0 =	rddreg [dreg:$0x0]  }
0x2: {  	s2 =	rddreg [dreg:$0x1]  }
0x3: {  	s1 =	rddreg [dreg:$0x2]  }
0x4: {  	s3 =	rddreg [dreg:$0x3];
	s4 =	simm.s32 $0x0  }
0x5: {  	s9 =	stileid.u32;
	s5 =	srdreg.scid;
	s28 =	simm.s32 $0x70  }
0x6: {  	s30 =	simm.s32 $0x4;
	s14 =	simm.s32 $0xE0;
	s6 =	smul.u32 $0xC350, s9  }
0x7: {  	s16 =	simm.s32 $0x150;
	s12 =	simm.s32 $0x1;
	s10 =	smul.u32 $0xC40, s9  }
0x8: {  	s31 =	simm.s32 $0x2E60;
	s13 =	simm.s32 $0x3;
	s21 =	smul.u32 $0x3100, s9  }
0x9: {  	[smem:$0x7FF] =	sst s4;
	s5 =	sand.u32 $0x1, s5;
	s23 =	smul.u32 $0x62000, s9  }
0xa: {  	s26 =	smul.u32 $0x186A, s9;
	s9 =	simm.s32 $0x3C60;
	_ =	strace $0x80000047  }
0xb: {  	s7 =	smul.u32 $0x31000, s5;
	s5 =	ssub.s32 $0x2, s5;
	s6 =	sshrl.u32 s6, $0x3  }
0xc: {  	s8 =	sshrl.u32 s5, $0x1;
	[dreg:$0x5] =	wrdreg s10;
	s15 =	sadd.s32 s10, s3  }
0xd: {  	s24 =	sshrl.u32 s21, $0x2;
	s25 =	sshrl.u32 s23, $0x2;
	s17 =	sadd.s32 s26, s0  }
0xe: {  	s21 =	simm.s32 $0x230;
	s29 =	sadd.s32 s25, s1;
	[dreg:$0x8] =	wrdreg s15  }
0xf: {  	s6 =	sadd.s32 s0, s6;
	s18 =	sadd.s32 s24, s3;
	[dreg:$0xf] =	wrdreg s29  }
0x10: {  	s23 =	simm.s32 $0x310;
	s19 =	sadd.s32 $0x19EF6, s6;
	[dreg:$0xe] =	wrdreg s18  }
0x11: {  	s2 =	sadd.s32 s7, s2;
	s20 =	sadd.s32 $0x19F04, s6;
	[dreg:$0x6] =	wrdreg s19  }
0x12: {  	s26 =	simm.s32 $0x2;
	s22 =	sadd.s32 $0x1600, s2;
	[dreg:$0x7] =	wrdreg s20  }
0x13: {  	s5 =	ssub.s32 s5, s8;
	s11 =	sadd.s32 $0x1856, s6;
	[dreg:$0x9] =	wrdreg s22  }
0x14: {  	s24 =	simm.s32 $0x380;
	s6 =	sadd.s32 $0x1864, s6;
	[dreg:$0xa] =	wrdreg s11  }
0x15: {  	s10 =	sadd.s32 $0x63600, s2;
	s2 =	sadd.s32 $0xC5600, s2;
	[dreg:$0xb] =	wrdreg s6  }
0x16: {  	s25 =	simm.s32 $0x3F0;
	s5 =	smax.u32 s5, $0x1;
	[dreg:$0xc] =	wrdreg s2  }
0x17: {  	s0 =	simm.s32 $0x460;
	s7 =	simm.s32 $0x2060;
	[dreg:$0xd] =	wrdreg s5  }
0x18: {  	s19 =	simm.s32 $0x5;
	s20 =	simm.s32 $0x5AD0;
	s22 =	simm.s32 $0x2A0  }
0x19: {  	v0 =	vimm.f32 $0.0e+00;
	v1 =	vimm.f32 $1.000000000e+00;
	s11 =	simm.s32 $0x1C0;
	s6 =	simm.s32 $0x1260;
	s5 =	simm.s32 $0x0  }
.LBB2_1:
0x1a: {  	[dreg:$0x10] =	wrdreg s5;
	s2 =	simm.s32 $0x80;
	s5 =	simm.s32 $0x0  }
.LBB2_2:
0x1b: {  	p0 =	sne.s32 s2, $0x1F80;
	[tilespmem:s5+$0x5B10] =	vst v0;
	s8 =	smov.u32 s2;
	s2 =	sadd.s32 $0x80, s2  }
.Ltmp0:
0x1c: {  	[tilespmem:s5+$0x5B20] =	vst v0;
	(pc) =	sbr.rel @p0 .LBB2_2-.Ltmp0, $2  }
0x1d: {  	_ =	sdelay $0x2  }
0x1e: {  	s5 =	sshra.s32 s8, $0x2  }
0x1f: {  	[tilespmem:s5+$0x5B10] =	vst v0  }
0x20: {  	[tilespmem:s5+$0x5B20] =	vst v0  }
0x21: {  	[tilespmem:$0x5AD0] =	vst v0  }
0x22: {  	[tilespmem:$0x5AE0] =	vst v0  }
0x23: {  	[tilespmem:$0x5AF0] =	vst v0  }
0x24: {  	[tilespmem:$0x5B00] =	vst v0  }
0x25: {  	[tilespmem:$0x4A60] =	vst v1  }
0x26: {  	[tilespmem:$0x4A70] =	vst v1  }
0x27: {  	[tilespmem:$0x4A80] =	vst v1  }
0x28: {  	[tilespmem:$0x4A90] =	vst v1  }
0x29: {  	[tilespmem:$0x4AA0] =	vst v1  }
0x2a: {  	[tilespmem:$0x4AB0] =	vst v1  }
0x2b: {  	s5 =	rddreg [dreg:$0xf];
	s15 =	simm.s32 $0x5B10;
	[tilespmem:$0x4AC0] =	vst v1  }
0x2c: {  	[spmem:s5] =	stream.linear.scatter [tilespmem:s15], [sflag:$0x5], $0x800, $0x38;
	[tilespmem:$0x1FDB0] =	vst v63  }
0x2d: {  	_ =	swait.ge [sflag:s19], $0x800  }
0x2e: {  	[sflag:s19] =	ssyncset.done $0x0  }
0x2f: {  	s2 =	sadd.s32 $0x0, s18;
	[sflag:s19] =	ssyncadd.s32 $0xFFFFF800  }
0x30: {  	[spmem:s2] =	stream.linear.scatter [tilespmem:s20], [sflag:$0x5], $0x40, $0x38;
	[tilespmem:$0x1FDB0] =	vst v63  }
0x31: {  	_ =	swait.ge [sflag:s19], $0x40  }
0x32: {  	s2 =	simm.s32 $0x100;
	[sflag:s19] =	ssyncset.done $0x0  }
.LBB2_4:
0x33: {  	p0 =	sne.s32 s2, $0x3000;
	[sflag:s19] =	ssyncadd.s32 $0xFFFFFFC0;
	s5 =	sadd.s32 $0x800, s5  }
0x34: {  	[spmem:s5] =	stream.linear.scatter [tilespmem:s15], [sflag:$0x5], $0x800, $0x38;
	[tilespmem:$0x1FDB0] =	vst v63  }
0x35: {  	s8 =	smov.u32 s2;
	s2 =	sadd.s32 $0x100, s2;
	_ =	swait.ge [sflag:s19], $0x800  }
.Ltmp1:
0x36: {  	s8 =	sshra.s32 s8, $0x2;
	[sflag:s19] =	ssyncset.done $0x0;
	(pc) =	sbr.rel @p0 .LBB2_4-.Ltmp1, $4  }
0x37: {  	s8 =	sadd.s32 s8, s18;
	[sflag:s19] =	ssyncadd.s32 $0xFFFFF800  }
0x38: {  	[spmem:s8] =	stream.linear.scatter [tilespmem:s20], [sflag:$0x5], $0x40, $0x38;
	[tilespmem:$0x1FDB0] =	vst v63  }
0x39: {  	_ =	swait.ge [sflag:s19], $0x40  }
0x3a: {  	[sflag:s19] =	ssyncset.done $0x0  }
0x3b: {  	[sflag:s19] =	ssyncadd.s32 $0xFFFFFFC0;
	s2 =	sadd.s32 $0x0, s17  }
0x3c: {  	[bflag:$0x0] =	sbarrier.arrive $0xFFFF;
	s5 =	sadd.s32 $0x186A0, s2  }
0x3d: {  	[tilespmem:s21], [sflag:$0x2] =	stream.linear.gather [hbm4b:s5+s4], $0x70, $0x38;
	[tilespmem:$0x1FDB0] =	vst v63  }
0x3e: {  	s8 =	sadd.s32 $0x186AE, s2  }
0x3f: {  	[tilespmem:s22], [sflag:$0x2] =	stream.linear.gather [hbm4b:s8+s4], $0x70, $0x38;
	[tilespmem:$0x1FDB0] =	vst v63  }
0x40: {  	s15 =	sadd.s32 $0x186BC, s2  }
0x41: {  	[tilespmem:s23], [sflag:$0x2] =	stream.linear.gather [hbm4b:s15+s4], $0x70, $0x38;
	[tilespmem:$0x1FDB0] =	vst v63  }
0x42: {  	s18 =	sadd.s32 $0x186CA, s2  }
0x43: {  	[tilespmem:s24], [sflag:$0x2] =	stream.linear.gather [hbm4b:s18+s4], $0x70, $0x38;
	[tilespmem:$0x1FDB0] =	vst v63  }
0x44: {  	s2 =	sadd.s32 $0x186D8, s2  }
0x45: {  	[tilespmem:s25], [sflag:$0x2] =	stream.linear.gather [hbm4b:s2+s4], $0x70, $0x38;
	[tilespmem:$0x1FDB0] =	vst v63  }
0x46: {  	_ =	swait.ge [sflag:s26], $0x70  }
0x47: {  	[sflag:s26] =	ssyncset.done $0x0  }
0x48: {  	s29 =	simm.s32 $0x4A60;
	[sflag:s26] =	ssyncadd.s32 $0xFFFFFF90  }
0x49: {  	[spmem:s3] =	stream.indirect.scatter.add.f32 [tilespmem:s29], [sflag:$0x4], $0x1, s21, s28, $0xb8;
	[tilespmem:$0x1FDB0] =	vst v63  }
0x4a: {  	_ =	swait.ge [sflag:s26], $0x70  }
0x4b: {  	[sflag:s26] =	ssyncset.done $0x0  }
0x4c: {  	[sflag:s26] =	ssyncadd.s32 $0xFFFFFF90  }
0x4d: {  	[spmem:s3] =	stream.indirect.scatter.add.f32 [tilespmem:s29], [sflag:$0x4], $0x1, s22, s28, $0xb8;
	[tilespmem:$0x1FDB0] =	vst v63  }
0x4e: {  	_ =	swait.ge [sflag:s26], $0x70  }
0x4f: {  	[sflag:s26] =	ssyncset.done $0x0  }
0x50: {  	[sflag:s26] =	ssyncadd.s32 $0xFFFFFF90  }
0x51: {  	[spmem:s3] =	stream.indirect.scatter.add.f32 [tilespmem:s29], [sflag:$0x4], $0x1, s23, s28, $0xb8;
	[tilespmem:$0x1FDB0] =	vst v63  }
0x52: {  	_ =	swait.ge [sflag:s26], $0x70  }
0x53: {  	[sflag:s26] =	ssyncset.done $0x0  }
0x54: {  	[sflag:s26] =	ssyncadd.s32 $0xFFFFFF90  }
0x55: {  	[spmem:s3] =	stream.indirect.scatter.add.f32 [tilespmem:s29], [sflag:$0x4], $0x1, s24, s28, $0xb8;
	[tilespmem:$0x1FDB0] =	vst v63  }
0x56: {  	_ =	swait.ge [sflag:s26], $0x70  }
0x57: {  	[sflag:s26] =	ssyncset.done $0x0  }
0x58: {  	[sflag:s26] =	ssyncadd.s32 $0xFFFFFF90  }
0x59: {  	[spmem:s3] =	stream.indirect.scatter.add.f32 [tilespmem:s29], [sflag:$0x4], $0x1, s25, s28, $0xb8;
	[tilespmem:$0x1FDB0] =	vst v63  }
0x5a: {  	_ =	swait.ge [sflag:s30], $0x70  }
0x5b: {  	[sflag:s30] =	ssyncset.done $0x0  }
0x5c: {  	[sflag:s30] =	ssyncadd.s32 $0xFFFFFF90  }
0x5d: {  	_ =	swait.ge [sflag:s30], $0x70  }
0x5e: {  	[sflag:s30] =	ssyncset.done $0x0  }
0x5f: {  	[sflag:s30] =	ssyncadd.s32 $0xFFFFFF90  }
0x60: {  	_ =	swait.ge [sflag:s30], $0x70  }
0x61: {  	[sflag:s30] =	ssyncset.done $0x0  }
0x62: {  	[sflag:s30] =	ssyncadd.s32 $0xFFFFFF90  }
0x63: {  	_ =	swait.ge [sflag:s30], $0x70  }
0x64: {  	[sflag:s30] =	ssyncset.done $0x0  }
0x65: {  	[sflag:s30] =	ssyncadd.s32 $0xFFFFFF90  }
0x66: {  	_ =	swait.ge [sflag:s30], $0x70  }
0x67: {  	s8 =	sadd.s32 $0x46, s17;
	s15 =	simm.s32 $0x8C;
	[sflag:s30] =	ssyncset.done $0x0  }
.LBB2_6:
0x68: {  	s18 =	sadd.s32 $0x186A0, s8  }
0x69: {  	[sflag:s30] =	ssyncadd.s32 $0xFFFFFF90;
	s5 =	smov.u32 s15;
	s2 =	sadd.s32 $0x46, s15  }
0x6a: {  	[tilespmem:s21], [sflag:$0x2] =	stream.linear.gather [hbm4b:s18+s4], $0x70, $0x38;
	[tilespmem:$0x1FDB0] =	vst v63  }
0x6b: {  	s18 =	simm.s32 $0x4A60  }
0x6c: {  	p0 =	sne.s32 s15, $0x1810;
	s15 =	sadd.s32 $0x186AE, s8  }
0x6d: {  	[tilespmem:s22], [sflag:$0x2] =	stream.linear.gather [hbm4b:s15+s4], $0x70, $0x38;
	[tilespmem:$0x1FDB0] =	vst v63  }
0x6e: {  	s15 =	sadd.s32 $0x186BC, s8  }
0x6f: {  	[tilespmem:s23], [sflag:$0x2] =	stream.linear.gather [hbm4b:s15+s4], $0x70, $0x38;
	[tilespmem:$0x1FDB0] =	vst v63  }
0x70: {  	s15 =	sadd.s32 $0x186CA, s8  }
0x71: {  	[tilespmem:s24], [sflag:$0x2] =	stream.linear.gather [hbm4b:s15+s4], $0x70, $0x38;
	[tilespmem:$0x1FDB0] =	vst v63  }
0x72: {  	s8 =	sadd.s32 $0x186D8, s8  }
0x73: {  	[tilespmem:s25], [sflag:$0x2] =	stream.linear.gather [hbm4b:s8+s4], $0x70, $0x38;
	[tilespmem:$0x1FDB0] =	vst v63  }
0x74: {  	_ =	swait.ge [sflag:s26], $0x70  }
0x75: {  	[sflag:s26] =	ssyncset.done $0x0  }
0x76: {  	[sflag:s26] =	ssyncadd.s32 $0xFFFFFF90  }
0x77: {  	[spmem:s3] =	stream.indirect.scatter.add.f32 [tilespmem:s18], [sflag:$0x4], $0x1, s21, s28, $0xb8;
	[tilespmem:$0x1FDB0] =	vst v63  }
0x78: {  	_ =	swait.ge [sflag:s26], $0x70  }
0x79: {  	[sflag:s26] =	ssyncset.done $0x0  }
0x7a: {  	[sflag:s26] =	ssyncadd.s32 $0xFFFFFF90  }
0x7b: {  	[spmem:s3] =	stream.indirect.scatter.add.f32 [tilespmem:s18], [sflag:$0x4], $0x1, s22, s28, $0xb8;
	[tilespmem:$0x1FDB0] =	vst v63  }
0x7c: {  	_ =	swait.ge [sflag:s26], $0x70  }
0x7d: {  	[sflag:s26] =	ssyncset.done $0x0  }
0x7e: {  	[sflag:s26] =	ssyncadd.s32 $0xFFFFFF90  }
0x7f: {  	[spmem:s3] =	stream.indirect.scatter.add.f32 [tilespmem:s18], [sflag:$0x4], $0x1, s23, s28, $0xb8;
	[tilespmem:$0x1FDB0] =	vst v63  }
0x80: {  	_ =	swait.ge [sflag:s26], $0x70  }
0x81: {  	[sflag:s26] =	ssyncset.done $0x0  }
0x82: {  	[sflag:s26] =	ssyncadd.s32 $0xFFFFFF90  }
0x83: {  	[spmem:s3] =	stream.indirect.scatter.add.f32 [tilespmem:s18], [sflag:$0x4], $0x1, s24, s28, $0xb8;
	[tilespmem:$0x1FDB0] =	vst v63  }
0x84: {  	_ =	swait.ge [sflag:s26], $0x70  }
0x85: {  	[sflag:s26] =	ssyncset.done $0x0  }
0x86: {  	[sflag:s26] =	ssyncadd.s32 $0xFFFFFF90  }
0x87: {  	[spmem:s3] =	stream.indirect.scatter.add.f32 [tilespmem:s18], [sflag:$0x4], $0x1, s25, s28, $0xb8;
	[tilespmem:$0x1FDB0] =	vst v63  }
0x88: {  	_ =	swait.ge [sflag:s30], $0x70  }
0x89: {  	[sflag:s30] =	ssyncset.done $0x0  }
0x8a: {  	[sflag:s30] =	ssyncadd.s32 $0xFFFFFF90  }
0x8b: {  	_ =	swait.ge [sflag:s30], $0x70  }
0x8c: {  	[sflag:s30] =	ssyncset.done $0x0  }
0x8d: {  	[sflag:s30] =	ssyncadd.s32 $0xFFFFFF90  }
0x8e: {  	_ =	swait.ge [sflag:s30], $0x70  }
0x8f: {  	[sflag:s30] =	ssyncset.done $0x0  }
0x90: {  	[sflag:s30] =	ssyncadd.s32 $0xFFFFFF90  }
.Ltmp2:
0x91: {  	_ =	swait.ge [sflag:s30], $0x70;
	(pc) =	sbr.rel @p0 .LBB2_6-.Ltmp2, $4  }
0x92: {  	[sflag:s30] =	ssyncset.done $0x0  }
0x93: {  	[sflag:s30] =	ssyncadd.s32 $0xFFFFFF90  }
0x94: {  	_ =	swait.ge [sflag:s30], $0x70  }
0x95: {  	s15 =	smov.u32 s2;
	s8 =	sadd.s32 s5, s17;
	[sflag:s30] =	ssyncset.done $0x0  }
0x96: {  	s2 =	sadd.s32 $0x186A0, s8;
	[sflag:s30] =	ssyncadd.s32 $0xFFFFFF90  }
0x97: {  	[tilespmem:s21], [sflag:$0x2] =	stream.linear.gather [hbm4b:s2+s4], $0x70, $0x38;
	[tilespmem:$0x1FDB0] =	vst v63  }
0x98: {  	s15 =	sadd.s32 $0x186AE, s8  }
0x99: {  	[tilespmem:s22], [sflag:$0x2] =	stream.linear.gather [hbm4b:s15+s4], $0x70, $0x38;
	[tilespmem:$0x1FDB0] =	vst v63  }
0x9a: {  	s29 =	sadd.s32 $0x186BC, s8  }
0x9b: {  	[tilespmem:s23], [sflag:$0x2] =	stream.linear.gather [hbm4b:s29+s4], $0x70, $0x38;
	[tilespmem:$0x1FDB0] =	vst v63  }
0x9c: {  	s5 =	sadd.s32 $0x186CA, s8  }
0x9d: {  	[tilespmem:s24], [sflag:$0x2] =	stream.linear.gather [hbm4b:s5+s4], $0x70, $0x38;
	[tilespmem:$0x1FDB0] =	vst v63  }
0x9e: {  	s15 =	sadd.s32 $0x186D8, s8  }
0x9f: {  	[tilespmem:s25], [sflag:$0x2] =	stream.linear.gather [hbm4b:s15+s4], $0x70, $0x38;
	[tilespmem:$0x1FDB0] =	vst v63  }
0xa0: {  	_ =	swait.ge [sflag:s26], $0x70  }
0xa1: {  	[sflag:s26] =	ssyncset.done $0x0  }
0xa2: {  	[sflag:s26] =	ssyncadd.s32 $0xFFFFFF90  }
0xa3: {  	[spmem:s3] =	stream.indirect.scatter.add.f32 [tilespmem:s18], [sflag:$0x4], $0x1, s21, s28, $0xb8;
	[tilespmem:$0x1FDB0] =	vst v63  }
0xa4: {  	_ =	swait.ge [sflag:s26], $0x70  }
0xa5: {  	[sflag:s26] =	ssyncset.done $0x0  }
0xa6: {  	[sflag:s26] =	ssyncadd.s32 $0xFFFFFF90  }
0xa7: {  	[spmem:s3] =	stream.indirect.scatter.add.f32 [tilespmem:s18], [sflag:$0x4], $0x1, s22, s28, $0xb8;
	[tilespmem:$0x1FDB0] =	vst v63  }
0xa8: {  	_ =	swait.ge [sflag:s26], $0x70  }
0xa9: {  	[sflag:s26] =	ssyncset.done $0x0  }
0xaa: {  	[sflag:s26] =	ssyncadd.s32 $0xFFFFFF90  }
0xab: {  	[spmem:s3] =	stream.indirect.scatter.add.f32 [tilespmem:s18], [sflag:$0x4], $0x1, s23, s28, $0xb8;
	[tilespmem:$0x1FDB0] =	vst v63  }
0xac: {  	_ =	swait.ge [sflag:s26], $0x70  }
0xad: {  	[sflag:s26] =	ssyncset.done $0x0  }
0xae: {  	[sflag:s26] =	ssyncadd.s32 $0xFFFFFF90  }
0xaf: {  	[spmem:s3] =	stream.indirect.scatter.add.f32 [tilespmem:s18], [sflag:$0x4], $0x1, s24, s28, $0xb8;
	[tilespmem:$0x1FDB0] =	vst v63  }
0xb0: {  	_ =	swait.ge [sflag:s26], $0x70  }
0xb1: {  	[sflag:s26] =	ssyncset.done $0x0  }
0xb2: {  	[sflag:s26] =	ssyncadd.s32 $0xFFFFFF90  }
0xb3: {  	[spmem:s3] =	stream.indirect.scatter.add.f32 [tilespmem:s18], [sflag:$0x4], $0x1, s25, s28, $0xb8;
	[tilespmem:$0x1FDB0] =	vst v63  }
0xb4: {  	_ =	swait.ge [sflag:s30], $0x70  }
0xb5: {  	[sflag:s30] =	ssyncset.done $0x0  }
0xb6: {  	[sflag:s30] =	ssyncadd.s32 $0xFFFFFF90  }
0xb7: {  	_ =	swait.ge [sflag:s30], $0x70  }
0xb8: {  	[sflag:s30] =	ssyncset.done $0x0  }
0xb9: {  	[sflag:s30] =	ssyncadd.s32 $0xFFFFFF90  }
0xba: {  	_ =	swait.ge [sflag:s30], $0x70  }
0xbb: {  	[sflag:s30] =	ssyncset.done $0x0  }
0xbc: {  	[sflag:s30] =	ssyncadd.s32 $0xFFFFFF90  }
0xbd: {  	_ =	swait.ge [sflag:s30], $0x70  }
0xbe: {  	[sflag:s30] =	ssyncset.done $0x0  }
0xbf: {  	[sflag:s30] =	ssyncadd.s32 $0xFFFFFF90  }
0xc0: {  	_ =	swait.ge [sflag:s30], $0x70  }
0xc1: {  	[sflag:s30] =	ssyncset.done $0x0  }
0xc2: {  	s29 =	simm.s32 $0x0;
	s5 =	rddreg [dreg:$0x6];
	[sflag:s30] =	ssyncadd.s32 $0xFFFFFF90  }
0xc3: {  	[tilespmem:s21], [sflag:$0x2] =	stream.linear.gather [hbm4b:s5+s29], $0x70, $0x38;
	[tilespmem:$0x1FDB0] =	vst v63  }
0xc4: {  	s15 =	simm.s32 $0x6340;
	s8 =	rddreg [dreg:$0x7]  }
0xc5: {  	[tilespmem:s15], [sflag:$0x2] =	stream.linear.gather [hbm4b:s8+s29], $0x30, $0x38;
	[tilespmem:$0x1FDB0] =	vst v63  }
0xc6: {  	_ =	swait.ge [sflag:s26], $0x70  }
0xc7: {  	[sflag:s26] =	ssyncset.done $0x0  }
0xc8: {  	[sflag:s26] =	ssyncadd.s32 $0xFFFFFF90  }
0xc9: {  	[spmem:s3] =	stream.indirect.scatter.add.f32 [tilespmem:s18], [sflag:$0x4], $0x1, s21, s28, $0xb8;
	[tilespmem:$0x1FDB0] =	vst v63  }
0xca: {  	_ =	swait.ge [sflag:s26], $0x30  }
0xcb: {  	[sflag:s26] =	ssyncset.done $0x0  }
0xcc: {  	s29 =	simm.s32 $0x30;
	[sflag:s26] =	ssyncadd.s32 $0xFFFFFFD0  }
0xcd: {  	[spmem:s3] =	stream.indirect.scatter.add.f32 [tilespmem:s18], [sflag:$0x4], $0x1, s15, s29, $0xb8;
	[tilespmem:$0x1FDB0] =	vst v63  }
0xce: {  	_ =	swait.ge [sflag:s30], $0x70  }
0xcf: {  	[sflag:s30] =	ssyncset.done $0x0  }
0xd0: {  	[sflag:s30] =	ssyncadd.s32 $0xFFFFFF90  }
0xd1: {  	_ =	swait.ge [sflag:s30], $0x30  }
0xd2: {  	[sflag:s30] =	ssyncset.done $0x0  }
0xd3: {  	[sflag:s30] =	ssyncadd.s32 $0xFFFFFFD0  }
0xd4: {  	[bflag:$0x0] =	sbarrier.arrive $0xFFFF  }
0xd5: {  	s15 =	rddreg [dreg:$0x8]  }
0xd6: {  	s5 =	sadd.s32 $0x0, s15  }
0xd7: {  	[tilespmem:s20], [sflag:$0x5] =	stream.linear.gather [spmem:s5], $0x40, $0x38;
	[tilespmem:$0x1FDB0] =	vst v63  }
0xd8: {  	_ =	swait.ge [sflag:s19], $0x40  }
0xd9: {  	[sflag:s19] =	ssyncset.done $0x0  }
0xda: {  	[sflag:s19] =	ssyncadd.s32 $0xFFFFFFC0  }
0xdb: {  	v2 =	vld [tilespmem:$0x5AD0]  }
0xdc: {  	v3 =	vld [tilespmem:$0x5AF0]  }
0xdd: {  	v4 =	vld [tilespmem:$0x5AE0]  }
0xde: {  	v5 =	vld [tilespmem:$0x5B00];
	_ =	sdelay $0x3  }
0xdf: {  	vm0 =	vgt.f32 v2, $5.000000000e-01;
	vm1 =	vgt.f32 v3, $5.000000000e-01;
	vm3 =	vgt.f32 v4, $5.000000000e-01  }
0xe0: {  	vm2 =	vgt.f32 v5, $5.000000000e-01;
	v2 =	vnsel vm0, $0x3F800000, v2;
	v3 =	vnsel vm1, $0x3F800000, v3  }
0xe1: {  	v4 =	vnsel vm3, $0x3F800000, v4;
	v5 =	vnsel vm2, $0x3F800000, v5;
	v6 =	vshra.s32 v2, $0x1  }
0xe2: {  	v7 =	vshra.s32 v3, $0x1;
	v8 =	vshra.s32 v4, $0x1;
	v9 =	vmul.f32 $5.000000000e-01, v4  }
0xe3: {  	v10 =	vmul.f32 $5.000000000e-01, v3;
	v3 =	vsub.s32 $0x5F3759DF, v6;
	v4 =	vsub.s32 $0x5F3759DF, v8  }
0xe4: {  	v6 =	vsub.s32 $0x5F3759DF, v7;
	v7 =	vmul.f32 $5.000000000e-01, v2;
	v2 =	vmul.f32 v4, v9  }
0xe5: {  	v11 =	vshra.s32 v5, $0x1;
	v12 =	vmul.f32 $5.000000000e-01, v5;
	v8 =	vmul.f32 v6, v10  }
0xe6: {  	v11 =	vsub.s32 $0x5F3759DF, v11;
	v5 =	vmul.f32 v3, v7;
	v2 =	vmul.f32 v4, v2  }
0xe7: {  	v13 =	vmul.f32 v11, v12;
	v8 =	vmul.f32 v6, v8  }
0xe8: {  	v5 =	vmul.f32 v3, v5;
	v2 =	vsub.f32 $1.500000000e+00, v2  }
0xe9: {  	v13 =	vmul.f32 v11, v13;
	v8 =	vsub.f32 $1.500000000e+00, v8  }
0xea: {  	v5 =	vsub.f32 $1.500000000e+00, v5;
	v2 =	vmul.f32 v4, v2  }
0xeb: {  	v6 =	vmul.f32 v6, v8;
	v4 =	vsub.f32 $1.500000000e+00, v13  }
0xec: {  	v3 =	vmul.f32 v3, v5;
	v5 =	vmul.f32 v2, v9  }
0xed: {  	v8 =	vmul.f32 v6, v10;
	v11 =	vmul.f32 v11, v4  }
0xee: {  	v4 =	vmul.f32 v3, v7;
	v5 =	vmul.f32 v5, v2  }
0xef: {  	v8 =	vmul.f32 v8, v6;
	v63 =	vmul.f32 v11, v12  }
0xf0: {  	v4 =	vmul.f32 v4, v3;
	v5 =	vsub.f32 $1.500000000e+00, v5  }
0xf1: {  	v8 =	vsub.f32 $1.500000000e+00, v8;
	v13 =	vmul.f32 v63, v11  }
0xf2: {  	v14 =	vsub.f32 $1.500000000e+00, v4;
	v4 =	vmul.f32 v5, v2  }
0xf3: {  	v5 =	vmul.f32 v8, v6;
	v2 =	vsub.f32 $1.500000000e+00, v13  }
0xf4: {  	v3 =	vmul.f32 v14, v3;
	v6 =	vmul.f32 v4, v9  }
0xf5: {  	v8 =	vmul.f32 v5, v10;
	v2 =	vmul.f32 v2, v11  }
0xf6: {  	v7 =	vmul.f32 v3, v7;
	v10 =	vmul.f32 v6, v4  }
0xf7: {  	v8 =	vmul.f32 v8, v5;
	v9 =	vmul.f32 v2, v12  }
0xf8: {  	s2 =	simm.s32 $0x100;
	v6 =	vmul.f32 v7, v3;
	v7 =	vsub.f32 $1.500000000e+00, v10  }
.LBB2_8:
0xf9: {  	p0 =	sne.s32 s2, $0x3000;
	v8 =	vsub.f32 $1.500000000e+00, v8;
	v9 =	vmul.f32 v9, v2;
	s8 =	smov.u32 s2;
	s2 =	sadd.s32 $0x100, s2  }
0xfa: {  	v6 =	vsub.f32 $1.500000000e+00, v6;
	v4 =	vmul.f32 v7, v4  }
0xfb: {  	v5 =	vmul.f32 v8, v5;
	v7 =	vsub.f32 $1.500000000e+00, v9  }
0xfc: {  	s8 =	sshra.s32 s8, $0x2;
	v3 =	vmul.f32 v6, v3;
	v4 =	vnsel vm3, $0x0, v4  }
0xfd: {  	[tilespmem:$0x5AE0] =	vst v4;
	v4 =	vnsel vm1, $0x0, v5;
	v2 =	vmul.f32 v7, v2  }
0xfe: {  	v3 =	vnsel vm0, $0x0, v3;
	[tilespmem:$0x5AF0] =	vst v4  }
0xff: {  	[tilespmem:$0x5AD0] =	vst v3;
	v2 =	vnsel vm2, $0x0, v2  }
0x100: {  	[tilespmem:$0x5B00] =	vst v2  }
0x101: {  	[spmem:s5] =	stream.linear.scatter [tilespmem:s20], [sflag:$0x5], $0x40, $0x38;
	[tilespmem:$0x1FDB0] =	vst v63  }
0x102: {  	_ =	swait.ge [sflag:s19], $0x40  }
0x103: {  	[sflag:s19] =	ssyncset.done $0x0  }
0x104: {  	s5 =	sadd.s32 s8, s15;
	[sflag:s19] =	ssyncadd.s32 $0xFFFFFFC0  }
0x105: {  	[tilespmem:s20], [sflag:$0x5] =	stream.linear.gather [spmem:s5], $0x40, $0x38;
	[tilespmem:$0x1FDB0] =	vst v63  }
0x106: {  	_ =	swait.ge [sflag:s19], $0x40  }
0x107: {  	[sflag:s19] =	ssyncset.done $0x0  }
0x108: {  	[sflag:s19] =	ssyncadd.s32 $0xFFFFFFC0  }
0x109: {  	v2 =	vld [tilespmem:$0x5AD0]  }
0x10a: {  	v3 =	vld [tilespmem:$0x5AF0]  }
0x10b: {  	v4 =	vld [tilespmem:$0x5AE0]  }
0x10c: {  	v5 =	vld [tilespmem:$0x5B00];
	_ =	sdelay $0x1  }
0x10d: {  	vm0 =	vgt.f32 v2, $5.000000000e-01  }
0x10e: {  	v2 =	vnsel vm0, $0x3F800000, v2;
	vm1 =	vgt.f32 v3, $5.000000000e-01  }
0x10f: {  	v6 =	vshra.s32 v2, $0x1;
	vm3 =	vgt.f32 v4, $5.000000000e-01;
	v3 =	vnsel vm1, $0x3F800000, v3  }
0x110: {  	v4 =	vnsel vm3, $0x3F800000, v4;
	v7 =	vshra.s32 v3, $0x1;
	vm2 =	vgt.f32 v5, $5.000000000e-01  }
0x111: {  	v10 =	vmul.f32 $5.000000000e-01, v3;
	v8 =	vshra.s32 v4, $0x1;
	v9 =	vmul.f32 $5.000000000e-01, v4  }
0x112: {  	v3 =	vsub.s32 $0x5F3759DF, v6;
	v6 =	vsub.s32 $0x5F3759DF, v7;
	v4 =	vsub.s32 $0x5F3759DF, v8  }
0x113: {  	v7 =	vmul.f32 $5.000000000e-01, v2;
	v5 =	vnsel vm2, $0x3F800000, v5;
	v2 =	vmul.f32 v4, v9  }
0x114: {  	v8 =	vmul.f32 v6, v10;
	v11 =	vshra.s32 v5, $0x1;
	v12 =	vmul.f32 $5.000000000e-01, v5  }
0x115: {  	v5 =	vmul.f32 v3, v7;
	v11 =	vsub.s32 $0x5F3759DF, v11;
	v2 =	vmul.f32 v4, v2  }
0x116: {  	v8 =	vmul.f32 v6, v8;
	v13 =	vmul.f32 v11, v12  }
0x117: {  	v5 =	vmul.f32 v3, v5;
	v2 =	vsub.f32 $1.500000000e+00, v2  }
0x118: {  	v8 =	vsub.f32 $1.500000000e+00, v8;
	v13 =	vmul.f32 v11, v13  }
0x119: {  	v5 =	vsub.f32 $1.500000000e+00, v5;
	v2 =	vmul.f32 v4, v2  }
0x11a: {  	v6 =	vmul.f32 v6, v8;
	v4 =	vsub.f32 $1.500000000e+00, v13  }
0x11b: {  	v3 =	vmul.f32 v3, v5;
	v5 =	vmul.f32 v2, v9  }
0x11c: {  	v8 =	vmul.f32 v6, v10;
	v11 =	vmul.f32 v11, v4  }
0x11d: {  	v4 =	vmul.f32 v3, v7;
	v5 =	vmul.f32 v5, v2  }
0x11e: {  	v8 =	vmul.f32 v8, v6;
	v13 =	vmul.f32 v11, v12  }
0x11f: {  	v4 =	vmul.f32 v4, v3;
	v5 =	vsub.f32 $1.500000000e+00, v5  }
0x120: {  	v8 =	vsub.f32 $1.500000000e+00, v8;
	v13 =	vmul.f32 v13, v11  }
0x121: {  	v14 =	vsub.f32 $1.500000000e+00, v4;
	v4 =	vmul.f32 v5, v2  }
0x122: {  	v5 =	vmul.f32 v8, v6;
	v2 =	vsub.f32 $1.500000000e+00, v13  }
.Ltmp3:
0x123: {  	v3 =	vmul.f32 v14, v3;
	v6 =	vmul.f32 v4, v9;
	(pc) =	sbr.rel @p0 .LBB2_8-.Ltmp3, $4  }
0x124: {  	v8 =	vmul.f32 v5, v10;
	v2 =	vmul.f32 v2, v11  }
0x125: {  	v7 =	vmul.f32 v3, v7;
	v10 =	vmul.f32 v6, v4  }
0x126: {  	v8 =	vmul.f32 v8, v5;
	v9 =	vmul.f32 v2, v12  }
0x127: {  	v6 =	vmul.f32 v7, v3;
	v7 =	vsub.f32 $1.500000000e+00, v10  }
0x128: {  	v8 =	vsub.f32 $1.500000000e+00, v8;
	v9 =	vmul.f32 v9, v2  }
0x129: {  	v6 =	vsub.f32 $1.500000000e+00, v6;
	v4 =	vmul.f32 v7, v4  }
0x12a: {  	v5 =	vmul.f32 v8, v5;
	v62 =	vsub.f32 $1.500000000e+00, v9  }
0x12b: {  	v3 =	vmul.f32 v6, v3;
	v4 =	vnsel vm3, $0x0, v4  }
0x12c: {  	[tilespmem:$0x5AE0] =	vst v4;
	v63 =	vnsel vm1, $0x0, v5;
	v2 =	vmul.f32 v62, v2  }
0x12d: {  	v3 =	vnsel vm0, $0x0, v3;
	[tilespmem:$0x5AF0] =	vst v63  }
0x12e: {  	[tilespmem:$0x5AD0] =	vst v3;
	v2 =	vnsel vm2, $0x0, v2  }
0x12f: {  	[tilespmem:$0x5B00] =	vst v2  }
0x130: {  	[spmem:s5] =	stream.linear.scatter [tilespmem:s20], [sflag:$0x5], $0x40, $0x38;
	[tilespmem:$0x1FDB0] =	vst v63  }
0x131: {  	_ =	swait.ge [sflag:s19], $0x40  }
0x132: {  	[sflag:s19] =	ssyncset.done $0x0  }
0x133: {  	[sflag:s19] =	ssyncadd.s32 $0xFFFFFFC0  }
0x134: {  	s29 =	simm.s32 $0x0;
	[bflag:$0x0] =	sbarrier.arrive $0xFFFF  }
0x135: {  	s15 =	simm.s32 $0x4AD0;
	s5 =	simm.s32 $0x0;
	s18 =	rddreg [dreg:$0x5]  }
.LBB2_10:
0x136: {  	s2 =	sshll.u32 s5, $0x6  }
0x137: {  	s2 =	sadd.s32 s18, s2  }
0x138: {  	s8 =	rddreg [dreg:$0x9];
	s18 =	sshll.u32 s2, $0x2  }
0x139: {  	s8 =	sadd.s32 s18, s8  }
0x13a: {  	[tilespmem:s15], [sflag:$0x5] =	stream.linear.gather [hbm4b:s8+s29], $0x800, $0x38;
	[tilespmem:$0x1FDB0] =	vst v63  }
0x13b: {  	_ =	swait.ge [sflag:s19], $0x800  }
0x13c: {  	[sflag:s19] =	ssyncset.done $0x0  }
0x13d: {  	s2 =	sadd.s32 s2, s3;
	[sflag:s19] =	ssyncadd.s32 $0xFFFFF800  }
0x13e: {  	v2 =	vmov s29;
	[tilespmem:s20], [sflag:$0x5] =	stream.linear.gather [spmem:s2], $0x40, $0x38;
	[tilespmem:$0x1FDB0] =	vst v63  }
0x13f: {  	_ =	swait.ge [sflag:s19], $0x40  }
0x140: {  	[sflag:s19] =	ssyncset.done $0x0  }
0x141: {  	s8 =	simm.s32 $0x4AE0;
	[sflag:s19] =	ssyncadd.s32 $0xFFFFFFC0  }
0x142: {  	v3 =	vld [tilespmem:s8+$0xFFFFFFF0]  }
0x143: {  	v4 =	vld.idx.msk [tilespmem:v2+s20+$0x0], $0xffff  }
0x144: {  	v5 =	vld [tilespmem:s8+$0x0];
	_ =	sdelay $0x2  }
0x145: {  	s15 =	simm.s32 $0x1  }
0x146: {  	s2 =	simm.s32 $0x2;
	v2 =	vmov s15;
	s15 =	simm.s32 $0x4AE0  }
.LBB2_11:
0x147: {  	p0 =	sne.s32 s2, $0x3F;
	v3 =	vmul.f32 v3, v4;
	v4 =	vmul.f32 v5, v4;
	_ =	sdelay $0x1  }
0x148: {  	s15 =	sadd.s32 $0x20, s15;
	[tilespmem:s8+$0xFFFFFFF0] =	vst v3  }
0x149: {  	v3 =	vld [tilespmem:s15+$0xFFFFFFF0];
	[tilespmem:s8+$0x0] =	vst v4;
	s8 =	smov.u32 s15  }
0x14a: {  	v4 =	vld.idx.msk [tilespmem:v2+s20+$0x0], $0xffff  }
.Ltmp4:
0x14b: {  	v5 =	vld [tilespmem:s15+$0x0];
	(pc) =	sbr.rel @p0 .LBB2_11-.Ltmp4, $2  }
0x14c: {  	_ =	sdelay $0x2  }
0x14d: {  	v2 =	vmov s2;
	s2 =	sadd.s32 $0x1, s2  }
0x14e: {  	v3 =	vmul.f32 v3, v4  }
0x14f: {  	v63 =	vmul.f32 v5, v4  }
0x150: {  	s2 =	sadd.s32 $0x20, s15;
	[tilespmem:s8+$0xFFFFFFF0] =	vst v3  }
0x151: {  	v3 =	vld [tilespmem:s2+$0xFFFFFFF0];
	[tilespmem:s8+$0x0] =	vst v63  }
0x152: {  	v2 =	vld.idx.msk [tilespmem:v2+s20+$0x0], $0xffff  }
0x153: {  	v4 =	vld [tilespmem:s2+$0x0];
	_ =	sdelay $0x3  }
0x154: {  	v3 =	vmul.f32 v3, v2  }
0x155: {  	s5 =	sadd.s32 $0x1, s5;
	v2 =	vmul.f32 v4, v2  }
0x156: {  	p0 =	sne.s32 s5, $0x31;
	[tilespmem:s2+$0xFFFFFFF0] =	vst v3  }
.Ltmp5:
0x157: {  	s18 =	sadd.s32 s18, s10;
	s15 =	simm.s32 $0x4AD0;
	[tilespmem:s2+$0x0] =	vst v2;
	(pc) =	sbr.rel @p0 .LBB2_10-.Ltmp5, $4  }
0x158: {  	[hbm4b:s18+s4] =	stream.linear.scatter [tilespmem:s15], [sflag:$0x5], $0x800, $0x38;
	[tilespmem:$0x1FDB0] =	vst v63  }
0x159: {  	_ =	swait.ge [sflag:s19], $0x800  }
0x15a: {  	[sflag:s19] =	ssyncset.done $0x0  }
0x15b: {  	s18 =	rddreg [dreg:$0x5];
	[sflag:s19] =	ssyncadd.s32 $0xFFFFF800  }
0x15c: {  	[bflag:$0x0] =	sbarrier.arrive $0xFFFF;
	s2 =	sadd.s32 $0x0, s17  }
0x15d: {  	[tilespmem:s4], [sflag:$0x1] =	stream.linear.gather [hbm4b:s2+s4], $0x70, $0x38;
	[tilespmem:$0x1FDB0] =	vst v63  }
0x15e: {  	s5 =	sadd.s32 $0xE, s2  }
0x15f: {  	[tilespmem:s28], [sflag:$0x1] =	stream.linear.gather [hbm4b:s5+s4], $0x70, $0x38;
	[tilespmem:$0x1FDB0] =	vst v63  }
0x160: {  	s29 =	sadd.s32 $0x1C, s2  }
0x161: {  	[tilespmem:s14], [sflag:$0x1] =	stream.linear.gather [hbm4b:s29+s4], $0x70, $0x38;
	[tilespmem:$0x1FDB0] =	vst v63  }
0x162: {  	s8 =	sadd.s32 $0x2A, s2  }
0x163: {  	[tilespmem:s16], [sflag:$0x1] =	stream.linear.gather [hbm4b:s8+s4], $0x70, $0x38;
	[tilespmem:$0x1FDB0] =	vst v63  }
0x164: {  	s15 =	sadd.s32 $0x38, s2  }
0x165: {  	[tilespmem:s11], [sflag:$0x1] =	stream.linear.gather [hbm4b:s15+s4], $0x70, $0x38;
	[tilespmem:$0x1FDB0] =	vst v63  }
0x166: {  	s29 =	sadd.s32 $0x186A0, s2  }
0x167: {  	[tilespmem:s21], [sflag:$0x2] =	stream.linear.gather [hbm4b:s29+s4], $0x70, $0x38;
	[tilespmem:$0x1FDB0] =	vst v63  }
0x168: {  	s8 =	sadd.s32 $0x186AE, s2  }
0x169: {  	[tilespmem:s22], [sflag:$0x2] =	stream.linear.gather [hbm4b:s8+s4], $0x70, $0x38;
	[tilespmem:$0x1FDB0] =	vst v63  }
0x16a: {  	s15 =	sadd.s32 $0x186BC, s2  }
0x16b: {  	[tilespmem:s23], [sflag:$0x2] =	stream.linear.gather [hbm4b:s15+s4], $0x70, $0x38;
	[tilespmem:$0x1FDB0] =	vst v63  }
0x16c: {  	s29 =	sadd.s32 $0x186CA, s2  }
0x16d: {  	[tilespmem:s24], [sflag:$0x2] =	stream.linear.gather [hbm4b:s29+s4], $0x70, $0x38;
	[tilespmem:$0x1FDB0] =	vst v63  }
0x16e: {  	s2 =	sadd.s32 $0x186D8, s2  }
0x16f: {  	[tilespmem:s25], [sflag:$0x2] =	stream.linear.gather [hbm4b:s2+s4], $0x70, $0x38;
	[tilespmem:$0x1FDB0] =	vst v63  }
0x170: {  	_ =	swait.ge [sflag:s12], $0x70  }
0x171: {  	[sflag:s12] =	ssyncset.done $0x0  }
0x172: {  	[sflag:s12] =	ssyncadd.s32 $0xFFFFFF90  }
0x173: {  	[tilespmem:s0], [sflag:$0x3] =	stream.indirect.gather [hbm4b:s10+s28], $0x20, s4, s28, $0xb8;
	[tilespmem:$0x1FDB0] =	vst v63  }
0x174: {  	_ =	swait.ge [sflag:s12], $0x70  }
0x175: {  	[sflag:s12] =	ssyncset.done $0x0  }
0x176: {  	[sflag:s12] =	ssyncadd.s32 $0xFFFFFF90  }
0x177: {  	[tilespmem:s6], [sflag:$0x3] =	stream.indirect.gather [hbm4b:s10+s28], $0x20, s28, s28, $0xb8;
	[tilespmem:$0x1FDB0] =	vst v63  }
0x178: {  	_ =	swait.ge [sflag:s12], $0x70  }
0x179: {  	[sflag:s12] =	ssyncset.done $0x0  }
0x17a: {  	[sflag:s12] =	ssyncadd.s32 $0xFFFFFF90  }
0x17b: {  	[tilespmem:s7], [sflag:$0x3] =	stream.indirect.gather [hbm4b:s10+s28], $0x20, s14, s28, $0xb8;
	[tilespmem:$0x1FDB0] =	vst v63  }
0x17c: {  	_ =	swait.ge [sflag:s12], $0x70  }
0x17d: {  	[sflag:s12] =	ssyncset.done $0x0  }
0x17e: {  	[sflag:s12] =	ssyncadd.s32 $0xFFFFFF90  }
0x17f: {  	[tilespmem:s31], [sflag:$0x3] =	stream.indirect.gather [hbm4b:s10+s28], $0x20, s16, s28, $0xb8;
	[tilespmem:$0x1FDB0] =	vst v63  }
0x180: {  	_ =	swait.ge [sflag:s12], $0x70  }
0x181: {  	[sflag:s12] =	ssyncset.done $0x0  }
0x182: {  	[sflag:s12] =	ssyncadd.s32 $0xFFFFFF90  }
0x183: {  	[tilespmem:s9], [sflag:$0x3] =	stream.indirect.gather [hbm4b:s10+s28], $0x20, s11, s28, $0xb8;
	[tilespmem:$0x1FDB0] =	vst v63  }
0x184: {  	_ =	swait.ge [sflag:s13], $0xE00  }
0x185: {  	[sflag:s13] =	ssyncset.done $0x0  }
0x186: {  	[sflag:s13] =	ssyncadd.s32 $0xFFFFF200  }
0x187: {  	_ =	swait.ge [sflag:s26], $0x70  }
0x188: {  	[sflag:s26] =	ssyncset.done $0x0  }
0x189: {  	[sflag:s26] =	ssyncadd.s32 $0xFFFFFF90  }
0x18a: {  	[spmem:s1] =	stream.indirect.scatter.add.f32 [tilespmem:s0], [sflag:$0x4], $0x20, s21, s28, $0xb8;
	[tilespmem:$0x1FDB0] =	vst v63  }
0x18b: {  	_ =	swait.ge [sflag:s13], $0xE00  }
0x18c: {  	[sflag:s13] =	ssyncset.done $0x0  }
0x18d: {  	[sflag:s13] =	ssyncadd.s32 $0xFFFFF200  }
0x18e: {  	_ =	swait.ge [sflag:s26], $0x70  }
0x18f: {  	[sflag:s26] =	ssyncset.done $0x0  }
0x190: {  	[sflag:s26] =	ssyncadd.s32 $0xFFFFFF90  }
0x191: {  	[spmem:s1] =	stream.indirect.scatter.add.f32 [tilespmem:s6], [sflag:$0x4], $0x20, s22, s28, $0xb8;
	[tilespmem:$0x1FDB0] =	vst v63  }
0x192: {  	_ =	swait.ge [sflag:s13], $0xE00  }
0x193: {  	[sflag:s13] =	ssyncset.done $0x0  }
0x194: {  	[sflag:s13] =	ssyncadd.s32 $0xFFFFF200  }
0x195: {  	_ =	swait.ge [sflag:s26], $0x70  }
0x196: {  	[sflag:s26] =	ssyncset.done $0x0  }
0x197: {  	[sflag:s26] =	ssyncadd.s32 $0xFFFFFF90  }
0x198: {  	[spmem:s1] =	stream.indirect.scatter.add.f32 [tilespmem:s7], [sflag:$0x4], $0x20, s23, s28, $0xb8;
	[tilespmem:$0x1FDB0] =	vst v63  }
0x199: {  	_ =	swait.ge [sflag:s13], $0xE00  }
0x19a: {  	[sflag:s13] =	ssyncset.done $0x0  }
0x19b: {  	[sflag:s13] =	ssyncadd.s32 $0xFFFFF200  }
0x19c: {  	_ =	swait.ge [sflag:s26], $0x70  }
0x19d: {  	[sflag:s26] =	ssyncset.done $0x0  }
0x19e: {  	[sflag:s26] =	ssyncadd.s32 $0xFFFFFF90  }
0x19f: {  	[spmem:s1] =	stream.indirect.scatter.add.f32 [tilespmem:s31], [sflag:$0x4], $0x20, s24, s28, $0xb8;
	[tilespmem:$0x1FDB0] =	vst v63  }
0x1a0: {  	_ =	swait.ge [sflag:s13], $0xE00  }
0x1a1: {  	[sflag:s13] =	ssyncset.done $0x0  }
0x1a2: {  	[sflag:s13] =	ssyncadd.s32 $0xFFFFF200  }
0x1a3: {  	_ =	swait.ge [sflag:s26], $0x70  }
0x1a4: {  	[sflag:s26] =	ssyncset.done $0x0  }
0x1a5: {  	[sflag:s26] =	ssyncadd.s32 $0xFFFFFF90  }
0x1a6: {  	[spmem:s1] =	stream.indirect.scatter.add.f32 [tilespmem:s9], [sflag:$0x4], $0x20, s25, s28, $0xb8;
	[tilespmem:$0x1FDB0] =	vst v63  }
0x1a7: {  	_ =	swait.ge [sflag:s30], $0xE00  }
0x1a8: {  	[sflag:s30] =	ssyncset.done $0x0  }
0x1a9: {  	[sflag:s30] =	ssyncadd.s32 $0xFFFFF200  }
0x1aa: {  	_ =	swait.ge [sflag:s30], $0xE00  }
0x1ab: {  	[sflag:s30] =	ssyncset.done $0x0  }
0x1ac: {  	[sflag:s30] =	ssyncadd.s32 $0xFFFFF200  }
0x1ad: {  	_ =	swait.ge [sflag:s30], $0xE00  }
0x1ae: {  	[sflag:s30] =	ssyncset.done $0x0  }
0x1af: {  	[sflag:s30] =	ssyncadd.s32 $0xFFFFF200  }
0x1b0: {  	_ =	swait.ge [sflag:s30], $0xE00  }
0x1b1: {  	[sflag:s30] =	ssyncset.done $0x0  }
0x1b2: {  	[sflag:s30] =	ssyncadd.s32 $0xFFFFF200  }
0x1b3: {  	_ =	swait.ge [sflag:s30], $0xE00  }
0x1b4: {  	s5 =	simm.s32 $0x46;
	s8 =	simm.s32 $0x8C;
	[sflag:s30] =	ssyncset.done $0x0  }
.LBB2_14:
0x1b5: {  	s15 =	sadd.s32 s5, s17  }
0x1b6: {  	[sflag:s30] =	ssyncadd.s32 $0xFFFFF200;
	s5 =	smov.u32 s8;
	s2 =	sadd.s32 $0x46, s8  }
0x1b7: {  	[tilespmem:s4], [sflag:$0x1] =	stream.linear.gather [hbm4b:s15+s4], $0x70, $0x38;
	[tilespmem:$0x1FDB0] =	vst v63  }
0x1b8: {  	p0 =	sne.s32 s8, $0x1810;
	s8 =	sadd.s32 $0xE, s15  }
0x1b9: {  	[tilespmem:s28], [sflag:$0x1] =	stream.linear.gather [hbm4b:s8+s4], $0x70, $0x38;
	[tilespmem:$0x1FDB0] =	vst v63  }
0x1ba: {  	s8 =	sadd.s32 $0x1C, s15  }
0x1bb: {  	[tilespmem:s14], [sflag:$0x1] =	stream.linear.gather [hbm4b:s8+s4], $0x70, $0x38;
	[tilespmem:$0x1FDB0] =	vst v63  }
0x1bc: {  	s8 =	sadd.s32 $0x2A, s15  }
0x1bd: {  	[tilespmem:s16], [sflag:$0x1] =	stream.linear.gather [hbm4b:s8+s4], $0x70, $0x38;
	[tilespmem:$0x1FDB0] =	vst v63  }
0x1be: {  	s8 =	sadd.s32 $0x38, s15  }
0x1bf: {  	[tilespmem:s11], [sflag:$0x1] =	stream.linear.gather [hbm4b:s8+s4], $0x70, $0x38;
	[tilespmem:$0x1FDB0] =	vst v63  }
0x1c0: {  	s8 =	sadd.s32 $0x186A0, s15  }
0x1c1: {  	[tilespmem:s21], [sflag:$0x2] =	stream.linear.gather [hbm4b:s8+s4], $0x70, $0x38;
	[tilespmem:$0x1FDB0] =	vst v63  }
0x1c2: {  	s8 =	sadd.s32 $0x186AE, s15  }
0x1c3: {  	[tilespmem:s22], [sflag:$0x2] =	stream.linear.gather [hbm4b:s8+s4], $0x70, $0x38;
	[tilespmem:$0x1FDB0] =	vst v63  }
0x1c4: {  	s8 =	sadd.s32 $0x186BC, s15  }
0x1c5: {  	[tilespmem:s23], [sflag:$0x2] =	stream.linear.gather [hbm4b:s8+s4], $0x70, $0x38;
	[tilespmem:$0x1FDB0] =	vst v63  }
0x1c6: {  	s8 =	sadd.s32 $0x186CA, s15  }
0x1c7: {  	[tilespmem:s24], [sflag:$0x2] =	stream.linear.gather [hbm4b:s8+s4], $0x70, $0x38;
	[tilespmem:$0x1FDB0] =	vst v63  }
0x1c8: {  	s8 =	sadd.s32 $0x186D8, s15  }
0x1c9: {  	[tilespmem:s25], [sflag:$0x2] =	stream.linear.gather [hbm4b:s8+s4], $0x70, $0x38;
	[tilespmem:$0x1FDB0] =	vst v63  }
0x1ca: {  	_ =	swait.ge [sflag:s12], $0x70  }
0x1cb: {  	[sflag:s12] =	ssyncset.done $0x0  }
0x1cc: {  	[sflag:s12] =	ssyncadd.s32 $0xFFFFFF90  }
0x1cd: {  	[tilespmem:s0], [sflag:$0x3] =	stream.indirect.gather [hbm4b:s10+s28], $0x20, s4, s28, $0xb8;
	[tilespmem:$0x1FDB0] =	vst v63  }
0x1ce: {  	_ =	swait.ge [sflag:s12], $0x70  }
0x1cf: {  	[sflag:s12] =	ssyncset.done $0x0  }
0x1d0: {  	[sflag:s12] =	ssyncadd.s32 $0xFFFFFF90  }
0x1d1: {  	[tilespmem:s6], [sflag:$0x3] =	stream.indirect.gather [hbm4b:s10+s28], $0x20, s28, s28, $0xb8;
	[tilespmem:$0x1FDB0] =	vst v63  }
0x1d2: {  	_ =	swait.ge [sflag:s12], $0x70  }
0x1d3: {  	[sflag:s12] =	ssyncset.done $0x0  }
0x1d4: {  	[sflag:s12] =	ssyncadd.s32 $0xFFFFFF90  }
0x1d5: {  	[tilespmem:s7], [sflag:$0x3] =	stream.indirect.gather [hbm4b:s10+s28], $0x20, s14, s28, $0xb8;
	[tilespmem:$0x1FDB0] =	vst v63  }
0x1d6: {  	_ =	swait.ge [sflag:s12], $0x70  }
0x1d7: {  	[sflag:s12] =	ssyncset.done $0x0  }
0x1d8: {  	[sflag:s12] =	ssyncadd.s32 $0xFFFFFF90  }
0x1d9: {  	[tilespmem:s31], [sflag:$0x3] =	stream.indirect.gather [hbm4b:s10+s28], $0x20, s16, s28, $0xb8;
	[tilespmem:$0x1FDB0] =	vst v63  }
0x1da: {  	_ =	swait.ge [sflag:s12], $0x70  }
0x1db: {  	[sflag:s12] =	ssyncset.done $0x0  }
0x1dc: {  	[sflag:s12] =	ssyncadd.s32 $0xFFFFFF90  }
0x1dd: {  	[tilespmem:s9], [sflag:$0x3] =	stream.indirect.gather [hbm4b:s10+s28], $0x20, s11, s28, $0xb8;
	[tilespmem:$0x1FDB0] =	vst v63  }
0x1de: {  	_ =	swait.ge [sflag:s13], $0xE00  }
0x1df: {  	[sflag:s13] =	ssyncset.done $0x0  }
0x1e0: {  	[sflag:s13] =	ssyncadd.s32 $0xFFFFF200  }
0x1e1: {  	_ =	swait.ge [sflag:s26], $0x70  }
0x1e2: {  	[sflag:s26] =	ssyncset.done $0x0  }
0x1e3: {  	[sflag:s26] =	ssyncadd.s32 $0xFFFFFF90  }
0x1e4: {  	[spmem:s1] =	stream.indirect.scatter.add.f32 [tilespmem:s0], [sflag:$0x4], $0x20, s21, s28, $0xb8;
	[tilespmem:$0x1FDB0] =	vst v63  }
0x1e5: {  	_ =	swait.ge [sflag:s13], $0xE00  }
0x1e6: {  	[sflag:s13] =	ssyncset.done $0x0  }
0x1e7: {  	[sflag:s13] =	ssyncadd.s32 $0xFFFFF200  }
0x1e8: {  	_ =	swait.ge [sflag:s26], $0x70  }
0x1e9: {  	[sflag:s26] =	ssyncset.done $0x0  }
0x1ea: {  	[sflag:s26] =	ssyncadd.s32 $0xFFFFFF90  }
0x1eb: {  	[spmem:s1] =	stream.indirect.scatter.add.f32 [tilespmem:s6], [sflag:$0x4], $0x20, s22, s28, $0xb8;
	[tilespmem:$0x1FDB0] =	vst v63  }
0x1ec: {  	_ =	swait.ge [sflag:s13], $0xE00  }
0x1ed: {  	[sflag:s13] =	ssyncset.done $0x0  }
0x1ee: {  	[sflag:s13] =	ssyncadd.s32 $0xFFFFF200  }
0x1ef: {  	_ =	swait.ge [sflag:s26], $0x70  }
0x1f0: {  	[sflag:s26] =	ssyncset.done $0x0  }
0x1f1: {  	[sflag:s26] =	ssyncadd.s32 $0xFFFFFF90  }
0x1f2: {  	[spmem:s1] =	stream.indirect.scatter.add.f32 [tilespmem:s7], [sflag:$0x4], $0x20, s23, s28, $0xb8;
	[tilespmem:$0x1FDB0] =	vst v63  }
0x1f3: {  	_ =	swait.ge [sflag:s13], $0xE00  }
0x1f4: {  	[sflag:s13] =	ssyncset.done $0x0  }
0x1f5: {  	[sflag:s13] =	ssyncadd.s32 $0xFFFFF200  }
0x1f6: {  	_ =	swait.ge [sflag:s26], $0x70  }
0x1f7: {  	[sflag:s26] =	ssyncset.done $0x0  }
0x1f8: {  	[sflag:s26] =	ssyncadd.s32 $0xFFFFFF90  }
0x1f9: {  	[spmem:s1] =	stream.indirect.scatter.add.f32 [tilespmem:s31], [sflag:$0x4], $0x20, s24, s28, $0xb8;
	[tilespmem:$0x1FDB0] =	vst v63  }
0x1fa: {  	_ =	swait.ge [sflag:s13], $0xE00  }
0x1fb: {  	[sflag:s13] =	ssyncset.done $0x0  }
0x1fc: {  	[sflag:s13] =	ssyncadd.s32 $0xFFFFF200  }
0x1fd: {  	_ =	swait.ge [sflag:s26], $0x70  }
0x1fe: {  	[sflag:s26] =	ssyncset.done $0x0  }
0x1ff: {  	[sflag:s26] =	ssyncadd.s32 $0xFFFFFF90  }
0x200: {  	[spmem:s1] =	stream.indirect.scatter.add.f32 [tilespmem:s9], [sflag:$0x4], $0x20, s25, s28, $0xb8;
	[tilespmem:$0x1FDB0] =	vst v63  }
0x201: {  	_ =	swait.ge [sflag:s30], $0xE00  }
0x202: {  	[sflag:s30] =	ssyncset.done $0x0  }
0x203: {  	[sflag:s30] =	ssyncadd.s32 $0xFFFFF200  }
0x204: {  	_ =	swait.ge [sflag:s30], $0xE00  }
0x205: {  	[sflag:s30] =	ssyncset.done $0x0  }
0x206: {  	[sflag:s30] =	ssyncadd.s32 $0xFFFFF200  }
0x207: {  	_ =	swait.ge [sflag:s30], $0xE00  }
0x208: {  	[sflag:s30] =	ssyncset.done $0x0  }
0x209: {  	[sflag:s30] =	ssyncadd.s32 $0xFFFFF200  }
.Ltmp6:
0x20a: {  	_ =	swait.ge [sflag:s30], $0xE00;
	(pc) =	sbr.rel @p0 .LBB2_14-.Ltmp6, $4  }
0x20b: {  	[sflag:s30] =	ssyncset.done $0x0  }
0x20c: {  	[sflag:s30] =	ssyncadd.s32 $0xFFFFF200  }
0x20d: {  	_ =	swait.ge [sflag:s30], $0xE00  }
0x20e: {  	s8 =	smov.u32 s2;
	[sflag:s30] =	ssyncset.done $0x0  }
0x20f: {  	s2 =	sadd.s32 s5, s17;
	[sflag:s30] =	ssyncadd.s32 $0xFFFFF200  }
0x210: {  	[tilespmem:s4], [sflag:$0x1] =	stream.linear.gather [hbm4b:s2+s4], $0x70, $0x38;
	[tilespmem:$0x1FDB0] =	vst v63  }
0x211: {  	s5 =	sadd.s32 $0xE, s2  }
0x212: {  	[tilespmem:s28], [sflag:$0x1] =	stream.linear.gather [hbm4b:s5+s4], $0x70, $0x38;
	[tilespmem:$0x1FDB0] =	vst v63  }
0x213: {  	s29 =	sadd.s32 $0x1C, s2  }
0x214: {  	[tilespmem:s14], [sflag:$0x1] =	stream.linear.gather [hbm4b:s29+s4], $0x70, $0x38;
	[tilespmem:$0x1FDB0] =	vst v63  }
0x215: {  	s8 =	sadd.s32 $0x2A, s2  }
0x216: {  	[tilespmem:s16], [sflag:$0x1] =	stream.linear.gather [hbm4b:s8+s4], $0x70, $0x38;
	[tilespmem:$0x1FDB0] =	vst v63  }
0x217: {  	s15 =	sadd.s32 $0x38, s2  }
0x218: {  	[tilespmem:s11], [sflag:$0x1] =	stream.linear.gather [hbm4b:s15+s4], $0x70, $0x38;
	[tilespmem:$0x1FDB0] =	vst v63  }
0x219: {  	s29 =	sadd.s32 $0x186A0, s2  }
0x21a: {  	[tilespmem:s21], [sflag:$0x2] =	stream.linear.gather [hbm4b:s29+s4], $0x70, $0x38;
	[tilespmem:$0x1FDB0] =	vst v63  }
0x21b: {  	s8 =	sadd.s32 $0x186AE, s2  }
0x21c: {  	[tilespmem:s22], [sflag:$0x2] =	stream.linear.gather [hbm4b:s8+s4], $0x70, $0x38;
	[tilespmem:$0x1FDB0] =	vst v63  }
0x21d: {  	s15 =	sadd.s32 $0x186BC, s2  }
0x21e: {  	[tilespmem:s23], [sflag:$0x2] =	stream.linear.gather [hbm4b:s15+s4], $0x70, $0x38;
	[tilespmem:$0x1FDB0] =	vst v63  }
0x21f: {  	s29 =	sadd.s32 $0x186CA, s2  }
0x220: {  	[tilespmem:s24], [sflag:$0x2] =	stream.linear.gather [hbm4b:s29+s4], $0x70, $0x38;
	[tilespmem:$0x1FDB0] =	vst v63  }
0x221: {  	s2 =	sadd.s32 $0x186D8, s2  }
0x222: {  	[tilespmem:s25], [sflag:$0x2] =	stream.linear.gather [hbm4b:s2+s4], $0x70, $0x38;
	[tilespmem:$0x1FDB0] =	vst v63  }
0x223: {  	_ =	swait.ge [sflag:s12], $0x70  }
0x224: {  	[sflag:s12] =	ssyncset.done $0x0  }
0x225: {  	[sflag:s12] =	ssyncadd.s32 $0xFFFFFF90  }
0x226: {  	[tilespmem:s0], [sflag:$0x3] =	stream.indirect.gather [hbm4b:s10+s28], $0x20, s4, s28, $0xb8;
	[tilespmem:$0x1FDB0] =	vst v63  }
0x227: {  	_ =	swait.ge [sflag:s12], $0x70  }
0x228: {  	[sflag:s12] =	ssyncset.done $0x0  }
0x229: {  	[sflag:s12] =	ssyncadd.s32 $0xFFFFFF90  }
0x22a: {  	[tilespmem:s6], [sflag:$0x3] =	stream.indirect.gather [hbm4b:s10+s28], $0x20, s28, s28, $0xb8;
	[tilespmem:$0x1FDB0] =	vst v63  }
0x22b: {  	_ =	swait.ge [sflag:s12], $0x70  }
0x22c: {  	[sflag:s12] =	ssyncset.done $0x0  }
0x22d: {  	[sflag:s12] =	ssyncadd.s32 $0xFFFFFF90  }
0x22e: {  	[tilespmem:s7], [sflag:$0x3] =	stream.indirect.gather [hbm4b:s10+s28], $0x20, s14, s28, $0xb8;
	[tilespmem:$0x1FDB0] =	vst v63  }
0x22f: {  	_ =	swait.ge [sflag:s12], $0x70  }
0x230: {  	[sflag:s12] =	ssyncset.done $0x0  }
0x231: {  	[sflag:s12] =	ssyncadd.s32 $0xFFFFFF90  }
0x232: {  	[tilespmem:s31], [sflag:$0x3] =	stream.indirect.gather [hbm4b:s10+s28], $0x20, s16, s28, $0xb8;
	[tilespmem:$0x1FDB0] =	vst v63  }
0x233: {  	_ =	swait.ge [sflag:s12], $0x70  }
0x234: {  	[sflag:s12] =	ssyncset.done $0x0  }
0x235: {  	[sflag:s12] =	ssyncadd.s32 $0xFFFFFF90  }
0x236: {  	[tilespmem:s9], [sflag:$0x3] =	stream.indirect.gather [hbm4b:s10+s28], $0x20, s11, s28, $0xb8;
	[tilespmem:$0x1FDB0] =	vst v63  }
0x237: {  	_ =	swait.ge [sflag:s13], $0xE00  }
0x238: {  	[sflag:s13] =	ssyncset.done $0x0  }
0x239: {  	[sflag:s13] =	ssyncadd.s32 $0xFFFFF200  }
0x23a: {  	_ =	swait.ge [sflag:s26], $0x70  }
0x23b: {  	[sflag:s26] =	ssyncset.done $0x0  }
0x23c: {  	[sflag:s26] =	ssyncadd.s32 $0xFFFFFF90  }
0x23d: {  	[spmem:s1] =	stream.indirect.scatter.add.f32 [tilespmem:s0], [sflag:$0x4], $0x20, s21, s28, $0xb8;
	[tilespmem:$0x1FDB0] =	vst v63  }
0x23e: {  	_ =	swait.ge [sflag:s13], $0xE00  }
0x23f: {  	[sflag:s13] =	ssyncset.done $0x0  }
0x240: {  	[sflag:s13] =	ssyncadd.s32 $0xFFFFF200  }
0x241: {  	_ =	swait.ge [sflag:s26], $0x70  }
0x242: {  	[sflag:s26] =	ssyncset.done $0x0  }
0x243: {  	[sflag:s26] =	ssyncadd.s32 $0xFFFFFF90  }
0x244: {  	[spmem:s1] =	stream.indirect.scatter.add.f32 [tilespmem:s6], [sflag:$0x4], $0x20, s22, s28, $0xb8;
	[tilespmem:$0x1FDB0] =	vst v63  }
0x245: {  	_ =	swait.ge [sflag:s13], $0xE00  }
0x246: {  	[sflag:s13] =	ssyncset.done $0x0  }
0x247: {  	[sflag:s13] =	ssyncadd.s32 $0xFFFFF200  }
0x248: {  	_ =	swait.ge [sflag:s26], $0x70  }
0x249: {  	[sflag:s26] =	ssyncset.done $0x0  }
0x24a: {  	[sflag:s26] =	ssyncadd.s32 $0xFFFFFF90  }
0x24b: {  	[spmem:s1] =	stream.indirect.scatter.add.f32 [tilespmem:s7], [sflag:$0x4], $0x20, s23, s28, $0xb8;
	[tilespmem:$0x1FDB0] =	vst v63  }
0x24c: {  	_ =	swait.ge [sflag:s13], $0xE00  }
0x24d: {  	[sflag:s13] =	ssyncset.done $0x0  }
0x24e: {  	[sflag:s13] =	ssyncadd.s32 $0xFFFFF200  }
0x24f: {  	_ =	swait.ge [sflag:s26], $0x70  }
0x250: {  	[sflag:s26] =	ssyncset.done $0x0  }
0x251: {  	[sflag:s26] =	ssyncadd.s32 $0xFFFFFF90  }
0x252: {  	[spmem:s1] =	stream.indirect.scatter.add.f32 [tilespmem:s31], [sflag:$0x4], $0x20, s24, s28, $0xb8;
	[tilespmem:$0x1FDB0] =	vst v63  }
0x253: {  	_ =	swait.ge [sflag:s13], $0xE00  }
0x254: {  	[sflag:s13] =	ssyncset.done $0x0  }
0x255: {  	[sflag:s13] =	ssyncadd.s32 $0xFFFFF200  }
0x256: {  	_ =	swait.ge [sflag:s26], $0x70  }
0x257: {  	[sflag:s26] =	ssyncset.done $0x0  }
0x258: {  	[sflag:s26] =	ssyncadd.s32 $0xFFFFFF90  }
0x259: {  	[spmem:s1] =	stream.indirect.scatter.add.f32 [tilespmem:s9], [sflag:$0x4], $0x20, s25, s28, $0xb8;
	[tilespmem:$0x1FDB0] =	vst v63  }
0x25a: {  	_ =	swait.ge [sflag:s30], $0xE00  }
0x25b: {  	[sflag:s30] =	ssyncset.done $0x0  }
0x25c: {  	[sflag:s30] =	ssyncadd.s32 $0xFFFFF200  }
0x25d: {  	_ =	swait.ge [sflag:s30], $0xE00  }
0x25e: {  	[sflag:s30] =	ssyncset.done $0x0  }
0x25f: {  	[sflag:s30] =	ssyncadd.s32 $0xFFFFF200  }
0x260: {  	_ =	swait.ge [sflag:s30], $0xE00  }
0x261: {  	[sflag:s30] =	ssyncset.done $0x0  }
0x262: {  	[sflag:s30] =	ssyncadd.s32 $0xFFFFF200  }
0x263: {  	_ =	swait.ge [sflag:s30], $0xE00  }
0x264: {  	[sflag:s30] =	ssyncset.done $0x0  }
0x265: {  	[sflag:s30] =	ssyncadd.s32 $0xFFFFF200  }
0x266: {  	_ =	swait.ge [sflag:s30], $0xE00  }
0x267: {  	[sflag:s30] =	ssyncset.done $0x0  }
0x268: {  	s15 =	simm.s32 $0x0;
	s8 =	rddreg [dreg:$0xa];
	[sflag:s30] =	ssyncadd.s32 $0xFFFFF200  }
0x269: {  	[tilespmem:s15], [sflag:$0x1] =	stream.linear.gather [hbm4b:s8+s15], $0x70, $0x38;
	[tilespmem:$0x1FDB0] =	vst v63  }
0x26a: {  	s29 =	rddreg [dreg:$0xb];
	s8 =	simm.s32 $0x6310  }
0x26b: {  	[tilespmem:s8], [sflag:$0x1] =	stream.linear.gather [hbm4b:s29+s15], $0x30, $0x38;
	[tilespmem:$0x1FDB0] =	vst v63  }
0x26c: {  	s5 =	rddreg [dreg:$0x6]  }
0x26d: {  	[tilespmem:s21], [sflag:$0x2] =	stream.linear.gather [hbm4b:s5+s15], $0x70, $0x38;
	[tilespmem:$0x1FDB0] =	vst v63  }
0x26e: {  	s29 =	rddreg [dreg:$0x7];
	s5 =	simm.s32 $0x6340  }
0x26f: {  	[tilespmem:s5], [sflag:$0x2] =	stream.linear.gather [hbm4b:s29+s15], $0x30, $0x38;
	[tilespmem:$0x1FDB0] =	vst v63  }
0x270: {  	_ =	swait.ge [sflag:s12], $0x70  }
0x271: {  	[sflag:s12] =	ssyncset.done $0x0  }
0x272: {  	[sflag:s12] =	ssyncadd.s32 $0xFFFFFF90  }
0x273: {  	[tilespmem:s0], [sflag:$0x3] =	stream.indirect.gather [hbm4b:s10+s28], $0x20, s15, s28, $0xb8;
	[tilespmem:$0x1FDB0] =	vst v63  }
0x274: {  	_ =	swait.ge [sflag:s12], $0x30  }
0x275: {  	[sflag:s12] =	ssyncset.done $0x0  }
0x276: {  	s29 =	simm.s32 $0x6370;
	s15 =	simm.s32 $0x30;
	[sflag:s12] =	ssyncadd.s32 $0xFFFFFFD0  }
0x277: {  	[tilespmem:s29], [sflag:$0x3] =	stream.indirect.gather [hbm4b:s10+s15], $0x20, s8, s15, $0xb8;
	[tilespmem:$0x1FDB0] =	vst v63  }
0x278: {  	_ =	swait.ge [sflag:s13], $0xE00  }
0x279: {  	[sflag:s13] =	ssyncset.done $0x0  }
0x27a: {  	[sflag:s13] =	ssyncadd.s32 $0xFFFFF200  }
0x27b: {  	_ =	swait.ge [sflag:s26], $0x70  }
0x27c: {  	[sflag:s26] =	ssyncset.done $0x0  }
0x27d: {  	[sflag:s26] =	ssyncadd.s32 $0xFFFFFF90  }
0x27e: {  	[spmem:s1] =	stream.indirect.scatter.add.f32 [tilespmem:s0], [sflag:$0x4], $0x20, s21, s28, $0xb8;
	[tilespmem:$0x1FDB0] =	vst v63  }
0x27f: {  	_ =	swait.ge [sflag:s13], $0x600  }
0x280: {  	[sflag:s13] =	ssyncset.done $0x0  }
0x281: {  	[sflag:s13] =	ssyncadd.s32 $0xFFFFFA00  }
0x282: {  	_ =	swait.ge [sflag:s26], $0x30  }
0x283: {  	[sflag:s26] =	ssyncset.done $0x0  }
0x284: {  	[sflag:s26] =	ssyncadd.s32 $0xFFFFFFD0  }
0x285: {  	[spmem:s1] =	stream.indirect.scatter.add.f32 [tilespmem:s29], [sflag:$0x4], $0x20, s5, s15, $0xb8;
	[tilespmem:$0x1FDB0] =	vst v63  }
0x286: {  	_ =	swait.ge [sflag:s30], $0xE00  }
0x287: {  	[sflag:s30] =	ssyncset.done $0x0  }
0x288: {  	[sflag:s30] =	ssyncadd.s32 $0xFFFFF200  }
0x289: {  	_ =	swait.ge [sflag:s30], $0x600  }
0x28a: {  	[sflag:s30] =	ssyncset.done $0x0  }
0x28b: {  	[sflag:s30] =	ssyncadd.s32 $0xFFFFFA00  }
0x28c: {  	s5 =	simm.s32 $0x0;
	s15 =	simm.s32 $0x4AD0;
	[bflag:$0x0] =	sbarrier.arrive $0xFFFF  }
.LBB2_16:
0x28d: {  	s2 =	sshll.u32 s5, $0x6  }
0x28e: {  	s2 =	sadd.s32 s18, s2  }
0x28f: {  	s8 =	sshll.u32 s2, $0x5  }
0x290: {  	s8 =	sand.u32 $0x3FFFFFE0, s8  }
0x291: {  	s8 =	sadd.s32 s8, s1  }
0x292: {  	[tilespmem:s15], [sflag:$0x5] =	stream.linear.gather [spmem:s8], $0x800, $0x38;
	[tilespmem:$0x1FDB0] =	vst v63  }
0x293: {  	_ =	swait.ge [sflag:s19], $0x800  }
0x294: {  	[sflag:s19] =	ssyncset.done $0x0  }
0x295: {  	s18 =	simm.s32 $0x5B10;
	[sflag:s19] =	ssyncadd.s32 $0xFFFFF800  }
0x296: {  	[spmem:s8] =	stream.linear.scatter [tilespmem:s18], [sflag:$0x5], $0x800, $0x38;
	[tilespmem:$0x1FDB0] =	vst v63  }
0x297: {  	s29 =	simm.s32 $0x4AD0;
	_ =	swait.ge [sflag:s19], $0x800  }
0x298: {  	s18 =	sshll.u32 s2, $0x2;
	[sflag:s19] =	ssyncset.done $0x0;
	s15 =	rddreg [dreg:$0xc]  }
0x299: {  	[sflag:s19] =	ssyncadd.s32 $0xFFFFF800;
	s8 =	sadd.s32 s18, s15;
	s15 =	simm.s32 $0x0  }
0x29a: {  	[hbm4b:s8+s15] =	stream.linear.scatter [tilespmem:s29], [sflag:$0x5], $0x800, $0x38;
	[tilespmem:$0x1FDB0] =	vst v63  }
0x29b: {  	_ =	swait.ge [sflag:s19], $0x800  }
0x29c: {  	[sflag:s19] =	ssyncset.done $0x0  }
0x29d: {  	s2 =	sadd.s32 s2, s3;
	[sflag:s19] =	ssyncadd.s32 $0xFFFFF800  }
0x29e: {  	[tilespmem:s20], [sflag:$0x5] =	stream.linear.gather [spmem:s2], $0x40, $0x38;
	[tilespmem:$0x1FDB0] =	vst v63  }
0x29f: {  	_ =	swait.ge [sflag:s19], $0x40  }
0x2a0: {  	[sflag:s19] =	ssyncset.done $0x0  }
0x2a1: {  	[sflag:s19] =	ssyncadd.s32 $0xFFFFFFC0  }
0x2a2: {  	v2 =	vld [tilespmem:$0x5AD0]  }
0x2a3: {  	v3 =	vld [tilespmem:$0x5AE0]  }
0x2a4: {  	v4 =	vld [tilespmem:$0x5AF0]  }
0x2a5: {  	v5 =	vld [tilespmem:$0x5B00];
	_ =	sdelay $0x1  }
0x2a6: {  	v2 =	vmul.f32 v2, v2  }
0x2a7: {  	v3 =	vmul.f32 v3, v3  }
0x2a8: {  	[tilespmem:$0x5AD0] =	vst v2;
	v2 =	vmul.f32 v4, v4  }
0x2a9: {  	v4 =	vmov s15;
	[tilespmem:$0x5AE0] =	vst v3;
	v3 =	vmul.f32 v5, v5  }
0x2aa: {  	[tilespmem:$0x5AF0] =	vst v2  }
0x2ab: {  	s8 =	simm.s32 $0x4AE0;
	[tilespmem:$0x5B00] =	vst v3  }
0x2ac: {  	v3 =	vld [tilespmem:s8+$0xFFFFFFF0]  }
0x2ad: {  	v5 =	vld [tilespmem:s8+$0x0]  }
0x2ae: {  	v4 =	vld.idx.msk [tilespmem:v4+s20+$0x0], $0xffff;
	_ =	sdelay $0x2  }
0x2af: {  	s29 =	simm.s32 $0x1  }
0x2b0: {  	s2 =	simm.s32 $0x2;
	s15 =	simm.s32 $0x4AE0;
	v2 =	vmov s29  }
.LBB2_17:
0x2b1: {  	p0 =	sne.s32 s2, $0x3F;
	v3 =	vmul.f32 v3, v4;
	v4 =	vmul.f32 v5, v4;
	_ =	sdelay $0x1  }
0x2b2: {  	s15 =	sadd.s32 $0x20, s15;
	[tilespmem:s8+$0xFFFFFFF0] =	vst v3  }
0x2b3: {  	v3 =	vld [tilespmem:s15+$0xFFFFFFF0];
	[tilespmem:s8+$0x0] =	vst v4;
	s8 =	smov.u32 s15  }
0x2b4: {  	v4 =	vld.idx.msk [tilespmem:v2+s20+$0x0], $0xffff  }
.Ltmp7:
0x2b5: {  	v5 =	vld [tilespmem:s15+$0x0];
	(pc) =	sbr.rel @p0 .LBB2_17-.Ltmp7, $2  }
0x2b6: {  	_ =	sdelay $0x2  }
0x2b7: {  	v2 =	vmov s2;
	s2 =	sadd.s32 $0x1, s2  }
0x2b8: {  	v3 =	vmul.f32 v3, v4  }
0x2b9: {  	v63 =	vmul.f32 v5, v4  }
0x2ba: {  	s2 =	sadd.s32 $0x20, s15;
	[tilespmem:s8+$0xFFFFFFF0] =	vst v3  }
0x2bb: {  	v3 =	vld [tilespmem:s2+$0xFFFFFFF0];
	[tilespmem:s8+$0x0] =	vst v63  }
0x2bc: {  	v2 =	vld.idx.msk [tilespmem:v2+s20+$0x0], $0xffff  }
0x2bd: {  	v4 =	vld [tilespmem:s2+$0x0];
	_ =	sdelay $0x3  }
0x2be: {  	v3 =	vmul.f32 v3, v2  }
0x2bf: {  	s5 =	sadd.s32 $0x1, s5;
	v2 =	vmul.f32 v4, v2  }
0x2c0: {  	p0 =	sne.s32 s5, $0x31;
	[tilespmem:s2+$0xFFFFFFF0] =	vst v3  }
.Ltmp8:
0x2c1: {  	s29 =	sadd.s32 s10, s18;
	s15 =	simm.s32 $0x4AD0;
	[tilespmem:s2+$0x0] =	vst v2;
	(pc) =	sbr.rel @p0 .LBB2_16-.Ltmp8, $4  }
0x2c2: {  	[hbm4b:s29+s4] =	stream.linear.scatter [tilespmem:s15], [sflag:$0x5], $0x800, $0x38;
	[tilespmem:$0x1FDB0] =	vst v63  }
0x2c3: {  	_ =	swait.ge [sflag:s19], $0x800  }
0x2c4: {  	[sflag:s19] =	ssyncset.done $0x0  }
0x2c5: {  	s18 =	rddreg [dreg:$0x5];
	[sflag:s19] =	ssyncadd.s32 $0xFFFFF800  }
0x2c6: {  	[bflag:$0x0] =	sbarrier.arrive $0xFFFF;
	s2 =	sadd.s32 $0x0, s17  }
0x2c7: {  	[tilespmem:s4], [sflag:$0x1] =	stream.linear.gather [hbm4b:s2+s4], $0x70, $0x38;
	[tilespmem:$0x1FDB0] =	vst v63  }
0x2c8: {  	s5 =	sadd.s32 $0xE, s2  }
0x2c9: {  	[tilespmem:s28], [sflag:$0x1] =	stream.linear.gather [hbm4b:s5+s4], $0x70, $0x38;
	[tilespmem:$0x1FDB0] =	vst v63  }
0x2ca: {  	s29 =	sadd.s32 $0x1C, s2  }
0x2cb: {  	[tilespmem:s14], [sflag:$0x1] =	stream.linear.gather [hbm4b:s29+s4], $0x70, $0x38;
	[tilespmem:$0x1FDB0] =	vst v63  }
0x2cc: {  	s8 =	sadd.s32 $0x2A, s2  }
0x2cd: {  	[tilespmem:s16], [sflag:$0x1] =	stream.linear.gather [hbm4b:s8+s4], $0x70, $0x38;
	[tilespmem:$0x1FDB0] =	vst v63  }
0x2ce: {  	s15 =	sadd.s32 $0x38, s2  }
0x2cf: {  	[tilespmem:s11], [sflag:$0x1] =	stream.linear.gather [hbm4b:s15+s4], $0x70, $0x38;
	[tilespmem:$0x1FDB0] =	vst v63  }
0x2d0: {  	s29 =	sadd.s32 $0x186A0, s2  }
0x2d1: {  	[tilespmem:s21], [sflag:$0x2] =	stream.linear.gather [hbm4b:s29+s4], $0x70, $0x38;
	[tilespmem:$0x1FDB0] =	vst v63  }
0x2d2: {  	s8 =	sadd.s32 $0x186AE, s2  }
0x2d3: {  	[tilespmem:s22], [sflag:$0x2] =	stream.linear.gather [hbm4b:s8+s4], $0x70, $0x38;
	[tilespmem:$0x1FDB0] =	vst v63  }
0x2d4: {  	s15 =	sadd.s32 $0x186BC, s2  }
0x2d5: {  	[tilespmem:s23], [sflag:$0x2] =	stream.linear.gather [hbm4b:s15+s4], $0x70, $0x38;
	[tilespmem:$0x1FDB0] =	vst v63  }
0x2d6: {  	s29 =	sadd.s32 $0x186CA, s2  }
0x2d7: {  	[tilespmem:s24], [sflag:$0x2] =	stream.linear.gather [hbm4b:s29+s4], $0x70, $0x38;
	[tilespmem:$0x1FDB0] =	vst v63  }
0x2d8: {  	s2 =	sadd.s32 $0x186D8, s2  }
0x2d9: {  	[tilespmem:s25], [sflag:$0x2] =	stream.linear.gather [hbm4b:s2+s4], $0x70, $0x38;
	[tilespmem:$0x1FDB0] =	vst v63  }
0x2da: {  	_ =	swait.ge [sflag:s12], $0x70  }
0x2db: {  	[sflag:s12] =	ssyncset.done $0x0  }
0x2dc: {  	[sflag:s12] =	ssyncadd.s32 $0xFFFFFF90  }
0x2dd: {  	[tilespmem:s0], [sflag:$0x3] =	stream.indirect.gather [hbm4b:s10+s28], $0x20, s4, s28, $0xb8;
	[tilespmem:$0x1FDB0] =	vst v63  }
0x2de: {  	_ =	swait.ge [sflag:s12], $0x70  }
0x2df: {  	[sflag:s12] =	ssyncset.done $0x0  }
0x2e0: {  	[sflag:s12] =	ssyncadd.s32 $0xFFFFFF90  }
0x2e1: {  	[tilespmem:s6], [sflag:$0x3] =	stream.indirect.gather [hbm4b:s10+s28], $0x20, s28, s28, $0xb8;
	[tilespmem:$0x1FDB0] =	vst v63  }
0x2e2: {  	_ =	swait.ge [sflag:s12], $0x70  }
0x2e3: {  	[sflag:s12] =	ssyncset.done $0x0  }
0x2e4: {  	[sflag:s12] =	ssyncadd.s32 $0xFFFFFF90  }
0x2e5: {  	[tilespmem:s7], [sflag:$0x3] =	stream.indirect.gather [hbm4b:s10+s28], $0x20, s14, s28, $0xb8;
	[tilespmem:$0x1FDB0] =	vst v63  }
0x2e6: {  	_ =	swait.ge [sflag:s12], $0x70  }
0x2e7: {  	[sflag:s12] =	ssyncset.done $0x0  }
0x2e8: {  	[sflag:s12] =	ssyncadd.s32 $0xFFFFFF90  }
0x2e9: {  	[tilespmem:s31], [sflag:$0x3] =	stream.indirect.gather [hbm4b:s10+s28], $0x20, s16, s28, $0xb8;
	[tilespmem:$0x1FDB0] =	vst v63  }
0x2ea: {  	_ =	swait.ge [sflag:s12], $0x70  }
0x2eb: {  	[sflag:s12] =	ssyncset.done $0x0  }
0x2ec: {  	[sflag:s12] =	ssyncadd.s32 $0xFFFFFF90  }
0x2ed: {  	[tilespmem:s9], [sflag:$0x3] =	stream.indirect.gather [hbm4b:s10+s28], $0x20, s11, s28, $0xb8;
	[tilespmem:$0x1FDB0] =	vst v63  }
0x2ee: {  	_ =	swait.ge [sflag:s13], $0xE00  }
0x2ef: {  	[sflag:s13] =	ssyncset.done $0x0  }
0x2f0: {  	[sflag:s13] =	ssyncadd.s32 $0xFFFFF200  }
0x2f1: {  	_ =	swait.ge [sflag:s26], $0x70  }
0x2f2: {  	[sflag:s26] =	ssyncset.done $0x0  }
0x2f3: {  	[sflag:s26] =	ssyncadd.s32 $0xFFFFFF90  }
0x2f4: {  	[spmem:s1] =	stream.indirect.scatter.add.f32 [tilespmem:s0], [sflag:$0x4], $0x20, s21, s28, $0xb8;
	[tilespmem:$0x1FDB0] =	vst v63  }
0x2f5: {  	_ =	swait.ge [sflag:s13], $0xE00  }
0x2f6: {  	[sflag:s13] =	ssyncset.done $0x0  }
0x2f7: {  	[sflag:s13] =	ssyncadd.s32 $0xFFFFF200  }
0x2f8: {  	_ =	swait.ge [sflag:s26], $0x70  }
0x2f9: {  	[sflag:s26] =	ssyncset.done $0x0  }
0x2fa: {  	[sflag:s26] =	ssyncadd.s32 $0xFFFFFF90  }
0x2fb: {  	[spmem:s1] =	stream.indirect.scatter.add.f32 [tilespmem:s6], [sflag:$0x4], $0x20, s22, s28, $0xb8;
	[tilespmem:$0x1FDB0] =	vst v63  }
0x2fc: {  	_ =	swait.ge [sflag:s13], $0xE00  }
0x2fd: {  	[sflag:s13] =	ssyncset.done $0x0  }
0x2fe: {  	[sflag:s13] =	ssyncadd.s32 $0xFFFFF200  }
0x2ff: {  	_ =	swait.ge [sflag:s26], $0x70  }
0x300: {  	[sflag:s26] =	ssyncset.done $0x0  }
0x301: {  	[sflag:s26] =	ssyncadd.s32 $0xFFFFFF90  }
0x302: {  	[spmem:s1] =	stream.indirect.scatter.add.f32 [tilespmem:s7], [sflag:$0x4], $0x20, s23, s28, $0xb8;
	[tilespmem:$0x1FDB0] =	vst v63  }
0x303: {  	_ =	swait.ge [sflag:s13], $0xE00  }
0x304: {  	[sflag:s13] =	ssyncset.done $0x0  }
0x305: {  	[sflag:s13] =	ssyncadd.s32 $0xFFFFF200  }
0x306: {  	_ =	swait.ge [sflag:s26], $0x70  }
0x307: {  	[sflag:s26] =	ssyncset.done $0x0  }
0x308: {  	[sflag:s26] =	ssyncadd.s32 $0xFFFFFF90  }
0x309: {  	[spmem:s1] =	stream.indirect.scatter.add.f32 [tilespmem:s31], [sflag:$0x4], $0x20, s24, s28, $0xb8;
	[tilespmem:$0x1FDB0] =	vst v63  }
0x30a: {  	_ =	swait.ge [sflag:s13], $0xE00  }
0x30b: {  	[sflag:s13] =	ssyncset.done $0x0  }
0x30c: {  	[sflag:s13] =	ssyncadd.s32 $0xFFFFF200  }
0x30d: {  	_ =	swait.ge [sflag:s26], $0x70  }
0x30e: {  	[sflag:s26] =	ssyncset.done $0x0  }
0x30f: {  	[sflag:s26] =	ssyncadd.s32 $0xFFFFFF90  }
0x310: {  	[spmem:s1] =	stream.indirect.scatter.add.f32 [tilespmem:s9], [sflag:$0x4], $0x20, s25, s28, $0xb8;
	[tilespmem:$0x1FDB0] =	vst v63  }
0x311: {  	_ =	swait.ge [sflag:s30], $0xE00  }
0x312: {  	[sflag:s30] =	ssyncset.done $0x0  }
0x313: {  	[sflag:s30] =	ssyncadd.s32 $0xFFFFF200  }
0x314: {  	_ =	swait.ge [sflag:s30], $0xE00  }
0x315: {  	[sflag:s30] =	ssyncset.done $0x0  }
0x316: {  	[sflag:s30] =	ssyncadd.s32 $0xFFFFF200  }
0x317: {  	_ =	swait.ge [sflag:s30], $0xE00  }
0x318: {  	[sflag:s30] =	ssyncset.done $0x0  }
0x319: {  	[sflag:s30] =	ssyncadd.s32 $0xFFFFF200  }
0x31a: {  	_ =	swait.ge [sflag:s30], $0xE00  }
0x31b: {  	[sflag:s30] =	ssyncset.done $0x0  }
0x31c: {  	[sflag:s30] =	ssyncadd.s32 $0xFFFFF200  }
0x31d: {  	_ =	swait.ge [sflag:s30], $0xE00  }
0x31e: {  	s5 =	simm.s32 $0x46;
	s8 =	simm.s32 $0x8C;
	[sflag:s30] =	ssyncset.done $0x0  }
.LBB2_20:
0x31f: {  	s15 =	sadd.s32 s5, s17  }
0x320: {  	[sflag:s30] =	ssyncadd.s32 $0xFFFFF200;
	s5 =	smov.u32 s8;
	s2 =	sadd.s32 $0x46, s8  }
0x321: {  	[tilespmem:s4], [sflag:$0x1] =	stream.linear.gather [hbm4b:s15+s4], $0x70, $0x38;
	[tilespmem:$0x1FDB0] =	vst v63  }
0x322: {  	p0 =	sne.s32 s8, $0x1810;
	s8 =	sadd.s32 $0xE, s15  }
0x323: {  	[tilespmem:s28], [sflag:$0x1] =	stream.linear.gather [hbm4b:s8+s4], $0x70, $0x38;
	[tilespmem:$0x1FDB0] =	vst v63  }
0x324: {  	s8 =	sadd.s32 $0x1C, s15  }
0x325: {  	[tilespmem:s14], [sflag:$0x1] =	stream.linear.gather [hbm4b:s8+s4], $0x70, $0x38;
	[tilespmem:$0x1FDB0] =	vst v63  }
0x326: {  	s8 =	sadd.s32 $0x2A, s15  }
0x327: {  	[tilespmem:s16], [sflag:$0x1] =	stream.linear.gather [hbm4b:s8+s4], $0x70, $0x38;
	[tilespmem:$0x1FDB0] =	vst v63  }
0x328: {  	s8 =	sadd.s32 $0x38, s15  }
0x329: {  	[tilespmem:s11], [sflag:$0x1] =	stream.linear.gather [hbm4b:s8+s4], $0x70, $0x38;
	[tilespmem:$0x1FDB0] =	vst v63  }
0x32a: {  	s8 =	sadd.s32 $0x186A0, s15  }
0x32b: {  	[tilespmem:s21], [sflag:$0x2] =	stream.linear.gather [hbm4b:s8+s4], $0x70, $0x38;
	[tilespmem:$0x1FDB0] =	vst v63  }
0x32c: {  	s8 =	sadd.s32 $0x186AE, s15  }
0x32d: {  	[tilespmem:s22], [sflag:$0x2] =	stream.linear.gather [hbm4b:s8+s4], $0x70, $0x38;
	[tilespmem:$0x1FDB0] =	vst v63  }
0x32e: {  	s8 =	sadd.s32 $0x186BC, s15  }
0x32f: {  	[tilespmem:s23], [sflag:$0x2] =	stream.linear.gather [hbm4b:s8+s4], $0x70, $0x38;
	[tilespmem:$0x1FDB0] =	vst v63  }
0x330: {  	s8 =	sadd.s32 $0x186CA, s15  }
0x331: {  	[tilespmem:s24], [sflag:$0x2] =	stream.linear.gather [hbm4b:s8+s4], $0x70, $0x38;
	[tilespmem:$0x1FDB0] =	vst v63  }
0x332: {  	s8 =	sadd.s32 $0x186D8, s15  }
0x333: {  	[tilespmem:s25], [sflag:$0x2] =	stream.linear.gather [hbm4b:s8+s4], $0x70, $0x38;
	[tilespmem:$0x1FDB0] =	vst v63  }
0x334: {  	_ =	swait.ge [sflag:s12], $0x70  }
0x335: {  	[sflag:s12] =	ssyncset.done $0x0  }
0x336: {  	[sflag:s12] =	ssyncadd.s32 $0xFFFFFF90  }
0x337: {  	[tilespmem:s0], [sflag:$0x3] =	stream.indirect.gather [hbm4b:s10+s28], $0x20, s4, s28, $0xb8;
	[tilespmem:$0x1FDB0] =	vst v63  }
0x338: {  	_ =	swait.ge [sflag:s12], $0x70  }
0x339: {  	[sflag:s12] =	ssyncset.done $0x0  }
0x33a: {  	[sflag:s12] =	ssyncadd.s32 $0xFFFFFF90  }
0x33b: {  	[tilespmem:s6], [sflag:$0x3] =	stream.indirect.gather [hbm4b:s10+s28], $0x20, s28, s28, $0xb8;
	[tilespmem:$0x1FDB0] =	vst v63  }
0x33c: {  	_ =	swait.ge [sflag:s12], $0x70  }
0x33d: {  	[sflag:s12] =	ssyncset.done $0x0  }
0x33e: {  	[sflag:s12] =	ssyncadd.s32 $0xFFFFFF90  }
0x33f: {  	[tilespmem:s7], [sflag:$0x3] =	stream.indirect.gather [hbm4b:s10+s28], $0x20, s14, s28, $0xb8;
	[tilespmem:$0x1FDB0] =	vst v63  }
0x340: {  	_ =	swait.ge [sflag:s12], $0x70  }
0x341: {  	[sflag:s12] =	ssyncset.done $0x0  }
0x342: {  	[sflag:s12] =	ssyncadd.s32 $0xFFFFFF90  }
0x343: {  	[tilespmem:s31], [sflag:$0x3] =	stream.indirect.gather [hbm4b:s10+s28], $0x20, s16, s28, $0xb8;
	[tilespmem:$0x1FDB0] =	vst v63  }
0x344: {  	_ =	swait.ge [sflag:s12], $0x70  }
0x345: {  	[sflag:s12] =	ssyncset.done $0x0  }
0x346: {  	[sflag:s12] =	ssyncadd.s32 $0xFFFFFF90  }
0x347: {  	[tilespmem:s9], [sflag:$0x3] =	stream.indirect.gather [hbm4b:s10+s28], $0x20, s11, s28, $0xb8;
	[tilespmem:$0x1FDB0] =	vst v63  }
0x348: {  	_ =	swait.ge [sflag:s13], $0xE00  }
0x349: {  	[sflag:s13] =	ssyncset.done $0x0  }
0x34a: {  	[sflag:s13] =	ssyncadd.s32 $0xFFFFF200  }
0x34b: {  	_ =	swait.ge [sflag:s26], $0x70  }
0x34c: {  	[sflag:s26] =	ssyncset.done $0x0  }
0x34d: {  	[sflag:s26] =	ssyncadd.s32 $0xFFFFFF90  }
0x34e: {  	[spmem:s1] =	stream.indirect.scatter.add.f32 [tilespmem:s0], [sflag:$0x4], $0x20, s21, s28, $0xb8;
	[tilespmem:$0x1FDB0] =	vst v63  }
0x34f: {  	_ =	swait.ge [sflag:s13], $0xE00  }
0x350: {  	[sflag:s13] =	ssyncset.done $0x0  }
0x351: {  	[sflag:s13] =	ssyncadd.s32 $0xFFFFF200  }
0x352: {  	_ =	swait.ge [sflag:s26], $0x70  }
0x353: {  	[sflag:s26] =	ssyncset.done $0x0  }
0x354: {  	[sflag:s26] =	ssyncadd.s32 $0xFFFFFF90  }
0x355: {  	[spmem:s1] =	stream.indirect.scatter.add.f32 [tilespmem:s6], [sflag:$0x4], $0x20, s22, s28, $0xb8;
	[tilespmem:$0x1FDB0] =	vst v63  }
0x356: {  	_ =	swait.ge [sflag:s13], $0xE00  }
0x357: {  	[sflag:s13] =	ssyncset.done $0x0  }
0x358: {  	[sflag:s13] =	ssyncadd.s32 $0xFFFFF200  }
0x359: {  	_ =	swait.ge [sflag:s26], $0x70  }
0x35a: {  	[sflag:s26] =	ssyncset.done $0x0  }
0x35b: {  	[sflag:s26] =	ssyncadd.s32 $0xFFFFFF90  }
0x35c: {  	[spmem:s1] =	stream.indirect.scatter.add.f32 [tilespmem:s7], [sflag:$0x4], $0x20, s23, s28, $0xb8;
	[tilespmem:$0x1FDB0] =	vst v63  }
0x35d: {  	_ =	swait.ge [sflag:s13], $0xE00  }
0x35e: {  	[sflag:s13] =	ssyncset.done $0x0  }
0x35f: {  	[sflag:s13] =	ssyncadd.s32 $0xFFFFF200  }
0x360: {  	_ =	swait.ge [sflag:s26], $0x70  }
0x361: {  	[sflag:s26] =	ssyncset.done $0x0  }
0x362: {  	[sflag:s26] =	ssyncadd.s32 $0xFFFFFF90  }
0x363: {  	[spmem:s1] =	stream.indirect.scatter.add.f32 [tilespmem:s31], [sflag:$0x4], $0x20, s24, s28, $0xb8;
	[tilespmem:$0x1FDB0] =	vst v63  }
0x364: {  	_ =	swait.ge [sflag:s13], $0xE00  }
0x365: {  	[sflag:s13] =	ssyncset.done $0x0  }
0x366: {  	[sflag:s13] =	ssyncadd.s32 $0xFFFFF200  }
0x367: {  	_ =	swait.ge [sflag:s26], $0x70  }
0x368: {  	[sflag:s26] =	ssyncset.done $0x0  }
0x369: {  	[sflag:s26] =	ssyncadd.s32 $0xFFFFFF90  }
0x36a: {  	[spmem:s1] =	stream.indirect.scatter.add.f32 [tilespmem:s9], [sflag:$0x4], $0x20, s25, s28, $0xb8;
	[tilespmem:$0x1FDB0] =	vst v63  }
0x36b: {  	_ =	swait.ge [sflag:s30], $0xE00  }
0x36c: {  	[sflag:s30] =	ssyncset.done $0x0  }
0x36d: {  	[sflag:s30] =	ssyncadd.s32 $0xFFFFF200  }
0x36e: {  	_ =	swait.ge [sflag:s30], $0xE00  }
0x36f: {  	[sflag:s30] =	ssyncset.done $0x0  }
0x370: {  	[sflag:s30] =	ssyncadd.s32 $0xFFFFF200  }
0x371: {  	_ =	swait.ge [sflag:s30], $0xE00  }
0x372: {  	[sflag:s30] =	ssyncset.done $0x0  }
0x373: {  	[sflag:s30] =	ssyncadd.s32 $0xFFFFF200  }
.Ltmp9:
0x374: {  	_ =	swait.ge [sflag:s30], $0xE00;
	(pc) =	sbr.rel @p0 .LBB2_20-.Ltmp9, $4  }
0x375: {  	[sflag:s30] =	ssyncset.done $0x0  }
0x376: {  	[sflag:s30] =	ssyncadd.s32 $0xFFFFF200  }
0x377: {  	_ =	swait.ge [sflag:s30], $0xE00  }
0x378: {  	s8 =	smov.u32 s2;
	[sflag:s30] =	ssyncset.done $0x0  }
0x379: {  	s2 =	sadd.s32 s5, s17;
	[sflag:s30] =	ssyncadd.s32 $0xFFFFF200  }
0x37a: {  	[tilespmem:s4], [sflag:$0x1] =	stream.linear.gather [hbm4b:s2+s4], $0x70, $0x38;
	[tilespmem:$0x1FDB0] =	vst v63  }
0x37b: {  	s5 =	sadd.s32 $0xE, s2  }
0x37c: {  	[tilespmem:s28], [sflag:$0x1] =	stream.linear.gather [hbm4b:s5+s4], $0x70, $0x38;
	[tilespmem:$0x1FDB0] =	vst v63  }
0x37d: {  	s15 =	sadd.s32 $0x1C, s2  }
0x37e: {  	[tilespmem:s14], [sflag:$0x1] =	stream.linear.gather [hbm4b:s15+s4], $0x70, $0x38;
	[tilespmem:$0x1FDB0] =	vst v63  }
0x37f: {  	s8 =	sadd.s32 $0x2A, s2  }
0x380: {  	[tilespmem:s16], [sflag:$0x1] =	stream.linear.gather [hbm4b:s8+s4], $0x70, $0x38;
	[tilespmem:$0x1FDB0] =	vst v63  }
0x381: {  	s15 =	sadd.s32 $0x38, s2  }
0x382: {  	[tilespmem:s11], [sflag:$0x1] =	stream.linear.gather [hbm4b:s15+s4], $0x70, $0x38;
	[tilespmem:$0x1FDB0] =	vst v63  }
0x383: {  	s8 =	sadd.s32 $0x186A0, s2  }
0x384: {  	[tilespmem:s21], [sflag:$0x2] =	stream.linear.gather [hbm4b:s8+s4], $0x70, $0x38;
	[tilespmem:$0x1FDB0] =	vst v63  }
0x385: {  	s15 =	sadd.s32 $0x186AE, s2  }
0x386: {  	[tilespmem:s22], [sflag:$0x2] =	stream.linear.gather [hbm4b:s15+s4], $0x70, $0x38;
	[tilespmem:$0x1FDB0] =	vst v63  }
0x387: {  	s8 =	sadd.s32 $0x186BC, s2  }
0x388: {  	[tilespmem:s23], [sflag:$0x2] =	stream.linear.gather [hbm4b:s8+s4], $0x70, $0x38;
	[tilespmem:$0x1FDB0] =	vst v63  }
0x389: {  	s15 =	sadd.s32 $0x186CA, s2  }
0x38a: {  	[tilespmem:s24], [sflag:$0x2] =	stream.linear.gather [hbm4b:s15+s4], $0x70, $0x38;
	[tilespmem:$0x1FDB0] =	vst v63  }
0x38b: {  	s2 =	sadd.s32 $0x186D8, s2  }
0x38c: {  	[tilespmem:s25], [sflag:$0x2] =	stream.linear.gather [hbm4b:s2+s4], $0x70, $0x38;
	[tilespmem:$0x1FDB0] =	vst v63  }
0x38d: {  	_ =	swait.ge [sflag:s12], $0x70  }
0x38e: {  	[sflag:s12] =	ssyncset.done $0x0  }
0x38f: {  	[sflag:s12] =	ssyncadd.s32 $0xFFFFFF90  }
0x390: {  	[tilespmem:s0], [sflag:$0x3] =	stream.indirect.gather [hbm4b:s10+s28], $0x20, s4, s28, $0xb8;
	[tilespmem:$0x1FDB0] =	vst v63  }
0x391: {  	_ =	swait.ge [sflag:s12], $0x70  }
0x392: {  	[sflag:s12] =	ssyncset.done $0x0  }
0x393: {  	[sflag:s12] =	ssyncadd.s32 $0xFFFFFF90  }
0x394: {  	[tilespmem:s6], [sflag:$0x3] =	stream.indirect.gather [hbm4b:s10+s28], $0x20, s28, s28, $0xb8;
	[tilespmem:$0x1FDB0] =	vst v63  }
0x395: {  	_ =	swait.ge [sflag:s12], $0x70  }
0x396: {  	[sflag:s12] =	ssyncset.done $0x0  }
0x397: {  	[sflag:s12] =	ssyncadd.s32 $0xFFFFFF90  }
0x398: {  	[tilespmem:s7], [sflag:$0x3] =	stream.indirect.gather [hbm4b:s10+s28], $0x20, s14, s28, $0xb8;
	[tilespmem:$0x1FDB0] =	vst v63  }
0x399: {  	_ =	swait.ge [sflag:s12], $0x70  }
0x39a: {  	[sflag:s12] =	ssyncset.done $0x0  }
0x39b: {  	[sflag:s12] =	ssyncadd.s32 $0xFFFFFF90  }
0x39c: {  	[tilespmem:s31], [sflag:$0x3] =	stream.indirect.gather [hbm4b:s10+s28], $0x20, s16, s28, $0xb8;
	[tilespmem:$0x1FDB0] =	vst v63  }
0x39d: {  	_ =	swait.ge [sflag:s12], $0x70  }
0x39e: {  	[sflag:s12] =	ssyncset.done $0x0  }
0x39f: {  	[sflag:s12] =	ssyncadd.s32 $0xFFFFFF90  }
0x3a0: {  	[tilespmem:s9], [sflag:$0x3] =	stream.indirect.gather [hbm4b:s10+s28], $0x20, s11, s28, $0xb8;
	[tilespmem:$0x1FDB0] =	vst v63  }
0x3a1: {  	_ =	swait.ge [sflag:s13], $0xE00  }
0x3a2: {  	[sflag:s13] =	ssyncset.done $0x0  }
0x3a3: {  	[sflag:s13] =	ssyncadd.s32 $0xFFFFF200  }
0x3a4: {  	_ =	swait.ge [sflag:s26], $0x70  }
0x3a5: {  	[sflag:s26] =	ssyncset.done $0x0  }
0x3a6: {  	[sflag:s26] =	ssyncadd.s32 $0xFFFFFF90  }
0x3a7: {  	[spmem:s1] =	stream.indirect.scatter.add.f32 [tilespmem:s0], [sflag:$0x4], $0x20, s21, s28, $0xb8;
	[tilespmem:$0x1FDB0] =	vst v63  }
0x3a8: {  	_ =	swait.ge [sflag:s13], $0xE00  }
0x3a9: {  	[sflag:s13] =	ssyncset.done $0x0  }
0x3aa: {  	[sflag:s13] =	ssyncadd.s32 $0xFFFFF200  }
0x3ab: {  	_ =	swait.ge [sflag:s26], $0x70  }
0x3ac: {  	[sflag:s26] =	ssyncset.done $0x0  }
0x3ad: {  	[sflag:s26] =	ssyncadd.s32 $0xFFFFFF90  }
0x3ae: {  	[spmem:s1] =	stream.indirect.scatter.add.f32 [tilespmem:s6], [sflag:$0x4], $0x20, s22, s28, $0xb8;
	[tilespmem:$0x1FDB0] =	vst v63  }
0x3af: {  	_ =	swait.ge [sflag:s13], $0xE00  }
0x3b0: {  	[sflag:s13] =	ssyncset.done $0x0  }
0x3b1: {  	[sflag:s13] =	ssyncadd.s32 $0xFFFFF200  }
0x3b2: {  	_ =	swait.ge [sflag:s26], $0x70  }
0x3b3: {  	[sflag:s26] =	ssyncset.done $0x0  }
0x3b4: {  	[sflag:s26] =	ssyncadd.s32 $0xFFFFFF90  }
0x3b5: {  	[spmem:s1] =	stream.indirect.scatter.add.f32 [tilespmem:s7], [sflag:$0x4], $0x20, s23, s28, $0xb8;
	[tilespmem:$0x1FDB0] =	vst v63  }
0x3b6: {  	_ =	swait.ge [sflag:s13], $0xE00  }
0x3b7: {  	[sflag:s13] =	ssyncset.done $0x0  }
0x3b8: {  	[sflag:s13] =	ssyncadd.s32 $0xFFFFF200  }
0x3b9: {  	_ =	swait.ge [sflag:s26], $0x70  }
0x3ba: {  	[sflag:s26] =	ssyncset.done $0x0  }
0x3bb: {  	[sflag:s26] =	ssyncadd.s32 $0xFFFFFF90  }
0x3bc: {  	[spmem:s1] =	stream.indirect.scatter.add.f32 [tilespmem:s31], [sflag:$0x4], $0x20, s24, s28, $0xb8;
	[tilespmem:$0x1FDB0] =	vst v63  }
0x3bd: {  	_ =	swait.ge [sflag:s13], $0xE00  }
0x3be: {  	[sflag:s13] =	ssyncset.done $0x0  }
0x3bf: {  	[sflag:s13] =	ssyncadd.s32 $0xFFFFF200  }
0x3c0: {  	_ =	swait.ge [sflag:s26], $0x70  }
0x3c1: {  	[sflag:s26] =	ssyncset.done $0x0  }
0x3c2: {  	[sflag:s26] =	ssyncadd.s32 $0xFFFFFF90  }
0x3c3: {  	[spmem:s1] =	stream.indirect.scatter.add.f32 [tilespmem:s9], [sflag:$0x4], $0x20, s25, s28, $0xb8;
	[tilespmem:$0x1FDB0] =	vst v63  }
0x3c4: {  	_ =	swait.ge [sflag:s30], $0xE00  }
0x3c5: {  	[sflag:s30] =	ssyncset.done $0x0  }
0x3c6: {  	[sflag:s30] =	ssyncadd.s32 $0xFFFFF200  }
0x3c7: {  	_ =	swait.ge [sflag:s30], $0xE00  }
0x3c8: {  	[sflag:s30] =	ssyncset.done $0x0  }
0x3c9: {  	[sflag:s30] =	ssyncadd.s32 $0xFFFFF200  }
0x3ca: {  	_ =	swait.ge [sflag:s30], $0xE00  }
0x3cb: {  	[sflag:s30] =	ssyncset.done $0x0  }
0x3cc: {  	[sflag:s30] =	ssyncadd.s32 $0xFFFFF200  }
0x3cd: {  	_ =	swait.ge [sflag:s30], $0xE00  }
0x3ce: {  	[sflag:s30] =	ssyncset.done $0x0  }
0x3cf: {  	[sflag:s30] =	ssyncadd.s32 $0xFFFFF200  }
0x3d0: {  	_ =	swait.ge [sflag:s30], $0xE00  }
0x3d1: {  	[sflag:s30] =	ssyncset.done $0x0  }
0x3d2: {  	s15 =	simm.s32 $0x0;
	s8 =	rddreg [dreg:$0xa];
	[sflag:s30] =	ssyncadd.s32 $0xFFFFF200  }
0x3d3: {  	[tilespmem:s15], [sflag:$0x1] =	stream.linear.gather [hbm4b:s8+s15], $0x70, $0x38;
	[tilespmem:$0x1FDB0] =	vst v63  }
0x3d4: {  	s5 =	rddreg [dreg:$0xb];
	s8 =	simm.s32 $0x6310  }
0x3d5: {  	[tilespmem:s8], [sflag:$0x1] =	stream.linear.gather [hbm4b:s5+s15], $0x30, $0x38;
	[tilespmem:$0x1FDB0] =	vst v63  }
0x3d6: {  	s5 =	rddreg [dreg:$0x6]  }
0x3d7: {  	[tilespmem:s21], [sflag:$0x2] =	stream.linear.gather [hbm4b:s5+s15], $0x70, $0x38;
	[tilespmem:$0x1FDB0] =	vst v63  }
0x3d8: {  	s2 =	rddreg [dreg:$0x7];
	s5 =	simm.s32 $0x6340  }
0x3d9: {  	[tilespmem:s5], [sflag:$0x2] =	stream.linear.gather [hbm4b:s2+s15], $0x30, $0x38;
	[tilespmem:$0x1FDB0] =	vst v63  }
0x3da: {  	_ =	swait.ge [sflag:s12], $0x70  }
0x3db: {  	[sflag:s12] =	ssyncset.done $0x0  }
0x3dc: {  	[sflag:s12] =	ssyncadd.s32 $0xFFFFFF90  }
0x3dd: {  	[tilespmem:s0], [sflag:$0x3] =	stream.indirect.gather [hbm4b:s10+s28], $0x20, s15, s28, $0xb8;
	[tilespmem:$0x1FDB0] =	vst v63  }
0x3de: {  	_ =	swait.ge [sflag:s12], $0x30  }
0x3df: {  	[sflag:s12] =	ssyncset.done $0x0  }
0x3e0: {  	s2 =	simm.s32 $0x30;
	s15 =	simm.s32 $0x6370;
	[sflag:s12] =	ssyncadd.s32 $0xFFFFFFD0  }
0x3e1: {  	[tilespmem:s15], [sflag:$0x3] =	stream.indirect.gather [hbm4b:s10+s2], $0x20, s8, s2, $0xb8;
	[tilespmem:$0x1FDB0] =	vst v63  }
0x3e2: {  	_ =	swait.ge [sflag:s13], $0xE00  }
0x3e3: {  	[sflag:s13] =	ssyncset.done $0x0  }
0x3e4: {  	[sflag:s13] =	ssyncadd.s32 $0xFFFFF200  }
0x3e5: {  	_ =	swait.ge [sflag:s26], $0x70  }
0x3e6: {  	[sflag:s26] =	ssyncset.done $0x0  }
0x3e7: {  	[sflag:s26] =	ssyncadd.s32 $0xFFFFFF90  }
0x3e8: {  	[spmem:s1] =	stream.indirect.scatter.add.f32 [tilespmem:s0], [sflag:$0x4], $0x20, s21, s28, $0xb8;
	[tilespmem:$0x1FDB0] =	vst v63  }
0x3e9: {  	_ =	swait.ge [sflag:s13], $0x600  }
0x3ea: {  	[sflag:s13] =	ssyncset.done $0x0  }
0x3eb: {  	[sflag:s13] =	ssyncadd.s32 $0xFFFFFA00  }
0x3ec: {  	_ =	swait.ge [sflag:s26], $0x30  }
0x3ed: {  	[sflag:s26] =	ssyncset.done $0x0  }
0x3ee: {  	[sflag:s26] =	ssyncadd.s32 $0xFFFFFFD0  }
0x3ef: {  	[spmem:s1] =	stream.indirect.scatter.add.f32 [tilespmem:s15], [sflag:$0x4], $0x20, s5, s2, $0xb8;
	[tilespmem:$0x1FDB0] =	vst v63  }
0x3f0: {  	_ =	swait.ge [sflag:s30], $0xE00  }
0x3f1: {  	[sflag:s30] =	ssyncset.done $0x0  }
0x3f2: {  	[sflag:s30] =	ssyncadd.s32 $0xFFFFF200  }
0x3f3: {  	_ =	swait.ge [sflag:s30], $0x600  }
0x3f4: {  	[sflag:s30] =	ssyncset.done $0x0  }
0x3f5: {  	s29 =	simm.s32 $0x52D0;
	[sflag:s30] =	ssyncadd.s32 $0xFFFFFA00  }
0x3f6: {  	s8 =	simm.s32 $0x4AD0;
	s5 =	simm.s32 $0x0;
	[bflag:$0x0] =	sbarrier.arrive $0xFFFF  }
.LBB2_22:
0x3f7: {  	s2 =	sshll.u32 s5, $0x6  }
0x3f8: {  	s18 =	sadd.s32 s18, s2  }
0x3f9: {  	s2 =	sshll.u32 s18, $0x5  }
0x3fa: {  	s2 =	sand.u32 $0x3FFFFFE0, s2  }
0x3fb: {  	s2 =	sadd.s32 s2, s1  }
0x3fc: {  	[tilespmem:s8], [sflag:$0x5] =	stream.linear.gather [spmem:s2], $0x800, $0x38;
	[tilespmem:$0x1FDB0] =	vst v63  }
0x3fd: {  	_ =	swait.ge [sflag:s19], $0x800  }
0x3fe: {  	[sflag:s19] =	ssyncset.done $0x0  }
0x3ff: {  	s15 =	simm.s32 $0x5B10;
	[sflag:s19] =	ssyncadd.s32 $0xFFFFF800  }
0x400: {  	[spmem:s2] =	stream.linear.scatter [tilespmem:s15], [sflag:$0x5], $0x800, $0x38;
	[tilespmem:$0x1FDB0] =	vst v63  }
0x401: {  	s2 =	sshll.u32 s18, $0x2  }
0x402: {  	_ =	swait.ge [sflag:s19], $0x800;
	[dreg:$0x12] =	wrdreg s2  }
0x403: {  	[sflag:s19] =	ssyncset.done $0x0;
	s15 =	rddreg [dreg:$0xc]  }
0x404: {  	[sflag:s19] =	ssyncadd.s32 $0xFFFFF800;
	s8 =	sadd.s32 s2, s15;
	s15 =	simm.s32 $0x0  }
0x405: {  	[tilespmem:s29], [sflag:$0x5] =	stream.linear.gather [hbm4b:s8+s15], $0x800, $0x38;
	[tilespmem:$0x1FDB0] =	vst v63  }
0x406: {  	_ =	swait.ge [sflag:s19], $0x800  }
0x407: {  	[sflag:s19] =	ssyncset.done $0x0  }
0x408: {  	s15 =	simm.s32 $0x0;
	[sflag:s19] =	ssyncadd.s32 $0xFFFFF800  }
0x409: {  	v2 =	vld [tilespmem:s15+$0x4AD0]  }
0x40a: {  	v3 =	vld [tilespmem:s15+$0x4AE0]  }
0x40b: {  	s2 =	simm.s32 $0x80;
	v4 =	vld [tilespmem:s15+$0x52D0]  }
.LBB2_23:
0x40c: {  	p0 =	sne.s32 s2, $0x1F80;
	v5 =	vld [tilespmem:s15+$0x52E0];
	_ =	sdelay $0x2  }
.Ltmp10:
0x40d: {  	(pc) =	sbr.rel @p0 .LBB2_23-.Ltmp10, $4  }
0x40e: {  	s29 =	sshra.s32 s2, $0x2;
	v4 =	vadd.f32 v2, v4  }
0x40f: {  	v2 =	vld [tilespmem:s29+$0x4AD0];
	v5 =	vadd.f32 v3, v5  }
0x410: {  	v3 =	vld [tilespmem:s29+$0x4AE0];
	[tilespmem:s15+$0x52D0] =	vst v4  }
0x411: {  	s2 =	sadd.s32 $0x80, s2;
	v4 =	vld [tilespmem:s29+$0x52D0];
	[tilespmem:s15+$0x52E0] =	vst v5;
	s15 =	smov.u32 s29  }
0x412: {  	v5 =	vld [tilespmem:s15+$0x52E0];
	_ =	sdelay $0x3  }
0x413: {  	v2 =	vadd.f32 v2, v4  }
0x414: {  	v3 =	vadd.f32 v3, v5  }
0x415: {  	[tilespmem:s15+$0x52D0] =	vst v2  }
0x416: {  	s2 =	simm.s32 $0x0;
	s29 =	simm.s32 $0x52D0;
	[tilespmem:s15+$0x52E0] =	vst v3  }
0x417: {  	[hbm4b:s8+s2] =	stream.linear.scatter [tilespmem:s29], [sflag:$0x5], $0x800, $0x38;
	[tilespmem:$0x1FDB0] =	vst v63  }
0x418: {  	_ =	swait.ge [sflag:s19], $0x800  }
0x419: {  	[sflag:s19] =	ssyncset.done $0x0  }
0x41a: {  	s15 =	sadd.s32 s18, s3;
	[sflag:s19] =	ssyncadd.s32 $0xFFFFF800  }
0x41b: {  	[tilespmem:s20], [sflag:$0x5] =	stream.linear.gather [spmem:s15], $0x40, $0x38;
	[tilespmem:$0x1FDB0] =	vst v63  }
0x41c: {  	_ =	swait.ge [sflag:s19], $0x40  }
0x41d: {  	[sflag:s19] =	ssyncset.done $0x0  }
0x41e: {  	[sflag:s19] =	ssyncadd.s32 $0xFFFFFFC0  }
0x41f: {  	v2 =	vld [tilespmem:$0x5AD0]  }
0x420: {  	v3 =	vld [tilespmem:$0x5AE0]  }
0x421: {  	v4 =	vld [tilespmem:$0x5AF0]  }
0x422: {  	v5 =	vld [tilespmem:$0x5B00];
	_ =	sdelay $0x1  }
0x423: {  	v2 =	vmul.f32 v2, v2  }
0x424: {  	v3 =	vmul.f32 v3, v3  }
0x425: {  	[tilespmem:$0x5AD0] =	vst v2;
	v2 =	vmul.f32 v4, v4  }
0x426: {  	v4 =	vmov s2;
	[tilespmem:$0x5AE0] =	vst v3;
	v3 =	vmul.f32 v5, v5  }
0x427: {  	[tilespmem:$0x5AF0] =	vst v2  }
0x428: {  	s8 =	simm.s32 $0x4AE0;
	[tilespmem:$0x5B00] =	vst v3  }
0x429: {  	v3 =	vld [tilespmem:s8+$0xFFFFFFF0]  }
0x42a: {  	v5 =	vld [tilespmem:s8+$0x0]  }
0x42b: {  	v4 =	vld.idx.msk [tilespmem:v4+s20+$0x0], $0xffff;
	_ =	sdelay $0x2  }
0x42c: {  	s18 =	simm.s32 $0x1  }
0x42d: {  	s15 =	simm.s32 $0x4AE0;
	v2 =	vmov s18;
	s18 =	simm.s32 $0x2  }
.LBB2_25:
0x42e: {  	p0 =	sne.s32 s18, $0x3F;
	v3 =	vmul.f32 v3, v4;
	v4 =	vmul.f32 v5, v4;
	_ =	sdelay $0x1  }
0x42f: {  	s15 =	sadd.s32 $0x20, s15;
	[tilespmem:s8+$0xFFFFFFF0] =	vst v3  }
0x430: {  	v3 =	vld [tilespmem:s15+$0xFFFFFFF0];
	[tilespmem:s8+$0x0] =	vst v4;
	s8 =	smov.u32 s15  }
0x431: {  	v4 =	vld.idx.msk [tilespmem:v2+s20+$0x0], $0xffff  }
.Ltmp11:
0x432: {  	v5 =	vld [tilespmem:s15+$0x0];
	(pc) =	sbr.rel @p0 .LBB2_25-.Ltmp11, $2  }
0x433: {  	_ =	sdelay $0x2  }
0x434: {  	v2 =	vmov s18;
	s18 =	sadd.s32 $0x1, s18  }
0x435: {  	v3 =	vmul.f32 v3, v4  }
0x436: {  	v63 =	vmul.f32 v5, v4  }
0x437: {  	s2 =	sadd.s32 $0x20, s15;
	[tilespmem:s8+$0xFFFFFFF0] =	vst v3  }
0x438: {  	v3 =	vld [tilespmem:s2+$0xFFFFFFF0];
	[tilespmem:s8+$0x0] =	vst v63  }
0x439: {  	v2 =	vld.idx.msk [tilespmem:v2+s20+$0x0], $0xffff  }
0x43a: {  	v4 =	vld [tilespmem:s2+$0x0];
	_ =	sdelay $0x3  }
0x43b: {  	v3 =	vmul.f32 v3, v2  }
0x43c: {  	s5 =	sadd.s32 $0x1, s5;
	v2 =	vmul.f32 v4, v2  }
0x43d: {  	s18 =	rddreg [dreg:$0x12];
	p0 =	sne.s32 s5, $0x31;
	[tilespmem:s2+$0xFFFFFFF0] =	vst v3  }
.Ltmp12:
0x43e: {  	s8 =	simm.s32 $0x4AD0;
	[tilespmem:s2+$0x0] =	vst v2;
	s2 =	sadd.s32 s10, s18;
	(pc) =	sbr.rel @p0 .LBB2_22-.Ltmp12, $4  }
0x43f: {  	[hbm4b:s2+s4] =	stream.linear.scatter [tilespmem:s8], [sflag:$0x5], $0x800, $0x38;
	[tilespmem:$0x1FDB0] =	vst v63  }
0x440: {  	_ =	swait.ge [sflag:s19], $0x800  }
0x441: {  	[sflag:s19] =	ssyncset.done $0x0  }
0x442: {  	s18 =	rddreg [dreg:$0x5];
	[sflag:s19] =	ssyncadd.s32 $0xFFFFF800  }
0x443: {  	[bflag:$0x0] =	sbarrier.arrive $0xFFFF;
	s2 =	sadd.s32 $0x0, s17  }
0x444: {  	[tilespmem:s4], [sflag:$0x1] =	stream.linear.gather [hbm4b:s2+s4], $0x70, $0x38;
	[tilespmem:$0x1FDB0] =	vst v63  }
0x445: {  	s5 =	sadd.s32 $0xE, s2  }
0x446: {  	[tilespmem:s28], [sflag:$0x1] =	stream.linear.gather [hbm4b:s5+s4], $0x70, $0x38;
	[tilespmem:$0x1FDB0] =	vst v63  }
0x447: {  	s15 =	sadd.s32 $0x1C, s2  }
0x448: {  	[tilespmem:s14], [sflag:$0x1] =	stream.linear.gather [hbm4b:s15+s4], $0x70, $0x38;
	[tilespmem:$0x1FDB0] =	vst v63  }
0x449: {  	s8 =	sadd.s32 $0x2A, s2  }
0x44a: {  	[tilespmem:s16], [sflag:$0x1] =	stream.linear.gather [hbm4b:s8+s4], $0x70, $0x38;
	[tilespmem:$0x1FDB0] =	vst v63  }
0x44b: {  	s15 =	sadd.s32 $0x38, s2  }
0x44c: {  	[tilespmem:s11], [sflag:$0x1] =	stream.linear.gather [hbm4b:s15+s4], $0x70, $0x38;
	[tilespmem:$0x1FDB0] =	vst v63  }
0x44d: {  	s8 =	sadd.s32 $0x186A0, s2  }
0x44e: {  	[tilespmem:s21], [sflag:$0x2] =	stream.linear.gather [hbm4b:s8+s4], $0x70, $0x38;
	[tilespmem:$0x1FDB0] =	vst v63  }
0x44f: {  	s15 =	sadd.s32 $0x186AE, s2  }
0x450: {  	[tilespmem:s22], [sflag:$0x2] =	stream.linear.gather [hbm4b:s15+s4], $0x70, $0x38;
	[tilespmem:$0x1FDB0] =	vst v63  }
0x451: {  	s8 =	sadd.s32 $0x186BC, s2  }
0x452: {  	[tilespmem:s23], [sflag:$0x2] =	stream.linear.gather [hbm4b:s8+s4], $0x70, $0x38;
	[tilespmem:$0x1FDB0] =	vst v63  }
0x453: {  	s15 =	sadd.s32 $0x186CA, s2  }
0x454: {  	[tilespmem:s24], [sflag:$0x2] =	stream.linear.gather [hbm4b:s15+s4], $0x70, $0x38;
	[tilespmem:$0x1FDB0] =	vst v63  }
0x455: {  	s2 =	sadd.s32 $0x186D8, s2  }
0x456: {  	[tilespmem:s25], [sflag:$0x2] =	stream.linear.gather [hbm4b:s2+s4], $0x70, $0x38;
	[tilespmem:$0x1FDB0] =	vst v63  }
0x457: {  	_ =	swait.ge [sflag:s12], $0x70  }
0x458: {  	[sflag:s12] =	ssyncset.done $0x0  }
0x459: {  	[sflag:s12] =	ssyncadd.s32 $0xFFFFFF90  }
0x45a: {  	[tilespmem:s0], [sflag:$0x3] =	stream.indirect.gather [hbm4b:s10+s28], $0x20, s4, s28, $0xb8;
	[tilespmem:$0x1FDB0] =	vst v63  }
0x45b: {  	_ =	swait.ge [sflag:s12], $0x70  }
0x45c: {  	[sflag:s12] =	ssyncset.done $0x0  }
0x45d: {  	[sflag:s12] =	ssyncadd.s32 $0xFFFFFF90  }
0x45e: {  	[tilespmem:s6], [sflag:$0x3] =	stream.indirect.gather [hbm4b:s10+s28], $0x20, s28, s28, $0xb8;
	[tilespmem:$0x1FDB0] =	vst v63  }
0x45f: {  	_ =	swait.ge [sflag:s12], $0x70  }
0x460: {  	[sflag:s12] =	ssyncset.done $0x0  }
0x461: {  	[sflag:s12] =	ssyncadd.s32 $0xFFFFFF90  }
0x462: {  	[tilespmem:s7], [sflag:$0x3] =	stream.indirect.gather [hbm4b:s10+s28], $0x20, s14, s28, $0xb8;
	[tilespmem:$0x1FDB0] =	vst v63  }
0x463: {  	_ =	swait.ge [sflag:s12], $0x70  }
0x464: {  	[sflag:s12] =	ssyncset.done $0x0  }
0x465: {  	[sflag:s12] =	ssyncadd.s32 $0xFFFFFF90  }
0x466: {  	[tilespmem:s31], [sflag:$0x3] =	stream.indirect.gather [hbm4b:s10+s28], $0x20, s16, s28, $0xb8;
	[tilespmem:$0x1FDB0] =	vst v63  }
0x467: {  	_ =	swait.ge [sflag:s12], $0x70  }
0x468: {  	[sflag:s12] =	ssyncset.done $0x0  }
0x469: {  	[sflag:s12] =	ssyncadd.s32 $0xFFFFFF90  }
0x46a: {  	[tilespmem:s9], [sflag:$0x3] =	stream.indirect.gather [hbm4b:s10+s28], $0x20, s11, s28, $0xb8;
	[tilespmem:$0x1FDB0] =	vst v63  }
0x46b: {  	_ =	swait.ge [sflag:s13], $0xE00  }
0x46c: {  	[sflag:s13] =	ssyncset.done $0x0  }
0x46d: {  	[sflag:s13] =	ssyncadd.s32 $0xFFFFF200  }
0x46e: {  	_ =	swait.ge [sflag:s26], $0x70  }
0x46f: {  	[sflag:s26] =	ssyncset.done $0x0  }
0x470: {  	[sflag:s26] =	ssyncadd.s32 $0xFFFFFF90  }
0x471: {  	[spmem:s1] =	stream.indirect.scatter.add.f32 [tilespmem:s0], [sflag:$0x4], $0x20, s21, s28, $0xb8;
	[tilespmem:$0x1FDB0] =	vst v63  }
0x472: {  	_ =	swait.ge [sflag:s13], $0xE00  }
0x473: {  	[sflag:s13] =	ssyncset.done $0x0  }
0x474: {  	[sflag:s13] =	ssyncadd.s32 $0xFFFFF200  }
0x475: {  	_ =	swait.ge [sflag:s26], $0x70  }
0x476: {  	[sflag:s26] =	ssyncset.done $0x0  }
0x477: {  	[sflag:s26] =	ssyncadd.s32 $0xFFFFFF90  }
0x478: {  	[spmem:s1] =	stream.indirect.scatter.add.f32 [tilespmem:s6], [sflag:$0x4], $0x20, s22, s28, $0xb8;
	[tilespmem:$0x1FDB0] =	vst v63  }
0x479: {  	_ =	swait.ge [sflag:s13], $0xE00  }
0x47a: {  	[sflag:s13] =	ssyncset.done $0x0  }
0x47b: {  	[sflag:s13] =	ssyncadd.s32 $0xFFFFF200  }
0x47c: {  	_ =	swait.ge [sflag:s26], $0x70  }
0x47d: {  	[sflag:s26] =	ssyncset.done $0x0  }
0x47e: {  	[sflag:s26] =	ssyncadd.s32 $0xFFFFFF90  }
0x47f: {  	[spmem:s1] =	stream.indirect.scatter.add.f32 [tilespmem:s7], [sflag:$0x4], $0x20, s23, s28, $0xb8;
	[tilespmem:$0x1FDB0] =	vst v63  }
0x480: {  	_ =	swait.ge [sflag:s13], $0xE00  }
0x481: {  	[sflag:s13] =	ssyncset.done $0x0  }
0x482: {  	[sflag:s13] =	ssyncadd.s32 $0xFFFFF200  }
0x483: {  	_ =	swait.ge [sflag:s26], $0x70  }
0x484: {  	[sflag:s26] =	ssyncset.done $0x0  }
0x485: {  	[sflag:s26] =	ssyncadd.s32 $0xFFFFFF90  }
0x486: {  	[spmem:s1] =	stream.indirect.scatter.add.f32 [tilespmem:s31], [sflag:$0x4], $0x20, s24, s28, $0xb8;
	[tilespmem:$0x1FDB0] =	vst v63  }
0x487: {  	_ =	swait.ge [sflag:s13], $0xE00  }
0x488: {  	[sflag:s13] =	ssyncset.done $0x0  }
0x489: {  	[sflag:s13] =	ssyncadd.s32 $0xFFFFF200  }
0x48a: {  	_ =	swait.ge [sflag:s26], $0x70  }
0x48b: {  	[sflag:s26] =	ssyncset.done $0x0  }
0x48c: {  	[sflag:s26] =	ssyncadd.s32 $0xFFFFFF90  }
0x48d: {  	[spmem:s1] =	stream.indirect.scatter.add.f32 [tilespmem:s9], [sflag:$0x4], $0x20, s25, s28, $0xb8;
	[tilespmem:$0x1FDB0] =	vst v63  }
0x48e: {  	_ =	swait.ge [sflag:s30], $0xE00  }
0x48f: {  	[sflag:s30] =	ssyncset.done $0x0  }
0x490: {  	[sflag:s30] =	ssyncadd.s32 $0xFFFFF200  }
0x491: {  	_ =	swait.ge [sflag:s30], $0xE00  }
0x492: {  	[sflag:s30] =	ssyncset.done $0x0  }
0x493: {  	[sflag:s30] =	ssyncadd.s32 $0xFFFFF200  }
0x494: {  	_ =	swait.ge [sflag:s30], $0xE00  }
0x495: {  	[sflag:s30] =	ssyncset.done $0x0  }
0x496: {  	[sflag:s30] =	ssyncadd.s32 $0xFFFFF200  }
0x497: {  	_ =	swait.ge [sflag:s30], $0xE00  }
0x498: {  	[sflag:s30] =	ssyncset.done $0x0  }
0x499: {  	[sflag:s30] =	ssyncadd.s32 $0xFFFFF200  }
0x49a: {  	_ =	swait.ge [sflag:s30], $0xE00  }
0x49b: {  	s5 =	simm.s32 $0x46;
	s8 =	simm.s32 $0x8C;
	[sflag:s30] =	ssyncset.done $0x0  }
.LBB2_28:
0x49c: {  	s15 =	sadd.s32 s5, s17  }
0x49d: {  	[sflag:s30] =	ssyncadd.s32 $0xFFFFF200;
	s5 =	smov.u32 s8;
	s2 =	sadd.s32 $0x46, s8  }
0x49e: {  	[tilespmem:s4], [sflag:$0x1] =	stream.linear.gather [hbm4b:s15+s4], $0x70, $0x38;
	[tilespmem:$0x1FDB0] =	vst v63  }
0x49f: {  	p0 =	sne.s32 s8, $0x1810;
	s8 =	sadd.s32 $0xE, s15  }
0x4a0: {  	[tilespmem:s28], [sflag:$0x1] =	stream.linear.gather [hbm4b:s8+s4], $0x70, $0x38;
	[tilespmem:$0x1FDB0] =	vst v63  }
0x4a1: {  	s8 =	sadd.s32 $0x1C, s15  }
0x4a2: {  	[tilespmem:s14], [sflag:$0x1] =	stream.linear.gather [hbm4b:s8+s4], $0x70, $0x38;
	[tilespmem:$0x1FDB0] =	vst v63  }
0x4a3: {  	s8 =	sadd.s32 $0x2A, s15  }
0x4a4: {  	[tilespmem:s16], [sflag:$0x1] =	stream.linear.gather [hbm4b:s8+s4], $0x70, $0x38;
	[tilespmem:$0x1FDB0] =	vst v63  }
0x4a5: {  	s8 =	sadd.s32 $0x38, s15  }
0x4a6: {  	[tilespmem:s11], [sflag:$0x1] =	stream.linear.gather [hbm4b:s8+s4], $0x70, $0x38;
	[tilespmem:$0x1FDB0] =	vst v63  }
0x4a7: {  	s8 =	sadd.s32 $0x186A0, s15  }
0x4a8: {  	[tilespmem:s21], [sflag:$0x2] =	stream.linear.gather [hbm4b:s8+s4], $0x70, $0x38;
	[tilespmem:$0x1FDB0] =	vst v63  }
0x4a9: {  	s8 =	sadd.s32 $0x186AE, s15  }
0x4aa: {  	[tilespmem:s22], [sflag:$0x2] =	stream.linear.gather [hbm4b:s8+s4], $0x70, $0x38;
	[tilespmem:$0x1FDB0] =	vst v63  }
0x4ab: {  	s8 =	sadd.s32 $0x186BC, s15  }
0x4ac: {  	[tilespmem:s23], [sflag:$0x2] =	stream.linear.gather [hbm4b:s8+s4], $0x70, $0x38;
	[tilespmem:$0x1FDB0] =	vst v63  }
0x4ad: {  	s8 =	sadd.s32 $0x186CA, s15  }
0x4ae: {  	[tilespmem:s24], [sflag:$0x2] =	stream.linear.gather [hbm4b:s8+s4], $0x70, $0x38;
	[tilespmem:$0x1FDB0] =	vst v63  }
0x4af: {  	s8 =	sadd.s32 $0x186D8, s15  }
0x4b0: {  	[tilespmem:s25], [sflag:$0x2] =	stream.linear.gather [hbm4b:s8+s4], $0x70, $0x38;
	[tilespmem:$0x1FDB0] =	vst v63  }
0x4b1: {  	_ =	swait.ge [sflag:s12], $0x70  }
0x4b2: {  	[sflag:s12] =	ssyncset.done $0x0  }
0x4b3: {  	[sflag:s12] =	ssyncadd.s32 $0xFFFFFF90  }
0x4b4: {  	[tilespmem:s0], [sflag:$0x3] =	stream.indirect.gather [hbm4b:s10+s28], $0x20, s4, s28, $0xb8;
	[tilespmem:$0x1FDB0] =	vst v63  }
0x4b5: {  	_ =	swait.ge [sflag:s12], $0x70  }
0x4b6: {  	[sflag:s12] =	ssyncset.done $0x0  }
0x4b7: {  	[sflag:s12] =	ssyncadd.s32 $0xFFFFFF90  }
0x4b8: {  	[tilespmem:s6], [sflag:$0x3] =	stream.indirect.gather [hbm4b:s10+s28], $0x20, s28, s28, $0xb8;
	[tilespmem:$0x1FDB0] =	vst v63  }
0x4b9: {  	_ =	swait.ge [sflag:s12], $0x70  }
0x4ba: {  	[sflag:s12] =	ssyncset.done $0x0  }
0x4bb: {  	[sflag:s12] =	ssyncadd.s32 $0xFFFFFF90  }
0x4bc: {  	[tilespmem:s7], [sflag:$0x3] =	stream.indirect.gather [hbm4b:s10+s28], $0x20, s14, s28, $0xb8;
	[tilespmem:$0x1FDB0] =	vst v63  }
0x4bd: {  	_ =	swait.ge [sflag:s12], $0x70  }
0x4be: {  	[sflag:s12] =	ssyncset.done $0x0  }
0x4bf: {  	[sflag:s12] =	ssyncadd.s32 $0xFFFFFF90  }
0x4c0: {  	[tilespmem:s31], [sflag:$0x3] =	stream.indirect.gather [hbm4b:s10+s28], $0x20, s16, s28, $0xb8;
	[tilespmem:$0x1FDB0] =	vst v63  }
0x4c1: {  	_ =	swait.ge [sflag:s12], $0x70  }
0x4c2: {  	[sflag:s12] =	ssyncset.done $0x0  }
0x4c3: {  	[sflag:s12] =	ssyncadd.s32 $0xFFFFFF90  }
0x4c4: {  	[tilespmem:s9], [sflag:$0x3] =	stream.indirect.gather [hbm4b:s10+s28], $0x20, s11, s28, $0xb8;
	[tilespmem:$0x1FDB0] =	vst v63  }
0x4c5: {  	_ =	swait.ge [sflag:s13], $0xE00  }
0x4c6: {  	[sflag:s13] =	ssyncset.done $0x0  }
0x4c7: {  	[sflag:s13] =	ssyncadd.s32 $0xFFFFF200  }
0x4c8: {  	_ =	swait.ge [sflag:s26], $0x70  }
0x4c9: {  	[sflag:s26] =	ssyncset.done $0x0  }
0x4ca: {  	[sflag:s26] =	ssyncadd.s32 $0xFFFFFF90  }
0x4cb: {  	[spmem:s1] =	stream.indirect.scatter.add.f32 [tilespmem:s0], [sflag:$0x4], $0x20, s21, s28, $0xb8;
	[tilespmem:$0x1FDB0] =	vst v63  }
0x4cc: {  	_ =	swait.ge [sflag:s13], $0xE00  }
0x4cd: {  	[sflag:s13] =	ssyncset.done $0x0  }
0x4ce: {  	[sflag:s13] =	ssyncadd.s32 $0xFFFFF200  }
0x4cf: {  	_ =	swait.ge [sflag:s26], $0x70  }
0x4d0: {  	[sflag:s26] =	ssyncset.done $0x0  }
0x4d1: {  	[sflag:s26] =	ssyncadd.s32 $0xFFFFFF90  }
0x4d2: {  	[spmem:s1] =	stream.indirect.scatter.add.f32 [tilespmem:s6], [sflag:$0x4], $0x20, s22, s28, $0xb8;
	[tilespmem:$0x1FDB0] =	vst v63  }
0x4d3: {  	_ =	swait.ge [sflag:s13], $0xE00  }
0x4d4: {  	[sflag:s13] =	ssyncset.done $0x0  }
0x4d5: {  	[sflag:s13] =	ssyncadd.s32 $0xFFFFF200  }
0x4d6: {  	_ =	swait.ge [sflag:s26], $0x70  }
0x4d7: {  	[sflag:s26] =	ssyncset.done $0x0  }
0x4d8: {  	[sflag:s26] =	ssyncadd.s32 $0xFFFFFF90  }
0x4d9: {  	[spmem:s1] =	stream.indirect.scatter.add.f32 [tilespmem:s7], [sflag:$0x4], $0x20, s23, s28, $0xb8;
	[tilespmem:$0x1FDB0] =	vst v63  }
0x4da: {  	_ =	swait.ge [sflag:s13], $0xE00  }
0x4db: {  	[sflag:s13] =	ssyncset.done $0x0  }
0x4dc: {  	[sflag:s13] =	ssyncadd.s32 $0xFFFFF200  }
0x4dd: {  	_ =	swait.ge [sflag:s26], $0x70  }
0x4de: {  	[sflag:s26] =	ssyncset.done $0x0  }
0x4df: {  	[sflag:s26] =	ssyncadd.s32 $0xFFFFFF90  }
0x4e0: {  	[spmem:s1] =	stream.indirect.scatter.add.f32 [tilespmem:s31], [sflag:$0x4], $0x20, s24, s28, $0xb8;
	[tilespmem:$0x1FDB0] =	vst v63  }
0x4e1: {  	_ =	swait.ge [sflag:s13], $0xE00  }
0x4e2: {  	[sflag:s13] =	ssyncset.done $0x0  }
0x4e3: {  	[sflag:s13] =	ssyncadd.s32 $0xFFFFF200  }
0x4e4: {  	_ =	swait.ge [sflag:s26], $0x70  }
0x4e5: {  	[sflag:s26] =	ssyncset.done $0x0  }
0x4e6: {  	[sflag:s26] =	ssyncadd.s32 $0xFFFFFF90  }
0x4e7: {  	[spmem:s1] =	stream.indirect.scatter.add.f32 [tilespmem:s9], [sflag:$0x4], $0x20, s25, s28, $0xb8;
	[tilespmem:$0x1FDB0] =	vst v63  }
0x4e8: {  	_ =	swait.ge [sflag:s30], $0xE00  }
0x4e9: {  	[sflag:s30] =	ssyncset.done $0x0  }
0x4ea: {  	[sflag:s30] =	ssyncadd.s32 $0xFFFFF200  }
0x4eb: {  	_ =	swait.ge [sflag:s30], $0xE00  }
0x4ec: {  	[sflag:s30] =	ssyncset.done $0x0  }
0x4ed: {  	[sflag:s30] =	ssyncadd.s32 $0xFFFFF200  }
0x4ee: {  	_ =	swait.ge [sflag:s30], $0xE00  }
0x4ef: {  	[sflag:s30] =	ssyncset.done $0x0  }
0x4f0: {  	[sflag:s30] =	ssyncadd.s32 $0xFFFFF200  }
.Ltmp13:
0x4f1: {  	_ =	swait.ge [sflag:s30], $0xE00;
	(pc) =	sbr.rel @p0 .LBB2_28-.Ltmp13, $4  }
0x4f2: {  	[sflag:s30] =	ssyncset.done $0x0  }
0x4f3: {  	[sflag:s30] =	ssyncadd.s32 $0xFFFFF200  }
0x4f4: {  	_ =	swait.ge [sflag:s30], $0xE00  }
0x4f5: {  	s8 =	smov.u32 s2;
	[sflag:s30] =	ssyncset.done $0x0  }
0x4f6: {  	s2 =	sadd.s32 s5, s17;
	[sflag:s30] =	ssyncadd.s32 $0xFFFFF200  }
0x4f7: {  	[tilespmem:s4], [sflag:$0x1] =	stream.linear.gather [hbm4b:s2+s4], $0x70, $0x38;
	[tilespmem:$0x1FDB0] =	vst v63  }
0x4f8: {  	s5 =	sadd.s32 $0xE, s2  }
0x4f9: {  	[tilespmem:s28], [sflag:$0x1] =	stream.linear.gather [hbm4b:s5+s4], $0x70, $0x38;
	[tilespmem:$0x1FDB0] =	vst v63  }
0x4fa: {  	s15 =	sadd.s32 $0x1C, s2  }
0x4fb: {  	[tilespmem:s14], [sflag:$0x1] =	stream.linear.gather [hbm4b:s15+s4], $0x70, $0x38;
	[tilespmem:$0x1FDB0] =	vst v63  }
0x4fc: {  	s8 =	sadd.s32 $0x2A, s2  }
0x4fd: {  	[tilespmem:s16], [sflag:$0x1] =	stream.linear.gather [hbm4b:s8+s4], $0x70, $0x38;
	[tilespmem:$0x1FDB0] =	vst v63  }
0x4fe: {  	s15 =	sadd.s32 $0x38, s2  }
0x4ff: {  	[tilespmem:s11], [sflag:$0x1] =	stream.linear.gather [hbm4b:s15+s4], $0x70, $0x38;
	[tilespmem:$0x1FDB0] =	vst v63  }
0x500: {  	s8 =	sadd.s32 $0x186A0, s2  }
0x501: {  	[tilespmem:s21], [sflag:$0x2] =	stream.linear.gather [hbm4b:s8+s4], $0x70, $0x38;
	[tilespmem:$0x1FDB0] =	vst v63  }
0x502: {  	s15 =	sadd.s32 $0x186AE, s2  }
0x503: {  	[tilespmem:s22], [sflag:$0x2] =	stream.linear.gather [hbm4b:s15+s4], $0x70, $0x38;
	[tilespmem:$0x1FDB0] =	vst v63  }
0x504: {  	s8 =	sadd.s32 $0x186BC, s2  }
0x505: {  	[tilespmem:s23], [sflag:$0x2] =	stream.linear.gather [hbm4b:s8+s4], $0x70, $0x38;
	[tilespmem:$0x1FDB0] =	vst v63  }
0x506: {  	s15 =	sadd.s32 $0x186CA, s2  }
0x507: {  	[tilespmem:s24], [sflag:$0x2] =	stream.linear.gather [hbm4b:s15+s4], $0x70, $0x38;
	[tilespmem:$0x1FDB0] =	vst v63  }
0x508: {  	s2 =	sadd.s32 $0x186D8, s2  }
0x509: {  	[tilespmem:s25], [sflag:$0x2] =	stream.linear.gather [hbm4b:s2+s4], $0x70, $0x38;
	[tilespmem:$0x1FDB0] =	vst v63  }
0x50a: {  	_ =	swait.ge [sflag:s12], $0x70  }
0x50b: {  	[sflag:s12] =	ssyncset.done $0x0  }
0x50c: {  	[sflag:s12] =	ssyncadd.s32 $0xFFFFFF90  }
0x50d: {  	[tilespmem:s0], [sflag:$0x3] =	stream.indirect.gather [hbm4b:s10+s28], $0x20, s4, s28, $0xb8;
	[tilespmem:$0x1FDB0] =	vst v63  }
0x50e: {  	_ =	swait.ge [sflag:s12], $0x70  }
0x50f: {  	[sflag:s12] =	ssyncset.done $0x0  }
0x510: {  	[sflag:s12] =	ssyncadd.s32 $0xFFFFFF90  }
0x511: {  	[tilespmem:s6], [sflag:$0x3] =	stream.indirect.gather [hbm4b:s10+s28], $0x20, s28, s28, $0xb8;
	[tilespmem:$0x1FDB0] =	vst v63  }
0x512: {  	_ =	swait.ge [sflag:s12], $0x70  }
0x513: {  	[sflag:s12] =	ssyncset.done $0x0  }
0x514: {  	[sflag:s12] =	ssyncadd.s32 $0xFFFFFF90  }
0x515: {  	[tilespmem:s7], [sflag:$0x3] =	stream.indirect.gather [hbm4b:s10+s28], $0x20, s14, s28, $0xb8;
	[tilespmem:$0x1FDB0] =	vst v63  }
0x516: {  	_ =	swait.ge [sflag:s12], $0x70  }
0x517: {  	[sflag:s12] =	ssyncset.done $0x0  }
0x518: {  	[sflag:s12] =	ssyncadd.s32 $0xFFFFFF90  }
0x519: {  	[tilespmem:s31], [sflag:$0x3] =	stream.indirect.gather [hbm4b:s10+s28], $0x20, s16, s28, $0xb8;
	[tilespmem:$0x1FDB0] =	vst v63  }
0x51a: {  	_ =	swait.ge [sflag:s12], $0x70  }
0x51b: {  	[sflag:s12] =	ssyncset.done $0x0  }
0x51c: {  	[sflag:s12] =	ssyncadd.s32 $0xFFFFFF90  }
0x51d: {  	[tilespmem:s9], [sflag:$0x3] =	stream.indirect.gather [hbm4b:s10+s28], $0x20, s11, s28, $0xb8;
	[tilespmem:$0x1FDB0] =	vst v63  }
0x51e: {  	_ =	swait.ge [sflag:s13], $0xE00  }
0x51f: {  	[sflag:s13] =	ssyncset.done $0x0  }
0x520: {  	[sflag:s13] =	ssyncadd.s32 $0xFFFFF200  }
0x521: {  	_ =	swait.ge [sflag:s26], $0x70  }
0x522: {  	[sflag:s26] =	ssyncset.done $0x0  }
0x523: {  	[sflag:s26] =	ssyncadd.s32 $0xFFFFFF90  }
0x524: {  	[spmem:s1] =	stream.indirect.scatter.add.f32 [tilespmem:s0], [sflag:$0x4], $0x20, s21, s28, $0xb8;
	[tilespmem:$0x1FDB0] =	vst v63  }
0x525: {  	_ =	swait.ge [sflag:s13], $0xE00  }
0x526: {  	[sflag:s13] =	ssyncset.done $0x0  }
0x527: {  	[sflag:s13] =	ssyncadd.s32 $0xFFFFF200  }
0x528: {  	_ =	swait.ge [sflag:s26], $0x70  }
0x529: {  	[sflag:s26] =	ssyncset.done $0x0  }
0x52a: {  	[sflag:s26] =	ssyncadd.s32 $0xFFFFFF90  }
0x52b: {  	[spmem:s1] =	stream.indirect.scatter.add.f32 [tilespmem:s6], [sflag:$0x4], $0x20, s22, s28, $0xb8;
	[tilespmem:$0x1FDB0] =	vst v63  }
0x52c: {  	_ =	swait.ge [sflag:s13], $0xE00  }
0x52d: {  	[sflag:s13] =	ssyncset.done $0x0  }
0x52e: {  	[sflag:s13] =	ssyncadd.s32 $0xFFFFF200  }
0x52f: {  	_ =	swait.ge [sflag:s26], $0x70  }
0x530: {  	[sflag:s26] =	ssyncset.done $0x0  }
0x531: {  	[sflag:s26] =	ssyncadd.s32 $0xFFFFFF90  }
0x532: {  	[spmem:s1] =	stream.indirect.scatter.add.f32 [tilespmem:s7], [sflag:$0x4], $0x20, s23, s28, $0xb8;
	[tilespmem:$0x1FDB0] =	vst v63  }
0x533: {  	_ =	swait.ge [sflag:s13], $0xE00  }
0x534: {  	[sflag:s13] =	ssyncset.done $0x0  }
0x535: {  	[sflag:s13] =	ssyncadd.s32 $0xFFFFF200  }
0x536: {  	_ =	swait.ge [sflag:s26], $0x70  }
0x537: {  	[sflag:s26] =	ssyncset.done $0x0  }
0x538: {  	[sflag:s26] =	ssyncadd.s32 $0xFFFFFF90  }
0x539: {  	[spmem:s1] =	stream.indirect.scatter.add.f32 [tilespmem:s31], [sflag:$0x4], $0x20, s24, s28, $0xb8;
	[tilespmem:$0x1FDB0] =	vst v63  }
0x53a: {  	_ =	swait.ge [sflag:s13], $0xE00  }
0x53b: {  	[sflag:s13] =	ssyncset.done $0x0  }
0x53c: {  	[sflag:s13] =	ssyncadd.s32 $0xFFFFF200  }
0x53d: {  	_ =	swait.ge [sflag:s26], $0x70  }
0x53e: {  	[sflag:s26] =	ssyncset.done $0x0  }
0x53f: {  	[sflag:s26] =	ssyncadd.s32 $0xFFFFFF90  }
0x540: {  	[spmem:s1] =	stream.indirect.scatter.add.f32 [tilespmem:s9], [sflag:$0x4], $0x20, s25, s28, $0xb8;
	[tilespmem:$0x1FDB0] =	vst v63  }
0x541: {  	_ =	swait.ge [sflag:s30], $0xE00  }
0x542: {  	[sflag:s30] =	ssyncset.done $0x0  }
0x543: {  	[sflag:s30] =	ssyncadd.s32 $0xFFFFF200  }
0x544: {  	_ =	swait.ge [sflag:s30], $0xE00  }
0x545: {  	[sflag:s30] =	ssyncset.done $0x0  }
0x546: {  	[sflag:s30] =	ssyncadd.s32 $0xFFFFF200  }
0x547: {  	_ =	swait.ge [sflag:s30], $0xE00  }
0x548: {  	[sflag:s30] =	ssyncset.done $0x0  }
0x549: {  	[sflag:s30] =	ssyncadd.s32 $0xFFFFF200  }
0x54a: {  	_ =	swait.ge [sflag:s30], $0xE00  }
0x54b: {  	[sflag:s30] =	ssyncset.done $0x0  }
0x54c: {  	[sflag:s30] =	ssyncadd.s32 $0xFFFFF200  }
0x54d: {  	_ =	swait.ge [sflag:s30], $0xE00  }
0x54e: {  	[sflag:s30] =	ssyncset.done $0x0  }
0x54f: {  	s15 =	simm.s32 $0x0;
	s8 =	rddreg [dreg:$0xa];
	[sflag:s30] =	ssyncadd.s32 $0xFFFFF200  }
0x550: {  	[tilespmem:s15], [sflag:$0x1] =	stream.linear.gather [hbm4b:s8+s15], $0x70, $0x38;
	[tilespmem:$0x1FDB0] =	vst v63  }
0x551: {  	s5 =	rddreg [dreg:$0xb];
	s8 =	simm.s32 $0x6310  }
0x552: {  	[tilespmem:s8], [sflag:$0x1] =	stream.linear.gather [hbm4b:s5+s15], $0x30, $0x38;
	[tilespmem:$0x1FDB0] =	vst v63  }
0x553: {  	s5 =	rddreg [dreg:$0x6]  }
0x554: {  	[tilespmem:s21], [sflag:$0x2] =	stream.linear.gather [hbm4b:s5+s15], $0x70, $0x38;
	[tilespmem:$0x1FDB0] =	vst v63  }
0x555: {  	s2 =	rddreg [dreg:$0x7];
	s5 =	simm.s32 $0x6340  }
0x556: {  	[tilespmem:s5], [sflag:$0x2] =	stream.linear.gather [hbm4b:s2+s15], $0x30, $0x38;
	[tilespmem:$0x1FDB0] =	vst v63  }
0x557: {  	_ =	swait.ge [sflag:s12], $0x70  }
0x558: {  	[sflag:s12] =	ssyncset.done $0x0  }
0x559: {  	[sflag:s12] =	ssyncadd.s32 $0xFFFFFF90  }
0x55a: {  	[tilespmem:s0], [sflag:$0x3] =	stream.indirect.gather [hbm4b:s10+s28], $0x20, s15, s28, $0xb8;
	[tilespmem:$0x1FDB0] =	vst v63  }
0x55b: {  	_ =	swait.ge [sflag:s12], $0x30  }
0x55c: {  	[sflag:s12] =	ssyncset.done $0x0  }
0x55d: {  	s2 =	simm.s32 $0x30;
	s15 =	simm.s32 $0x6370;
	[sflag:s12] =	ssyncadd.s32 $0xFFFFFFD0  }
0x55e: {  	[tilespmem:s15], [sflag:$0x3] =	stream.indirect.gather [hbm4b:s10+s2], $0x20, s8, s2, $0xb8;
	[tilespmem:$0x1FDB0] =	vst v63  }
0x55f: {  	_ =	swait.ge [sflag:s13], $0xE00  }
0x560: {  	[sflag:s13] =	ssyncset.done $0x0  }
0x561: {  	[sflag:s13] =	ssyncadd.s32 $0xFFFFF200  }
0x562: {  	_ =	swait.ge [sflag:s26], $0x70  }
0x563: {  	[sflag:s26] =	ssyncset.done $0x0  }
0x564: {  	[sflag:s26] =	ssyncadd.s32 $0xFFFFFF90  }
0x565: {  	[spmem:s1] =	stream.indirect.scatter.add.f32 [tilespmem:s0], [sflag:$0x4], $0x20, s21, s28, $0xb8;
	[tilespmem:$0x1FDB0] =	vst v63  }
0x566: {  	_ =	swait.ge [sflag:s13], $0x600  }
0x567: {  	[sflag:s13] =	ssyncset.done $0x0  }
0x568: {  	[sflag:s13] =	ssyncadd.s32 $0xFFFFFA00  }
0x569: {  	_ =	swait.ge [sflag:s26], $0x30  }
0x56a: {  	[sflag:s26] =	ssyncset.done $0x0  }
0x56b: {  	[sflag:s26] =	ssyncadd.s32 $0xFFFFFFD0  }
0x56c: {  	[spmem:s1] =	stream.indirect.scatter.add.f32 [tilespmem:s15], [sflag:$0x4], $0x20, s5, s2, $0xb8;
	[tilespmem:$0x1FDB0] =	vst v63  }
0x56d: {  	_ =	swait.ge [sflag:s30], $0xE00  }
0x56e: {  	[sflag:s30] =	ssyncset.done $0x0  }
0x56f: {  	[sflag:s30] =	ssyncadd.s32 $0xFFFFF200  }
0x570: {  	_ =	swait.ge [sflag:s30], $0x600  }
0x571: {  	[sflag:s30] =	ssyncset.done $0x0  }
0x572: {  	[sflag:s30] =	ssyncadd.s32 $0xFFFFFA00  }
0x573: {  	s2 =	simm.s32 $0x0;
	[bflag:$0x0] =	sbarrier.arrive $0xFFFF  }
.LBB2_30:
0x574: {  	s5 =	sshll.u32 s2, $0x6  }
0x575: {  	s8 =	sadd.s32 s18, s5  }
0x576: {  	s5 =	sshll.u32 s8, $0x5  }
0x577: {  	s5 =	sand.u32 $0x3FFFFFE0, s5  }
0x578: {  	s15 =	simm.s32 $0x4AD0;
	s5 =	sadd.s32 s5, s1  }
0x579: {  	[tilespmem:s15], [sflag:$0x5] =	stream.linear.gather [spmem:s5], $0x800, $0x38;
	[tilespmem:$0x1FDB0] =	vst v63  }
0x57a: {  	_ =	swait.ge [sflag:s19], $0x800  }
0x57b: {  	s18 =	sshll.u32 s8, $0x2;
	s15 =	rddreg [dreg:$0xc]  }
0x57c: {  	[sflag:s19] =	ssyncset.done $0x0;
	s15 =	sadd.s32 s18, s15  }
0x57d: {  	s5 =	simm.s32 $0x0;
	[sflag:s19] =	ssyncadd.s32 $0xFFFFF800;
	[dreg:$0x11] =	wrdreg s15  }
0x57e: {  	[tilespmem:s29], [sflag:$0x5] =	stream.linear.gather [hbm4b:s15+s5], $0x800, $0x38;
	[tilespmem:$0x1FDB0] =	vst v63  }
0x57f: {  	_ =	swait.ge [sflag:s19], $0x800  }
0x580: {  	[sflag:s19] =	ssyncset.done $0x0  }
0x581: {  	s15 =	simm.s32 $0x0;
	[sflag:s19] =	ssyncadd.s32 $0xFFFFF800  }
0x582: {  	v2 =	vld [tilespmem:s15+$0x4AD0]  }
0x583: {  	v3 =	vld [tilespmem:s15+$0x4AE0]  }
0x584: {  	s5 =	simm.s32 $0x80;
	v4 =	vld [tilespmem:s15+$0x52D0]  }
.LBB2_31:
0x585: {  	p0 =	sne.s32 s5, $0x1F80;
	v5 =	vld [tilespmem:s15+$0x52E0];
	_ =	sdelay $0x2  }
.Ltmp14:
0x586: {  	(pc) =	sbr.rel @p0 .LBB2_31-.Ltmp14, $4  }
0x587: {  	s29 =	sshra.s32 s5, $0x2;
	v4 =	vadd.f32 v2, v4  }
0x588: {  	v2 =	vld [tilespmem:s29+$0x4AD0];
	v5 =	vadd.f32 v3, v5  }
0x589: {  	v3 =	vld [tilespmem:s29+$0x4AE0];
	[tilespmem:s15+$0x52D0] =	vst v4  }
0x58a: {  	s5 =	sadd.s32 $0x80, s5;
	v4 =	vld [tilespmem:s29+$0x52D0];
	[tilespmem:s15+$0x52E0] =	vst v5;
	s15 =	smov.u32 s29  }
0x58b: {  	v5 =	vld [tilespmem:s15+$0x52E0];
	_ =	sdelay $0x3  }
0x58c: {  	v2 =	vadd.f32 v2, v4  }
0x58d: {  	v3 =	vadd.f32 v3, v5  }
0x58e: {  	[tilespmem:s15+$0x52D0] =	vst v2  }
0x58f: {  	s5 =	sadd.s32 s8, s3;
	[tilespmem:s15+$0x52E0] =	vst v3;
	s15 =	simm.s32 $0x0  }
0x590: {  	[tilespmem:s20], [sflag:$0x5] =	stream.linear.gather [spmem:s5], $0x40, $0x38;
	[tilespmem:$0x1FDB0] =	vst v63  }
0x591: {  	v2 =	vmov s15;
	_ =	swait.ge [sflag:s19], $0x40  }
0x592: {  	[sflag:s19] =	ssyncset.done $0x0  }
0x593: {  	s8 =	simm.s32 $0x52E0;
	[sflag:s19] =	ssyncadd.s32 $0xFFFFFFC0  }
0x594: {  	v3 =	vld [tilespmem:s8+$0xFFFFFFF0]  }
0x595: {  	v5 =	vld [tilespmem:s8+$0x0]  }
0x596: {  	v4 =	vld.idx.msk [tilespmem:v2+s20+$0x0], $0xffff;
	_ =	sdelay $0x2  }
0x597: {  	s29 =	simm.s32 $0x1  }
0x598: {  	s5 =	simm.s32 $0x2;
	s15 =	simm.s32 $0x52E0;
	v2 =	vmov s29  }
.LBB2_33:
0x599: {  	p0 =	sne.s32 s5, $0x3F;
	v3 =	vmul.f32 v3, v4;
	v4 =	vmul.f32 v5, v4;
	_ =	sdelay $0x1  }
0x59a: {  	s15 =	sadd.s32 $0x20, s15;
	[tilespmem:s8+$0xFFFFFFF0] =	vst v3  }
0x59b: {  	v3 =	vld [tilespmem:s15+$0xFFFFFFF0];
	[tilespmem:s8+$0x0] =	vst v4;
	s8 =	smov.u32 s15  }
0x59c: {  	v4 =	vld.idx.msk [tilespmem:v2+s20+$0x0], $0xffff  }
.Ltmp15:
0x59d: {  	v5 =	vld [tilespmem:s15+$0x0];
	(pc) =	sbr.rel @p0 .LBB2_33-.Ltmp15, $2  }
0x59e: {  	_ =	sdelay $0x2  }
0x59f: {  	v2 =	vmov s5;
	s5 =	sadd.s32 $0x1, s5  }
0x5a0: {  	v3 =	vmul.f32 v3, v4  }
0x5a1: {  	v4 =	vmul.f32 v5, v4  }
0x5a2: {  	s5 =	sadd.s32 $0x20, s15;
	[tilespmem:s8+$0xFFFFFFF0] =	vst v3  }
0x5a3: {  	v3 =	vld [tilespmem:s5+$0xFFFFFFF0];
	[tilespmem:s8+$0x0] =	vst v4  }
0x5a4: {  	v2 =	vld.idx.msk [tilespmem:v2+s20+$0x0], $0xffff  }
0x5a5: {  	v4 =	vld [tilespmem:s5+$0x0];
	_ =	sdelay $0x3  }
0x5a6: {  	v3 =	vmul.f32 v3, v2  }
0x5a7: {  	v2 =	vmul.f32 v4, v2  }
0x5a8: {  	s8 =	rddreg [dreg:$0x9];
	[tilespmem:s5+$0xFFFFFFF0] =	vst v3  }
0x5a9: {  	s15 =	simm.s32 $0x0;
	[tilespmem:s5+$0x0] =	vst v2;
	s5 =	sadd.s32 s18, s8;
	s18 =	simm.s32 $0x4AD0  }
0x5aa: {  	[tilespmem:s18], [sflag:$0x5] =	stream.linear.gather [hbm4b:s5+s15], $0x800, $0x38;
	[tilespmem:$0x1FDB0] =	vst v63  }
0x5ab: {  	_ =	swait.ge [sflag:s19], $0x800  }
0x5ac: {  	[sflag:s19] =	ssyncset.done $0x0  }
0x5ad: {  	s8 =	simm.s32 $0x0;
	[sflag:s19] =	ssyncadd.s32 $0xFFFFF800  }
0x5ae: {  	v2 =	vld [tilespmem:s8+$0x4AD0]  }
0x5af: {  	v3 =	vld [tilespmem:s8+$0x4AE0]  }
0x5b0: {  	s29 =	simm.s32 $0x52D0;
	s15 =	simm.s32 $0x80;
	v4 =	vld [tilespmem:s8+$0x52D0]  }
.LBB2_35:
0x5b1: {  	p0 =	sne.s32 s15, $0x1F80;
	v5 =	vld [tilespmem:s8+$0x52E0];
	_ =	sdelay $0x3  }
0x5b2: {  	v2 =	vadd.f32 v2, v4  }
.Ltmp16:
0x5b3: {  	v3 =	vadd.f32 v3, v5;
	(pc) =	sbr.rel @p0 .LBB2_35-.Ltmp16, $4  }
0x5b4: {  	s5 =	sshra.s32 s15, $0x2;
	v4 =	vmul.f32 $2.500000000e-01, v2  }
0x5b5: {  	v2 =	vld [tilespmem:s5+$0x4AD0];
	v5 =	vmul.f32 $2.500000000e-01, v3  }
0x5b6: {  	v3 =	vld [tilespmem:s5+$0x4AE0];
	[tilespmem:s8+$0x52D0] =	vst v4  }
0x5b7: {  	s15 =	sadd.s32 $0x80, s15;
	v4 =	vld [tilespmem:s5+$0x52D0];
	[tilespmem:s8+$0x52E0] =	vst v5;
	s8 =	smov.u32 s5  }
0x5b8: {  	v5 =	vld [tilespmem:s8+$0x52E0];
	_ =	sdelay $0x3  }
0x5b9: {  	v2 =	vadd.f32 v2, v4  }
0x5ba: {  	v3 =	vadd.f32 v3, v5  }
0x5bb: {  	v2 =	vmul.f32 $2.500000000e-01, v2  }
0x5bc: {  	s2 =	sadd.s32 $0x1, s2;
	v3 =	vmul.f32 $2.500000000e-01, v3  }
0x5bd: {  	p0 =	sne.s32 s2, $0x31;
	[tilespmem:s8+$0x52D0] =	vst v2  }
.Ltmp17:
0x5be: {  	s5 =	rddreg [dreg:$0x11];
	[tilespmem:s8+$0x52E0] =	vst v3;
	(pc) =	sbr.rel @p0 .LBB2_30-.Ltmp17, $4  }
0x5bf: {  	[hbm4b:s5+s4] =	stream.linear.scatter [tilespmem:s29], [sflag:$0x5], $0x800, $0x38;
	[tilespmem:$0x1FDB0] =	vst v63  }
0x5c0: {  	_ =	swait.ge [sflag:s19], $0x800  }
0x5c1: {  	[sflag:s19] =	ssyncset.done $0x0  }
0x5c2: {  	s18 =	rddreg [dreg:$0x5];
	[sflag:s19] =	ssyncadd.s32 $0xFFFFF800  }
0x5c3: {  	s5 =	rddreg [dreg:$0x10]  }
0x5c4: {  	s2 =	rddreg [dreg:$0xd];
	s5 =	sadd.s32 $0x1, s5  }
0x5c5: {  	p0 =	sne.s32 s5, s2  }
.Ltmp18:
0x5c6: {  	_ = 	snop;
	(pc) =	sbr.rel @p0 .LBB2_1-.Ltmp18, $3  }
0x5c7: {  	_ =	sdelay $0x1  }
0x5c8: {  	[bflag:$0x0] =	sbarrier.arrive $0xFFFF  }
0x5c9: {  	s18 =	rddreg [dreg:$0xe]  }
0x5ca: {  	_ =	sfence.sel $0x180000  }
0x5cb: {  	[bflag:$0x0] =	sbarrier.arrive $0xFFFF  }
0x5cc: {  	_ =	strace $0x90000047  }
0x5cd: {  	s0 =	stileid.u32;
	[bflag:$0x2] =	sbarrier.arrive $0xFFFF  }
0x5ce: {  	p0 =	sne.s32 s0, $0x0;
	s0 =	rddreg [dreg:$0x4]  }
0x5cf: {  	s0 =	sadd.s32 @!p0 $0x100000, s0  }
0x5d0: {  	[sflag:s0] =	ssyncadd.tile.s32 @!p0 $0x1;
	_ =	shalt  }
.Lfunc_end2:
_tile_overlayer_lowered:
.L_overlay_start_2:
0x5d1: {  	(tag) =	ssettag $0x2  }
0x5d2: {  	s0 =	rddreg [dreg:$0x0];
	s2 =	stileid.u32  }
0x5d3: {  	s1 =	rddreg [dreg:$0x1];
	p0 =	sne.s32 s2, $0x0  }
0x5d4: {  	s3 =	rddreg [dreg:$0x2];
	[bflag:$0x3] =	sbarrier.arrive $0xFFFF;
	s2 =	simm.s32 @!p0 $0x1C05  }
0x5d5: {  	[timem:s3], [sflag:s2] =	dma.local @!p0 [hbm:s0], s1  }
0x5d6: {  	s0 =	simm.s32 @!p0 $0x5  }
0x5d7: {  	_ =	swait.ge @!p0 [sflag:s0], s1  }
0x5d8: {  	s1 =	ssub.s32 @!p0 $0x0, s1;
	[sflag:s0] =	ssyncset.done @!p0 $0x0  }
0x5d9: {  	[sflag:s0] =	ssyncadd.s32 @!p0 s1  }
0x5da: {  	[bflag:$0x3] =	sbarrier.arrive $0xFFFF  }
0x5db: {  	_ =	shalt  }

</sc_bundles>
